<compile_context>
chip_gen: v7x
topology: tpu7x:2x2x1
jax: 0.10.2.dev20260603
libtpu: 0.0.44.dev20260713+nightly
codegen_flags: <defaults>
</compile_context>

<pallas_src>
import functools

import jax
import jax.numpy as jnp
from jax import lax
from jax.experimental import pallas as pl
from jax.experimental.pallas import tpu as pltpu
from jax.experimental.pallas import tpu_sc as plsc

_N = 10000
_C = 128
_EPS = 1e-5

_NC = 2
_NS = 16
_NW = _NC * _NS
_CHUNK = 128
_N_ACC = 10112
_RPT = _N_ACC // _NS
_N_DEG = 10240
_RPT_DEG = _N_DEG // _NS


def _f32(shape):
    return jax.ShapeDtypeStruct(shape, jnp.float32)



def _deg_body(nch, dst_hbm, out_hbm, idx_d, obuf, zbuf, acc):
    cid = lax.axis_index("c")
    sid = lax.axis_index("s")
    wid = cid * _NS + sid
    one16 = jnp.ones((16,), jnp.float32)
    zero16 = jnp.zeros((16,), jnp.float32)

    def fill(i, carry):
        zbuf[pl.ds(i * 16, 16)] = zero16
        return carry
    lax.fori_loop(0, _RPT_DEG // 16, fill, 0)

    def fill1(i, carry):
        obuf[pl.ds(i * 16, 16)] = one16
        return carry
    lax.fori_loop(0, _CHUNK // 16, fill1, 0)

    pltpu.sync_copy(zbuf, acc.at[pl.ds(sid * _RPT_DEG, _RPT_DEG)])
    plsc.subcore_barrier()
    pltpu.sync_copy(dst_hbm.at[wid], idx_d)

    def body(j, carry):
        pltpu.sync_copy(obuf, acc.at[idx_d.at[j]], add=True)
        return carry
    lax.fori_loop(0, nch, body, 0)
    plsc.subcore_barrier()
    pltpu.sync_copy(acc.at[pl.ds(sid * _RPT_DEG, _RPT_DEG)],
                    out_hbm.at[cid, pl.ds(sid * _RPT_DEG, _RPT_DEG)])


def _agg_body(nch, z_hbm, src_hbm, dst_hbm, out_hbm,
              idxs0, idxs1, idxs2, idxd0, idxd1, idxd2,
              rows0, rows1, rows2, acc,
              gs0, gs1, gs2, ss0, ss1, ss2,
              is0, is1, is2, id0, id1, id2):
    cid = lax.axis_index("c")
    sid = lax.axis_index("s")
    wid = cid * _NS + sid
    zero16 = jnp.zeros((16,), jnp.float32)
    lanes = _C // 16

    def fill(r, carry):
        for c in range(lanes):
            rows0[r, pl.ds(c * 16, 16)] = zero16
        return carry
    lax.fori_loop(0, _CHUNK, fill, 0)

    nz = _RPT // _CHUNK
    rz = _RPT - nz * _CHUNK
    for k in range(nz):
        pltpu.async_copy(rows0,
                         acc.at[pl.ds(sid * _RPT + k * _CHUNK, _CHUNK)], ss0)
    if rz:
        pltpu.async_copy(rows0.at[pl.ds(0, rz)],
                         acc.at[pl.ds(sid * _RPT + nz * _CHUNK, rz)], ss1)
    for k in range(nz):
        pltpu.make_async_copy(
            rows0, acc.at[pl.ds(sid * _RPT + k * _CHUNK, _CHUNK)], ss0).wait()
    if rz:
        pltpu.make_async_copy(
            rows0.at[pl.ds(0, rz)],
            acc.at[pl.ds(sid * _RPT + nz * _CHUNK, rz)], ss1).wait()
    plsc.subcore_barrier()

    rows = (rows0, rows1, rows2)
    idxs = (idxs0, idxs1, idxs2)
    idxd = (idxd0, idxd1, idxd2)
    gsem = (gs0, gs1, gs2)
    ssem = (ss0, ss1, ss2)
    isem = (is0, is1, is2)
    dsem = (id0, id1, id2)

    def gat(j, b):
        pltpu.async_copy(z_hbm.at[idxs[b]], rows[b], gsem[b])

    def sca(j, b):
        pltpu.async_copy(rows[b], acc.at[idxd[b]], ssem[b], add=True)

    ibase = wid * (nch * _CHUNK)

    def pref_s(j, b):
        pltpu.async_copy(src_hbm.at[pl.ds(ibase + j * _CHUNK, _CHUNK)],
                         idxs[b], isem[b])

    def pref_d(j, b):
        pltpu.async_copy(dst_hbm.at[pl.ds(ibase + j * _CHUNK, _CHUNK)],
                         idxd[b], dsem[b])

    def drain_g(b):
        pltpu.make_async_copy(z_hbm.at[pl.ds(0, _CHUNK)], rows[b],
                              gsem[b]).wait()

    def drain_s(b):
        pltpu.make_async_copy(z_hbm.at[pl.ds(0, _CHUNK)], rows[b],
                              ssem[b]).wait()

    def drain_is(b):
        pltpu.make_async_copy(src_hbm.at[pl.ds(0, _CHUNK)], idxs[b],
                              isem[b]).wait()

    def drain_id(b):
        pltpu.make_async_copy(dst_hbm.at[pl.ds(0, _CHUNK)], idxd[b],
                              dsem[b]).wait()

    pltpu.sync_copy(src_hbm.at[pl.ds(ibase, _CHUNK)], idxs0)
    pltpu.sync_copy(src_hbm.at[pl.ds(ibase + _CHUNK, _CHUNK)], idxs1)
    pltpu.sync_copy(dst_hbm.at[pl.ds(ibase, _CHUNK)], idxd0)
    pltpu.sync_copy(dst_hbm.at[pl.ds(ibase + _CHUNK, _CHUNK)], idxd1)
    gat(0, 0)
    gat(1, 1)
    pref_s(2, 2)
    pref_d(2, 2)
    drain_g(0)
    sca(0, 0)
    drain_g(1)
    sca(1, 1)
    drain_is(2)
    gat(2, 2)
    pref_s(3, 0)

    def body(jj, carry):
        for u in range(3):
            j = 2 + jj * 3 + u
            b = (2 + u) % 3
            bn1 = (b + 1) % 3
            bn2 = (b + 2) % 3
            drain_g(b)
            drain_id(b)
            sca(j, b)
            drain_s(bn1)
            pref_d(j + 1, bn1)
            drain_is(bn1)
            gat(j + 1, bn1)
            pref_s(j + 2, bn2)
        return carry
    lax.fori_loop(0, (nch - 4) // 3, body, 0)

    b = (nch - 2) % 3
    bn1 = (b + 1) % 3
    drain_g(b)
    drain_id(b)
    sca(nch - 2, b)
    drain_s(bn1)
    pref_d(nch - 1, bn1)
    drain_is(bn1)
    gat(nch - 1, bn1)
    b = (nch - 1) % 3
    drain_g(b)
    drain_id(b)
    sca(nch - 1, b)
    drain_s((nch - 3) % 3)
    drain_s((nch - 2) % 3)
    drain_s((nch - 1) % 3)

    plsc.subcore_barrier()
    pltpu.sync_copy(acc.at[pl.ds(sid * _RPT, _RPT)],
                    out_hbm.at[cid, pl.ds(sid * _RPT, _RPT)])


@functools.lru_cache(maxsize=None)
def _make_sc_kernels(nch, nch_deg):
    mesh = plsc.VectorSubcoreMesh(core_axis_name="c", subcore_axis_name="s")
    deg = pl.kernel(
        functools.partial(_deg_body, nch_deg),
        out_type=_f32((_NC, _N_DEG)),
        mesh=mesh,
        scratch_types=[
            pltpu.VMEM((nch_deg, _CHUNK), jnp.int32),
            pltpu.VMEM((_CHUNK,), jnp.float32),
            pltpu.VMEM((_RPT_DEG,), jnp.float32),
            pltpu.VMEM_SHARED((_N_DEG,), jnp.float32),
        ],
    )
    agg = pl.kernel(
        functools.partial(_agg_body, nch),
        out_type=_f32((_NC, _N_ACC, _C)),
        mesh=mesh,
        scratch_types=(
            [pltpu.VMEM((_CHUNK,), jnp.int32)] * 6
            + [pltpu.VMEM((_CHUNK, _C), jnp.float32)] * 3
            + [pltpu.VMEM_SHARED((_N_ACC, _C), jnp.float32)]
            + [pltpu.SemaphoreType.DMA] * 12
        ),
    )
    return deg, agg



def _bn(x, gamma, beta):
    mean = jnp.mean(x, axis=0, keepdims=True)
    var = jnp.mean((x - mean) ** 2, axis=0, keepdims=True)
    return (x - mean) * lax.rsqrt(var + _EPS) * gamma + beta


def _dot(a, b):
    return jnp.dot(a, b, preferred_element_type=jnp.float32)


def _tcbn_body(x, g, b, xb_o):
    xb_o[...] = _bn(x[...], g[...], b[...])


def _tcz_body(d0, d1, xb, z_o, dinv_o):
    deg = d0[...] + d1[...]
    dinv = jnp.where(deg > 0.0, lax.rsqrt(jnp.maximum(deg, 1.0)), 0.0)
    z_o[...] = xb[...] * dinv
    dinv_o[...] = dinv


def _tca_body(ps, dinv, q_o, z_o):
    dv = dinv[...]
    q = dv * (ps[0] + ps[1])
    q_o[...] = q
    z_o[...] = -dv * q


def _tcb_body(xin, q, w0, w1, w2, m_o):
    m_o[...] = _dot(xin[...], w0[...] - w2[...]) - _dot(q[...], w1[...])


def _tcc_body(ps, dinv, m1, w2, b1, g2, be2, hb_o, z_o):
    dv = dinv[...]
    txw = -2.0 * dv * (ps[0, :_N] + ps[1, :_N])
    h = jax.nn.relu(m1[...] + _dot(txw, w2[...]) + b1[...])
    hb = _bn(h, g2[...], be2[...])
    hb_o[...] = hb
    z_o[...] = dv * hb


def _tcf_body(ps, dinv, xb, m2, w2, b2, y_o):
    dv = dinv[...]
    txw = -2.0 * dv * (ps[0] + ps[1])
    y_o[...] = jax.nn.relu(xb[...] + m2[...] + _dot(txw, w2[...]) + b2[...])


_G = 10
_BR = _N // _G

_ps_spec = pl.BlockSpec((_NC, _BR, _C), lambda i: (0, i, 0))
_row_spec = pl.BlockSpec((_BR, _C), lambda i: (i, 0))
_col_spec = pl.BlockSpec((_BR, 1), lambda i: (i, 0))
_w_spec = pl.BlockSpec((_C, _C), lambda i: (0, 0))
_b_spec = pl.BlockSpec((1, _C), lambda i: (0, 0))

_tcbn = pl.pallas_call(_tcbn_body, out_shape=_f32((_N, _C)))
_tcz = pl.pallas_call(
    _tcz_body, grid=(_G,),
    in_specs=[_col_spec, _col_spec, _row_spec],
    out_specs=[_row_spec, _col_spec],
    out_shape=[_f32((_N, _C)), _f32((_N, 1))])
_tca = pl.pallas_call(
    _tca_body, grid=(_G,),
    in_specs=[_ps_spec, _col_spec],
    out_specs=[_row_spec, _row_spec],
    out_shape=[_f32((_N, _C)), _f32((_N, _C))])
_tcb = pl.pallas_call(
    _tcb_body, grid=(_G,),
    in_specs=[_row_spec, _row_spec, _w_spec, _w_spec, _w_spec],
    out_specs=_row_spec,
    out_shape=_f32((_N, _C)))
_tcc = pl.pallas_call(_tcc_body, out_shape=[_f32((_N, _C)), _f32((_N, _C))])
_tcf = pl.pallas_call(
    _tcf_body, grid=(_G,),
    in_specs=[_ps_spec, _col_spec, _row_spec, _row_spec, _w_spec, _b_spec],
    out_specs=_row_spec,
    out_shape=_f32((_N, _C)))



def kernel(x, edge_index, gamma1, beta1, W1, b1, gamma2, beta2, W2, b2):
    e = edge_index.shape[1]
    ept = -(-e // _NW)
    nch = -(-ept // _CHUNK)
    while nch % 3 != 1:
        nch += 1
    nch_deg = -(-ept // _CHUNK)
    nch_deg += (-nch_deg) % 8
    src = edge_index[0]
    dst = edge_index[1]
    pad = _NW * nch * _CHUNK - e
    if pad:
        ar = jnp.arange(pad, dtype=jnp.int32)
        srcp = jnp.concatenate([src, ar % _N])
        dstp = jnp.concatenate([dst, _N + ar % (_N_ACC - _N)])
    else:
        srcp, dstp = src, dst
    pad_deg = _NW * nch_deg * _CHUNK - e
    if pad_deg:
        ar = jnp.arange(pad_deg, dtype=jnp.int32)
        dstp_deg = jnp.concatenate([dst, _N + ar % (_N_DEG - _N)])
    else:
        dstp_deg = dst
    dstp_deg = dstp_deg.reshape(_NW, nch_deg, _CHUNK)

    deg_k, agg_k = _make_sc_kernels(nch, nch_deg)

    degp = deg_k(dstp_deg)
    xb = _tcbn(x, gamma1[None], beta1[None])
    z1, dinv = _tcz(degp[0, :_N, None], degp[1, :_N, None], xb)
    ps = agg_k(z1, srcp, dstp)
    q1d, z2 = _tca(ps, dinv)
    m1 = _tcb(xb, q1d, W1[0], W1[1], W1[2])
    ps = agg_k(z2, srcp, dstp)
    hb, z3 = _tcc(ps, dinv, m1, W1[2], b1[None], gamma2[None], beta2[None])
    ps = agg_k(z3, srcp, dstp)
    q3d, z4 = _tca(ps, dinv)
    m2 = _tcb(hb, q3d, W2[0], W2[1], W2[2])
    ps = agg_k(z4, srcp, dstp)
    return _tcf(ps, dinv, xb, m2, W2[2], b2[None])

# --- scband reference (transcript-rebuilt; emitter-appended) ---
"""Pipeline reference for scband-residual-block-17635135717473 (READ-ONLY COPY).

The authoritative reference and input builder live on the scoring server;
editing this copy changes nothing except your own understanding.
"""

import jax, jax.numpy as jnp
import numpy as np

N = 10000
E = 320000
C = 128
K = 3
EPS = 1e-5


def setup_inputs(seed: int = 0) -> dict:
    key = jax.random.key(seed)
    ks = jax.random.split(key, 12)
    x = jax.random.normal(ks[0], (N, C), dtype=jnp.float32)
    edge_index = jax.random.randint(ks[1], (2, E), 0, N, dtype=jnp.int32)
    # BatchNorm1d params (affine), training-mode batch stats used in reference
    gamma1 = jnp.ones((C,), dtype=jnp.float32)
    beta1 = jnp.zeros((C,), dtype=jnp.float32)
    gamma2 = jnp.ones((C,), dtype=jnp.float32)
    beta2 = jnp.zeros((C,), dtype=jnp.float32)
    # ChebConv weights: W[k] for each Chebyshev order, plus bias
    W1 = jax.random.normal(ks[2], (K, C, C), dtype=jnp.float32) * 0.05
    b1 = jnp.zeros((C,), dtype=jnp.float32)
    W2 = jax.random.normal(ks[3], (K, C, C), dtype=jnp.float32) * 0.05
    b2 = jnp.zeros((C,), dtype=jnp.float32)
    return {"x": x, "edge_index": edge_index, "gamma1": gamma1, "beta1": beta1,
            "W1": W1, "b1": b1, "gamma2": gamma2, "beta2": beta2, "W2": W2, "b2": b2}


def _batchnorm(x, gamma, beta):
    mean = jnp.mean(x, axis=0)
    var = jnp.mean((x - mean) ** 2, axis=0)
    return (x - mean) * jax.lax.rsqrt(var + EPS) * gamma + beta


def _cheb_conv(x, src, dst, norm, W, b):
    # scaled Laplacian L_hat = L - I = -D^{-1/2} A D^{-1/2} (lambda_max = 2)
    def lmul(y):
        msgs = y[src] * norm[:, None]            # gather (SparseCore)
        agg = jnp.zeros_like(y).at[dst].add(msgs)  # scatter-add (SparseCore)
        return -agg
    Tx0 = x
    out = Tx0 @ W[0]
    Tx1 = lmul(x)
    out = out + Tx1 @ W[1]
    for k in range(2, K):
        Tx2 = 2.0 * lmul(Tx1) - Tx0
        out = out + Tx2 @ W[k]
        Tx0, Tx1 = Tx1, Tx2
    return out + b


def reference(x, edge_index, gamma1, beta1, W1, b1, gamma2, beta2, W2, b2):
    src = edge_index[0]
    dst = edge_index[1]
    deg = jnp.zeros((N,), dtype=jnp.float32).at[dst].add(1.0)
    deg_inv_sqrt = jnp.where(deg > 0, jax.lax.rsqrt(jnp.maximum(deg, 1.0)), 0.0)
    norm = deg_inv_sqrt[src] * deg_inv_sqrt[dst]
    # ResidualBlock forward (equalInOut=True since in_channels == out_channels)
    xb = _batchnorm(x, gamma1, beta1)
    out = jax.nn.relu(_cheb_conv(xb, src, dst, norm, W1, b1))
    out = _cheb_conv(_batchnorm(out, gamma2, beta2), src, dst, norm, W2, b2)
    return jax.nn.relu(xb + out)

if __name__ == "__main__":
    import jax
    _d = setup_inputs()
    print(jax.jit(kernel)(*tuple(_d.values())))

</pallas_src>

<mosaic_0001>
#map = affine_map<(d0, d1) -> (0, 0, 0)>
#map1 = affine_map<(d0, d1) -> (0, 0)>
module attributes {stable_mosaic.version = 14 : i64} {
  func.func @_deg_body(%arg0: i32, %arg1: i32, %arg2: memref<32x80x128xi32, #tpu.memory_space<hbm>>, %arg3: memref<2x10240xf32, #tpu.memory_space<hbm>>, %arg4: memref<80x128xi32, #tpu.memory_space<vmem>>, %arg5: memref<128xf32, #tpu.memory_space<vmem>>, %arg6: memref<640xf32, #tpu.memory_space<vmem>>, %arg7: memref<10240xf32, #tpu.memory_space<vmem_shared>>) attributes {dimension_semantics = [#tpu.dimension_semantics<core_parallel>, #tpu.dimension_semantics<subcore_parallel>], iteration_bounds = array<i64: 2, 16>, scalar_prefetch = 0 : i64, scratch_operands = 4 : i64, tpu.core_type = #tpu.core_type<sc_vector_subcore>, window_params = [{transform_indices = #map}, {transform_indices = #map1}]} {
    %mul3A = arith.constant 16 : i32
    %mul3A_0 = arith.muli %arg0, %mul3A : i32
    %add3A = arith.addi %mul3A_0, %arg1 : i32
    %broadcast_in_dim3A = arith.constant 1.000000e+00 : f32
    %broadcast_in_dim3A_1 = vector.broadcast %broadcast_in_dim3A : f32 to vector<16xf32>
    %broadcast_in_dim3A_2 = arith.constant 0.000000e+00 : f32
    %broadcast_in_dim3A_3 = vector.broadcast %broadcast_in_dim3A_2 : f32 to vector<16xf32>
    %scan3A = arith.constant 0 : i32
    %scan3A_4 = arith.constant 0 : i32
    %scan3A_5 = arith.constant 40 : i32
    %scan3A_6 = arith.addi %scan3A_4, %scan3A_5 : i32
    %scan3A_7 = arith.constant 1 : i32
    scf.for %scan3A_28 = %scan3A_4 to %scan3A_6 step %scan3A_7  : i32 {
      %mul3A_29 = arith.constant 16 : i32
      %mul3A_30 = arith.muli %scan3A_28, %mul3A_29 : i32
      %swap3A = arith.index_cast %mul3A_30 : i32 to index
      %swap3A_31 = tpu.vector_load %arg6[%swap3A] {strides = array<i32>} : memref<640xf32, #tpu.memory_space<vmem>>, vector<16xf32>,
      %swap3A_32 = vector.shape_cast %swap3A_31 : vector<16xf32> to vector<16xf32>
      %swap3A_33 = vector.shape_cast %broadcast_in_dim3A_3 : vector<16xf32> to vector<16xf32>
      tpu.vector_store %arg6[%swap3A], %swap3A_33 {strides = array<i32>} : memref<640xf32, #tpu.memory_space<vmem>>, vector<16xf32>,
    }
    %scan3A_8 = arith.constant 40 : i32
    %scan3A_9 = arith.constant 0 : i32
    %scan3A_10 = arith.constant 0 : i32
    %scan3A_11 = arith.constant 8 : i32
    %scan3A_12 = arith.addi %scan3A_10, %scan3A_11 : i32
    %scan3A_13 = arith.constant 1 : i32
    scf.for %scan3A_28 = %scan3A_10 to %scan3A_12 step %scan3A_13  : i32 {
      %mul3A_29 = arith.constant 16 : i32
      %mul3A_30 = arith.muli %scan3A_28, %mul3A_29 : i32
      %swap3A = arith.index_cast %mul3A_30 : i32 to index
      %swap3A_31 = tpu.vector_load %arg5[%swap3A] {strides = array<i32>} : memref<128xf32, #tpu.memory_space<vmem>>, vector<16xf32>,
      %swap3A_32 = vector.shape_cast %swap3A_31 : vector<16xf32> to vector<16xf32>
      %swap3A_33 = vector.shape_cast %broadcast_in_dim3A_1 : vector<16xf32> to vector<16xf32>
      tpu.vector_store %arg5[%swap3A], %swap3A_33 {strides = array<i32>} : memref<128xf32, #tpu.memory_space<vmem>>, vector<16xf32>,
    }
    %scan3A_14 = arith.constant 8 : i32
    %mul3A_15 = arith.constant 640 : i32
    %mul3A_16 = arith.muli %arg1, %mul3A_15 : i32
    "tpu.region"() ({
      %run_scoped3A = tpu.sem_alloc : memref<!tpu.dma_semaphore, #tpu.memory_space<semaphore_mem>>
      %dma_start3A = tpu.memref_slice %arg7[%mul3A_16] : memref<10240xf32, #tpu.memory_space<vmem_shared>> -> memref<640xf32, #tpu.memory_space<vmem_shared>>
      %dma_start3A_28 = tpu.memref_slice %arg7[%mul3A_16] : memref<10240xf32, #tpu.memory_space<vmem_shared>> -> memref<640xf32, #tpu.memory_space<vmem_shared>>
      tpu.enqueue_dma source(%arg6 : memref<640xf32, #tpu.memory_space<vmem>>) target(%dma_start3A_28 : memref<640xf32, #tpu.memory_space<vmem_shared>>) target_semaphore(%run_scoped3A : memref<!tpu.dma_semaphore, #tpu.memory_space<semaphore_mem>>)
      %dma_wait3A = tpu.memref_slice %arg7[%mul3A_16] : memref<10240xf32, #tpu.memory_space<vmem_shared>> -> memref<640xf32, #tpu.memory_space<vmem_shared>>
      %dma_wait3A_29 = tpu.memref_slice %arg7[%mul3A_16] : memref<10240xf32, #tpu.memory_space<vmem_shared>> -> memref<640xf32, #tpu.memory_space<vmem_shared>>
      tpu.wait_dma2 semaphore(%run_scoped3A : memref<!tpu.dma_semaphore, #tpu.memory_space<semaphore_mem>>) src(%arg6 : memref<640xf32, #tpu.memory_space<vmem>>) dst(%dma_wait3A_29 : memref<640xf32, #tpu.memory_space<vmem_shared>>)
      tpu.yield
    }) : () -> ()
    %barrier3A = arith.constant 0 : index
    tpu.barrier barrier_id(%barrier3A)
    "tpu.region"() ({
      %run_scoped3A = tpu.sem_alloc : memref<!tpu.dma_semaphore, #tpu.memory_space<semaphore_mem>>
      %dma_start3A = arith.constant 0 : i32
      %dma_start3A_28 = arith.constant 0 : i32
      %dma_start3A_29 = tpu.memref_slice %arg2[%add3A, %dma_start3A, %dma_start3A_28] : memref<32x80x128xi32, #tpu.memory_space<hbm>> -> memref<1x80x128xi32, #tpu.memory_space<hbm>>
      %dma_start3A_30 = tpu.memref_squeeze %dma_start3A_29 : memref<1x80x128xi32, #tpu.memory_space<hbm>> -> memref<80x128xi32, #tpu.memory_space<hbm>>
      %dma_start3A_31 = arith.constant 0 : i32
      %dma_start3A_32 = arith.constant 0 : i32
      %dma_start3A_33 = tpu.memref_slice %arg2[%add3A, %dma_start3A_31, %dma_start3A_32] : memref<32x80x128xi32, #tpu.memory_space<hbm>> -> memref<1x80x128xi32, #tpu.memory_space<hbm>>
      %dma_start3A_34 = tpu.memref_squeeze %dma_start3A_33 : memref<1x80x128xi32, #tpu.memory_space<hbm>> -> memref<80x128xi32, #tpu.memory_space<hbm>>
      tpu.enqueue_dma source(%dma_start3A_34 : memref<80x128xi32, #tpu.memory_space<hbm>>) target(%arg4 : memref<80x128xi32, #tpu.memory_space<vmem>>) target_semaphore(%run_scoped3A : memref<!tpu.dma_semaphore, #tpu.memory_space<semaphore_mem>>)
      %dma_wait3A = arith.constant 0 : i32
      %dma_wait3A_35 = arith.constant 0 : i32
      %dma_wait3A_36 = tpu.memref_slice %arg2[%add3A, %dma_wait3A, %dma_wait3A_35] : memref<32x80x128xi32, #tpu.memory_space<hbm>> -> memref<1x80x128xi32, #tpu.memory_space<hbm>>
      %dma_wait3A_37 = tpu.memref_squeeze %dma_wait3A_36 : memref<1x80x128xi32, #tpu.memory_space<hbm>> -> memref<80x128xi32, #tpu.memory_space<hbm>>
      %dma_wait3A_38 = arith.constant 0 : i32
      %dma_wait3A_39 = arith.constant 0 : i32
      %dma_wait3A_40 = tpu.memref_slice %arg2[%add3A, %dma_wait3A_38, %dma_wait3A_39] : memref<32x80x128xi32, #tpu.memory_space<hbm>> -> memref<1x80x128xi32, #tpu.memory_space<hbm>>
      %dma_wait3A_41 = tpu.memref_squeeze %dma_wait3A_40 : memref<1x80x128xi32, #tpu.memory_space<hbm>> -> memref<80x128xi32, #tpu.memory_space<hbm>>
      tpu.wait_dma2 semaphore(%run_scoped3A : memref<!tpu.dma_semaphore, #tpu.memory_space<semaphore_mem>>) src(%dma_wait3A_41 : memref<80x128xi32, #tpu.memory_space<hbm>>) dst(%arg4 : memref<80x128xi32, #tpu.memory_space<vmem>>)
      tpu.yield
    }) : () -> ()
    %scan3A_17 = arith.constant 0 : i32
    %scan3A_18 = arith.constant 0 : i32
    %scan3A_19 = arith.constant 80 : i32
    %scan3A_20 = arith.addi %scan3A_18, %scan3A_19 : i32
    %scan3A_21 = arith.constant 1 : i32
    scf.for %scan3A_28 = %scan3A_18 to %scan3A_20 step %scan3A_21  : i32 {
      "tpu.region"() ({
        %run_scoped3A = tpu.sem_alloc : memref<!tpu.dma_semaphore, #tpu.memory_space<semaphore_mem>>
        %dma_start3A = arith.constant 0 : i32
        %dma_start3A_29 = tpu.memref_slice %arg4[%scan3A_28, %dma_start3A] : memref<80x128xi32, #tpu.memory_space<vmem>> -> memref<1x128xi32, #tpu.memory_space<vmem>>
        %dma_start3A_30 = tpu.memref_squeeze %dma_start3A_29 : memref<1x128xi32, #tpu.memory_space<vmem>> -> memref<128xi32, #tpu.memory_space<vmem>>
        %dma_start3A_31 = arith.constant 0 : i32
        %dma_start3A_32 = tpu.memref_slice %arg7[%dma_start3A_31] : memref<10240xf32, #tpu.memory_space<vmem_shared>> -> memref<10240xf32, #tpu.memory_space<vmem_shared>>
        tpu.enqueue_indirect_dma source(%arg5 : memref<128xf32, #tpu.memory_space<vmem>>) target(%dma_start3A_32 : memref<10240xf32, #tpu.memory_space<vmem_shared>>) offsets(%dma_start3A_30 : memref<128xi32, #tpu.memory_space<vmem>>) semaphore(%run_scoped3A : memref<!tpu.dma_semaphore, #tpu.memory_space<semaphore_mem>>) {add = true}
        %dma_wait3A = arith.constant 0 : i32
        %dma_wait3A_33 = tpu.memref_slice %arg4[%scan3A_28, %dma_wait3A] : memref<80x128xi32, #tpu.memory_space<vmem>> -> memref<1x128xi32, #tpu.memory_space<vmem>>
        %dma_wait3A_34 = tpu.memref_squeeze %dma_wait3A_33 : memref<1x128xi32, #tpu.memory_space<vmem>> -> memref<128xi32, #tpu.memory_space<vmem>>
        %dma_wait3A_35 = arith.constant 0 : i32
        %dma_wait3A_36 = tpu.memref_slice %arg7[%dma_wait3A_35] : memref<10240xf32, #tpu.memory_space<vmem_shared>> -> memref<10240xf32, #tpu.memory_space<vmem_shared>>
        tpu.wait_indirect_dma semaphore(%run_scoped3A : memref<!tpu.dma_semaphore, #tpu.memory_space<semaphore_mem>>) src(%arg5 : memref<128xf32, #tpu.memory_space<vmem>>) dst(%dma_wait3A_36 : memref<10240xf32, #tpu.memory_space<vmem_shared>>)
        tpu.yield
      }) : () -> ()
    }
    %scan3A_22 = arith.constant 80 : i32
    %barrier3A_23 = arith.constant 0 : index
    tpu.barrier barrier_id(%barrier3A_23)
    %mul3A_24 = arith.constant 640 : i32
    %mul3A_25 = arith.muli %arg1, %mul3A_24 : i32
    %mul3A_26 = arith.constant 640 : i32
    %mul3A_27 = arith.muli %arg1, %mul3A_26 : i32
    "tpu.region"() ({
      %run_scoped3A = tpu.sem_alloc : memref<!tpu.dma_semaphore, #tpu.memory_space<semaphore_mem>>
      %dma_start3A = tpu.memref_slice %arg3[%arg0, %mul3A_27] : memref<2x10240xf32, #tpu.memory_space<hbm>> -> memref<1x640xf32, #tpu.memory_space<hbm>>
      %dma_start3A_28 = tpu.memref_squeeze %dma_start3A : memref<1x640xf32, #tpu.memory_space<hbm>> -> memref<640xf32, #tpu.memory_space<hbm>>
      %dma_start3A_29 = tpu.memref_slice %arg7[%mul3A_25] : memref<10240xf32, #tpu.memory_space<vmem_shared>> -> memref<640xf32, #tpu.memory_space<vmem_shared>>
      tpu.enqueue_dma source(%dma_start3A_29 : memref<640xf32, #tpu.memory_space<vmem_shared>>) target(%dma_start3A_28 : memref<640xf32, #tpu.memory_space<hbm>>) target_semaphore(%run_scoped3A : memref<!tpu.dma_semaphore, #tpu.memory_space<semaphore_mem>>)
      %dma_wait3A = tpu.memref_slice %arg3[%arg0, %mul3A_27] : memref<2x10240xf32, #tpu.memory_space<hbm>> -> memref<1x640xf32, #tpu.memory_space<hbm>>
      %dma_wait3A_30 = tpu.memref_squeeze %dma_wait3A : memref<1x640xf32, #tpu.memory_space<hbm>> -> memref<640xf32, #tpu.memory_space<hbm>>
      %dma_wait3A_31 = tpu.memref_slice %arg7[%mul3A_25] : memref<10240xf32, #tpu.memory_space<vmem_shared>> -> memref<640xf32, #tpu.memory_space<vmem_shared>>
      tpu.wait_dma2 semaphore(%run_scoped3A : memref<!tpu.dma_semaphore, #tpu.memory_space<semaphore_mem>>) src(%dma_wait3A_31 : memref<640xf32, #tpu.memory_space<vmem_shared>>) dst(%dma_wait3A_30 : memref<640xf32, #tpu.memory_space<hbm>>)
      tpu.yield
    }) : () -> ()
    return
  }
}

#map = affine_map<(d0, d1) -> (0, 0)>
#map1 = affine_map<(d0, d1) -> (0)>
#map2 = affine_map<(d0, d1) -> (0, 0, 0)>
module attributes {stable_mosaic.version = 14 : i64} {
  func.func @_agg_body(%arg0: i32, %arg1: i32, %arg2: memref<10000x128xf32, #tpu.memory_space<hbm>>, %arg3: memref<323584xi32, #tpu.memory_space<hbm>>, %arg4: memref<323584xi32, #tpu.memory_space<hbm>>, %arg5: memref<2x10112x128xf32, #tpu.memory_space<hbm>>, %arg6: memref<128xi32, #tpu.memory_space<vmem>>, %arg7: memref<128xi32, #tpu.memory_space<vmem>>, %arg8: memref<128xi32, #tpu.memory_space<vmem>>, %arg9: memref<128xi32, #tpu.memory_space<vmem>>, %arg10: memref<128xi32, #tpu.memory_space<vmem>>, %arg11: memref<128xi32, #tpu.memory_space<vmem>>, %arg12: memref<128x128xf32, #tpu.memory_space<vmem>>, %arg13: memref<128x128xf32, #tpu.memory_space<vmem>>, %arg14: memref<128x128xf32, #tpu.memory_space<vmem>>, %arg15: memref<10112x128xf32, #tpu.memory_space<vmem_shared>>, %arg16: memref<!tpu.dma_semaphore, #tpu.memory_space<semaphore_mem>>, %arg17: memref<!tpu.dma_semaphore, #tpu.memory_space<semaphore_mem>>, %arg18: memref<!tpu.dma_semaphore, #tpu.memory_space<semaphore_mem>>, %arg19: memref<!tpu.dma_semaphore, #tpu.memory_space<semaphore_mem>>, %arg20: memref<!tpu.dma_semaphore, #tpu.memory_space<semaphore_mem>>, %arg21: memref<!tpu.dma_semaphore, #tpu.memory_space<semaphore_mem>>, %arg22: memref<!tpu.dma_semaphore, #tpu.memory_space<semaphore_mem>>, %arg23: memref<!tpu.dma_semaphore, #tpu.memory_space<semaphore_mem>>, %arg24: memref<!tpu.dma_semaphore, #tpu.memory_space<semaphore_mem>>, %arg25: memref<!tpu.dma_semaphore, #tpu.memory_space<semaphore_mem>>, %arg26: memref<!tpu.dma_semaphore, #tpu.memory_space<semaphore_mem>>, %arg27: memref<!tpu.dma_semaphore, #tpu.memory_space<semaphore_mem>>) attributes {dimension_semantics = [#tpu.dimension_semantics<core_parallel>, #tpu.dimension_semantics<subcore_parallel>], iteration_bounds = array<i64: 2, 16>, scalar_prefetch = 0 : i64, scratch_operands = 22 : i64, tpu.core_type = #tpu.core_type<sc_vector_subcore>, window_params = [{transform_indices = #map}, {transform_indices = #map1}, {transform_indices = #map1}, {transform_indices = #map2}]} {
    %mul3A = arith.constant 16 : i32
    %mul3A_0 = arith.muli %arg0, %mul3A : i32
    %add3A = arith.addi %mul3A_0, %arg1 : i32
    %broadcast_in_dim3A = arith.constant 0.000000e+00 : f32
    %broadcast_in_dim3A_1 = vector.broadcast %broadcast_in_dim3A : f32 to vector<16xf32>
    %scan3A = arith.constant 0 : i32
    %scan3A_2 = arith.constant 0 : i32
    %scan3A_3 = arith.constant 128 : i32
    %scan3A_4 = arith.addi %scan3A_2, %scan3A_3 : i32
    %scan3A_5 = arith.constant 1 : i32
    scf.for %scan3A_218 = %scan3A_2 to %scan3A_4 step %scan3A_5  : i32 {
      %swap3A = arith.index_cast %scan3A_218 : i32 to index
      %swap3A_219 = arith.constant 0 : index
      %swap3A_220 = tpu.vector_load %arg12[%swap3A, %swap3A_219] {strides = array<i32>} : memref<128x128xf32, #tpu.memory_space<vmem>>, vector<1x16xf32>,
      %swap3A_221 = vector.shape_cast %swap3A_220 : vector<1x16xf32> to vector<16xf32>
      %swap3A_222 = vector.shape_cast %broadcast_in_dim3A_1 : vector<16xf32> to vector<1x16xf32>
      tpu.vector_store %arg12[%swap3A, %swap3A_219], %swap3A_222 {strides = array<i32>} : memref<128x128xf32, #tpu.memory_space<vmem>>, vector<1x16xf32>,
      %swap3A_223 = arith.index_cast %scan3A_218 : i32 to index
      %swap3A_224 = arith.constant 16 : index
      %swap3A_225 = tpu.vector_load %arg12[%swap3A_223, %swap3A_224] {strides = array<i32>} : memref<128x128xf32, #tpu.memory_space<vmem>>, vector<1x16xf32>,
      %swap3A_226 = vector.shape_cast %swap3A_225 : vector<1x16xf32> to vector<16xf32>
      %swap3A_227 = vector.shape_cast %broadcast_in_dim3A_1 : vector<16xf32> to vector<1x16xf32>
      tpu.vector_store %arg12[%swap3A_223, %swap3A_224], %swap3A_227 {strides = array<i32>} : memref<128x128xf32, #tpu.memory_space<vmem>>, vector<1x16xf32>,
      %swap3A_228 = arith.index_cast %scan3A_218 : i32 to index
      %swap3A_229 = arith.constant 32 : index
      %swap3A_230 = tpu.vector_load %arg12[%swap3A_228, %swap3A_229] {strides = array<i32>} : memref<128x128xf32, #tpu.memory_space<vmem>>, vector<1x16xf32>,
      %swap3A_231 = vector.shape_cast %swap3A_230 : vector<1x16xf32> to vector<16xf32>
      %swap3A_232 = vector.shape_cast %broadcast_in_dim3A_1 : vector<16xf32> to vector<1x16xf32>
      tpu.vector_store %arg12[%swap3A_228, %swap3A_229], %swap3A_232 {strides = array<i32>} : memref<128x128xf32, #tpu.memory_space<vmem>>, vector<1x16xf32>,
      %swap3A_233 = arith.index_cast %scan3A_218 : i32 to index
      %swap3A_234 = arith.constant 48 : index
      %swap3A_235 = tpu.vector_load %arg12[%swap3A_233, %swap3A_234] {strides = array<i32>} : memref<128x128xf32, #tpu.memory_space<vmem>>, vector<1x16xf32>,
      %swap3A_236 = vector.shape_cast %swap3A_235 : vector<1x16xf32> to vector<16xf32>
      %swap3A_237 = vector.shape_cast %broadcast_in_dim3A_1 : vector<16xf32> to vector<1x16xf32>
      tpu.vector_store %arg12[%swap3A_233, %swap3A_234], %swap3A_237 {strides = array<i32>} : memref<128x128xf32, #tpu.memory_space<vmem>>, vector<1x16xf32>,
      %swap3A_238 = arith.index_cast %scan3A_218 : i32 to index
      %swap3A_239 = arith.constant 64 : index
      %swap3A_240 = tpu.vector_load %arg12[%swap3A_238, %swap3A_239] {strides = array<i32>} : memref<128x128xf32, #tpu.memory_space<vmem>>, vector<1x16xf32>,
      %swap3A_241 = vector.shape_cast %swap3A_240 : vector<1x16xf32> to vector<16xf32>
      %swap3A_242 = vector.shape_cast %broadcast_in_dim3A_1 : vector<16xf32> to vector<1x16xf32>
      tpu.vector_store %arg12[%swap3A_238, %swap3A_239], %swap3A_242 {strides = array<i32>} : memref<128x128xf32, #tpu.memory_space<vmem>>, vector<1x16xf32>,
      %swap3A_243 = arith.index_cast %scan3A_218 : i32 to index
      %swap3A_244 = arith.constant 80 : index
      %swap3A_245 = tpu.vector_load %arg12[%swap3A_243, %swap3A_244] {strides = array<i32>} : memref<128x128xf32, #tpu.memory_space<vmem>>, vector<1x16xf32>,
      %swap3A_246 = vector.shape_cast %swap3A_245 : vector<1x16xf32> to vector<16xf32>
      %swap3A_247 = vector.shape_cast %broadcast_in_dim3A_1 : vector<16xf32> to vector<1x16xf32>
      tpu.vector_store %arg12[%swap3A_243, %swap3A_244], %swap3A_247 {strides = array<i32>} : memref<128x128xf32, #tpu.memory_space<vmem>>, vector<1x16xf32>,
      %swap3A_248 = arith.index_cast %scan3A_218 : i32 to index
      %swap3A_249 = arith.constant 96 : index
      %swap3A_250 = tpu.vector_load %arg12[%swap3A_248, %swap3A_249] {strides = array<i32>} : memref<128x128xf32, #tpu.memory_space<vmem>>, vector<1x16xf32>,
      %swap3A_251 = vector.shape_cast %swap3A_250 : vector<1x16xf32> to vector<16xf32>
      %swap3A_252 = vector.shape_cast %broadcast_in_dim3A_1 : vector<16xf32> to vector<1x16xf32>
      tpu.vector_store %arg12[%swap3A_248, %swap3A_249], %swap3A_252 {strides = array<i32>} : memref<128x128xf32, #tpu.memory_space<vmem>>, vector<1x16xf32>,
      %swap3A_253 = arith.index_cast %scan3A_218 : i32 to index
      %swap3A_254 = arith.constant 112 : index
      %swap3A_255 = tpu.vector_load %arg12[%swap3A_253, %swap3A_254] {strides = array<i32>} : memref<128x128xf32, #tpu.memory_space<vmem>>, vector<1x16xf32>,
      %swap3A_256 = vector.shape_cast %swap3A_255 : vector<1x16xf32> to vector<16xf32>
      %swap3A_257 = vector.shape_cast %broadcast_in_dim3A_1 : vector<16xf32> to vector<1x16xf32>
      tpu.vector_store %arg12[%swap3A_253, %swap3A_254], %swap3A_257 {strides = array<i32>} : memref<128x128xf32, #tpu.memory_space<vmem>>, vector<1x16xf32>,
    }
    %scan3A_6 = arith.constant 128 : i32
    %mul3A_7 = arith.constant 632 : i32
    %mul3A_8 = arith.muli %arg1, %mul3A_7 : i32
    %add3A_9 = arith.constant 0 : i32
    %add3A_10 = arith.addi %mul3A_8, %add3A_9 : i32
    %dma_start3A = arith.constant 0 : i32
    %dma_start3A_11 = tpu.memref_slice %arg15[%add3A_10, %dma_start3A] : memref<10112x128xf32, #tpu.memory_space<vmem_shared>> -> memref<128x128xf32, #tpu.memory_space<vmem_shared>>
    %dma_start3A_12 = arith.constant 0 : i32
    %dma_start3A_13 = tpu.memref_slice %arg15[%add3A_10, %dma_start3A_12] : memref<10112x128xf32, #tpu.memory_space<vmem_shared>> -> memref<128x128xf32, #tpu.memory_space<vmem_shared>>
    tpu.enqueue_dma source(%arg12 : memref<128x128xf32, #tpu.memory_space<vmem>>) target(%dma_start3A_13 : memref<128x128xf32, #tpu.memory_space<vmem_shared>>) target_semaphore(%arg19 : memref<!tpu.dma_semaphore, #tpu.memory_space<semaphore_mem>>)
    %mul3A_14 = arith.constant 632 : i32
    %mul3A_15 = arith.muli %arg1, %mul3A_14 : i32
    %add3A_16 = arith.constant 128 : i32
    %add3A_17 = arith.addi %mul3A_15, %add3A_16 : i32
    %dma_start3A_18 = arith.constant 0 : i32
    %dma_start3A_19 = tpu.memref_slice %arg15[%add3A_17, %dma_start3A_18] : memref<10112x128xf32, #tpu.memory_space<vmem_shared>> -> memref<128x128xf32, #tpu.memory_space<vmem_shared>>
    %dma_start3A_20 = arith.constant 0 : i32
    %dma_start3A_21 = tpu.memref_slice %arg15[%add3A_17, %dma_start3A_20] : memref<10112x128xf32, #tpu.memory_space<vmem_shared>> -> memref<128x128xf32, #tpu.memory_space<vmem_shared>>
    tpu.enqueue_dma source(%arg12 : memref<128x128xf32, #tpu.memory_space<vmem>>) target(%dma_start3A_21 : memref<128x128xf32, #tpu.memory_space<vmem_shared>>) target_semaphore(%arg19 : memref<!tpu.dma_semaphore, #tpu.memory_space<semaphore_mem>>)
    %mul3A_22 = arith.constant 632 : i32
    %mul3A_23 = arith.muli %arg1, %mul3A_22 : i32
    %add3A_24 = arith.constant 256 : i32
    %add3A_25 = arith.addi %mul3A_23, %add3A_24 : i32
    %dma_start3A_26 = arith.constant 0 : i32
    %dma_start3A_27 = tpu.memref_slice %arg15[%add3A_25, %dma_start3A_26] : memref<10112x128xf32, #tpu.memory_space<vmem_shared>> -> memref<128x128xf32, #tpu.memory_space<vmem_shared>>
    %dma_start3A_28 = arith.constant 0 : i32
    %dma_start3A_29 = tpu.memref_slice %arg15[%add3A_25, %dma_start3A_28] : memref<10112x128xf32, #tpu.memory_space<vmem_shared>> -> memref<128x128xf32, #tpu.memory_space<vmem_shared>>
    tpu.enqueue_dma source(%arg12 : memref<128x128xf32, #tpu.memory_space<vmem>>) target(%dma_start3A_29 : memref<128x128xf32, #tpu.memory_space<vmem_shared>>) target_semaphore(%arg19 : memref<!tpu.dma_semaphore, #tpu.memory_space<semaphore_mem>>)
    %mul3A_30 = arith.constant 632 : i32
    %mul3A_31 = arith.muli %arg1, %mul3A_30 : i32
    %add3A_32 = arith.constant 384 : i32
    %add3A_33 = arith.addi %mul3A_31, %add3A_32 : i32
    %dma_start3A_34 = arith.constant 0 : i32
    %dma_start3A_35 = tpu.memref_slice %arg15[%add3A_33, %dma_start3A_34] : memref<10112x128xf32, #tpu.memory_space<vmem_shared>> -> memref<128x128xf32, #tpu.memory_space<vmem_shared>>
    %dma_start3A_36 = arith.constant 0 : i32
    %dma_start3A_37 = tpu.memref_slice %arg15[%add3A_33, %dma_start3A_36] : memref<10112x128xf32, #tpu.memory_space<vmem_shared>> -> memref<128x128xf32, #tpu.memory_space<vmem_shared>>
    tpu.enqueue_dma source(%arg12 : memref<128x128xf32, #tpu.memory_space<vmem>>) target(%dma_start3A_37 : memref<128x128xf32, #tpu.memory_space<vmem_shared>>) target_semaphore(%arg19 : memref<!tpu.dma_semaphore, #tpu.memory_space<semaphore_mem>>)
    %mul3A_38 = arith.constant 632 : i32
    %mul3A_39 = arith.muli %arg1, %mul3A_38 : i32
    %add3A_40 = arith.constant 512 : i32
    %add3A_41 = arith.addi %mul3A_39, %add3A_40 : i32
    %dma_start3A_42 = arith.constant 0 : i32
    %dma_start3A_43 = arith.constant 0 : i32
    %dma_start3A_44 = tpu.memref_slice %arg12[%dma_start3A_42, %dma_start3A_43] : memref<128x128xf32, #tpu.memory_space<vmem>> -> memref<120x128xf32, #tpu.memory_space<vmem>>
    %dma_start3A_45 = arith.constant 0 : i32
    %dma_start3A_46 = tpu.memref_slice %arg15[%add3A_41, %dma_start3A_45] : memref<10112x128xf32, #tpu.memory_space<vmem_shared>> -> memref<120x128xf32, #tpu.memory_space<vmem_shared>>
    %dma_start3A_47 = arith.constant 0 : i32
    %dma_start3A_48 = tpu.memref_slice %arg15[%add3A_41, %dma_start3A_47] : memref<10112x128xf32, #tpu.memory_space<vmem_shared>> -> memref<120x128xf32, #tpu.memory_space<vmem_shared>>
    %dma_start3A_49 = arith.constant 0 : i32
    %dma_start3A_50 = arith.constant 0 : i32
    %dma_start3A_51 = tpu.memref_slice %arg12[%dma_start3A_49, %dma_start3A_50] : memref<128x128xf32, #tpu.memory_space<vmem>> -> memref<120x128xf32, #tpu.memory_space<vmem>>
    tpu.enqueue_dma source(%dma_start3A_51 : memref<120x128xf32, #tpu.memory_space<vmem>>) target(%dma_start3A_48 : memref<120x128xf32, #tpu.memory_space<vmem_shared>>) target_semaphore(%arg20 : memref<!tpu.dma_semaphore, #tpu.memory_space<semaphore_mem>>)
    %mul3A_52 = arith.constant 632 : i32
    %mul3A_53 = arith.muli %arg1, %mul3A_52 : i32
    %add3A_54 = arith.constant 0 : i32
    %add3A_55 = arith.addi %mul3A_53, %add3A_54 : i32
    %dma_wait3A = arith.constant 0 : i32
    %dma_wait3A_56 = tpu.memref_slice %arg15[%add3A_55, %dma_wait3A] : memref<10112x128xf32, #tpu.memory_space<vmem_shared>> -> memref<128x128xf32, #tpu.memory_space<vmem_shared>>
    %dma_wait3A_57 = arith.constant 0 : i32
    %dma_wait3A_58 = tpu.memref_slice %arg15[%add3A_55, %dma_wait3A_57] : memref<10112x128xf32, #tpu.memory_space<vmem_shared>> -> memref<128x128xf32, #tpu.memory_space<vmem_shared>>
    tpu.wait_dma2 semaphore(%arg19 : memref<!tpu.dma_semaphore, #tpu.memory_space<semaphore_mem>>) src(%arg12 : memref<128x128xf32, #tpu.memory_space<vmem>>) dst(%dma_wait3A_58 : memref<128x128xf32, #tpu.memory_space<vmem_shared>>)
    %mul3A_59 = arith.constant 632 : i32
    %mul3A_60 = arith.muli %arg1, %mul3A_59 : i32
    %add3A_61 = arith.constant 128 : i32
    %add3A_62 = arith.addi %mul3A_60, %add3A_61 : i32
    %dma_wait3A_63 = arith.constant 0 : i32
    %dma_wait3A_64 = tpu.memref_slice %arg15[%add3A_62, %dma_wait3A_63] : memref<10112x128xf32, #tpu.memory_space<vmem_shared>> -> memref<128x128xf32, #tpu.memory_space<vmem_shared>>
    %dma_wait3A_65 = arith.constant 0 : i32
    %dma_wait3A_66 = tpu.memref_slice %arg15[%add3A_62, %dma_wait3A_65] : memref<10112x128xf32, #tpu.memory_space<vmem_shared>> -> memref<128x128xf32, #tpu.memory_space<vmem_shared>>
    tpu.wait_dma2 semaphore(%arg19 : memref<!tpu.dma_semaphore, #tpu.memory_space<semaphore_mem>>) src(%arg12 : memref<128x128xf32, #tpu.memory_space<vmem>>) dst(%dma_wait3A_66 : memref<128x128xf32, #tpu.memory_space<vmem_shared>>)
    %mul3A_67 = arith.constant 632 : i32
    %mul3A_68 = arith.muli %arg1, %mul3A_67 : i32
    %add3A_69 = arith.constant 256 : i32
    %add3A_70 = arith.addi %mul3A_68, %add3A_69 : i32
    %dma_wait3A_71 = arith.constant 0 : i32
    %dma_wait3A_72 = tpu.memref_slice %arg15[%add3A_70, %dma_wait3A_71] : memref<10112x128xf32, #tpu.memory_space<vmem_shared>> -> memref<128x128xf32, #tpu.memory_space<vmem_shared>>
    %dma_wait3A_73 = arith.constant 0 : i32
    %dma_wait3A_74 = tpu.memref_slice %arg15[%add3A_70, %dma_wait3A_73] : memref<10112x128xf32, #tpu.memory_space<vmem_shared>> -> memref<128x128xf32, #tpu.memory_space<vmem_shared>>
    tpu.wait_dma2 semaphore(%arg19 : memref<!tpu.dma_semaphore, #tpu.memory_space<semaphore_mem>>) src(%arg12 : memref<128x128xf32, #tpu.memory_space<vmem>>) dst(%dma_wait3A_74 : memref<128x128xf32, #tpu.memory_space<vmem_shared>>)
    %mul3A_75 = arith.constant 632 : i32
    %mul3A_76 = arith.muli %arg1, %mul3A_75 : i32
    %add3A_77 = arith.constant 384 : i32
    %add3A_78 = arith.addi %mul3A_76, %add3A_77 : i32
    %dma_wait3A_79 = arith.constant 0 : i32
    %dma_wait3A_80 = tpu.memref_slice %arg15[%add3A_78, %dma_wait3A_79] : memref<10112x128xf32, #tpu.memory_space<vmem_shared>> -> memref<128x128xf32, #tpu.memory_space<vmem_shared>>
    %dma_wait3A_81 = arith.constant 0 : i32
    %dma_wait3A_82 = tpu.memref_slice %arg15[%add3A_78, %dma_wait3A_81] : memref<10112x128xf32, #tpu.memory_space<vmem_shared>> -> memref<128x128xf32, #tpu.memory_space<vmem_shared>>
    tpu.wait_dma2 semaphore(%arg19 : memref<!tpu.dma_semaphore, #tpu.memory_space<semaphore_mem>>) src(%arg12 : memref<128x128xf32, #tpu.memory_space<vmem>>) dst(%dma_wait3A_82 : memref<128x128xf32, #tpu.memory_space<vmem_shared>>)
    %mul3A_83 = arith.constant 632 : i32
    %mul3A_84 = arith.muli %arg1, %mul3A_83 : i32
    %add3A_85 = arith.constant 512 : i32
    %add3A_86 = arith.addi %mul3A_84, %add3A_85 : i32
    %dma_wait3A_87 = arith.constant 0 : i32
    %dma_wait3A_88 = arith.constant 0 : i32
    %dma_wait3A_89 = tpu.memref_slice %arg12[%dma_wait3A_87, %dma_wait3A_88] : memref<128x128xf32, #tpu.memory_space<vmem>> -> memref<120x128xf32, #tpu.memory_space<vmem>>
    %dma_wait3A_90 = arith.constant 0 : i32
    %dma_wait3A_91 = tpu.memref_slice %arg15[%add3A_86, %dma_wait3A_90] : memref<10112x128xf32, #tpu.memory_space<vmem_shared>> -> memref<120x128xf32, #tpu.memory_space<vmem_shared>>
    %dma_wait3A_92 = arith.constant 0 : i32
    %dma_wait3A_93 = tpu.memref_slice %arg15[%add3A_86, %dma_wait3A_92] : memref<10112x128xf32, #tpu.memory_space<vmem_shared>> -> memref<120x128xf32, #tpu.memory_space<vmem_shared>>
    %dma_wait3A_94 = arith.constant 0 : i32
    %dma_wait3A_95 = arith.constant 0 : i32
    %dma_wait3A_96 = tpu.memref_slice %arg12[%dma_wait3A_94, %dma_wait3A_95] : memref<128x128xf32, #tpu.memory_space<vmem>> -> memref<120x128xf32, #tpu.memory_space<vmem>>
    tpu.wait_dma2 semaphore(%arg20 : memref<!tpu.dma_semaphore, #tpu.memory_space<semaphore_mem>>) src(%dma_wait3A_96 : memref<120x128xf32, #tpu.memory_space<vmem>>) dst(%dma_wait3A_93 : memref<120x128xf32, #tpu.memory_space<vmem_shared>>)
    %barrier3A = arith.constant 0 : index
    tpu.barrier barrier_id(%barrier3A)
    %mul3A_97 = arith.constant 10112 : i32
    %mul3A_98 = arith.muli %add3A, %mul3A_97 : i32
    "tpu.region"() ({
      %run_scoped3A = tpu.sem_alloc : memref<!tpu.dma_semaphore, #tpu.memory_space<semaphore_mem>>
      %dma_start3A_218 = tpu.memref_slice %arg3[%mul3A_98] : memref<323584xi32, #tpu.memory_space<hbm>> -> memref<128xi32, #tpu.memory_space<hbm>>
      %dma_start3A_219 = tpu.memref_slice %arg3[%mul3A_98] : memref<323584xi32, #tpu.memory_space<hbm>> -> memref<128xi32, #tpu.memory_space<hbm>>
      tpu.enqueue_dma source(%dma_start3A_219 : memref<128xi32, #tpu.memory_space<hbm>>) target(%arg6 : memref<128xi32, #tpu.memory_space<vmem>>) target_semaphore(%run_scoped3A : memref<!tpu.dma_semaphore, #tpu.memory_space<semaphore_mem>>)
      %dma_wait3A_220 = tpu.memref_slice %arg3[%mul3A_98] : memref<323584xi32, #tpu.memory_space<hbm>> -> memref<128xi32, #tpu.memory_space<hbm>>
      %dma_wait3A_221 = tpu.memref_slice %arg3[%mul3A_98] : memref<323584xi32, #tpu.memory_space<hbm>> -> memref<128xi32, #tpu.memory_space<hbm>>
      tpu.wait_dma2 semaphore(%run_scoped3A : memref<!tpu.dma_semaphore, #tpu.memory_space<semaphore_mem>>) src(%dma_wait3A_221 : memref<128xi32, #tpu.memory_space<hbm>>) dst(%arg6 : memref<128xi32, #tpu.memory_space<vmem>>)
      tpu.yield
    }) : () -> ()
    %add3A_99 = arith.constant 128 : i32
    %add3A_100 = arith.addi %mul3A_98, %add3A_99 : i32
    "tpu.region"() ({
      %run_scoped3A = tpu.sem_alloc : memref<!tpu.dma_semaphore, #tpu.memory_space<semaphore_mem>>
      %dma_start3A_218 = tpu.memref_slice %arg3[%add3A_100] : memref<323584xi32, #tpu.memory_space<hbm>> -> memref<128xi32, #tpu.memory_space<hbm>>
      %dma_start3A_219 = tpu.memref_slice %arg3[%add3A_100] : memref<323584xi32, #tpu.memory_space<hbm>> -> memref<128xi32, #tpu.memory_space<hbm>>
      tpu.enqueue_dma source(%dma_start3A_219 : memref<128xi32, #tpu.memory_space<hbm>>) target(%arg7 : memref<128xi32, #tpu.memory_space<vmem>>) target_semaphore(%run_scoped3A : memref<!tpu.dma_semaphore, #tpu.memory_space<semaphore_mem>>)
      %dma_wait3A_220 = tpu.memref_slice %arg3[%add3A_100] : memref<323584xi32, #tpu.memory_space<hbm>> -> memref<128xi32, #tpu.memory_space<hbm>>
      %dma_wait3A_221 = tpu.memref_slice %arg3[%add3A_100] : memref<323584xi32, #tpu.memory_space<hbm>> -> memref<128xi32, #tpu.memory_space<hbm>>
      tpu.wait_dma2 semaphore(%run_scoped3A : memref<!tpu.dma_semaphore, #tpu.memory_space<semaphore_mem>>) src(%dma_wait3A_221 : memref<128xi32, #tpu.memory_space<hbm>>) dst(%arg7 : memref<128xi32, #tpu.memory_space<vmem>>)
      tpu.yield
    }) : () -> ()
    "tpu.region"() ({
      %run_scoped3A = tpu.sem_alloc : memref<!tpu.dma_semaphore, #tpu.memory_space<semaphore_mem>>
      %dma_start3A_218 = tpu.memref_slice %arg4[%mul3A_98] : memref<323584xi32, #tpu.memory_space<hbm>> -> memref<128xi32, #tpu.memory_space<hbm>>
      %dma_start3A_219 = tpu.memref_slice %arg4[%mul3A_98] : memref<323584xi32, #tpu.memory_space<hbm>> -> memref<128xi32, #tpu.memory_space<hbm>>
      tpu.enqueue_dma source(%dma_start3A_219 : memref<128xi32, #tpu.memory_space<hbm>>) target(%arg9 : memref<128xi32, #tpu.memory_space<vmem>>) target_semaphore(%run_scoped3A : memref<!tpu.dma_semaphore, #tpu.memory_space<semaphore_mem>>)
      %dma_wait3A_220 = tpu.memref_slice %arg4[%mul3A_98] : memref<323584xi32, #tpu.memory_space<hbm>> -> memref<128xi32, #tpu.memory_space<hbm>>
      %dma_wait3A_221 = tpu.memref_slice %arg4[%mul3A_98] : memref<323584xi32, #tpu.memory_space<hbm>> -> memref<128xi32, #tpu.memory_space<hbm>>
      tpu.wait_dma2 semaphore(%run_scoped3A : memref<!tpu.dma_semaphore, #tpu.memory_space<semaphore_mem>>) src(%dma_wait3A_221 : memref<128xi32, #tpu.memory_space<hbm>>) dst(%arg9 : memref<128xi32, #tpu.memory_space<vmem>>)
      tpu.yield
    }) : () -> ()
    %add3A_101 = arith.constant 128 : i32
    %add3A_102 = arith.addi %mul3A_98, %add3A_101 : i32
    "tpu.region"() ({
      %run_scoped3A = tpu.sem_alloc : memref<!tpu.dma_semaphore, #tpu.memory_space<semaphore_mem>>
      %dma_start3A_218 = tpu.memref_slice %arg4[%add3A_102] : memref<323584xi32, #tpu.memory_space<hbm>> -> memref<128xi32, #tpu.memory_space<hbm>>
      %dma_start3A_219 = tpu.memref_slice %arg4[%add3A_102] : memref<323584xi32, #tpu.memory_space<hbm>> -> memref<128xi32, #tpu.memory_space<hbm>>
      tpu.enqueue_dma source(%dma_start3A_219 : memref<128xi32, #tpu.memory_space<hbm>>) target(%arg10 : memref<128xi32, #tpu.memory_space<vmem>>) target_semaphore(%run_scoped3A : memref<!tpu.dma_semaphore, #tpu.memory_space<semaphore_mem>>)
      %dma_wait3A_220 = tpu.memref_slice %arg4[%add3A_102] : memref<323584xi32, #tpu.memory_space<hbm>> -> memref<128xi32, #tpu.memory_space<hbm>>
      %dma_wait3A_221 = tpu.memref_slice %arg4[%add3A_102] : memref<323584xi32, #tpu.memory_space<hbm>> -> memref<128xi32, #tpu.memory_space<hbm>>
      tpu.wait_dma2 semaphore(%run_scoped3A : memref<!tpu.dma_semaphore, #tpu.memory_space<semaphore_mem>>) src(%dma_wait3A_221 : memref<128xi32, #tpu.memory_space<hbm>>) dst(%arg10 : memref<128xi32, #tpu.memory_space<vmem>>)
      tpu.yield
    }) : () -> ()
    %dma_start3A_103 = arith.constant 0 : i32
    %dma_start3A_104 = arith.constant 0 : i32
    %dma_start3A_105 = tpu.memref_slice %arg2[%dma_start3A_103, %dma_start3A_104] : memref<10000x128xf32, #tpu.memory_space<hbm>> -> memref<10000x128xf32, #tpu.memory_space<hbm>>
    tpu.enqueue_indirect_dma source(%dma_start3A_105 : memref<10000x128xf32, #tpu.memory_space<hbm>>) target(%arg12 : memref<128x128xf32, #tpu.memory_space<vmem>>) offsets(%arg6 : memref<128xi32, #tpu.memory_space<vmem>>) semaphore(%arg16 : memref<!tpu.dma_semaphore, #tpu.memory_space<semaphore_mem>>)
    %dma_start3A_106 = arith.constant 0 : i32
    %dma_start3A_107 = arith.constant 0 : i32
    %dma_start3A_108 = tpu.memref_slice %arg2[%dma_start3A_106, %dma_start3A_107] : memref<10000x128xf32, #tpu.memory_space<hbm>> -> memref<10000x128xf32, #tpu.memory_space<hbm>>
    tpu.enqueue_indirect_dma source(%dma_start3A_108 : memref<10000x128xf32, #tpu.memory_space<hbm>>) target(%arg13 : memref<128x128xf32, #tpu.memory_space<vmem>>) offsets(%arg7 : memref<128xi32, #tpu.memory_space<vmem>>) semaphore(%arg17 : memref<!tpu.dma_semaphore, #tpu.memory_space<semaphore_mem>>)
    %add3A_109 = arith.constant 256 : i32
    %add3A_110 = arith.addi %mul3A_98, %add3A_109 : i32
    %dma_start3A_111 = tpu.memref_slice %arg3[%add3A_110] : memref<323584xi32, #tpu.memory_space<hbm>> -> memref<128xi32, #tpu.memory_space<hbm>>
    %dma_start3A_112 = tpu.memref_slice %arg3[%add3A_110] : memref<323584xi32, #tpu.memory_space<hbm>> -> memref<128xi32, #tpu.memory_space<hbm>>
    tpu.enqueue_dma source(%dma_start3A_112 : memref<128xi32, #tpu.memory_space<hbm>>) target(%arg8 : memref<128xi32, #tpu.memory_space<vmem>>) target_semaphore(%arg24 : memref<!tpu.dma_semaphore, #tpu.memory_space<semaphore_mem>>)
    %add3A_113 = arith.constant 256 : i32
    %add3A_114 = arith.addi %mul3A_98, %add3A_113 : i32
    %dma_start3A_115 = tpu.memref_slice %arg4[%add3A_114] : memref<323584xi32, #tpu.memory_space<hbm>> -> memref<128xi32, #tpu.memory_space<hbm>>
    %dma_start3A_116 = tpu.memref_slice %arg4[%add3A_114] : memref<323584xi32, #tpu.memory_space<hbm>> -> memref<128xi32, #tpu.memory_space<hbm>>
    tpu.enqueue_dma source(%dma_start3A_116 : memref<128xi32, #tpu.memory_space<hbm>>) target(%arg11 : memref<128xi32, #tpu.memory_space<vmem>>) target_semaphore(%arg27 : memref<!tpu.dma_semaphore, #tpu.memory_space<semaphore_mem>>)
    %dma_wait3A_117 = arith.constant 0 : i32
    %dma_wait3A_118 = arith.constant 0 : i32
    %dma_wait3A_119 = tpu.memref_slice %arg2[%dma_wait3A_117, %dma_wait3A_118] : memref<10000x128xf32, #tpu.memory_space<hbm>> -> memref<128x128xf32, #tpu.memory_space<hbm>>
    %dma_wait3A_120 = arith.constant 0 : i32
    %dma_wait3A_121 = arith.constant 0 : i32
    %dma_wait3A_122 = tpu.memref_slice %arg2[%dma_wait3A_120, %dma_wait3A_121] : memref<10000x128xf32, #tpu.memory_space<hbm>> -> memref<128x128xf32, #tpu.memory_space<hbm>>
    tpu.wait_dma2 semaphore(%arg16 : memref<!tpu.dma_semaphore, #tpu.memory_space<semaphore_mem>>) src(%dma_wait3A_122 : memref<128x128xf32, #tpu.memory_space<hbm>>) dst(%arg12 : memref<128x128xf32, #tpu.memory_space<vmem>>)
    %dma_start3A_123 = arith.constant 0 : i32
    %dma_start3A_124 = arith.constant 0 : i32
    %dma_start3A_125 = tpu.memref_slice %arg15[%dma_start3A_123, %dma_start3A_124] : memref<10112x128xf32, #tpu.memory_space<vmem_shared>> -> memref<10112x128xf32, #tpu.memory_space<vmem_shared>>
    tpu.enqueue_indirect_dma source(%arg12 : memref<128x128xf32, #tpu.memory_space<vmem>>) target(%dma_start3A_125 : memref<10112x128xf32, #tpu.memory_space<vmem_shared>>) offsets(%arg9 : memref<128xi32, #tpu.memory_space<vmem>>) semaphore(%arg19 : memref<!tpu.dma_semaphore, #tpu.memory_space<semaphore_mem>>) {add = true}
    %dma_wait3A_126 = arith.constant 0 : i32
    %dma_wait3A_127 = arith.constant 0 : i32
    %dma_wait3A_128 = tpu.memref_slice %arg2[%dma_wait3A_126, %dma_wait3A_127] : memref<10000x128xf32, #tpu.memory_space<hbm>> -> memref<128x128xf32, #tpu.memory_space<hbm>>
    %dma_wait3A_129 = arith.constant 0 : i32
    %dma_wait3A_130 = arith.constant 0 : i32
    %dma_wait3A_131 = tpu.memref_slice %arg2[%dma_wait3A_129, %dma_wait3A_130] : memref<10000x128xf32, #tpu.memory_space<hbm>> -> memref<128x128xf32, #tpu.memory_space<hbm>>
    tpu.wait_dma2 semaphore(%arg17 : memref<!tpu.dma_semaphore, #tpu.memory_space<semaphore_mem>>) src(%dma_wait3A_131 : memref<128x128xf32, #tpu.memory_space<hbm>>) dst(%arg13 : memref<128x128xf32, #tpu.memory_space<vmem>>)
    %dma_start3A_132 = arith.constant 0 : i32
    %dma_start3A_133 = arith.constant 0 : i32
    %dma_start3A_134 = tpu.memref_slice %arg15[%dma_start3A_132, %dma_start3A_133] : memref<10112x128xf32, #tpu.memory_space<vmem_shared>> -> memref<10112x128xf32, #tpu.memory_space<vmem_shared>>
    tpu.enqueue_indirect_dma source(%arg13 : memref<128x128xf32, #tpu.memory_space<vmem>>) target(%dma_start3A_134 : memref<10112x128xf32, #tpu.memory_space<vmem_shared>>) offsets(%arg10 : memref<128xi32, #tpu.memory_space<vmem>>) semaphore(%arg20 : memref<!tpu.dma_semaphore, #tpu.memory_space<semaphore_mem>>) {add = true}
    %dma_wait3A_135 = arith.constant 0 : i32
    %dma_wait3A_136 = tpu.memref_slice %arg3[%dma_wait3A_135] : memref<323584xi32, #tpu.memory_space<hbm>> -> memref<128xi32, #tpu.memory_space<hbm>>
    %dma_wait3A_137 = arith.constant 0 : i32
    %dma_wait3A_138 = tpu.memref_slice %arg3[%dma_wait3A_137] : memref<323584xi32, #tpu.memory_space<hbm>> -> memref<128xi32, #tpu.memory_space<hbm>>
    tpu.wait_dma2 semaphore(%arg24 : memref<!tpu.dma_semaphore, #tpu.memory_space<semaphore_mem>>) src(%dma_wait3A_138 : memref<128xi32, #tpu.memory_space<hbm>>) dst(%arg8 : memref<128xi32, #tpu.memory_space<vmem>>)
    %dma_start3A_139 = arith.constant 0 : i32
    %dma_start3A_140 = arith.constant 0 : i32
    %dma_start3A_141 = tpu.memref_slice %arg2[%dma_start3A_139, %dma_start3A_140] : memref<10000x128xf32, #tpu.memory_space<hbm>> -> memref<10000x128xf32, #tpu.memory_space<hbm>>
    tpu.enqueue_indirect_dma source(%dma_start3A_141 : memref<10000x128xf32, #tpu.memory_space<hbm>>) target(%arg14 : memref<128x128xf32, #tpu.memory_space<vmem>>) offsets(%arg8 : memref<128xi32, #tpu.memory_space<vmem>>) semaphore(%arg18 : memref<!tpu.dma_semaphore, #tpu.memory_space<semaphore_mem>>)
    %add3A_142 = arith.constant 384 : i32
    %add3A_143 = arith.addi %mul3A_98, %add3A_142 : i32
    %dma_start3A_144 = tpu.memref_slice %arg3[%add3A_143] : memref<323584xi32, #tpu.memory_space<hbm>> -> memref<128xi32, #tpu.memory_space<hbm>>
    %dma_start3A_145 = tpu.memref_slice %arg3[%add3A_143] : memref<323584xi32, #tpu.memory_space<hbm>> -> memref<128xi32, #tpu.memory_space<hbm>>
    tpu.enqueue_dma source(%dma_start3A_145 : memref<128xi32, #tpu.memory_space<hbm>>) target(%arg6 : memref<128xi32, #tpu.memory_space<vmem>>) target_semaphore(%arg22 : memref<!tpu.dma_semaphore, #tpu.memory_space<semaphore_mem>>)
    %scan3A_146 = arith.constant 0 : i32
    %scan3A_147 = arith.constant 0 : i32
    %scan3A_148 = arith.constant 25 : i32
    %scan3A_149 = arith.addi %scan3A_147, %scan3A_148 : i32
    %scan3A_150 = arith.constant 1 : i32
    scf.for %scan3A_218 = %scan3A_147 to %scan3A_149 step %scan3A_150  : i32 {
      %mul3A_219 = arith.constant 3 : i32
      %mul3A_220 = arith.muli %scan3A_218, %mul3A_219 : i32
      %add3A_221 = arith.constant 2 : i32
      %add3A_222 = arith.addi %add3A_221, %mul3A_220 : i32
      %add3A_223 = arith.constant 0 : i32
      %add3A_224 = arith.addi %add3A_222, %add3A_223 : i32
      %dma_wait3A_225 = arith.constant 0 : i32
      %dma_wait3A_226 = arith.constant 0 : i32
      %dma_wait3A_227 = tpu.memref_slice %arg2[%dma_wait3A_225, %dma_wait3A_226] : memref<10000x128xf32, #tpu.memory_space<hbm>> -> memref<128x128xf32, #tpu.memory_space<hbm>>
      %dma_wait3A_228 = arith.constant 0 : i32
      %dma_wait3A_229 = arith.constant 0 : i32
      %dma_wait3A_230 = tpu.memref_slice %arg2[%dma_wait3A_228, %dma_wait3A_229] : memref<10000x128xf32, #tpu.memory_space<hbm>> -> memref<128x128xf32, #tpu.memory_space<hbm>>
      tpu.wait_dma2 semaphore(%arg18 : memref<!tpu.dma_semaphore, #tpu.memory_space<semaphore_mem>>) src(%dma_wait3A_230 : memref<128x128xf32, #tpu.memory_space<hbm>>) dst(%arg14 : memref<128x128xf32, #tpu.memory_space<vmem>>)
      %dma_wait3A_231 = arith.constant 0 : i32
      %dma_wait3A_232 = tpu.memref_slice %arg4[%dma_wait3A_231] : memref<323584xi32, #tpu.memory_space<hbm>> -> memref<128xi32, #tpu.memory_space<hbm>>
      %dma_wait3A_233 = arith.constant 0 : i32
      %dma_wait3A_234 = tpu.memref_slice %arg4[%dma_wait3A_233] : memref<323584xi32, #tpu.memory_space<hbm>> -> memref<128xi32, #tpu.memory_space<hbm>>
      tpu.wait_dma2 semaphore(%arg27 : memref<!tpu.dma_semaphore, #tpu.memory_space<semaphore_mem>>) src(%dma_wait3A_234 : memref<128xi32, #tpu.memory_space<hbm>>) dst(%arg11 : memref<128xi32, #tpu.memory_space<vmem>>)
      %dma_start3A_235 = arith.constant 0 : i32
      %dma_start3A_236 = arith.constant 0 : i32
      %dma_start3A_237 = tpu.memref_slice %arg15[%dma_start3A_235, %dma_start3A_236] : memref<10112x128xf32, #tpu.memory_space<vmem_shared>> -> memref<10112x128xf32, #tpu.memory_space<vmem_shared>>
      tpu.enqueue_indirect_dma source(%arg14 : memref<128x128xf32, #tpu.memory_space<vmem>>) target(%dma_start3A_237 : memref<10112x128xf32, #tpu.memory_space<vmem_shared>>) offsets(%arg11 : memref<128xi32, #tpu.memory_space<vmem>>) semaphore(%arg21 : memref<!tpu.dma_semaphore, #tpu.memory_space<semaphore_mem>>) {add = true}
      %dma_wait3A_238 = arith.constant 0 : i32
      %dma_wait3A_239 = arith.constant 0 : i32
      %dma_wait3A_240 = tpu.memref_slice %arg2[%dma_wait3A_238, %dma_wait3A_239] : memref<10000x128xf32, #tpu.memory_space<hbm>> -> memref<128x128xf32, #tpu.memory_space<hbm>>
      %dma_wait3A_241 = arith.constant 0 : i32
      %dma_wait3A_242 = arith.constant 0 : i32
      %dma_wait3A_243 = tpu.memref_slice %arg2[%dma_wait3A_241, %dma_wait3A_242] : memref<10000x128xf32, #tpu.memory_space<hbm>> -> memref<128x128xf32, #tpu.memory_space<hbm>>
      tpu.wait_dma2 semaphore(%arg19 : memref<!tpu.dma_semaphore, #tpu.memory_space<semaphore_mem>>) src(%dma_wait3A_243 : memref<128x128xf32, #tpu.memory_space<hbm>>) dst(%arg12 : memref<128x128xf32, #tpu.memory_space<vmem>>)
      %add3A_244 = arith.constant 1 : i32
      %add3A_245 = arith.addi %add3A_224, %add3A_244 : i32
      %mul3A_246 = arith.constant 128 : i32
      %mul3A_247 = arith.muli %add3A_245, %mul3A_246 : i32
      %add3A_248 = arith.addi %mul3A_98, %mul3A_247 : i32
      %dma_start3A_249 = tpu.memref_slice %arg4[%add3A_248] : memref<323584xi32, #tpu.memory_space<hbm>> -> memref<128xi32, #tpu.memory_space<hbm>>
      %dma_start3A_250 = tpu.memref_slice %arg4[%add3A_248] : memref<323584xi32, #tpu.memory_space<hbm>> -> memref<128xi32, #tpu.memory_space<hbm>>
      tpu.enqueue_dma source(%dma_start3A_250 : memref<128xi32, #tpu.memory_space<hbm>>) target(%arg9 : memref<128xi32, #tpu.memory_space<vmem>>) target_semaphore(%arg25 : memref<!tpu.dma_semaphore, #tpu.memory_space<semaphore_mem>>)
      %dma_wait3A_251 = arith.constant 0 : i32
      %dma_wait3A_252 = tpu.memref_slice %arg3[%dma_wait3A_251] : memref<323584xi32, #tpu.memory_space<hbm>> -> memref<128xi32, #tpu.memory_space<hbm>>
      %dma_wait3A_253 = arith.constant 0 : i32
      %dma_wait3A_254 = tpu.memref_slice %arg3[%dma_wait3A_253] : memref<323584xi32, #tpu.memory_space<hbm>> -> memref<128xi32, #tpu.memory_space<hbm>>
      tpu.wait_dma2 semaphore(%arg22 : memref<!tpu.dma_semaphore, #tpu.memory_space<semaphore_mem>>) src(%dma_wait3A_254 : memref<128xi32, #tpu.memory_space<hbm>>) dst(%arg6 : memref<128xi32, #tpu.memory_space<vmem>>)
      %add3A_255 = arith.constant 1 : i32
      %add3A_256 = arith.addi %add3A_224, %add3A_255 : i32
      %dma_start3A_257 = arith.constant 0 : i32
      %dma_start3A_258 = arith.constant 0 : i32
      %dma_start3A_259 = tpu.memref_slice %arg2[%dma_start3A_257, %dma_start3A_258] : memref<10000x128xf32, #tpu.memory_space<hbm>> -> memref<10000x128xf32, #tpu.memory_space<hbm>>
      tpu.enqueue_indirect_dma source(%dma_start3A_259 : memref<10000x128xf32, #tpu.memory_space<hbm>>) target(%arg12 : memref<128x128xf32, #tpu.memory_space<vmem>>) offsets(%arg6 : memref<128xi32, #tpu.memory_space<vmem>>) semaphore(%arg16 : memref<!tpu.dma_semaphore, #tpu.memory_space<semaphore_mem>>)
      %add3A_260 = arith.constant 2 : i32
      %add3A_261 = arith.addi %add3A_224, %add3A_260 : i32
      %mul3A_262 = arith.constant 128 : i32
      %mul3A_263 = arith.muli %add3A_261, %mul3A_262 : i32
      %add3A_264 = arith.addi %mul3A_98, %mul3A_263 : i32
      %dma_start3A_265 = tpu.memref_slice %arg3[%add3A_264] : memref<323584xi32, #tpu.memory_space<hbm>> -> memref<128xi32, #tpu.memory_space<hbm>>
      %dma_start3A_266 = tpu.memref_slice %arg3[%add3A_264] : memref<323584xi32, #tpu.memory_space<hbm>> -> memref<128xi32, #tpu.memory_space<hbm>>
      tpu.enqueue_dma source(%dma_start3A_266 : memref<128xi32, #tpu.memory_space<hbm>>) target(%arg7 : memref<128xi32, #tpu.memory_space<vmem>>) target_semaphore(%arg23 : memref<!tpu.dma_semaphore, #tpu.memory_space<semaphore_mem>>)
      %mul3A_267 = arith.constant 3 : i32
      %mul3A_268 = arith.muli %scan3A_218, %mul3A_267 : i32
      %add3A_269 = arith.constant 2 : i32
      %add3A_270 = arith.addi %add3A_269, %mul3A_268 : i32
      %add3A_271 = arith.constant 1 : i32
      %add3A_272 = arith.addi %add3A_270, %add3A_271 : i32
      %dma_wait3A_273 = arith.constant 0 : i32
      %dma_wait3A_274 = arith.constant 0 : i32
      %dma_wait3A_275 = tpu.memref_slice %arg2[%dma_wait3A_273, %dma_wait3A_274] : memref<10000x128xf32, #tpu.memory_space<hbm>> -> memref<128x128xf32, #tpu.memory_space<hbm>>
      %dma_wait3A_276 = arith.constant 0 : i32
      %dma_wait3A_277 = arith.constant 0 : i32
      %dma_wait3A_278 = tpu.memref_slice %arg2[%dma_wait3A_276, %dma_wait3A_277] : memref<10000x128xf32, #tpu.memory_space<hbm>> -> memref<128x128xf32, #tpu.memory_space<hbm>>
      tpu.wait_dma2 semaphore(%arg16 : memref<!tpu.dma_semaphore, #tpu.memory_space<semaphore_mem>>) src(%dma_wait3A_278 : memref<128x128xf32, #tpu.memory_space<hbm>>) dst(%arg12 : memref<128x128xf32, #tpu.memory_space<vmem>>)
      %dma_wait3A_279 = arith.constant 0 : i32
      %dma_wait3A_280 = tpu.memref_slice %arg4[%dma_wait3A_279] : memref<323584xi32, #tpu.memory_space<hbm>> -> memref<128xi32, #tpu.memory_space<hbm>>
      %dma_wait3A_281 = arith.constant 0 : i32
      %dma_wait3A_282 = tpu.memref_slice %arg4[%dma_wait3A_281] : memref<323584xi32, #tpu.memory_space<hbm>> -> memref<128xi32, #tpu.memory_space<hbm>>
      tpu.wait_dma2 semaphore(%arg25 : memref<!tpu.dma_semaphore, #tpu.memory_space<semaphore_mem>>) src(%dma_wait3A_282 : memref<128xi32, #tpu.memory_space<hbm>>) dst(%arg9 : memref<128xi32, #tpu.memory_space<vmem>>)
      %dma_start3A_283 = arith.constant 0 : i32
      %dma_start3A_284 = arith.constant 0 : i32
      %dma_start3A_285 = tpu.memref_slice %arg15[%dma_start3A_283, %dma_start3A_284] : memref<10112x128xf32, #tpu.memory_space<vmem_shared>> -> memref<10112x128xf32, #tpu.memory_space<vmem_shared>>
      tpu.enqueue_indirect_dma source(%arg12 : memref<128x128xf32, #tpu.memory_space<vmem>>) target(%dma_start3A_285 : memref<10112x128xf32, #tpu.memory_space<vmem_shared>>) offsets(%arg9 : memref<128xi32, #tpu.memory_space<vmem>>) semaphore(%arg19 : memref<!tpu.dma_semaphore, #tpu.memory_space<semaphore_mem>>) {add = true}
      %dma_wait3A_286 = arith.constant 0 : i32
      %dma_wait3A_287 = arith.constant 0 : i32
      %dma_wait3A_288 = tpu.memref_slice %arg2[%dma_wait3A_286, %dma_wait3A_287] : memref<10000x128xf32, #tpu.memory_space<hbm>> -> memref<128x128xf32, #tpu.memory_space<hbm>>
      %dma_wait3A_289 = arith.constant 0 : i32
      %dma_wait3A_290 = arith.constant 0 : i32
      %dma_wait3A_291 = tpu.memref_slice %arg2[%dma_wait3A_289, %dma_wait3A_290] : memref<10000x128xf32, #tpu.memory_space<hbm>> -> memref<128x128xf32, #tpu.memory_space<hbm>>
      tpu.wait_dma2 semaphore(%arg20 : memref<!tpu.dma_semaphore, #tpu.memory_space<semaphore_mem>>) src(%dma_wait3A_291 : memref<128x128xf32, #tpu.memory_space<hbm>>) dst(%arg13 : memref<128x128xf32, #tpu.memory_space<vmem>>)
      %add3A_292 = arith.constant 1 : i32
      %add3A_293 = arith.addi %add3A_272, %add3A_292 : i32
      %mul3A_294 = arith.constant 128 : i32
      %mul3A_295 = arith.muli %add3A_293, %mul3A_294 : i32
      %add3A_296 = arith.addi %mul3A_98, %mul3A_295 : i32
      %dma_start3A_297 = tpu.memref_slice %arg4[%add3A_296] : memref<323584xi32, #tpu.memory_space<hbm>> -> memref<128xi32, #tpu.memory_space<hbm>>
      %dma_start3A_298 = tpu.memref_slice %arg4[%add3A_296] : memref<323584xi32, #tpu.memory_space<hbm>> -> memref<128xi32, #tpu.memory_space<hbm>>
      tpu.enqueue_dma source(%dma_start3A_298 : memref<128xi32, #tpu.memory_space<hbm>>) target(%arg10 : memref<128xi32, #tpu.memory_space<vmem>>) target_semaphore(%arg26 : memref<!tpu.dma_semaphore, #tpu.memory_space<semaphore_mem>>)
      %dma_wait3A_299 = arith.constant 0 : i32
      %dma_wait3A_300 = tpu.memref_slice %arg3[%dma_wait3A_299] : memref<323584xi32, #tpu.memory_space<hbm>> -> memref<128xi32, #tpu.memory_space<hbm>>
      %dma_wait3A_301 = arith.constant 0 : i32
      %dma_wait3A_302 = tpu.memref_slice %arg3[%dma_wait3A_301] : memref<323584xi32, #tpu.memory_space<hbm>> -> memref<128xi32, #tpu.memory_space<hbm>>
      tpu.wait_dma2 semaphore(%arg23 : memref<!tpu.dma_semaphore, #tpu.memory_space<semaphore_mem>>) src(%dma_wait3A_302 : memref<128xi32, #tpu.memory_space<hbm>>) dst(%arg7 : memref<128xi32, #tpu.memory_space<vmem>>)
      %add3A_303 = arith.constant 1 : i32
      %add3A_304 = arith.addi %add3A_272, %add3A_303 : i32
      %dma_start3A_305 = arith.constant 0 : i32
      %dma_start3A_306 = arith.constant 0 : i32
      %dma_start3A_307 = tpu.memref_slice %arg2[%dma_start3A_305, %dma_start3A_306] : memref<10000x128xf32, #tpu.memory_space<hbm>> -> memref<10000x128xf32, #tpu.memory_space<hbm>>
      tpu.enqueue_indirect_dma source(%dma_start3A_307 : memref<10000x128xf32, #tpu.memory_space<hbm>>) target(%arg13 : memref<128x128xf32, #tpu.memory_space<vmem>>) offsets(%arg7 : memref<128xi32, #tpu.memory_space<vmem>>) semaphore(%arg17 : memref<!tpu.dma_semaphore, #tpu.memory_space<semaphore_mem>>)
      %add3A_308 = arith.constant 2 : i32
      %add3A_309 = arith.addi %add3A_272, %add3A_308 : i32
      %mul3A_310 = arith.constant 128 : i32
      %mul3A_311 = arith.muli %add3A_309, %mul3A_310 : i32
      %add3A_312 = arith.addi %mul3A_98, %mul3A_311 : i32
      %dma_start3A_313 = tpu.memref_slice %arg3[%add3A_312] : memref<323584xi32, #tpu.memory_space<hbm>> -> memref<128xi32, #tpu.memory_space<hbm>>
      %dma_start3A_314 = tpu.memref_slice %arg3[%add3A_312] : memref<323584xi32, #tpu.memory_space<hbm>> -> memref<128xi32, #tpu.memory_space<hbm>>
      tpu.enqueue_dma source(%dma_start3A_314 : memref<128xi32, #tpu.memory_space<hbm>>) target(%arg8 : memref<128xi32, #tpu.memory_space<vmem>>) target_semaphore(%arg24 : memref<!tpu.dma_semaphore, #tpu.memory_space<semaphore_mem>>)
      %mul3A_315 = arith.constant 3 : i32
      %mul3A_316 = arith.muli %scan3A_218, %mul3A_315 : i32
      %add3A_317 = arith.constant 2 : i32
      %add3A_318 = arith.addi %add3A_317, %mul3A_316 : i32
      %add3A_319 = arith.constant 2 : i32
      %add3A_320 = arith.addi %add3A_318, %add3A_319 : i32
      %dma_wait3A_321 = arith.constant 0 : i32
      %dma_wait3A_322 = arith.constant 0 : i32
      %dma_wait3A_323 = tpu.memref_slice %arg2[%dma_wait3A_321, %dma_wait3A_322] : memref<10000x128xf32, #tpu.memory_space<hbm>> -> memref<128x128xf32, #tpu.memory_space<hbm>>
      %dma_wait3A_324 = arith.constant 0 : i32
      %dma_wait3A_325 = arith.constant 0 : i32
      %dma_wait3A_326 = tpu.memref_slice %arg2[%dma_wait3A_324, %dma_wait3A_325] : memref<10000x128xf32, #tpu.memory_space<hbm>> -> memref<128x128xf32, #tpu.memory_space<hbm>>
      tpu.wait_dma2 semaphore(%arg17 : memref<!tpu.dma_semaphore, #tpu.memory_space<semaphore_mem>>) src(%dma_wait3A_326 : memref<128x128xf32, #tpu.memory_space<hbm>>) dst(%arg13 : memref<128x128xf32, #tpu.memory_space<vmem>>)
      %dma_wait3A_327 = arith.constant 0 : i32
      %dma_wait3A_328 = tpu.memref_slice %arg4[%dma_wait3A_327] : memref<323584xi32, #tpu.memory_space<hbm>> -> memref<128xi32, #tpu.memory_space<hbm>>
      %dma_wait3A_329 = arith.constant 0 : i32
      %dma_wait3A_330 = tpu.memref_slice %arg4[%dma_wait3A_329] : memref<323584xi32, #tpu.memory_space<hbm>> -> memref<128xi32, #tpu.memory_space<hbm>>
      tpu.wait_dma2 semaphore(%arg26 : memref<!tpu.dma_semaphore, #tpu.memory_space<semaphore_mem>>) src(%dma_wait3A_330 : memref<128xi32, #tpu.memory_space<hbm>>) dst(%arg10 : memref<128xi32, #tpu.memory_space<vmem>>)
      %dma_start3A_331 = arith.constant 0 : i32
      %dma_start3A_332 = arith.constant 0 : i32
      %dma_start3A_333 = tpu.memref_slice %arg15[%dma_start3A_331, %dma_start3A_332] : memref<10112x128xf32, #tpu.memory_space<vmem_shared>> -> memref<10112x128xf32, #tpu.memory_space<vmem_shared>>
      tpu.enqueue_indirect_dma source(%arg13 : memref<128x128xf32, #tpu.memory_space<vmem>>) target(%dma_start3A_333 : memref<10112x128xf32, #tpu.memory_space<vmem_shared>>) offsets(%arg10 : memref<128xi32, #tpu.memory_space<vmem>>) semaphore(%arg20 : memref<!tpu.dma_semaphore, #tpu.memory_space<semaphore_mem>>) {add = true}
      %dma_wait3A_334 = arith.constant 0 : i32
      %dma_wait3A_335 = arith.constant 0 : i32
      %dma_wait3A_336 = tpu.memref_slice %arg2[%dma_wait3A_334, %dma_wait3A_335] : memref<10000x128xf32, #tpu.memory_space<hbm>> -> memref<128x128xf32, #tpu.memory_space<hbm>>
      %dma_wait3A_337 = arith.constant 0 : i32
      %dma_wait3A_338 = arith.constant 0 : i32
      %dma_wait3A_339 = tpu.memref_slice %arg2[%dma_wait3A_337, %dma_wait3A_338] : memref<10000x128xf32, #tpu.memory_space<hbm>> -> memref<128x128xf32, #tpu.memory_space<hbm>>
      tpu.wait_dma2 semaphore(%arg21 : memref<!tpu.dma_semaphore, #tpu.memory_space<semaphore_mem>>) src(%dma_wait3A_339 : memref<128x128xf32, #tpu.memory_space<hbm>>) dst(%arg14 : memref<128x128xf32, #tpu.memory_space<vmem>>)
      %add3A_340 = arith.constant 1 : i32
      %add3A_341 = arith.addi %add3A_320, %add3A_340 : i32
      %mul3A_342 = arith.constant 128 : i32
      %mul3A_343 = arith.muli %add3A_341, %mul3A_342 : i32
      %add3A_344 = arith.addi %mul3A_98, %mul3A_343 : i32
      %dma_start3A_345 = tpu.memref_slice %arg4[%add3A_344] : memref<323584xi32, #tpu.memory_space<hbm>> -> memref<128xi32, #tpu.memory_space<hbm>>
      %dma_start3A_346 = tpu.memref_slice %arg4[%add3A_344] : memref<323584xi32, #tpu.memory_space<hbm>> -> memref<128xi32, #tpu.memory_space<hbm>>
      tpu.enqueue_dma source(%dma_start3A_346 : memref<128xi32, #tpu.memory_space<hbm>>) target(%arg11 : memref<128xi32, #tpu.memory_space<vmem>>) target_semaphore(%arg27 : memref<!tpu.dma_semaphore, #tpu.memory_space<semaphore_mem>>)
      %dma_wait3A_347 = arith.constant 0 : i32
      %dma_wait3A_348 = tpu.memref_slice %arg3[%dma_wait3A_347] : memref<323584xi32, #tpu.memory_space<hbm>> -> memref<128xi32, #tpu.memory_space<hbm>>
      %dma_wait3A_349 = arith.constant 0 : i32
      %dma_wait3A_350 = tpu.memref_slice %arg3[%dma_wait3A_349] : memref<323584xi32, #tpu.memory_space<hbm>> -> memref<128xi32, #tpu.memory_space<hbm>>
      tpu.wait_dma2 semaphore(%arg24 : memref<!tpu.dma_semaphore, #tpu.memory_space<semaphore_mem>>) src(%dma_wait3A_350 : memref<128xi32, #tpu.memory_space<hbm>>) dst(%arg8 : memref<128xi32, #tpu.memory_space<vmem>>)
      %add3A_351 = arith.constant 1 : i32
      %add3A_352 = arith.addi %add3A_320, %add3A_351 : i32
      %dma_start3A_353 = arith.constant 0 : i32
      %dma_start3A_354 = arith.constant 0 : i32
      %dma_start3A_355 = tpu.memref_slice %arg2[%dma_start3A_353, %dma_start3A_354] : memref<10000x128xf32, #tpu.memory_space<hbm>> -> memref<10000x128xf32, #tpu.memory_space<hbm>>
      tpu.enqueue_indirect_dma source(%dma_start3A_355 : memref<10000x128xf32, #tpu.memory_space<hbm>>) target(%arg14 : memref<128x128xf32, #tpu.memory_space<vmem>>) offsets(%arg8 : memref<128xi32, #tpu.memory_space<vmem>>) semaphore(%arg18 : memref<!tpu.dma_semaphore, #tpu.memory_space<semaphore_mem>>)
      %add3A_356 = arith.constant 2 : i32
      %add3A_357 = arith.addi %add3A_320, %add3A_356 : i32
      %mul3A_358 = arith.constant 128 : i32
      %mul3A_359 = arith.muli %add3A_357, %mul3A_358 : i32
      %add3A_360 = arith.addi %mul3A_98, %mul3A_359 : i32
      %dma_start3A_361 = tpu.memref_slice %arg3[%add3A_360] : memref<323584xi32, #tpu.memory_space<hbm>> -> memref<128xi32, #tpu.memory_space<hbm>>
      %dma_start3A_362 = tpu.memref_slice %arg3[%add3A_360] : memref<323584xi32, #tpu.memory_space<hbm>> -> memref<128xi32, #tpu.memory_space<hbm>>
      tpu.enqueue_dma source(%dma_start3A_362 : memref<128xi32, #tpu.memory_space<hbm>>) target(%arg6 : memref<128xi32, #tpu.memory_space<vmem>>) target_semaphore(%arg22 : memref<!tpu.dma_semaphore, #tpu.memory_space<semaphore_mem>>)
    }
    %scan3A_151 = arith.constant 25 : i32
    %dma_wait3A_152 = arith.constant 0 : i32
    %dma_wait3A_153 = arith.constant 0 : i32
    %dma_wait3A_154 = tpu.memref_slice %arg2[%dma_wait3A_152, %dma_wait3A_153] : memref<10000x128xf32, #tpu.memory_space<hbm>> -> memref<128x128xf32, #tpu.memory_space<hbm>>
    %dma_wait3A_155 = arith.constant 0 : i32
    %dma_wait3A_156 = arith.constant 0 : i32
    %dma_wait3A_157 = tpu.memref_slice %arg2[%dma_wait3A_155, %dma_wait3A_156] : memref<10000x128xf32, #tpu.memory_space<hbm>> -> memref<128x128xf32, #tpu.memory_space<hbm>>
    tpu.wait_dma2 semaphore(%arg18 : memref<!tpu.dma_semaphore, #tpu.memory_space<semaphore_mem>>) src(%dma_wait3A_157 : memref<128x128xf32, #tpu.memory_space<hbm>>) dst(%arg14 : memref<128x128xf32, #tpu.memory_space<vmem>>)
    %dma_wait3A_158 = arith.constant 0 : i32
    %dma_wait3A_159 = tpu.memref_slice %arg4[%dma_wait3A_158] : memref<323584xi32, #tpu.memory_space<hbm>> -> memref<128xi32, #tpu.memory_space<hbm>>
    %dma_wait3A_160 = arith.constant 0 : i32
    %dma_wait3A_161 = tpu.memref_slice %arg4[%dma_wait3A_160] : memref<323584xi32, #tpu.memory_space<hbm>> -> memref<128xi32, #tpu.memory_space<hbm>>
    tpu.wait_dma2 semaphore(%arg27 : memref<!tpu.dma_semaphore, #tpu.memory_space<semaphore_mem>>) src(%dma_wait3A_161 : memref<128xi32, #tpu.memory_space<hbm>>) dst(%arg11 : memref<128xi32, #tpu.memory_space<vmem>>)
    %dma_start3A_162 = arith.constant 0 : i32
    %dma_start3A_163 = arith.constant 0 : i32
    %dma_start3A_164 = tpu.memref_slice %arg15[%dma_start3A_162, %dma_start3A_163] : memref<10112x128xf32, #tpu.memory_space<vmem_shared>> -> memref<10112x128xf32, #tpu.memory_space<vmem_shared>>
    tpu.enqueue_indirect_dma source(%arg14 : memref<128x128xf32, #tpu.memory_space<vmem>>) target(%dma_start3A_164 : memref<10112x128xf32, #tpu.memory_space<vmem_shared>>) offsets(%arg11 : memref<128xi32, #tpu.memory_space<vmem>>) semaphore(%arg21 : memref<!tpu.dma_semaphore, #tpu.memory_space<semaphore_mem>>) {add = true}
    %dma_wait3A_165 = arith.constant 0 : i32
    %dma_wait3A_166 = arith.constant 0 : i32
    %dma_wait3A_167 = tpu.memref_slice %arg2[%dma_wait3A_165, %dma_wait3A_166] : memref<10000x128xf32, #tpu.memory_space<hbm>> -> memref<128x128xf32, #tpu.memory_space<hbm>>
    %dma_wait3A_168 = arith.constant 0 : i32
    %dma_wait3A_169 = arith.constant 0 : i32
    %dma_wait3A_170 = tpu.memref_slice %arg2[%dma_wait3A_168, %dma_wait3A_169] : memref<10000x128xf32, #tpu.memory_space<hbm>> -> memref<128x128xf32, #tpu.memory_space<hbm>>
    tpu.wait_dma2 semaphore(%arg19 : memref<!tpu.dma_semaphore, #tpu.memory_space<semaphore_mem>>) src(%dma_wait3A_170 : memref<128x128xf32, #tpu.memory_space<hbm>>) dst(%arg12 : memref<128x128xf32, #tpu.memory_space<vmem>>)
    %add3A_171 = arith.constant 9984 : i32
    %add3A_172 = arith.addi %mul3A_98, %add3A_171 : i32
    %dma_start3A_173 = tpu.memref_slice %arg4[%add3A_172] : memref<323584xi32, #tpu.memory_space<hbm>> -> memref<128xi32, #tpu.memory_space<hbm>>
    %dma_start3A_174 = tpu.memref_slice %arg4[%add3A_172] : memref<323584xi32, #tpu.memory_space<hbm>> -> memref<128xi32, #tpu.memory_space<hbm>>
    tpu.enqueue_dma source(%dma_start3A_174 : memref<128xi32, #tpu.memory_space<hbm>>) target(%arg9 : memref<128xi32, #tpu.memory_space<vmem>>) target_semaphore(%arg25 : memref<!tpu.dma_semaphore, #tpu.memory_space<semaphore_mem>>)
    %dma_wait3A_175 = arith.constant 0 : i32
    %dma_wait3A_176 = tpu.memref_slice %arg3[%dma_wait3A_175] : memref<323584xi32, #tpu.memory_space<hbm>> -> memref<128xi32, #tpu.memory_space<hbm>>
    %dma_wait3A_177 = arith.constant 0 : i32
    %dma_wait3A_178 = tpu.memref_slice %arg3[%dma_wait3A_177] : memref<323584xi32, #tpu.memory_space<hbm>> -> memref<128xi32, #tpu.memory_space<hbm>>
    tpu.wait_dma2 semaphore(%arg22 : memref<!tpu.dma_semaphore, #tpu.memory_space<semaphore_mem>>) src(%dma_wait3A_178 : memref<128xi32, #tpu.memory_space<hbm>>) dst(%arg6 : memref<128xi32, #tpu.memory_space<vmem>>)
    %dma_start3A_179 = arith.constant 0 : i32
    %dma_start3A_180 = arith.constant 0 : i32
    %dma_start3A_181 = tpu.memref_slice %arg2[%dma_start3A_179, %dma_start3A_180] : memref<10000x128xf32, #tpu.memory_space<hbm>> -> memref<10000x128xf32, #tpu.memory_space<hbm>>
    tpu.enqueue_indirect_dma source(%dma_start3A_181 : memref<10000x128xf32, #tpu.memory_space<hbm>>) target(%arg12 : memref<128x128xf32, #tpu.memory_space<vmem>>) offsets(%arg6 : memref<128xi32, #tpu.memory_space<vmem>>) semaphore(%arg16 : memref<!tpu.dma_semaphore, #tpu.memory_space<semaphore_mem>>)
    %dma_wait3A_182 = arith.constant 0 : i32
    %dma_wait3A_183 = arith.constant 0 : i32
    %dma_wait3A_184 = tpu.memref_slice %arg2[%dma_wait3A_182, %dma_wait3A_183] : memref<10000x128xf32, #tpu.memory_space<hbm>> -> memref<128x128xf32, #tpu.memory_space<hbm>>
    %dma_wait3A_185 = arith.constant 0 : i32
    %dma_wait3A_186 = arith.constant 0 : i32
    %dma_wait3A_187 = tpu.memref_slice %arg2[%dma_wait3A_185, %dma_wait3A_186] : memref<10000x128xf32, #tpu.memory_space<hbm>> -> memref<128x128xf32, #tpu.memory_space<hbm>>
    tpu.wait_dma2 semaphore(%arg16 : memref<!tpu.dma_semaphore, #tpu.memory_space<semaphore_mem>>) src(%dma_wait3A_187 : memref<128x128xf32, #tpu.memory_space<hbm>>) dst(%arg12 : memref<128x128xf32, #tpu.memory_space<vmem>>)
    %dma_wait3A_188 = arith.constant 0 : i32
    %dma_wait3A_189 = tpu.memref_slice %arg4[%dma_wait3A_188] : memref<323584xi32, #tpu.memory_space<hbm>> -> memref<128xi32, #tpu.memory_space<hbm>>
    %dma_wait3A_190 = arith.constant 0 : i32
    %dma_wait3A_191 = tpu.memref_slice %arg4[%dma_wait3A_190] : memref<323584xi32, #tpu.memory_space<hbm>> -> memref<128xi32, #tpu.memory_space<hbm>>
    tpu.wait_dma2 semaphore(%arg25 : memref<!tpu.dma_semaphore, #tpu.memory_space<semaphore_mem>>) src(%dma_wait3A_191 : memref<128xi32, #tpu.memory_space<hbm>>) dst(%arg9 : memref<128xi32, #tpu.memory_space<vmem>>)
    %dma_start3A_192 = arith.constant 0 : i32
    %dma_start3A_193 = arith.constant 0 : i32
    %dma_start3A_194 = tpu.memref_slice %arg15[%dma_start3A_192, %dma_start3A_193] : memref<10112x128xf32, #tpu.memory_space<vmem_shared>> -> memref<10112x128xf32, #tpu.memory_space<vmem_shared>>
    tpu.enqueue_indirect_dma source(%arg12 : memref<128x128xf32, #tpu.memory_space<vmem>>) target(%dma_start3A_194 : memref<10112x128xf32, #tpu.memory_space<vmem_shared>>) offsets(%arg9 : memref<128xi32, #tpu.memory_space<vmem>>) semaphore(%arg19 : memref<!tpu.dma_semaphore, #tpu.memory_space<semaphore_mem>>) {add = true}
    %dma_wait3A_195 = arith.constant 0 : i32
    %dma_wait3A_196 = arith.constant 0 : i32
    %dma_wait3A_197 = tpu.memref_slice %arg2[%dma_wait3A_195, %dma_wait3A_196] : memref<10000x128xf32, #tpu.memory_space<hbm>> -> memref<128x128xf32, #tpu.memory_space<hbm>>
    %dma_wait3A_198 = arith.constant 0 : i32
    %dma_wait3A_199 = arith.constant 0 : i32
    %dma_wait3A_200 = tpu.memref_slice %arg2[%dma_wait3A_198, %dma_wait3A_199] : memref<10000x128xf32, #tpu.memory_space<hbm>> -> memref<128x128xf32, #tpu.memory_space<hbm>>
    tpu.wait_dma2 semaphore(%arg20 : memref<!tpu.dma_semaphore, #tpu.memory_space<semaphore_mem>>) src(%dma_wait3A_200 : memref<128x128xf32, #tpu.memory_space<hbm>>) dst(%arg13 : memref<128x128xf32, #tpu.memory_space<vmem>>)
    %dma_wait3A_201 = arith.constant 0 : i32
    %dma_wait3A_202 = arith.constant 0 : i32
    %dma_wait3A_203 = tpu.memref_slice %arg2[%dma_wait3A_201, %dma_wait3A_202] : memref<10000x128xf32, #tpu.memory_space<hbm>> -> memref<128x128xf32, #tpu.memory_space<hbm>>
    %dma_wait3A_204 = arith.constant 0 : i32
    %dma_wait3A_205 = arith.constant 0 : i32
    %dma_wait3A_206 = tpu.memref_slice %arg2[%dma_wait3A_204, %dma_wait3A_205] : memref<10000x128xf32, #tpu.memory_space<hbm>> -> memref<128x128xf32, #tpu.memory_space<hbm>>
    tpu.wait_dma2 semaphore(%arg21 : memref<!tpu.dma_semaphore, #tpu.memory_space<semaphore_mem>>) src(%dma_wait3A_206 : memref<128x128xf32, #tpu.memory_space<hbm>>) dst(%arg14 : memref<128x128xf32, #tpu.memory_space<vmem>>)
    %dma_wait3A_207 = arith.constant 0 : i32
    %dma_wait3A_208 = arith.constant 0 : i32
    %dma_wait3A_209 = tpu.memref_slice %arg2[%dma_wait3A_207, %dma_wait3A_208] : memref<10000x128xf32, #tpu.memory_space<hbm>> -> memref<128x128xf32, #tpu.memory_space<hbm>>
    %dma_wait3A_210 = arith.constant 0 : i32
    %dma_wait3A_211 = arith.constant 0 : i32
    %dma_wait3A_212 = tpu.memref_slice %arg2[%dma_wait3A_210, %dma_wait3A_211] : memref<10000x128xf32, #tpu.memory_space<hbm>> -> memref<128x128xf32, #tpu.memory_space<hbm>>
    tpu.wait_dma2 semaphore(%arg19 : memref<!tpu.dma_semaphore, #tpu.memory_space<semaphore_mem>>) src(%dma_wait3A_212 : memref<128x128xf32, #tpu.memory_space<hbm>>) dst(%arg12 : memref<128x128xf32, #tpu.memory_space<vmem>>)
    %barrier3A_213 = arith.constant 0 : index
    tpu.barrier barrier_id(%barrier3A_213)
    %mul3A_214 = arith.constant 632 : i32
    %mul3A_215 = arith.muli %arg1, %mul3A_214 : i32
    %mul3A_216 = arith.constant 632 : i32
    %mul3A_217 = arith.muli %arg1, %mul3A_216 : i32
    "tpu.region"() ({
      %run_scoped3A = tpu.sem_alloc : memref<!tpu.dma_semaphore, #tpu.memory_space<semaphore_mem>>
      %dma_start3A_218 = arith.constant 0 : i32
      %dma_start3A_219 = tpu.memref_slice %arg5[%arg0, %mul3A_217, %dma_start3A_218] : memref<2x10112x128xf32, #tpu.memory_space<hbm>> -> memref<1x632x128xf32, #tpu.memory_space<hbm>>
      %dma_start3A_220 = tpu.memref_squeeze %dma_start3A_219 : memref<1x632x128xf32, #tpu.memory_space<hbm>> -> memref<632x128xf32, #tpu.memory_space<hbm>>
      %dma_start3A_221 = arith.constant 0 : i32
      %dma_start3A_222 = tpu.memref_slice %arg15[%mul3A_215, %dma_start3A_221] : memref<10112x128xf32, #tpu.memory_space<vmem_shared>> -> memref<632x128xf32, #tpu.memory_space<vmem_shared>>
      tpu.enqueue_dma source(%dma_start3A_222 : memref<632x128xf32, #tpu.memory_space<vmem_shared>>) target(%dma_start3A_220 : memref<632x128xf32, #tpu.memory_space<hbm>>) target_semaphore(%run_scoped3A : memref<!tpu.dma_semaphore, #tpu.memory_space<semaphore_mem>>)
      %dma_wait3A_223 = arith.constant 0 : i32
      %dma_wait3A_224 = tpu.memref_slice %arg5[%arg0, %mul3A_217, %dma_wait3A_223] : memref<2x10112x128xf32, #tpu.memory_space<hbm>> -> memref<1x632x128xf32, #tpu.memory_space<hbm>>
      %dma_wait3A_225 = tpu.memref_squeeze %dma_wait3A_224 : memref<1x632x128xf32, #tpu.memory_space<hbm>> -> memref<632x128xf32, #tpu.memory_space<hbm>>
      %dma_wait3A_226 = arith.constant 0 : i32
      %dma_wait3A_227 = tpu.memref_slice %arg15[%mul3A_215, %dma_wait3A_226] : memref<10112x128xf32, #tpu.memory_space<vmem_shared>> -> memref<632x128xf32, #tpu.memory_space<vmem_shared>>
      tpu.wait_dma2 semaphore(%run_scoped3A : memref<!tpu.dma_semaphore, #tpu.memory_space<semaphore_mem>>) src(%dma_wait3A_227 : memref<632x128xf32, #tpu.memory_space<vmem_shared>>) dst(%dma_wait3A_225 : memref<632x128xf32, #tpu.memory_space<hbm>>)
      tpu.yield
    }) : () -> ()
    return
  }
}

#map = affine_map<(d0, d1) -> (0, 0)>
#map1 = affine_map<(d0, d1) -> (0)>
#map2 = affine_map<(d0, d1) -> (0, 0, 0)>
module attributes {stable_mosaic.version = 14 : i64} {
  func.func @_agg_body(%arg0: i32, %arg1: i32, %arg2: memref<10000x128xf32, #tpu.memory_space<hbm>>, %arg3: memref<323584xi32, #tpu.memory_space<hbm>>, %arg4: memref<323584xi32, #tpu.memory_space<hbm>>, %arg5: memref<2x10112x128xf32, #tpu.memory_space<hbm>>, %arg6: memref<128xi32, #tpu.memory_space<vmem>>, %arg7: memref<128xi32, #tpu.memory_space<vmem>>, %arg8: memref<128xi32, #tpu.memory_space<vmem>>, %arg9: memref<128xi32, #tpu.memory_space<vmem>>, %arg10: memref<128xi32, #tpu.memory_space<vmem>>, %arg11: memref<128xi32, #tpu.memory_space<vmem>>, %arg12: memref<128x128xf32, #tpu.memory_space<vmem>>, %arg13: memref<128x128xf32, #tpu.memory_space<vmem>>, %arg14: memref<128x128xf32, #tpu.memory_space<vmem>>, %arg15: memref<10112x128xf32, #tpu.memory_space<vmem_shared>>, %arg16: memref<!tpu.dma_semaphore, #tpu.memory_space<semaphore_mem>>, %arg17: memref<!tpu.dma_semaphore, #tpu.memory_space<semaphore_mem>>, %arg18: memref<!tpu.dma_semaphore, #tpu.memory_space<semaphore_mem>>, %arg19: memref<!tpu.dma_semaphore, #tpu.memory_space<semaphore_mem>>, %arg20: memref<!tpu.dma_semaphore, #tpu.memory_space<semaphore_mem>>, %arg21: memref<!tpu.dma_semaphore, #tpu.memory_space<semaphore_mem>>, %arg22: memref<!tpu.dma_semaphore, #tpu.memory_space<semaphore_mem>>, %arg23: memref<!tpu.dma_semaphore, #tpu.memory_space<semaphore_mem>>, %arg24: memref<!tpu.dma_semaphore, #tpu.memory_space<semaphore_mem>>, %arg25: memref<!tpu.dma_semaphore, #tpu.memory_space<semaphore_mem>>, %arg26: memref<!tpu.dma_semaphore, #tpu.memory_space<semaphore_mem>>, %arg27: memref<!tpu.dma_semaphore, #tpu.memory_space<semaphore_mem>>) attributes {dimension_semantics = [#tpu.dimension_semantics<core_parallel>, #tpu.dimension_semantics<subcore_parallel>], iteration_bounds = array<i64: 2, 16>, scalar_prefetch = 0 : i64, scratch_operands = 22 : i64, tpu.core_type = #tpu.core_type<sc_vector_subcore>, window_params = [{transform_indices = #map}, {transform_indices = #map1}, {transform_indices = #map1}, {transform_indices = #map2}]} {
    %mul3A = arith.constant 16 : i32
    %mul3A_0 = arith.muli %arg0, %mul3A : i32
    %add3A = arith.addi %mul3A_0, %arg1 : i32
    %broadcast_in_dim3A = arith.constant 0.000000e+00 : f32
    %broadcast_in_dim3A_1 = vector.broadcast %broadcast_in_dim3A : f32 to vector<16xf32>
    %scan3A = arith.constant 0 : i32
    %scan3A_2 = arith.constant 0 : i32
    %scan3A_3 = arith.constant 128 : i32
    %scan3A_4 = arith.addi %scan3A_2, %scan3A_3 : i32
    %scan3A_5 = arith.constant 1 : i32
    scf.for %scan3A_218 = %scan3A_2 to %scan3A_4 step %scan3A_5  : i32 {
      %swap3A = arith.index_cast %scan3A_218 : i32 to index
      %swap3A_219 = arith.constant 0 : index
      %swap3A_220 = tpu.vector_load %arg12[%swap3A, %swap3A_219] {strides = array<i32>} : memref<128x128xf32, #tpu.memory_space<vmem>>, vector<1x16xf32>,
      %swap3A_221 = vector.shape_cast %swap3A_220 : vector<1x16xf32> to vector<16xf32>
      %swap3A_222 = vector.shape_cast %broadcast_in_dim3A_1 : vector<16xf32> to vector<1x16xf32>
      tpu.vector_store %arg12[%swap3A, %swap3A_219], %swap3A_222 {strides = array<i32>} : memref<128x128xf32, #tpu.memory_space<vmem>>, vector<1x16xf32>,
      %swap3A_223 = arith.index_cast %scan3A_218 : i32 to index
      %swap3A_224 = arith.constant 16 : index
      %swap3A_225 = tpu.vector_load %arg12[%swap3A_223, %swap3A_224] {strides = array<i32>} : memref<128x128xf32, #tpu.memory_space<vmem>>, vector<1x16xf32>,
      %swap3A_226 = vector.shape_cast %swap3A_225 : vector<1x16xf32> to vector<16xf32>
      %swap3A_227 = vector.shape_cast %broadcast_in_dim3A_1 : vector<16xf32> to vector<1x16xf32>
      tpu.vector_store %arg12[%swap3A_223, %swap3A_224], %swap3A_227 {strides = array<i32>} : memref<128x128xf32, #tpu.memory_space<vmem>>, vector<1x16xf32>,
      %swap3A_228 = arith.index_cast %scan3A_218 : i32 to index
      %swap3A_229 = arith.constant 32 : index
      %swap3A_230 = tpu.vector_load %arg12[%swap3A_228, %swap3A_229] {strides = array<i32>} : memref<128x128xf32, #tpu.memory_space<vmem>>, vector<1x16xf32>,
      %swap3A_231 = vector.shape_cast %swap3A_230 : vector<1x16xf32> to vector<16xf32>
      %swap3A_232 = vector.shape_cast %broadcast_in_dim3A_1 : vector<16xf32> to vector<1x16xf32>
      tpu.vector_store %arg12[%swap3A_228, %swap3A_229], %swap3A_232 {strides = array<i32>} : memref<128x128xf32, #tpu.memory_space<vmem>>, vector<1x16xf32>,
      %swap3A_233 = arith.index_cast %scan3A_218 : i32 to index
      %swap3A_234 = arith.constant 48 : index
      %swap3A_235 = tpu.vector_load %arg12[%swap3A_233, %swap3A_234] {strides = array<i32>} : memref<128x128xf32, #tpu.memory_space<vmem>>, vector<1x16xf32>,
      %swap3A_236 = vector.shape_cast %swap3A_235 : vector<1x16xf32> to vector<16xf32>
      %swap3A_237 = vector.shape_cast %broadcast_in_dim3A_1 : vector<16xf32> to vector<1x16xf32>
      tpu.vector_store %arg12[%swap3A_233, %swap3A_234], %swap3A_237 {strides = array<i32>} : memref<128x128xf32, #tpu.memory_space<vmem>>, vector<1x16xf32>,
      %swap3A_238 = arith.index_cast %scan3A_218 : i32 to index
      %swap3A_239 = arith.constant 64 : index
      %swap3A_240 = tpu.vector_load %arg12[%swap3A_238, %swap3A_239] {strides = array<i32>} : memref<128x128xf32, #tpu.memory_space<vmem>>, vector<1x16xf32>,
      %swap3A_241 = vector.shape_cast %swap3A_240 : vector<1x16xf32> to vector<16xf32>
      %swap3A_242 = vector.shape_cast %broadcast_in_dim3A_1 : vector<16xf32> to vector<1x16xf32>
      tpu.vector_store %arg12[%swap3A_238, %swap3A_239], %swap3A_242 {strides = array<i32>} : memref<128x128xf32, #tpu.memory_space<vmem>>, vector<1x16xf32>,
      %swap3A_243 = arith.index_cast %scan3A_218 : i32 to index
      %swap3A_244 = arith.constant 80 : index
      %swap3A_245 = tpu.vector_load %arg12[%swap3A_243, %swap3A_244] {strides = array<i32>} : memref<128x128xf32, #tpu.memory_space<vmem>>, vector<1x16xf32>,
      %swap3A_246 = vector.shape_cast %swap3A_245 : vector<1x16xf32> to vector<16xf32>
      %swap3A_247 = vector.shape_cast %broadcast_in_dim3A_1 : vector<16xf32> to vector<1x16xf32>
      tpu.vector_store %arg12[%swap3A_243, %swap3A_244], %swap3A_247 {strides = array<i32>} : memref<128x128xf32, #tpu.memory_space<vmem>>, vector<1x16xf32>,
      %swap3A_248 = arith.index_cast %scan3A_218 : i32 to index
      %swap3A_249 = arith.constant 96 : index
      %swap3A_250 = tpu.vector_load %arg12[%swap3A_248, %swap3A_249] {strides = array<i32>} : memref<128x128xf32, #tpu.memory_space<vmem>>, vector<1x16xf32>,
      %swap3A_251 = vector.shape_cast %swap3A_250 : vector<1x16xf32> to vector<16xf32>
      %swap3A_252 = vector.shape_cast %broadcast_in_dim3A_1 : vector<16xf32> to vector<1x16xf32>
      tpu.vector_store %arg12[%swap3A_248, %swap3A_249], %swap3A_252 {strides = array<i32>} : memref<128x128xf32, #tpu.memory_space<vmem>>, vector<1x16xf32>,
      %swap3A_253 = arith.index_cast %scan3A_218 : i32 to index
      %swap3A_254 = arith.constant 112 : index
      %swap3A_255 = tpu.vector_load %arg12[%swap3A_253, %swap3A_254] {strides = array<i32>} : memref<128x128xf32, #tpu.memory_space<vmem>>, vector<1x16xf32>,
      %swap3A_256 = vector.shape_cast %swap3A_255 : vector<1x16xf32> to vector<16xf32>
      %swap3A_257 = vector.shape_cast %broadcast_in_dim3A_1 : vector<16xf32> to vector<1x16xf32>
      tpu.vector_store %arg12[%swap3A_253, %swap3A_254], %swap3A_257 {strides = array<i32>} : memref<128x128xf32, #tpu.memory_space<vmem>>, vector<1x16xf32>,
    }
    %scan3A_6 = arith.constant 128 : i32
    %mul3A_7 = arith.constant 632 : i32
    %mul3A_8 = arith.muli %arg1, %mul3A_7 : i32
    %add3A_9 = arith.constant 0 : i32
    %add3A_10 = arith.addi %mul3A_8, %add3A_9 : i32
    %dma_start3A = arith.constant 0 : i32
    %dma_start3A_11 = tpu.memref_slice %arg15[%add3A_10, %dma_start3A] : memref<10112x128xf32, #tpu.memory_space<vmem_shared>> -> memref<128x128xf32, #tpu.memory_space<vmem_shared>>
    %dma_start3A_12 = arith.constant 0 : i32
    %dma_start3A_13 = tpu.memref_slice %arg15[%add3A_10, %dma_start3A_12] : memref<10112x128xf32, #tpu.memory_space<vmem_shared>> -> memref<128x128xf32, #tpu.memory_space<vmem_shared>>
    tpu.enqueue_dma source(%arg12 : memref<128x128xf32, #tpu.memory_space<vmem>>) target(%dma_start3A_13 : memref<128x128xf32, #tpu.memory_space<vmem_shared>>) target_semaphore(%arg19 : memref<!tpu.dma_semaphore, #tpu.memory_space<semaphore_mem>>)
    %mul3A_14 = arith.constant 632 : i32
    %mul3A_15 = arith.muli %arg1, %mul3A_14 : i32
    %add3A_16 = arith.constant 128 : i32
    %add3A_17 = arith.addi %mul3A_15, %add3A_16 : i32
    %dma_start3A_18 = arith.constant 0 : i32
    %dma_start3A_19 = tpu.memref_slice %arg15[%add3A_17, %dma_start3A_18] : memref<10112x128xf32, #tpu.memory_space<vmem_shared>> -> memref<128x128xf32, #tpu.memory_space<vmem_shared>>
    %dma_start3A_20 = arith.constant 0 : i32
    %dma_start3A_21 = tpu.memref_slice %arg15[%add3A_17, %dma_start3A_20] : memref<10112x128xf32, #tpu.memory_space<vmem_shared>> -> memref<128x128xf32, #tpu.memory_space<vmem_shared>>
    tpu.enqueue_dma source(%arg12 : memref<128x128xf32, #tpu.memory_space<vmem>>) target(%dma_start3A_21 : memref<128x128xf32, #tpu.memory_space<vmem_shared>>) target_semaphore(%arg19 : memref<!tpu.dma_semaphore, #tpu.memory_space<semaphore_mem>>)
    %mul3A_22 = arith.constant 632 : i32
    %mul3A_23 = arith.muli %arg1, %mul3A_22 : i32
    %add3A_24 = arith.constant 256 : i32
    %add3A_25 = arith.addi %mul3A_23, %add3A_24 : i32
    %dma_start3A_26 = arith.constant 0 : i32
    %dma_start3A_27 = tpu.memref_slice %arg15[%add3A_25, %dma_start3A_26] : memref<10112x128xf32, #tpu.memory_space<vmem_shared>> -> memref<128x128xf32, #tpu.memory_space<vmem_shared>>
    %dma_start3A_28 = arith.constant 0 : i32
    %dma_start3A_29 = tpu.memref_slice %arg15[%add3A_25, %dma_start3A_28] : memref<10112x128xf32, #tpu.memory_space<vmem_shared>> -> memref<128x128xf32, #tpu.memory_space<vmem_shared>>
    tpu.enqueue_dma source(%arg12 : memref<128x128xf32, #tpu.memory_space<vmem>>) target(%dma_start3A_29 : memref<128x128xf32, #tpu.memory_space<vmem_shared>>) target_semaphore(%arg19 : memref<!tpu.dma_semaphore, #tpu.memory_space<semaphore_mem>>)
    %mul3A_30 = arith.constant 632 : i32
    %mul3A_31 = arith.muli %arg1, %mul3A_30 : i32
    %add3A_32 = arith.constant 384 : i32
    %add3A_33 = arith.addi %mul3A_31, %add3A_32 : i32
    %dma_start3A_34 = arith.constant 0 : i32
    %dma_start3A_35 = tpu.memref_slice %arg15[%add3A_33, %dma_start3A_34] : memref<10112x128xf32, #tpu.memory_space<vmem_shared>> -> memref<128x128xf32, #tpu.memory_space<vmem_shared>>
    %dma_start3A_36 = arith.constant 0 : i32
    %dma_start3A_37 = tpu.memref_slice %arg15[%add3A_33, %dma_start3A_36] : memref<10112x128xf32, #tpu.memory_space<vmem_shared>> -> memref<128x128xf32, #tpu.memory_space<vmem_shared>>
    tpu.enqueue_dma source(%arg12 : memref<128x128xf32, #tpu.memory_space<vmem>>) target(%dma_start3A_37 : memref<128x128xf32, #tpu.memory_space<vmem_shared>>) target_semaphore(%arg19 : memref<!tpu.dma_semaphore, #tpu.memory_space<semaphore_mem>>)
    %mul3A_38 = arith.constant 632 : i32
    %mul3A_39 = arith.muli %arg1, %mul3A_38 : i32
    %add3A_40 = arith.constant 512 : i32
    %add3A_41 = arith.addi %mul3A_39, %add3A_40 : i32
    %dma_start3A_42 = arith.constant 0 : i32
    %dma_start3A_43 = arith.constant 0 : i32
    %dma_start3A_44 = tpu.memref_slice %arg12[%dma_start3A_42, %dma_start3A_43] : memref<128x128xf32, #tpu.memory_space<vmem>> -> memref<120x128xf32, #tpu.memory_space<vmem>>
    %dma_start3A_45 = arith.constant 0 : i32
    %dma_start3A_46 = tpu.memref_slice %arg15[%add3A_41, %dma_start3A_45] : memref<10112x128xf32, #tpu.memory_space<vmem_shared>> -> memref<120x128xf32, #tpu.memory_space<vmem_shared>>
    %dma_start3A_47 = arith.constant 0 : i32
    %dma_start3A_48 = tpu.memref_slice %arg15[%add3A_41, %dma_start3A_47] : memref<10112x128xf32, #tpu.memory_space<vmem_shared>> -> memref<120x128xf32, #tpu.memory_space<vmem_shared>>
    %dma_start3A_49 = arith.constant 0 : i32
    %dma_start3A_50 = arith.constant 0 : i32
    %dma_start3A_51 = tpu.memref_slice %arg12[%dma_start3A_49, %dma_start3A_50] : memref<128x128xf32, #tpu.memory_space<vmem>> -> memref<120x128xf32, #tpu.memory_space<vmem>>
    tpu.enqueue_dma source(%dma_start3A_51 : memref<120x128xf32, #tpu.memory_space<vmem>>) target(%dma_start3A_48 : memref<120x128xf32, #tpu.memory_space<vmem_shared>>) target_semaphore(%arg20 : memref<!tpu.dma_semaphore, #tpu.memory_space<semaphore_mem>>)
    %mul3A_52 = arith.constant 632 : i32
    %mul3A_53 = arith.muli %arg1, %mul3A_52 : i32
    %add3A_54 = arith.constant 0 : i32
    %add3A_55 = arith.addi %mul3A_53, %add3A_54 : i32
    %dma_wait3A = arith.constant 0 : i32
    %dma_wait3A_56 = tpu.memref_slice %arg15[%add3A_55, %dma_wait3A] : memref<10112x128xf32, #tpu.memory_space<vmem_shared>> -> memref<128x128xf32, #tpu.memory_space<vmem_shared>>
    %dma_wait3A_57 = arith.constant 0 : i32
    %dma_wait3A_58 = tpu.memref_slice %arg15[%add3A_55, %dma_wait3A_57] : memref<10112x128xf32, #tpu.memory_space<vmem_shared>> -> memref<128x128xf32, #tpu.memory_space<vmem_shared>>
    tpu.wait_dma2 semaphore(%arg19 : memref<!tpu.dma_semaphore, #tpu.memory_space<semaphore_mem>>) src(%arg12 : memref<128x128xf32, #tpu.memory_space<vmem>>) dst(%dma_wait3A_58 : memref<128x128xf32, #tpu.memory_space<vmem_shared>>)
    %mul3A_59 = arith.constant 632 : i32
    %mul3A_60 = arith.muli %arg1, %mul3A_59 : i32
    %add3A_61 = arith.constant 128 : i32
    %add3A_62 = arith.addi %mul3A_60, %add3A_61 : i32
    %dma_wait3A_63 = arith.constant 0 : i32
    %dma_wait3A_64 = tpu.memref_slice %arg15[%add3A_62, %dma_wait3A_63] : memref<10112x128xf32, #tpu.memory_space<vmem_shared>> -> memref<128x128xf32, #tpu.memory_space<vmem_shared>>
    %dma_wait3A_65 = arith.constant 0 : i32
    %dma_wait3A_66 = tpu.memref_slice %arg15[%add3A_62, %dma_wait3A_65] : memref<10112x128xf32, #tpu.memory_space<vmem_shared>> -> memref<128x128xf32, #tpu.memory_space<vmem_shared>>
    tpu.wait_dma2 semaphore(%arg19 : memref<!tpu.dma_semaphore, #tpu.memory_space<semaphore_mem>>) src(%arg12 : memref<128x128xf32, #tpu.memory_space<vmem>>) dst(%dma_wait3A_66 : memref<128x128xf32, #tpu.memory_space<vmem_shared>>)
    %mul3A_67 = arith.constant 632 : i32
    %mul3A_68 = arith.muli %arg1, %mul3A_67 : i32
    %add3A_69 = arith.constant 256 : i32
    %add3A_70 = arith.addi %mul3A_68, %add3A_69 : i32
    %dma_wait3A_71 = arith.constant 0 : i32
    %dma_wait3A_72 = tpu.memref_slice %arg15[%add3A_70, %dma_wait3A_71] : memref<10112x128xf32, #tpu.memory_space<vmem_shared>> -> memref<128x128xf32, #tpu.memory_space<vmem_shared>>
    %dma_wait3A_73 = arith.constant 0 : i32
    %dma_wait3A_74 = tpu.memref_slice %arg15[%add3A_70, %dma_wait3A_73] : memref<10112x128xf32, #tpu.memory_space<vmem_shared>> -> memref<128x128xf32, #tpu.memory_space<vmem_shared>>
    tpu.wait_dma2 semaphore(%arg19 : memref<!tpu.dma_semaphore, #tpu.memory_space<semaphore_mem>>) src(%arg12 : memref<128x128xf32, #tpu.memory_space<vmem>>) dst(%dma_wait3A_74 : memref<128x128xf32, #tpu.memory_space<vmem_shared>>)
    %mul3A_75 = arith.constant 632 : i32
    %mul3A_76 = arith.muli %arg1, %mul3A_75 : i32
    %add3A_77 = arith.constant 384 : i32
    %add3A_78 = arith.addi %mul3A_76, %add3A_77 : i32
    %dma_wait3A_79 = arith.constant 0 : i32
    %dma_wait3A_80 = tpu.memref_slice %arg15[%add3A_78, %dma_wait3A_79] : memref<10112x128xf32, #tpu.memory_space<vmem_shared>> -> memref<128x128xf32, #tpu.memory_space<vmem_shared>>
    %dma_wait3A_81 = arith.constant 0 : i32
    %dma_wait3A_82 = tpu.memref_slice %arg15[%add3A_78, %dma_wait3A_81] : memref<10112x128xf32, #tpu.memory_space<vmem_shared>> -> memref<128x128xf32, #tpu.memory_space<vmem_shared>>
    tpu.wait_dma2 semaphore(%arg19 : memref<!tpu.dma_semaphore, #tpu.memory_space<semaphore_mem>>) src(%arg12 : memref<128x128xf32, #tpu.memory_space<vmem>>) dst(%dma_wait3A_82 : memref<128x128xf32, #tpu.memory_space<vmem_shared>>)
    %mul3A_83 = arith.constant 632 : i32
    %mul3A_84 = arith.muli %arg1, %mul3A_83 : i32
    %add3A_85 = arith.constant 512 : i32
    %add3A_86 = arith.addi %mul3A_84, %add3A_85 : i32
    %dma_wait3A_87 = arith.constant 0 : i32
    %dma_wait3A_88 = arith.constant 0 : i32
    %dma_wait3A_89 = tpu.memref_slice %arg12[%dma_wait3A_87, %dma_wait3A_88] : memref<128x128xf32, #tpu.memory_space<vmem>> -> memref<120x128xf32, #tpu.memory_space<vmem>>
    %dma_wait3A_90 = arith.constant 0 : i32
    %dma_wait3A_91 = tpu.memref_slice %arg15[%add3A_86, %dma_wait3A_90] : memref<10112x128xf32, #tpu.memory_space<vmem_shared>> -> memref<120x128xf32, #tpu.memory_space<vmem_shared>>
    %dma_wait3A_92 = arith.constant 0 : i32
    %dma_wait3A_93 = tpu.memref_slice %arg15[%add3A_86, %dma_wait3A_92] : memref<10112x128xf32, #tpu.memory_space<vmem_shared>> -> memref<120x128xf32, #tpu.memory_space<vmem_shared>>
    %dma_wait3A_94 = arith.constant 0 : i32
    %dma_wait3A_95 = arith.constant 0 : i32
    %dma_wait3A_96 = tpu.memref_slice %arg12[%dma_wait3A_94, %dma_wait3A_95] : memref<128x128xf32, #tpu.memory_space<vmem>> -> memref<120x128xf32, #tpu.memory_space<vmem>>
    tpu.wait_dma2 semaphore(%arg20 : memref<!tpu.dma_semaphore, #tpu.memory_space<semaphore_mem>>) src(%dma_wait3A_96 : memref<120x128xf32, #tpu.memory_space<vmem>>) dst(%dma_wait3A_93 : memref<120x128xf32, #tpu.memory_space<vmem_shared>>)
    %barrier3A = arith.constant 0 : index
    tpu.barrier barrier_id(%barrier3A)
    %mul3A_97 = arith.constant 10112 : i32
    %mul3A_98 = arith.muli %add3A, %mul3A_97 : i32
    "tpu.region"() ({
      %run_scoped3A = tpu.sem_alloc : memref<!tpu.dma_semaphore, #tpu.memory_space<semaphore_mem>>
      %dma_start3A_218 = tpu.memref_slice %arg3[%mul3A_98] : memref<323584xi32, #tpu.memory_space<hbm>> -> memref<128xi32, #tpu.memory_space<hbm>>
      %dma_start3A_219 = tpu.memref_slice %arg3[%mul3A_98] : memref<323584xi32, #tpu.memory_space<hbm>> -> memref<128xi32, #tpu.memory_space<hbm>>
      tpu.enqueue_dma source(%dma_start3A_219 : memref<128xi32, #tpu.memory_space<hbm>>) target(%arg6 : memref<128xi32, #tpu.memory_space<vmem>>) target_semaphore(%run_scoped3A : memref<!tpu.dma_semaphore, #tpu.memory_space<semaphore_mem>>)
      %dma_wait3A_220 = tpu.memref_slice %arg3[%mul3A_98] : memref<323584xi32, #tpu.memory_space<hbm>> -> memref<128xi32, #tpu.memory_space<hbm>>
      %dma_wait3A_221 = tpu.memref_slice %arg3[%mul3A_98] : memref<323584xi32, #tpu.memory_space<hbm>> -> memref<128xi32, #tpu.memory_space<hbm>>
      tpu.wait_dma2 semaphore(%run_scoped3A : memref<!tpu.dma_semaphore, #tpu.memory_space<semaphore_mem>>) src(%dma_wait3A_221 : memref<128xi32, #tpu.memory_space<hbm>>) dst(%arg6 : memref<128xi32, #tpu.memory_space<vmem>>)
      tpu.yield
    }) : () -> ()
    %add3A_99 = arith.constant 128 : i32
    %add3A_100 = arith.addi %mul3A_98, %add3A_99 : i32
    "tpu.region"() ({
      %run_scoped3A = tpu.sem_alloc : memref<!tpu.dma_semaphore, #tpu.memory_space<semaphore_mem>>
      %dma_start3A_218 = tpu.memref_slice %arg3[%add3A_100] : memref<323584xi32, #tpu.memory_space<hbm>> -> memref<128xi32, #tpu.memory_space<hbm>>
      %dma_start3A_219 = tpu.memref_slice %arg3[%add3A_100] : memref<323584xi32, #tpu.memory_space<hbm>> -> memref<128xi32, #tpu.memory_space<hbm>>
      tpu.enqueue_dma source(%dma_start3A_219 : memref<128xi32, #tpu.memory_space<hbm>>) target(%arg7 : memref<128xi32, #tpu.memory_space<vmem>>) target_semaphore(%run_scoped3A : memref<!tpu.dma_semaphore, #tpu.memory_space<semaphore_mem>>)
      %dma_wait3A_220 = tpu.memref_slice %arg3[%add3A_100] : memref<323584xi32, #tpu.memory_space<hbm>> -> memref<128xi32, #tpu.memory_space<hbm>>
      %dma_wait3A_221 = tpu.memref_slice %arg3[%add3A_100] : memref<323584xi32, #tpu.memory_space<hbm>> -> memref<128xi32, #tpu.memory_space<hbm>>
      tpu.wait_dma2 semaphore(%run_scoped3A : memref<!tpu.dma_semaphore, #tpu.memory_space<semaphore_mem>>) src(%dma_wait3A_221 : memref<128xi32, #tpu.memory_space<hbm>>) dst(%arg7 : memref<128xi32, #tpu.memory_space<vmem>>)
      tpu.yield
    }) : () -> ()
    "tpu.region"() ({
      %run_scoped3A = tpu.sem_alloc : memref<!tpu.dma_semaphore, #tpu.memory_space<semaphore_mem>>
      %dma_start3A_218 = tpu.memref_slice %arg4[%mul3A_98] : memref<323584xi32, #tpu.memory_space<hbm>> -> memref<128xi32, #tpu.memory_space<hbm>>
      %dma_start3A_219 = tpu.memref_slice %arg4[%mul3A_98] : memref<323584xi32, #tpu.memory_space<hbm>> -> memref<128xi32, #tpu.memory_space<hbm>>
      tpu.enqueue_dma source(%dma_start3A_219 : memref<128xi32, #tpu.memory_space<hbm>>) target(%arg9 : memref<128xi32, #tpu.memory_space<vmem>>) target_semaphore(%run_scoped3A : memref<!tpu.dma_semaphore, #tpu.memory_space<semaphore_mem>>)
      %dma_wait3A_220 = tpu.memref_slice %arg4[%mul3A_98] : memref<323584xi32, #tpu.memory_space<hbm>> -> memref<128xi32, #tpu.memory_space<hbm>>
      %dma_wait3A_221 = tpu.memref_slice %arg4[%mul3A_98] : memref<323584xi32, #tpu.memory_space<hbm>> -> memref<128xi32, #tpu.memory_space<hbm>>
      tpu.wait_dma2 semaphore(%run_scoped3A : memref<!tpu.dma_semaphore, #tpu.memory_space<semaphore_mem>>) src(%dma_wait3A_221 : memref<128xi32, #tpu.memory_space<hbm>>) dst(%arg9 : memref<128xi32, #tpu.memory_space<vmem>>)
      tpu.yield
    }) : () -> ()
    %add3A_101 = arith.constant 128 : i32
    %add3A_102 = arith.addi %mul3A_98, %add3A_101 : i32
    "tpu.region"() ({
      %run_scoped3A = tpu.sem_alloc : memref<!tpu.dma_semaphore, #tpu.memory_space<semaphore_mem>>
      %dma_start3A_218 = tpu.memref_slice %arg4[%add3A_102] : memref<323584xi32, #tpu.memory_space<hbm>> -> memref<128xi32, #tpu.memory_space<hbm>>
      %dma_start3A_219 = tpu.memref_slice %arg4[%add3A_102] : memref<323584xi32, #tpu.memory_space<hbm>> -> memref<128xi32, #tpu.memory_space<hbm>>
      tpu.enqueue_dma source(%dma_start3A_219 : memref<128xi32, #tpu.memory_space<hbm>>) target(%arg10 : memref<128xi32, #tpu.memory_space<vmem>>) target_semaphore(%run_scoped3A : memref<!tpu.dma_semaphore, #tpu.memory_space<semaphore_mem>>)
      %dma_wait3A_220 = tpu.memref_slice %arg4[%add3A_102] : memref<323584xi32, #tpu.memory_space<hbm>> -> memref<128xi32, #tpu.memory_space<hbm>>
      %dma_wait3A_221 = tpu.memref_slice %arg4[%add3A_102] : memref<323584xi32, #tpu.memory_space<hbm>> -> memref<128xi32, #tpu.memory_space<hbm>>
      tpu.wait_dma2 semaphore(%run_scoped3A : memref<!tpu.dma_semaphore, #tpu.memory_space<semaphore_mem>>) src(%dma_wait3A_221 : memref<128xi32, #tpu.memory_space<hbm>>) dst(%arg10 : memref<128xi32, #tpu.memory_space<vmem>>)
      tpu.yield
    }) : () -> ()
    %dma_start3A_103 = arith.constant 0 : i32
    %dma_start3A_104 = arith.constant 0 : i32
    %dma_start3A_105 = tpu.memref_slice %arg2[%dma_start3A_103, %dma_start3A_104] : memref<10000x128xf32, #tpu.memory_space<hbm>> -> memref<10000x128xf32, #tpu.memory_space<hbm>>
    tpu.enqueue_indirect_dma source(%dma_start3A_105 : memref<10000x128xf32, #tpu.memory_space<hbm>>) target(%arg12 : memref<128x128xf32, #tpu.memory_space<vmem>>) offsets(%arg6 : memref<128xi32, #tpu.memory_space<vmem>>) semaphore(%arg16 : memref<!tpu.dma_semaphore, #tpu.memory_space<semaphore_mem>>)
    %dma_start3A_106 = arith.constant 0 : i32
    %dma_start3A_107 = arith.constant 0 : i32
    %dma_start3A_108 = tpu.memref_slice %arg2[%dma_start3A_106, %dma_start3A_107] : memref<10000x128xf32, #tpu.memory_space<hbm>> -> memref<10000x128xf32, #tpu.memory_space<hbm>>
    tpu.enqueue_indirect_dma source(%dma_start3A_108 : memref<10000x128xf32, #tpu.memory_space<hbm>>) target(%arg13 : memref<128x128xf32, #tpu.memory_space<vmem>>) offsets(%arg7 : memref<128xi32, #tpu.memory_space<vmem>>) semaphore(%arg17 : memref<!tpu.dma_semaphore, #tpu.memory_space<semaphore_mem>>)
    %add3A_109 = arith.constant 256 : i32
    %add3A_110 = arith.addi %mul3A_98, %add3A_109 : i32
    %dma_start3A_111 = tpu.memref_slice %arg3[%add3A_110] : memref<323584xi32, #tpu.memory_space<hbm>> -> memref<128xi32, #tpu.memory_space<hbm>>
    %dma_start3A_112 = tpu.memref_slice %arg3[%add3A_110] : memref<323584xi32, #tpu.memory_space<hbm>> -> memref<128xi32, #tpu.memory_space<hbm>>
    tpu.enqueue_dma source(%dma_start3A_112 : memref<128xi32, #tpu.memory_space<hbm>>) target(%arg8 : memref<128xi32, #tpu.memory_space<vmem>>) target_semaphore(%arg24 : memref<!tpu.dma_semaphore, #tpu.memory_space<semaphore_mem>>)
    %add3A_113 = arith.constant 256 : i32
    %add3A_114 = arith.addi %mul3A_98, %add3A_113 : i32
    %dma_start3A_115 = tpu.memref_slice %arg4[%add3A_114] : memref<323584xi32, #tpu.memory_space<hbm>> -> memref<128xi32, #tpu.memory_space<hbm>>
    %dma_start3A_116 = tpu.memref_slice %arg4[%add3A_114] : memref<323584xi32, #tpu.memory_space<hbm>> -> memref<128xi32, #tpu.memory_space<hbm>>
    tpu.enqueue_dma source(%dma_start3A_116 : memref<128xi32, #tpu.memory_space<hbm>>) target(%arg11 : memref<128xi32, #tpu.memory_space<vmem>>) target_semaphore(%arg27 : memref<!tpu.dma_semaphore, #tpu.memory_space<semaphore_mem>>)
    %dma_wait3A_117 = arith.constant 0 : i32
    %dma_wait3A_118 = arith.constant 0 : i32
    %dma_wait3A_119 = tpu.memref_slice %arg2[%dma_wait3A_117, %dma_wait3A_118] : memref<10000x128xf32, #tpu.memory_space<hbm>> -> memref<128x128xf32, #tpu.memory_space<hbm>>
    %dma_wait3A_120 = arith.constant 0 : i32
    %dma_wait3A_121 = arith.constant 0 : i32
    %dma_wait3A_122 = tpu.memref_slice %arg2[%dma_wait3A_120, %dma_wait3A_121] : memref<10000x128xf32, #tpu.memory_space<hbm>> -> memref<128x128xf32, #tpu.memory_space<hbm>>
    tpu.wait_dma2 semaphore(%arg16 : memref<!tpu.dma_semaphore, #tpu.memory_space<semaphore_mem>>) src(%dma_wait3A_122 : memref<128x128xf32, #tpu.memory_space<hbm>>) dst(%arg12 : memref<128x128xf32, #tpu.memory_space<vmem>>)
    %dma_start3A_123 = arith.constant 0 : i32
    %dma_start3A_124 = arith.constant 0 : i32
    %dma_start3A_125 = tpu.memref_slice %arg15[%dma_start3A_123, %dma_start3A_124] : memref<10112x128xf32, #tpu.memory_space<vmem_shared>> -> memref<10112x128xf32, #tpu.memory_space<vmem_shared>>
    tpu.enqueue_indirect_dma source(%arg12 : memref<128x128xf32, #tpu.memory_space<vmem>>) target(%dma_start3A_125 : memref<10112x128xf32, #tpu.memory_space<vmem_shared>>) offsets(%arg9 : memref<128xi32, #tpu.memory_space<vmem>>) semaphore(%arg19 : memref<!tpu.dma_semaphore, #tpu.memory_space<semaphore_mem>>) {add = true}
    %dma_wait3A_126 = arith.constant 0 : i32
    %dma_wait3A_127 = arith.constant 0 : i32
    %dma_wait3A_128 = tpu.memref_slice %arg2[%dma_wait3A_126, %dma_wait3A_127] : memref<10000x128xf32, #tpu.memory_space<hbm>> -> memref<128x128xf32, #tpu.memory_space<hbm>>
    %dma_wait3A_129 = arith.constant 0 : i32
    %dma_wait3A_130 = arith.constant 0 : i32
    %dma_wait3A_131 = tpu.memref_slice %arg2[%dma_wait3A_129, %dma_wait3A_130] : memref<10000x128xf32, #tpu.memory_space<hbm>> -> memref<128x128xf32, #tpu.memory_space<hbm>>
    tpu.wait_dma2 semaphore(%arg17 : memref<!tpu.dma_semaphore, #tpu.memory_space<semaphore_mem>>) src(%dma_wait3A_131 : memref<128x128xf32, #tpu.memory_space<hbm>>) dst(%arg13 : memref<128x128xf32, #tpu.memory_space<vmem>>)
    %dma_start3A_132 = arith.constant 0 : i32
    %dma_start3A_133 = arith.constant 0 : i32
    %dma_start3A_134 = tpu.memref_slice %arg15[%dma_start3A_132, %dma_start3A_133] : memref<10112x128xf32, #tpu.memory_space<vmem_shared>> -> memref<10112x128xf32, #tpu.memory_space<vmem_shared>>
    tpu.enqueue_indirect_dma source(%arg13 : memref<128x128xf32, #tpu.memory_space<vmem>>) target(%dma_start3A_134 : memref<10112x128xf32, #tpu.memory_space<vmem_shared>>) offsets(%arg10 : memref<128xi32, #tpu.memory_space<vmem>>) semaphore(%arg20 : memref<!tpu.dma_semaphore, #tpu.memory_space<semaphore_mem>>) {add = true}
    %dma_wait3A_135 = arith.constant 0 : i32
    %dma_wait3A_136 = tpu.memref_slice %arg3[%dma_wait3A_135] : memref<323584xi32, #tpu.memory_space<hbm>> -> memref<128xi32, #tpu.memory_space<hbm>>
    %dma_wait3A_137 = arith.constant 0 : i32
    %dma_wait3A_138 = tpu.memref_slice %arg3[%dma_wait3A_137] : memref<323584xi32, #tpu.memory_space<hbm>> -> memref<128xi32, #tpu.memory_space<hbm>>
    tpu.wait_dma2 semaphore(%arg24 : memref<!tpu.dma_semaphore, #tpu.memory_space<semaphore_mem>>) src(%dma_wait3A_138 : memref<128xi32, #tpu.memory_space<hbm>>) dst(%arg8 : memref<128xi32, #tpu.memory_space<vmem>>)
    %dma_start3A_139 = arith.constant 0 : i32
    %dma_start3A_140 = arith.constant 0 : i32
    %dma_start3A_141 = tpu.memref_slice %arg2[%dma_start3A_139, %dma_start3A_140] : memref<10000x128xf32, #tpu.memory_space<hbm>> -> memref<10000x128xf32, #tpu.memory_space<hbm>>
    tpu.enqueue_indirect_dma source(%dma_start3A_141 : memref<10000x128xf32, #tpu.memory_space<hbm>>) target(%arg14 : memref<128x128xf32, #tpu.memory_space<vmem>>) offsets(%arg8 : memref<128xi32, #tpu.memory_space<vmem>>) semaphore(%arg18 : memref<!tpu.dma_semaphore, #tpu.memory_space<semaphore_mem>>)
    %add3A_142 = arith.constant 384 : i32
    %add3A_143 = arith.addi %mul3A_98, %add3A_142 : i32
    %dma_start3A_144 = tpu.memref_slice %arg3[%add3A_143] : memref<323584xi32, #tpu.memory_space<hbm>> -> memref<128xi32, #tpu.memory_space<hbm>>
    %dma_start3A_145 = tpu.memref_slice %arg3[%add3A_143] : memref<323584xi32, #tpu.memory_space<hbm>> -> memref<128xi32, #tpu.memory_space<hbm>>
    tpu.enqueue_dma source(%dma_start3A_145 : memref<128xi32, #tpu.memory_space<hbm>>) target(%arg6 : memref<128xi32, #tpu.memory_space<vmem>>) target_semaphore(%arg22 : memref<!tpu.dma_semaphore, #tpu.memory_space<semaphore_mem>>)
    %scan3A_146 = arith.constant 0 : i32
    %scan3A_147 = arith.constant 0 : i32
    %scan3A_148 = arith.constant 25 : i32
    %scan3A_149 = arith.addi %scan3A_147, %scan3A_148 : i32
    %scan3A_150 = arith.constant 1 : i32
    scf.for %scan3A_218 = %scan3A_147 to %scan3A_149 step %scan3A_150  : i32 {
      %mul3A_219 = arith.constant 3 : i32
      %mul3A_220 = arith.muli %scan3A_218, %mul3A_219 : i32
      %add3A_221 = arith.constant 2 : i32
      %add3A_222 = arith.addi %add3A_221, %mul3A_220 : i32
      %add3A_223 = arith.constant 0 : i32
      %add3A_224 = arith.addi %add3A_222, %add3A_223 : i32
      %dma_wait3A_225 = arith.constant 0 : i32
      %dma_wait3A_226 = arith.constant 0 : i32
      %dma_wait3A_227 = tpu.memref_slice %arg2[%dma_wait3A_225, %dma_wait3A_226] : memref<10000x128xf32, #tpu.memory_space<hbm>> -> memref<128x128xf32, #tpu.memory_space<hbm>>
      %dma_wait3A_228 = arith.constant 0 : i32
      %dma_wait3A_229 = arith.constant 0 : i32
      %dma_wait3A_230 = tpu.memref_slice %arg2[%dma_wait3A_228, %dma_wait3A_229] : memref<10000x128xf32, #tpu.memory_space<hbm>> -> memref<128x128xf32, #tpu.memory_space<hbm>>
      tpu.wait_dma2 semaphore(%arg18 : memref<!tpu.dma_semaphore, #tpu.memory_space<semaphore_mem>>) src(%dma_wait3A_230 : memref<128x128xf32, #tpu.memory_space<hbm>>) dst(%arg14 : memref<128x128xf32, #tpu.memory_space<vmem>>)
      %dma_wait3A_231 = arith.constant 0 : i32
      %dma_wait3A_232 = tpu.memref_slice %arg4[%dma_wait3A_231] : memref<323584xi32, #tpu.memory_space<hbm>> -> memref<128xi32, #tpu.memory_space<hbm>>
      %dma_wait3A_233 = arith.constant 0 : i32
      %dma_wait3A_234 = tpu.memref_slice %arg4[%dma_wait3A_233] : memref<323584xi32, #tpu.memory_space<hbm>> -> memref<128xi32, #tpu.memory_space<hbm>>
      tpu.wait_dma2 semaphore(%arg27 : memref<!tpu.dma_semaphore, #tpu.memory_space<semaphore_mem>>) src(%dma_wait3A_234 : memref<128xi32, #tpu.memory_space<hbm>>) dst(%arg11 : memref<128xi32, #tpu.memory_space<vmem>>)
      %dma_start3A_235 = arith.constant 0 : i32
      %dma_start3A_236 = arith.constant 0 : i32
      %dma_start3A_237 = tpu.memref_slice %arg15[%dma_start3A_235, %dma_start3A_236] : memref<10112x128xf32, #tpu.memory_space<vmem_shared>> -> memref<10112x128xf32, #tpu.memory_space<vmem_shared>>
      tpu.enqueue_indirect_dma source(%arg14 : memref<128x128xf32, #tpu.memory_space<vmem>>) target(%dma_start3A_237 : memref<10112x128xf32, #tpu.memory_space<vmem_shared>>) offsets(%arg11 : memref<128xi32, #tpu.memory_space<vmem>>) semaphore(%arg21 : memref<!tpu.dma_semaphore, #tpu.memory_space<semaphore_mem>>) {add = true}
      %dma_wait3A_238 = arith.constant 0 : i32
      %dma_wait3A_239 = arith.constant 0 : i32
      %dma_wait3A_240 = tpu.memref_slice %arg2[%dma_wait3A_238, %dma_wait3A_239] : memref<10000x128xf32, #tpu.memory_space<hbm>> -> memref<128x128xf32, #tpu.memory_space<hbm>>
      %dma_wait3A_241 = arith.constant 0 : i32
      %dma_wait3A_242 = arith.constant 0 : i32
      %dma_wait3A_243 = tpu.memref_slice %arg2[%dma_wait3A_241, %dma_wait3A_242] : memref<10000x128xf32, #tpu.memory_space<hbm>> -> memref<128x128xf32, #tpu.memory_space<hbm>>
      tpu.wait_dma2 semaphore(%arg19 : memref<!tpu.dma_semaphore, #tpu.memory_space<semaphore_mem>>) src(%dma_wait3A_243 : memref<128x128xf32, #tpu.memory_space<hbm>>) dst(%arg12 : memref<128x128xf32, #tpu.memory_space<vmem>>)
      %add3A_244 = arith.constant 1 : i32
      %add3A_245 = arith.addi %add3A_224, %add3A_244 : i32
      %mul3A_246 = arith.constant 128 : i32
      %mul3A_247 = arith.muli %add3A_245, %mul3A_246 : i32
      %add3A_248 = arith.addi %mul3A_98, %mul3A_247 : i32
      %dma_start3A_249 = tpu.memref_slice %arg4[%add3A_248] : memref<323584xi32, #tpu.memory_space<hbm>> -> memref<128xi32, #tpu.memory_space<hbm>>
      %dma_start3A_250 = tpu.memref_slice %arg4[%add3A_248] : memref<323584xi32, #tpu.memory_space<hbm>> -> memref<128xi32, #tpu.memory_space<hbm>>
      tpu.enqueue_dma source(%dma_start3A_250 : memref<128xi32, #tpu.memory_space<hbm>>) target(%arg9 : memref<128xi32, #tpu.memory_space<vmem>>) target_semaphore(%arg25 : memref<!tpu.dma_semaphore, #tpu.memory_space<semaphore_mem>>)
      %dma_wait3A_251 = arith.constant 0 : i32
      %dma_wait3A_252 = tpu.memref_slice %arg3[%dma_wait3A_251] : memref<323584xi32, #tpu.memory_space<hbm>> -> memref<128xi32, #tpu.memory_space<hbm>>
      %dma_wait3A_253 = arith.constant 0 : i32
      %dma_wait3A_254 = tpu.memref_slice %arg3[%dma_wait3A_253] : memref<323584xi32, #tpu.memory_space<hbm>> -> memref<128xi32, #tpu.memory_space<hbm>>
      tpu.wait_dma2 semaphore(%arg22 : memref<!tpu.dma_semaphore, #tpu.memory_space<semaphore_mem>>) src(%dma_wait3A_254 : memref<128xi32, #tpu.memory_space<hbm>>) dst(%arg6 : memref<128xi32, #tpu.memory_space<vmem>>)
      %add3A_255 = arith.constant 1 : i32
      %add3A_256 = arith.addi %add3A_224, %add3A_255 : i32
      %dma_start3A_257 = arith.constant 0 : i32
      %dma_start3A_258 = arith.constant 0 : i32
      %dma_start3A_259 = tpu.memref_slice %arg2[%dma_start3A_257, %dma_start3A_258] : memref<10000x128xf32, #tpu.memory_space<hbm>> -> memref<10000x128xf32, #tpu.memory_space<hbm>>
      tpu.enqueue_indirect_dma source(%dma_start3A_259 : memref<10000x128xf32, #tpu.memory_space<hbm>>) target(%arg12 : memref<128x128xf32, #tpu.memory_space<vmem>>) offsets(%arg6 : memref<128xi32, #tpu.memory_space<vmem>>) semaphore(%arg16 : memref<!tpu.dma_semaphore, #tpu.memory_space<semaphore_mem>>)
      %add3A_260 = arith.constant 2 : i32
      %add3A_261 = arith.addi %add3A_224, %add3A_260 : i32
      %mul3A_262 = arith.constant 128 : i32
      %mul3A_263 = arith.muli %add3A_261, %mul3A_262 : i32
      %add3A_264 = arith.addi %mul3A_98, %mul3A_263 : i32
      %dma_start3A_265 = tpu.memref_slice %arg3[%add3A_264] : memref<323584xi32, #tpu.memory_space<hbm>> -> memref<128xi32, #tpu.memory_space<hbm>>
      %dma_start3A_266 = tpu.memref_slice %arg3[%add3A_264] : memref<323584xi32, #tpu.memory_space<hbm>> -> memref<128xi32, #tpu.memory_space<hbm>>
      tpu.enqueue_dma source(%dma_start3A_266 : memref<128xi32, #tpu.memory_space<hbm>>) target(%arg7 : memref<128xi32, #tpu.memory_space<vmem>>) target_semaphore(%arg23 : memref<!tpu.dma_semaphore, #tpu.memory_space<semaphore_mem>>)
      %mul3A_267 = arith.constant 3 : i32
      %mul3A_268 = arith.muli %scan3A_218, %mul3A_267 : i32
      %add3A_269 = arith.constant 2 : i32
      %add3A_270 = arith.addi %add3A_269, %mul3A_268 : i32
      %add3A_271 = arith.constant 1 : i32
      %add3A_272 = arith.addi %add3A_270, %add3A_271 : i32
      %dma_wait3A_273 = arith.constant 0 : i32
      %dma_wait3A_274 = arith.constant 0 : i32
      %dma_wait3A_275 = tpu.memref_slice %arg2[%dma_wait3A_273, %dma_wait3A_274] : memref<10000x128xf32, #tpu.memory_space<hbm>> -> memref<128x128xf32, #tpu.memory_space<hbm>>
      %dma_wait3A_276 = arith.constant 0 : i32
      %dma_wait3A_277 = arith.constant 0 : i32
      %dma_wait3A_278 = tpu.memref_slice %arg2[%dma_wait3A_276, %dma_wait3A_277] : memref<10000x128xf32, #tpu.memory_space<hbm>> -> memref<128x128xf32, #tpu.memory_space<hbm>>
      tpu.wait_dma2 semaphore(%arg16 : memref<!tpu.dma_semaphore, #tpu.memory_space<semaphore_mem>>) src(%dma_wait3A_278 : memref<128x128xf32, #tpu.memory_space<hbm>>) dst(%arg12 : memref<128x128xf32, #tpu.memory_space<vmem>>)
      %dma_wait3A_279 = arith.constant 0 : i32
      %dma_wait3A_280 = tpu.memref_slice %arg4[%dma_wait3A_279] : memref<323584xi32, #tpu.memory_space<hbm>> -> memref<128xi32, #tpu.memory_space<hbm>>
      %dma_wait3A_281 = arith.constant 0 : i32
      %dma_wait3A_282 = tpu.memref_slice %arg4[%dma_wait3A_281] : memref<323584xi32, #tpu.memory_space<hbm>> -> memref<128xi32, #tpu.memory_space<hbm>>
      tpu.wait_dma2 semaphore(%arg25 : memref<!tpu.dma_semaphore, #tpu.memory_space<semaphore_mem>>) src(%dma_wait3A_282 : memref<128xi32, #tpu.memory_space<hbm>>) dst(%arg9 : memref<128xi32, #tpu.memory_space<vmem>>)
      %dma_start3A_283 = arith.constant 0 : i32
      %dma_start3A_284 = arith.constant 0 : i32
      %dma_start3A_285 = tpu.memref_slice %arg15[%dma_start3A_283, %dma_start3A_284] : memref<10112x128xf32, #tpu.memory_space<vmem_shared>> -> memref<10112x128xf32, #tpu.memory_space<vmem_shared>>
      tpu.enqueue_indirect_dma source(%arg12 : memref<128x128xf32, #tpu.memory_space<vmem>>) target(%dma_start3A_285 : memref<10112x128xf32, #tpu.memory_space<vmem_shared>>) offsets(%arg9 : memref<128xi32, #tpu.memory_space<vmem>>) semaphore(%arg19 : memref<!tpu.dma_semaphore, #tpu.memory_space<semaphore_mem>>) {add = true}
      %dma_wait3A_286 = arith.constant 0 : i32
      %dma_wait3A_287 = arith.constant 0 : i32
      %dma_wait3A_288 = tpu.memref_slice %arg2[%dma_wait3A_286, %dma_wait3A_287] : memref<10000x128xf32, #tpu.memory_space<hbm>> -> memref<128x128xf32, #tpu.memory_space<hbm>>
      %dma_wait3A_289 = arith.constant 0 : i32
      %dma_wait3A_290 = arith.constant 0 : i32
      %dma_wait3A_291 = tpu.memref_slice %arg2[%dma_wait3A_289, %dma_wait3A_290] : memref<10000x128xf32, #tpu.memory_space<hbm>> -> memref<128x128xf32, #tpu.memory_space<hbm>>
      tpu.wait_dma2 semaphore(%arg20 : memref<!tpu.dma_semaphore, #tpu.memory_space<semaphore_mem>>) src(%dma_wait3A_291 : memref<128x128xf32, #tpu.memory_space<hbm>>) dst(%arg13 : memref<128x128xf32, #tpu.memory_space<vmem>>)
      %add3A_292 = arith.constant 1 : i32
      %add3A_293 = arith.addi %add3A_272, %add3A_292 : i32
      %mul3A_294 = arith.constant 128 : i32
      %mul3A_295 = arith.muli %add3A_293, %mul3A_294 : i32
      %add3A_296 = arith.addi %mul3A_98, %mul3A_295 : i32
      %dma_start3A_297 = tpu.memref_slice %arg4[%add3A_296] : memref<323584xi32, #tpu.memory_space<hbm>> -> memref<128xi32, #tpu.memory_space<hbm>>
      %dma_start3A_298 = tpu.memref_slice %arg4[%add3A_296] : memref<323584xi32, #tpu.memory_space<hbm>> -> memref<128xi32, #tpu.memory_space<hbm>>
      tpu.enqueue_dma source(%dma_start3A_298 : memref<128xi32, #tpu.memory_space<hbm>>) target(%arg10 : memref<128xi32, #tpu.memory_space<vmem>>) target_semaphore(%arg26 : memref<!tpu.dma_semaphore, #tpu.memory_space<semaphore_mem>>)
      %dma_wait3A_299 = arith.constant 0 : i32
      %dma_wait3A_300 = tpu.memref_slice %arg3[%dma_wait3A_299] : memref<323584xi32, #tpu.memory_space<hbm>> -> memref<128xi32, #tpu.memory_space<hbm>>
      %dma_wait3A_301 = arith.constant 0 : i32
      %dma_wait3A_302 = tpu.memref_slice %arg3[%dma_wait3A_301] : memref<323584xi32, #tpu.memory_space<hbm>> -> memref<128xi32, #tpu.memory_space<hbm>>
      tpu.wait_dma2 semaphore(%arg23 : memref<!tpu.dma_semaphore, #tpu.memory_space<semaphore_mem>>) src(%dma_wait3A_302 : memref<128xi32, #tpu.memory_space<hbm>>) dst(%arg7 : memref<128xi32, #tpu.memory_space<vmem>>)
      %add3A_303 = arith.constant 1 : i32
      %add3A_304 = arith.addi %add3A_272, %add3A_303 : i32
      %dma_start3A_305 = arith.constant 0 : i32
      %dma_start3A_306 = arith.constant 0 : i32
      %dma_start3A_307 = tpu.memref_slice %arg2[%dma_start3A_305, %dma_start3A_306] : memref<10000x128xf32, #tpu.memory_space<hbm>> -> memref<10000x128xf32, #tpu.memory_space<hbm>>
      tpu.enqueue_indirect_dma source(%dma_start3A_307 : memref<10000x128xf32, #tpu.memory_space<hbm>>) target(%arg13 : memref<128x128xf32, #tpu.memory_space<vmem>>) offsets(%arg7 : memref<128xi32, #tpu.memory_space<vmem>>) semaphore(%arg17 : memref<!tpu.dma_semaphore, #tpu.memory_space<semaphore_mem>>)
      %add3A_308 = arith.constant 2 : i32
      %add3A_309 = arith.addi %add3A_272, %add3A_308 : i32
      %mul3A_310 = arith.constant 128 : i32
      %mul3A_311 = arith.muli %add3A_309, %mul3A_310 : i32
      %add3A_312 = arith.addi %mul3A_98, %mul3A_311 : i32
      %dma_start3A_313 = tpu.memref_slice %arg3[%add3A_312] : memref<323584xi32, #tpu.memory_space<hbm>> -> memref<128xi32, #tpu.memory_space<hbm>>
      %dma_start3A_314 = tpu.memref_slice %arg3[%add3A_312] : memref<323584xi32, #tpu.memory_space<hbm>> -> memref<128xi32, #tpu.memory_space<hbm>>
      tpu.enqueue_dma source(%dma_start3A_314 : memref<128xi32, #tpu.memory_space<hbm>>) target(%arg8 : memref<128xi32, #tpu.memory_space<vmem>>) target_semaphore(%arg24 : memref<!tpu.dma_semaphore, #tpu.memory_space<semaphore_mem>>)
      %mul3A_315 = arith.constant 3 : i32
      %mul3A_316 = arith.muli %scan3A_218, %mul3A_315 : i32
      %add3A_317 = arith.constant 2 : i32
      %add3A_318 = arith.addi %add3A_317, %mul3A_316 : i32
      %add3A_319 = arith.constant 2 : i32
      %add3A_320 = arith.addi %add3A_318, %add3A_319 : i32
      %dma_wait3A_321 = arith.constant 0 : i32
      %dma_wait3A_322 = arith.constant 0 : i32
      %dma_wait3A_323 = tpu.memref_slice %arg2[%dma_wait3A_321, %dma_wait3A_322] : memref<10000x128xf32, #tpu.memory_space<hbm>> -> memref<128x128xf32, #tpu.memory_space<hbm>>
      %dma_wait3A_324 = arith.constant 0 : i32
      %dma_wait3A_325 = arith.constant 0 : i32
      %dma_wait3A_326 = tpu.memref_slice %arg2[%dma_wait3A_324, %dma_wait3A_325] : memref<10000x128xf32, #tpu.memory_space<hbm>> -> memref<128x128xf32, #tpu.memory_space<hbm>>
      tpu.wait_dma2 semaphore(%arg17 : memref<!tpu.dma_semaphore, #tpu.memory_space<semaphore_mem>>) src(%dma_wait3A_326 : memref<128x128xf32, #tpu.memory_space<hbm>>) dst(%arg13 : memref<128x128xf32, #tpu.memory_space<vmem>>)
      %dma_wait3A_327 = arith.constant 0 : i32
      %dma_wait3A_328 = tpu.memref_slice %arg4[%dma_wait3A_327] : memref<323584xi32, #tpu.memory_space<hbm>> -> memref<128xi32, #tpu.memory_space<hbm>>
      %dma_wait3A_329 = arith.constant 0 : i32
      %dma_wait3A_330 = tpu.memref_slice %arg4[%dma_wait3A_329] : memref<323584xi32, #tpu.memory_space<hbm>> -> memref<128xi32, #tpu.memory_space<hbm>>
      tpu.wait_dma2 semaphore(%arg26 : memref<!tpu.dma_semaphore, #tpu.memory_space<semaphore_mem>>) src(%dma_wait3A_330 : memref<128xi32, #tpu.memory_space<hbm>>) dst(%arg10 : memref<128xi32, #tpu.memory_space<vmem>>)
      %dma_start3A_331 = arith.constant 0 : i32
      %dma_start3A_332 = arith.constant 0 : i32
      %dma_start3A_333 = tpu.memref_slice %arg15[%dma_start3A_331, %dma_start3A_332] : memref<10112x128xf32, #tpu.memory_space<vmem_shared>> -> memref<10112x128xf32, #tpu.memory_space<vmem_shared>>
      tpu.enqueue_indirect_dma source(%arg13 : memref<128x128xf32, #tpu.memory_space<vmem>>) target(%dma_start3A_333 : memref<10112x128xf32, #tpu.memory_space<vmem_shared>>) offsets(%arg10 : memref<128xi32, #tpu.memory_space<vmem>>) semaphore(%arg20 : memref<!tpu.dma_semaphore, #tpu.memory_space<semaphore_mem>>) {add = true}
      %dma_wait3A_334 = arith.constant 0 : i32
      %dma_wait3A_335 = arith.constant 0 : i32
      %dma_wait3A_336 = tpu.memref_slice %arg2[%dma_wait3A_334, %dma_wait3A_335] : memref<10000x128xf32, #tpu.memory_space<hbm>> -> memref<128x128xf32, #tpu.memory_space<hbm>>
      %dma_wait3A_337 = arith.constant 0 : i32
      %dma_wait3A_338 = arith.constant 0 : i32
      %dma_wait3A_339 = tpu.memref_slice %arg2[%dma_wait3A_337, %dma_wait3A_338] : memref<10000x128xf32, #tpu.memory_space<hbm>> -> memref<128x128xf32, #tpu.memory_space<hbm>>
      tpu.wait_dma2 semaphore(%arg21 : memref<!tpu.dma_semaphore, #tpu.memory_space<semaphore_mem>>) src(%dma_wait3A_339 : memref<128x128xf32, #tpu.memory_space<hbm>>) dst(%arg14 : memref<128x128xf32, #tpu.memory_space<vmem>>)
      %add3A_340 = arith.constant 1 : i32
      %add3A_341 = arith.addi %add3A_320, %add3A_340 : i32
      %mul3A_342 = arith.constant 128 : i32
      %mul3A_343 = arith.muli %add3A_341, %mul3A_342 : i32
      %add3A_344 = arith.addi %mul3A_98, %mul3A_343 : i32
      %dma_start3A_345 = tpu.memref_slice %arg4[%add3A_344] : memref<323584xi32, #tpu.memory_space<hbm>> -> memref<128xi32, #tpu.memory_space<hbm>>
      %dma_start3A_346 = tpu.memref_slice %arg4[%add3A_344] : memref<323584xi32, #tpu.memory_space<hbm>> -> memref<128xi32, #tpu.memory_space<hbm>>
      tpu.enqueue_dma source(%dma_start3A_346 : memref<128xi32, #tpu.memory_space<hbm>>) target(%arg11 : memref<128xi32, #tpu.memory_space<vmem>>) target_semaphore(%arg27 : memref<!tpu.dma_semaphore, #tpu.memory_space<semaphore_mem>>)
      %dma_wait3A_347 = arith.constant 0 : i32
      %dma_wait3A_348 = tpu.memref_slice %arg3[%dma_wait3A_347] : memref<323584xi32, #tpu.memory_space<hbm>> -> memref<128xi32, #tpu.memory_space<hbm>>
      %dma_wait3A_349 = arith.constant 0 : i32
      %dma_wait3A_350 = tpu.memref_slice %arg3[%dma_wait3A_349] : memref<323584xi32, #tpu.memory_space<hbm>> -> memref<128xi32, #tpu.memory_space<hbm>>
      tpu.wait_dma2 semaphore(%arg24 : memref<!tpu.dma_semaphore, #tpu.memory_space<semaphore_mem>>) src(%dma_wait3A_350 : memref<128xi32, #tpu.memory_space<hbm>>) dst(%arg8 : memref<128xi32, #tpu.memory_space<vmem>>)
      %add3A_351 = arith.constant 1 : i32
      %add3A_352 = arith.addi %add3A_320, %add3A_351 : i32
      %dma_start3A_353 = arith.constant 0 : i32
      %dma_start3A_354 = arith.constant 0 : i32
      %dma_start3A_355 = tpu.memref_slice %arg2[%dma_start3A_353, %dma_start3A_354] : memref<10000x128xf32, #tpu.memory_space<hbm>> -> memref<10000x128xf32, #tpu.memory_space<hbm>>
      tpu.enqueue_indirect_dma source(%dma_start3A_355 : memref<10000x128xf32, #tpu.memory_space<hbm>>) target(%arg14 : memref<128x128xf32, #tpu.memory_space<vmem>>) offsets(%arg8 : memref<128xi32, #tpu.memory_space<vmem>>) semaphore(%arg18 : memref<!tpu.dma_semaphore, #tpu.memory_space<semaphore_mem>>)
      %add3A_356 = arith.constant 2 : i32
      %add3A_357 = arith.addi %add3A_320, %add3A_356 : i32
      %mul3A_358 = arith.constant 128 : i32
      %mul3A_359 = arith.muli %add3A_357, %mul3A_358 : i32
      %add3A_360 = arith.addi %mul3A_98, %mul3A_359 : i32
      %dma_start3A_361 = tpu.memref_slice %arg3[%add3A_360] : memref<323584xi32, #tpu.memory_space<hbm>> -> memref<128xi32, #tpu.memory_space<hbm>>
      %dma_start3A_362 = tpu.memref_slice %arg3[%add3A_360] : memref<323584xi32, #tpu.memory_space<hbm>> -> memref<128xi32, #tpu.memory_space<hbm>>
      tpu.enqueue_dma source(%dma_start3A_362 : memref<128xi32, #tpu.memory_space<hbm>>) target(%arg6 : memref<128xi32, #tpu.memory_space<vmem>>) target_semaphore(%arg22 : memref<!tpu.dma_semaphore, #tpu.memory_space<semaphore_mem>>)
    }
    %scan3A_151 = arith.constant 25 : i32
    %dma_wait3A_152 = arith.constant 0 : i32
    %dma_wait3A_153 = arith.constant 0 : i32
    %dma_wait3A_154 = tpu.memref_slice %arg2[%dma_wait3A_152, %dma_wait3A_153] : memref<10000x128xf32, #tpu.memory_space<hbm>> -> memref<128x128xf32, #tpu.memory_space<hbm>>
    %dma_wait3A_155 = arith.constant 0 : i32
    %dma_wait3A_156 = arith.constant 0 : i32
    %dma_wait3A_157 = tpu.memref_slice %arg2[%dma_wait3A_155, %dma_wait3A_156] : memref<10000x128xf32, #tpu.memory_space<hbm>> -> memref<128x128xf32, #tpu.memory_space<hbm>>
    tpu.wait_dma2 semaphore(%arg18 : memref<!tpu.dma_semaphore, #tpu.memory_space<semaphore_mem>>) src(%dma_wait3A_157 : memref<128x128xf32, #tpu.memory_space<hbm>>) dst(%arg14 : memref<128x128xf32, #tpu.memory_space<vmem>>)
    %dma_wait3A_158 = arith.constant 0 : i32
    %dma_wait3A_159 = tpu.memref_slice %arg4[%dma_wait3A_158] : memref<323584xi32, #tpu.memory_space<hbm>> -> memref<128xi32, #tpu.memory_space<hbm>>
    %dma_wait3A_160 = arith.constant 0 : i32
    %dma_wait3A_161 = tpu.memref_slice %arg4[%dma_wait3A_160] : memref<323584xi32, #tpu.memory_space<hbm>> -> memref<128xi32, #tpu.memory_space<hbm>>
    tpu.wait_dma2 semaphore(%arg27 : memref<!tpu.dma_semaphore, #tpu.memory_space<semaphore_mem>>) src(%dma_wait3A_161 : memref<128xi32, #tpu.memory_space<hbm>>) dst(%arg11 : memref<128xi32, #tpu.memory_space<vmem>>)
    %dma_start3A_162 = arith.constant 0 : i32
    %dma_start3A_163 = arith.constant 0 : i32
    %dma_start3A_164 = tpu.memref_slice %arg15[%dma_start3A_162, %dma_start3A_163] : memref<10112x128xf32, #tpu.memory_space<vmem_shared>> -> memref<10112x128xf32, #tpu.memory_space<vmem_shared>>
    tpu.enqueue_indirect_dma source(%arg14 : memref<128x128xf32, #tpu.memory_space<vmem>>) target(%dma_start3A_164 : memref<10112x128xf32, #tpu.memory_space<vmem_shared>>) offsets(%arg11 : memref<128xi32, #tpu.memory_space<vmem>>) semaphore(%arg21 : memref<!tpu.dma_semaphore, #tpu.memory_space<semaphore_mem>>) {add = true}
    %dma_wait3A_165 = arith.constant 0 : i32
    %dma_wait3A_166 = arith.constant 0 : i32
    %dma_wait3A_167 = tpu.memref_slice %arg2[%dma_wait3A_165, %dma_wait3A_166] : memref<10000x128xf32, #tpu.memory_space<hbm>> -> memref<128x128xf32, #tpu.memory_space<hbm>>
    %dma_wait3A_168 = arith.constant 0 : i32
    %dma_wait3A_169 = arith.constant 0 : i32
    %dma_wait3A_170 = tpu.memref_slice %arg2[%dma_wait3A_168, %dma_wait3A_169] : memref<10000x128xf32, #tpu.memory_space<hbm>> -> memref<128x128xf32, #tpu.memory_space<hbm>>
    tpu.wait_dma2 semaphore(%arg19 : memref<!tpu.dma_semaphore, #tpu.memory_space<semaphore_mem>>) src(%dma_wait3A_170 : memref<128x128xf32, #tpu.memory_space<hbm>>) dst(%arg12 : memref<128x128xf32, #tpu.memory_space<vmem>>)
    %add3A_171 = arith.constant 9984 : i32
    %add3A_172 = arith.addi %mul3A_98, %add3A_171 : i32
    %dma_start3A_173 = tpu.memref_slice %arg4[%add3A_172] : memref<323584xi32, #tpu.memory_space<hbm>> -> memref<128xi32, #tpu.memory_space<hbm>>
    %dma_start3A_174 = tpu.memref_slice %arg4[%add3A_172] : memref<323584xi32, #tpu.memory_space<hbm>> -> memref<128xi32, #tpu.memory_space<hbm>>
    tpu.enqueue_dma source(%dma_start3A_174 : memref<128xi32, #tpu.memory_space<hbm>>) target(%arg9 : memref<128xi32, #tpu.memory_space<vmem>>) target_semaphore(%arg25 : memref<!tpu.dma_semaphore, #tpu.memory_space<semaphore_mem>>)
    %dma_wait3A_175 = arith.constant 0 : i32
    %dma_wait3A_176 = tpu.memref_slice %arg3[%dma_wait3A_175] : memref<323584xi32, #tpu.memory_space<hbm>> -> memref<128xi32, #tpu.memory_space<hbm>>
    %dma_wait3A_177 = arith.constant 0 : i32
    %dma_wait3A_178 = tpu.memref_slice %arg3[%dma_wait3A_177] : memref<323584xi32, #tpu.memory_space<hbm>> -> memref<128xi32, #tpu.memory_space<hbm>>
    tpu.wait_dma2 semaphore(%arg22 : memref<!tpu.dma_semaphore, #tpu.memory_space<semaphore_mem>>) src(%dma_wait3A_178 : memref<128xi32, #tpu.memory_space<hbm>>) dst(%arg6 : memref<128xi32, #tpu.memory_space<vmem>>)
    %dma_start3A_179 = arith.constant 0 : i32
    %dma_start3A_180 = arith.constant 0 : i32
    %dma_start3A_181 = tpu.memref_slice %arg2[%dma_start3A_179, %dma_start3A_180] : memref<10000x128xf32, #tpu.memory_space<hbm>> -> memref<10000x128xf32, #tpu.memory_space<hbm>>
    tpu.enqueue_indirect_dma source(%dma_start3A_181 : memref<10000x128xf32, #tpu.memory_space<hbm>>) target(%arg12 : memref<128x128xf32, #tpu.memory_space<vmem>>) offsets(%arg6 : memref<128xi32, #tpu.memory_space<vmem>>) semaphore(%arg16 : memref<!tpu.dma_semaphore, #tpu.memory_space<semaphore_mem>>)
    %dma_wait3A_182 = arith.constant 0 : i32
    %dma_wait3A_183 = arith.constant 0 : i32
    %dma_wait3A_184 = tpu.memref_slice %arg2[%dma_wait3A_182, %dma_wait3A_183] : memref<10000x128xf32, #tpu.memory_space<hbm>> -> memref<128x128xf32, #tpu.memory_space<hbm>>
    %dma_wait3A_185 = arith.constant 0 : i32
    %dma_wait3A_186 = arith.constant 0 : i32
    %dma_wait3A_187 = tpu.memref_slice %arg2[%dma_wait3A_185, %dma_wait3A_186] : memref<10000x128xf32, #tpu.memory_space<hbm>> -> memref<128x128xf32, #tpu.memory_space<hbm>>
    tpu.wait_dma2 semaphore(%arg16 : memref<!tpu.dma_semaphore, #tpu.memory_space<semaphore_mem>>) src(%dma_wait3A_187 : memref<128x128xf32, #tpu.memory_space<hbm>>) dst(%arg12 : memref<128x128xf32, #tpu.memory_space<vmem>>)
    %dma_wait3A_188 = arith.constant 0 : i32
    %dma_wait3A_189 = tpu.memref_slice %arg4[%dma_wait3A_188] : memref<323584xi32, #tpu.memory_space<hbm>> -> memref<128xi32, #tpu.memory_space<hbm>>
    %dma_wait3A_190 = arith.constant 0 : i32
    %dma_wait3A_191 = tpu.memref_slice %arg4[%dma_wait3A_190] : memref<323584xi32, #tpu.memory_space<hbm>> -> memref<128xi32, #tpu.memory_space<hbm>>
    tpu.wait_dma2 semaphore(%arg25 : memref<!tpu.dma_semaphore, #tpu.memory_space<semaphore_mem>>) src(%dma_wait3A_191 : memref<128xi32, #tpu.memory_space<hbm>>) dst(%arg9 : memref<128xi32, #tpu.memory_space<vmem>>)
    %dma_start3A_192 = arith.constant 0 : i32
    %dma_start3A_193 = arith.constant 0 : i32
    %dma_start3A_194 = tpu.memref_slice %arg15[%dma_start3A_192, %dma_start3A_193] : memref<10112x128xf32, #tpu.memory_space<vmem_shared>> -> memref<10112x128xf32, #tpu.memory_space<vmem_shared>>
    tpu.enqueue_indirect_dma source(%arg12 : memref<128x128xf32, #tpu.memory_space<vmem>>) target(%dma_start3A_194 : memref<10112x128xf32, #tpu.memory_space<vmem_shared>>) offsets(%arg9 : memref<128xi32, #tpu.memory_space<vmem>>) semaphore(%arg19 : memref<!tpu.dma_semaphore, #tpu.memory_space<semaphore_mem>>) {add = true}
    %dma_wait3A_195 = arith.constant 0 : i32
    %dma_wait3A_196 = arith.constant 0 : i32
    %dma_wait3A_197 = tpu.memref_slice %arg2[%dma_wait3A_195, %dma_wait3A_196] : memref<10000x128xf32, #tpu.memory_space<hbm>> -> memref<128x128xf32, #tpu.memory_space<hbm>>
    %dma_wait3A_198 = arith.constant 0 : i32
    %dma_wait3A_199 = arith.constant 0 : i32
    %dma_wait3A_200 = tpu.memref_slice %arg2[%dma_wait3A_198, %dma_wait3A_199] : memref<10000x128xf32, #tpu.memory_space<hbm>> -> memref<128x128xf32, #tpu.memory_space<hbm>>
    tpu.wait_dma2 semaphore(%arg20 : memref<!tpu.dma_semaphore, #tpu.memory_space<semaphore_mem>>) src(%dma_wait3A_200 : memref<128x128xf32, #tpu.memory_space<hbm>>) dst(%arg13 : memref<128x128xf32, #tpu.memory_space<vmem>>)
    %dma_wait3A_201 = arith.constant 0 : i32
    %dma_wait3A_202 = arith.constant 0 : i32
    %dma_wait3A_203 = tpu.memref_slice %arg2[%dma_wait3A_201, %dma_wait3A_202] : memref<10000x128xf32, #tpu.memory_space<hbm>> -> memref<128x128xf32, #tpu.memory_space<hbm>>
    %dma_wait3A_204 = arith.constant 0 : i32
    %dma_wait3A_205 = arith.constant 0 : i32
    %dma_wait3A_206 = tpu.memref_slice %arg2[%dma_wait3A_204, %dma_wait3A_205] : memref<10000x128xf32, #tpu.memory_space<hbm>> -> memref<128x128xf32, #tpu.memory_space<hbm>>
    tpu.wait_dma2 semaphore(%arg21 : memref<!tpu.dma_semaphore, #tpu.memory_space<semaphore_mem>>) src(%dma_wait3A_206 : memref<128x128xf32, #tpu.memory_space<hbm>>) dst(%arg14 : memref<128x128xf32, #tpu.memory_space<vmem>>)
    %dma_wait3A_207 = arith.constant 0 : i32
    %dma_wait3A_208 = arith.constant 0 : i32
    %dma_wait3A_209 = tpu.memref_slice %arg2[%dma_wait3A_207, %dma_wait3A_208] : memref<10000x128xf32, #tpu.memory_space<hbm>> -> memref<128x128xf32, #tpu.memory_space<hbm>>
    %dma_wait3A_210 = arith.constant 0 : i32
    %dma_wait3A_211 = arith.constant 0 : i32
    %dma_wait3A_212 = tpu.memref_slice %arg2[%dma_wait3A_210, %dma_wait3A_211] : memref<10000x128xf32, #tpu.memory_space<hbm>> -> memref<128x128xf32, #tpu.memory_space<hbm>>
    tpu.wait_dma2 semaphore(%arg19 : memref<!tpu.dma_semaphore, #tpu.memory_space<semaphore_mem>>) src(%dma_wait3A_212 : memref<128x128xf32, #tpu.memory_space<hbm>>) dst(%arg12 : memref<128x128xf32, #tpu.memory_space<vmem>>)
    %barrier3A_213 = arith.constant 0 : index
    tpu.barrier barrier_id(%barrier3A_213)
    %mul3A_214 = arith.constant 632 : i32
    %mul3A_215 = arith.muli %arg1, %mul3A_214 : i32
    %mul3A_216 = arith.constant 632 : i32
    %mul3A_217 = arith.muli %arg1, %mul3A_216 : i32
    "tpu.region"() ({
      %run_scoped3A = tpu.sem_alloc : memref<!tpu.dma_semaphore, #tpu.memory_space<semaphore_mem>>
      %dma_start3A_218 = arith.constant 0 : i32
      %dma_start3A_219 = tpu.memref_slice %arg5[%arg0, %mul3A_217, %dma_start3A_218] : memref<2x10112x128xf32, #tpu.memory_space<hbm>> -> memref<1x632x128xf32, #tpu.memory_space<hbm>>
      %dma_start3A_220 = tpu.memref_squeeze %dma_start3A_219 : memref<1x632x128xf32, #tpu.memory_space<hbm>> -> memref<632x128xf32, #tpu.memory_space<hbm>>
      %dma_start3A_221 = arith.constant 0 : i32
      %dma_start3A_222 = tpu.memref_slice %arg15[%mul3A_215, %dma_start3A_221] : memref<10112x128xf32, #tpu.memory_space<vmem_shared>> -> memref<632x128xf32, #tpu.memory_space<vmem_shared>>
      tpu.enqueue_dma source(%dma_start3A_222 : memref<632x128xf32, #tpu.memory_space<vmem_shared>>) target(%dma_start3A_220 : memref<632x128xf32, #tpu.memory_space<hbm>>) target_semaphore(%run_scoped3A : memref<!tpu.dma_semaphore, #tpu.memory_space<semaphore_mem>>)
      %dma_wait3A_223 = arith.constant 0 : i32
      %dma_wait3A_224 = tpu.memref_slice %arg5[%arg0, %mul3A_217, %dma_wait3A_223] : memref<2x10112x128xf32, #tpu.memory_space<hbm>> -> memref<1x632x128xf32, #tpu.memory_space<hbm>>
      %dma_wait3A_225 = tpu.memref_squeeze %dma_wait3A_224 : memref<1x632x128xf32, #tpu.memory_space<hbm>> -> memref<632x128xf32, #tpu.memory_space<hbm>>
      %dma_wait3A_226 = arith.constant 0 : i32
      %dma_wait3A_227 = tpu.memref_slice %arg15[%mul3A_215, %dma_wait3A_226] : memref<10112x128xf32, #tpu.memory_space<vmem_shared>> -> memref<632x128xf32, #tpu.memory_space<vmem_shared>>
      tpu.wait_dma2 semaphore(%run_scoped3A : memref<!tpu.dma_semaphore, #tpu.memory_space<semaphore_mem>>) src(%dma_wait3A_227 : memref<632x128xf32, #tpu.memory_space<vmem_shared>>) dst(%dma_wait3A_225 : memref<632x128xf32, #tpu.memory_space<hbm>>)
      tpu.yield
    }) : () -> ()
    return
  }
}

#map = affine_map<(d0, d1) -> (0, 0)>
#map1 = affine_map<(d0, d1) -> (0)>
#map2 = affine_map<(d0, d1) -> (0, 0, 0)>
module attributes {stable_mosaic.version = 14 : i64} {
  func.func @_agg_body(%arg0: i32, %arg1: i32, %arg2: memref<10000x128xf32, #tpu.memory_space<hbm>>, %arg3: memref<323584xi32, #tpu.memory_space<hbm>>, %arg4: memref<323584xi32, #tpu.memory_space<hbm>>, %arg5: memref<2x10112x128xf32, #tpu.memory_space<hbm>>, %arg6: memref<128xi32, #tpu.memory_space<vmem>>, %arg7: memref<128xi32, #tpu.memory_space<vmem>>, %arg8: memref<128xi32, #tpu.memory_space<vmem>>, %arg9: memref<128xi32, #tpu.memory_space<vmem>>, %arg10: memref<128xi32, #tpu.memory_space<vmem>>, %arg11: memref<128xi32, #tpu.memory_space<vmem>>, %arg12: memref<128x128xf32, #tpu.memory_space<vmem>>, %arg13: memref<128x128xf32, #tpu.memory_space<vmem>>, %arg14: memref<128x128xf32, #tpu.memory_space<vmem>>, %arg15: memref<10112x128xf32, #tpu.memory_space<vmem_shared>>, %arg16: memref<!tpu.dma_semaphore, #tpu.memory_space<semaphore_mem>>, %arg17: memref<!tpu.dma_semaphore, #tpu.memory_space<semaphore_mem>>, %arg18: memref<!tpu.dma_semaphore, #tpu.memory_space<semaphore_mem>>, %arg19: memref<!tpu.dma_semaphore, #tpu.memory_space<semaphore_mem>>, %arg20: memref<!tpu.dma_semaphore, #tpu.memory_space<semaphore_mem>>, %arg21: memref<!tpu.dma_semaphore, #tpu.memory_space<semaphore_mem>>, %arg22: memref<!tpu.dma_semaphore, #tpu.memory_space<semaphore_mem>>, %arg23: memref<!tpu.dma_semaphore, #tpu.memory_space<semaphore_mem>>, %arg24: memref<!tpu.dma_semaphore, #tpu.memory_space<semaphore_mem>>, %arg25: memref<!tpu.dma_semaphore, #tpu.memory_space<semaphore_mem>>, %arg26: memref<!tpu.dma_semaphore, #tpu.memory_space<semaphore_mem>>, %arg27: memref<!tpu.dma_semaphore, #tpu.memory_space<semaphore_mem>>) attributes {dimension_semantics = [#tpu.dimension_semantics<core_parallel>, #tpu.dimension_semantics<subcore_parallel>], iteration_bounds = array<i64: 2, 16>, scalar_prefetch = 0 : i64, scratch_operands = 22 : i64, tpu.core_type = #tpu.core_type<sc_vector_subcore>, window_params = [{transform_indices = #map}, {transform_indices = #map1}, {transform_indices = #map1}, {transform_indices = #map2}]} {
    %mul3A = arith.constant 16 : i32
    %mul3A_0 = arith.muli %arg0, %mul3A : i32
    %add3A = arith.addi %mul3A_0, %arg1 : i32
    %broadcast_in_dim3A = arith.constant 0.000000e+00 : f32
    %broadcast_in_dim3A_1 = vector.broadcast %broadcast_in_dim3A : f32 to vector<16xf32>
    %scan3A = arith.constant 0 : i32
    %scan3A_2 = arith.constant 0 : i32
    %scan3A_3 = arith.constant 128 : i32
    %scan3A_4 = arith.addi %scan3A_2, %scan3A_3 : i32
    %scan3A_5 = arith.constant 1 : i32
    scf.for %scan3A_218 = %scan3A_2 to %scan3A_4 step %scan3A_5  : i32 {
      %swap3A = arith.index_cast %scan3A_218 : i32 to index
      %swap3A_219 = arith.constant 0 : index
      %swap3A_220 = tpu.vector_load %arg12[%swap3A, %swap3A_219] {strides = array<i32>} : memref<128x128xf32, #tpu.memory_space<vmem>>, vector<1x16xf32>,
      %swap3A_221 = vector.shape_cast %swap3A_220 : vector<1x16xf32> to vector<16xf32>
      %swap3A_222 = vector.shape_cast %broadcast_in_dim3A_1 : vector<16xf32> to vector<1x16xf32>
      tpu.vector_store %arg12[%swap3A, %swap3A_219], %swap3A_222 {strides = array<i32>} : memref<128x128xf32, #tpu.memory_space<vmem>>, vector<1x16xf32>,
      %swap3A_223 = arith.index_cast %scan3A_218 : i32 to index
      %swap3A_224 = arith.constant 16 : index
      %swap3A_225 = tpu.vector_load %arg12[%swap3A_223, %swap3A_224] {strides = array<i32>} : memref<128x128xf32, #tpu.memory_space<vmem>>, vector<1x16xf32>,
      %swap3A_226 = vector.shape_cast %swap3A_225 : vector<1x16xf32> to vector<16xf32>
      %swap3A_227 = vector.shape_cast %broadcast_in_dim3A_1 : vector<16xf32> to vector<1x16xf32>
      tpu.vector_store %arg12[%swap3A_223, %swap3A_224], %swap3A_227 {strides = array<i32>} : memref<128x128xf32, #tpu.memory_space<vmem>>, vector<1x16xf32>,
      %swap3A_228 = arith.index_cast %scan3A_218 : i32 to index
      %swap3A_229 = arith.constant 32 : index
      %swap3A_230 = tpu.vector_load %arg12[%swap3A_228, %swap3A_229] {strides = array<i32>} : memref<128x128xf32, #tpu.memory_space<vmem>>, vector<1x16xf32>,
      %swap3A_231 = vector.shape_cast %swap3A_230 : vector<1x16xf32> to vector<16xf32>
      %swap3A_232 = vector.shape_cast %broadcast_in_dim3A_1 : vector<16xf32> to vector<1x16xf32>
      tpu.vector_store %arg12[%swap3A_228, %swap3A_229], %swap3A_232 {strides = array<i32>} : memref<128x128xf32, #tpu.memory_space<vmem>>, vector<1x16xf32>,
      %swap3A_233 = arith.index_cast %scan3A_218 : i32 to index
      %swap3A_234 = arith.constant 48 : index
      %swap3A_235 = tpu.vector_load %arg12[%swap3A_233, %swap3A_234] {strides = array<i32>} : memref<128x128xf32, #tpu.memory_space<vmem>>, vector<1x16xf32>,
      %swap3A_236 = vector.shape_cast %swap3A_235 : vector<1x16xf32> to vector<16xf32>
      %swap3A_237 = vector.shape_cast %broadcast_in_dim3A_1 : vector<16xf32> to vector<1x16xf32>
      tpu.vector_store %arg12[%swap3A_233, %swap3A_234], %swap3A_237 {strides = array<i32>} : memref<128x128xf32, #tpu.memory_space<vmem>>, vector<1x16xf32>,
      %swap3A_238 = arith.index_cast %scan3A_218 : i32 to index
      %swap3A_239 = arith.constant 64 : index
      %swap3A_240 = tpu.vector_load %arg12[%swap3A_238, %swap3A_239] {strides = array<i32>} : memref<128x128xf32, #tpu.memory_space<vmem>>, vector<1x16xf32>,
      %swap3A_241 = vector.shape_cast %swap3A_240 : vector<1x16xf32> to vector<16xf32>
      %swap3A_242 = vector.shape_cast %broadcast_in_dim3A_1 : vector<16xf32> to vector<1x16xf32>
      tpu.vector_store %arg12[%swap3A_238, %swap3A_239], %swap3A_242 {strides = array<i32>} : memref<128x128xf32, #tpu.memory_space<vmem>>, vector<1x16xf32>,
      %swap3A_243 = arith.index_cast %scan3A_218 : i32 to index
      %swap3A_244 = arith.constant 80 : index
      %swap3A_245 = tpu.vector_load %arg12[%swap3A_243, %swap3A_244] {strides = array<i32>} : memref<128x128xf32, #tpu.memory_space<vmem>>, vector<1x16xf32>,
      %swap3A_246 = vector.shape_cast %swap3A_245 : vector<1x16xf32> to vector<16xf32>
      %swap3A_247 = vector.shape_cast %broadcast_in_dim3A_1 : vector<16xf32> to vector<1x16xf32>
      tpu.vector_store %arg12[%swap3A_243, %swap3A_244], %swap3A_247 {strides = array<i32>} : memref<128x128xf32, #tpu.memory_space<vmem>>, vector<1x16xf32>,
      %swap3A_248 = arith.index_cast %scan3A_218 : i32 to index
      %swap3A_249 = arith.constant 96 : index
      %swap3A_250 = tpu.vector_load %arg12[%swap3A_248, %swap3A_249] {strides = array<i32>} : memref<128x128xf32, #tpu.memory_space<vmem>>, vector<1x16xf32>,
      %swap3A_251 = vector.shape_cast %swap3A_250 : vector<1x16xf32> to vector<16xf32>
      %swap3A_252 = vector.shape_cast %broadcast_in_dim3A_1 : vector<16xf32> to vector<1x16xf32>
      tpu.vector_store %arg12[%swap3A_248, %swap3A_249], %swap3A_252 {strides = array<i32>} : memref<128x128xf32, #tpu.memory_space<vmem>>, vector<1x16xf32>,
      %swap3A_253 = arith.index_cast %scan3A_218 : i32 to index
      %swap3A_254 = arith.constant 112 : index
      %swap3A_255 = tpu.vector_load %arg12[%swap3A_253, %swap3A_254] {strides = array<i32>} : memref<128x128xf32, #tpu.memory_space<vmem>>, vector<1x16xf32>,
      %swap3A_256 = vector.shape_cast %swap3A_255 : vector<1x16xf32> to vector<16xf32>
      %swap3A_257 = vector.shape_cast %broadcast_in_dim3A_1 : vector<16xf32> to vector<1x16xf32>
      tpu.vector_store %arg12[%swap3A_253, %swap3A_254], %swap3A_257 {strides = array<i32>} : memref<128x128xf32, #tpu.memory_space<vmem>>, vector<1x16xf32>,
    }
    %scan3A_6 = arith.constant 128 : i32
    %mul3A_7 = arith.constant 632 : i32
    %mul3A_8 = arith.muli %arg1, %mul3A_7 : i32
    %add3A_9 = arith.constant 0 : i32
    %add3A_10 = arith.addi %mul3A_8, %add3A_9 : i32
    %dma_start3A = arith.constant 0 : i32
    %dma_start3A_11 = tpu.memref_slice %arg15[%add3A_10, %dma_start3A] : memref<10112x128xf32, #tpu.memory_space<vmem_shared>> -> memref<128x128xf32, #tpu.memory_space<vmem_shared>>
    %dma_start3A_12 = arith.constant 0 : i32
    %dma_start3A_13 = tpu.memref_slice %arg15[%add3A_10, %dma_start3A_12] : memref<10112x128xf32, #tpu.memory_space<vmem_shared>> -> memref<128x128xf32, #tpu.memory_space<vmem_shared>>
    tpu.enqueue_dma source(%arg12 : memref<128x128xf32, #tpu.memory_space<vmem>>) target(%dma_start3A_13 : memref<128x128xf32, #tpu.memory_space<vmem_shared>>) target_semaphore(%arg19 : memref<!tpu.dma_semaphore, #tpu.memory_space<semaphore_mem>>)
    %mul3A_14 = arith.constant 632 : i32
    %mul3A_15 = arith.muli %arg1, %mul3A_14 : i32
    %add3A_16 = arith.constant 128 : i32
    %add3A_17 = arith.addi %mul3A_15, %add3A_16 : i32
    %dma_start3A_18 = arith.constant 0 : i32
    %dma_start3A_19 = tpu.memref_slice %arg15[%add3A_17, %dma_start3A_18] : memref<10112x128xf32, #tpu.memory_space<vmem_shared>> -> memref<128x128xf32, #tpu.memory_space<vmem_shared>>
    %dma_start3A_20 = arith.constant 0 : i32
    %dma_start3A_21 = tpu.memref_slice %arg15[%add3A_17, %dma_start3A_20] : memref<10112x128xf32, #tpu.memory_space<vmem_shared>> -> memref<128x128xf32, #tpu.memory_space<vmem_shared>>
    tpu.enqueue_dma source(%arg12 : memref<128x128xf32, #tpu.memory_space<vmem>>) target(%dma_start3A_21 : memref<128x128xf32, #tpu.memory_space<vmem_shared>>) target_semaphore(%arg19 : memref<!tpu.dma_semaphore, #tpu.memory_space<semaphore_mem>>)
    %mul3A_22 = arith.constant 632 : i32
    %mul3A_23 = arith.muli %arg1, %mul3A_22 : i32
    %add3A_24 = arith.constant 256 : i32
    %add3A_25 = arith.addi %mul3A_23, %add3A_24 : i32
    %dma_start3A_26 = arith.constant 0 : i32
    %dma_start3A_27 = tpu.memref_slice %arg15[%add3A_25, %dma_start3A_26] : memref<10112x128xf32, #tpu.memory_space<vmem_shared>> -> memref<128x128xf32, #tpu.memory_space<vmem_shared>>
    %dma_start3A_28 = arith.constant 0 : i32
    %dma_start3A_29 = tpu.memref_slice %arg15[%add3A_25, %dma_start3A_28] : memref<10112x128xf32, #tpu.memory_space<vmem_shared>> -> memref<128x128xf32, #tpu.memory_space<vmem_shared>>
    tpu.enqueue_dma source(%arg12 : memref<128x128xf32, #tpu.memory_space<vmem>>) target(%dma_start3A_29 : memref<128x128xf32, #tpu.memory_space<vmem_shared>>) target_semaphore(%arg19 : memref<!tpu.dma_semaphore, #tpu.memory_space<semaphore_mem>>)
    %mul3A_30 = arith.constant 632 : i32
    %mul3A_31 = arith.muli %arg1, %mul3A_30 : i32
    %add3A_32 = arith.constant 384 : i32
    %add3A_33 = arith.addi %mul3A_31, %add3A_32 : i32
    %dma_start3A_34 = arith.constant 0 : i32
    %dma_start3A_35 = tpu.memref_slice %arg15[%add3A_33, %dma_start3A_34] : memref<10112x128xf32, #tpu.memory_space<vmem_shared>> -> memref<128x128xf32, #tpu.memory_space<vmem_shared>>
    %dma_start3A_36 = arith.constant 0 : i32
    %dma_start3A_37 = tpu.memref_slice %arg15[%add3A_33, %dma_start3A_36] : memref<10112x128xf32, #tpu.memory_space<vmem_shared>> -> memref<128x128xf32, #tpu.memory_space<vmem_shared>>
    tpu.enqueue_dma source(%arg12 : memref<128x128xf32, #tpu.memory_space<vmem>>) target(%dma_start3A_37 : memref<128x128xf32, #tpu.memory_space<vmem_shared>>) target_semaphore(%arg19 : memref<!tpu.dma_semaphore, #tpu.memory_space<semaphore_mem>>)
    %mul3A_38 = arith.constant 632 : i32
    %mul3A_39 = arith.muli %arg1, %mul3A_38 : i32
    %add3A_40 = arith.constant 512 : i32
    %add3A_41 = arith.addi %mul3A_39, %add3A_40 : i32
    %dma_start3A_42 = arith.constant 0 : i32
    %dma_start3A_43 = arith.constant 0 : i32
    %dma_start3A_44 = tpu.memref_slice %arg12[%dma_start3A_42, %dma_start3A_43] : memref<128x128xf32, #tpu.memory_space<vmem>> -> memref<120x128xf32, #tpu.memory_space<vmem>>
    %dma_start3A_45 = arith.constant 0 : i32
    %dma_start3A_46 = tpu.memref_slice %arg15[%add3A_41, %dma_start3A_45] : memref<10112x128xf32, #tpu.memory_space<vmem_shared>> -> memref<120x128xf32, #tpu.memory_space<vmem_shared>>
    %dma_start3A_47 = arith.constant 0 : i32
    %dma_start3A_48 = tpu.memref_slice %arg15[%add3A_41, %dma_start3A_47] : memref<10112x128xf32, #tpu.memory_space<vmem_shared>> -> memref<120x128xf32, #tpu.memory_space<vmem_shared>>
    %dma_start3A_49 = arith.constant 0 : i32
    %dma_start3A_50 = arith.constant 0 : i32
    %dma_start3A_51 = tpu.memref_slice %arg12[%dma_start3A_49, %dma_start3A_50] : memref<128x128xf32, #tpu.memory_space<vmem>> -> memref<120x128xf32, #tpu.memory_space<vmem>>
    tpu.enqueue_dma source(%dma_start3A_51 : memref<120x128xf32, #tpu.memory_space<vmem>>) target(%dma_start3A_48 : memref<120x128xf32, #tpu.memory_space<vmem_shared>>) target_semaphore(%arg20 : memref<!tpu.dma_semaphore, #tpu.memory_space<semaphore_mem>>)
    %mul3A_52 = arith.constant 632 : i32
    %mul3A_53 = arith.muli %arg1, %mul3A_52 : i32
    %add3A_54 = arith.constant 0 : i32
    %add3A_55 = arith.addi %mul3A_53, %add3A_54 : i32
    %dma_wait3A = arith.constant 0 : i32
    %dma_wait3A_56 = tpu.memref_slice %arg15[%add3A_55, %dma_wait3A] : memref<10112x128xf32, #tpu.memory_space<vmem_shared>> -> memref<128x128xf32, #tpu.memory_space<vmem_shared>>
    %dma_wait3A_57 = arith.constant 0 : i32
    %dma_wait3A_58 = tpu.memref_slice %arg15[%add3A_55, %dma_wait3A_57] : memref<10112x128xf32, #tpu.memory_space<vmem_shared>> -> memref<128x128xf32, #tpu.memory_space<vmem_shared>>
    tpu.wait_dma2 semaphore(%arg19 : memref<!tpu.dma_semaphore, #tpu.memory_space<semaphore_mem>>) src(%arg12 : memref<128x128xf32, #tpu.memory_space<vmem>>) dst(%dma_wait3A_58 : memref<128x128xf32, #tpu.memory_space<vmem_shared>>)
    %mul3A_59 = arith.constant 632 : i32
    %mul3A_60 = arith.muli %arg1, %mul3A_59 : i32
    %add3A_61 = arith.constant 128 : i32
    %add3A_62 = arith.addi %mul3A_60, %add3A_61 : i32
    %dma_wait3A_63 = arith.constant 0 : i32
    %dma_wait3A_64 = tpu.memref_slice %arg15[%add3A_62, %dma_wait3A_63] : memref<10112x128xf32, #tpu.memory_space<vmem_shared>> -> memref<128x128xf32, #tpu.memory_space<vmem_shared>>
    %dma_wait3A_65 = arith.constant 0 : i32
    %dma_wait3A_66 = tpu.memref_slice %arg15[%add3A_62, %dma_wait3A_65] : memref<10112x128xf32, #tpu.memory_space<vmem_shared>> -> memref<128x128xf32, #tpu.memory_space<vmem_shared>>
    tpu.wait_dma2 semaphore(%arg19 : memref<!tpu.dma_semaphore, #tpu.memory_space<semaphore_mem>>) src(%arg12 : memref<128x128xf32, #tpu.memory_space<vmem>>) dst(%dma_wait3A_66 : memref<128x128xf32, #tpu.memory_space<vmem_shared>>)
    %mul3A_67 = arith.constant 632 : i32
    %mul3A_68 = arith.muli %arg1, %mul3A_67 : i32
    %add3A_69 = arith.constant 256 : i32
    %add3A_70 = arith.addi %mul3A_68, %add3A_69 : i32
    %dma_wait3A_71 = arith.constant 0 : i32
    %dma_wait3A_72 = tpu.memref_slice %arg15[%add3A_70, %dma_wait3A_71] : memref<10112x128xf32, #tpu.memory_space<vmem_shared>> -> memref<128x128xf32, #tpu.memory_space<vmem_shared>>
    %dma_wait3A_73 = arith.constant 0 : i32
    %dma_wait3A_74 = tpu.memref_slice %arg15[%add3A_70, %dma_wait3A_73] : memref<10112x128xf32, #tpu.memory_space<vmem_shared>> -> memref<128x128xf32, #tpu.memory_space<vmem_shared>>
    tpu.wait_dma2 semaphore(%arg19 : memref<!tpu.dma_semaphore, #tpu.memory_space<semaphore_mem>>) src(%arg12 : memref<128x128xf32, #tpu.memory_space<vmem>>) dst(%dma_wait3A_74 : memref<128x128xf32, #tpu.memory_space<vmem_shared>>)
    %mul3A_75 = arith.constant 632 : i32
    %mul3A_76 = arith.muli %arg1, %mul3A_75 : i32
    %add3A_77 = arith.constant 384 : i32
    %add3A_78 = arith.addi %mul3A_76, %add3A_77 : i32
    %dma_wait3A_79 = arith.constant 0 : i32
    %dma_wait3A_80 = tpu.memref_slice %arg15[%add3A_78, %dma_wait3A_79] : memref<10112x128xf32, #tpu.memory_space<vmem_shared>> -> memref<128x128xf32, #tpu.memory_space<vmem_shared>>
    %dma_wait3A_81 = arith.constant 0 : i32
    %dma_wait3A_82 = tpu.memref_slice %arg15[%add3A_78, %dma_wait3A_81] : memref<10112x128xf32, #tpu.memory_space<vmem_shared>> -> memref<128x128xf32, #tpu.memory_space<vmem_shared>>
    tpu.wait_dma2 semaphore(%arg19 : memref<!tpu.dma_semaphore, #tpu.memory_space<semaphore_mem>>) src(%arg12 : memref<128x128xf32, #tpu.memory_space<vmem>>) dst(%dma_wait3A_82 : memref<128x128xf32, #tpu.memory_space<vmem_shared>>)
    %mul3A_83 = arith.constant 632 : i32
    %mul3A_84 = arith.muli %arg1, %mul3A_83 : i32
    %add3A_85 = arith.constant 512 : i32
    %add3A_86 = arith.addi %mul3A_84, %add3A_85 : i32
    %dma_wait3A_87 = arith.constant 0 : i32
    %dma_wait3A_88 = arith.constant 0 : i32
    %dma_wait3A_89 = tpu.memref_slice %arg12[%dma_wait3A_87, %dma_wait3A_88] : memref<128x128xf32, #tpu.memory_space<vmem>> -> memref<120x128xf32, #tpu.memory_space<vmem>>
    %dma_wait3A_90 = arith.constant 0 : i32
    %dma_wait3A_91 = tpu.memref_slice %arg15[%add3A_86, %dma_wait3A_90] : memref<10112x128xf32, #tpu.memory_space<vmem_shared>> -> memref<120x128xf32, #tpu.memory_space<vmem_shared>>
    %dma_wait3A_92 = arith.constant 0 : i32
    %dma_wait3A_93 = tpu.memref_slice %arg15[%add3A_86, %dma_wait3A_92] : memref<10112x128xf32, #tpu.memory_space<vmem_shared>> -> memref<120x128xf32, #tpu.memory_space<vmem_shared>>
    %dma_wait3A_94 = arith.constant 0 : i32
    %dma_wait3A_95 = arith.constant 0 : i32
    %dma_wait3A_96 = tpu.memref_slice %arg12[%dma_wait3A_94, %dma_wait3A_95] : memref<128x128xf32, #tpu.memory_space<vmem>> -> memref<120x128xf32, #tpu.memory_space<vmem>>
    tpu.wait_dma2 semaphore(%arg20 : memref<!tpu.dma_semaphore, #tpu.memory_space<semaphore_mem>>) src(%dma_wait3A_96 : memref<120x128xf32, #tpu.memory_space<vmem>>) dst(%dma_wait3A_93 : memref<120x128xf32, #tpu.memory_space<vmem_shared>>)
    %barrier3A = arith.constant 0 : index
    tpu.barrier barrier_id(%barrier3A)
    %mul3A_97 = arith.constant 10112 : i32
    %mul3A_98 = arith.muli %add3A, %mul3A_97 : i32
    "tpu.region"() ({
      %run_scoped3A = tpu.sem_alloc : memref<!tpu.dma_semaphore, #tpu.memory_space<semaphore_mem>>
      %dma_start3A_218 = tpu.memref_slice %arg3[%mul3A_98] : memref<323584xi32, #tpu.memory_space<hbm>> -> memref<128xi32, #tpu.memory_space<hbm>>
      %dma_start3A_219 = tpu.memref_slice %arg3[%mul3A_98] : memref<323584xi32, #tpu.memory_space<hbm>> -> memref<128xi32, #tpu.memory_space<hbm>>
      tpu.enqueue_dma source(%dma_start3A_219 : memref<128xi32, #tpu.memory_space<hbm>>) target(%arg6 : memref<128xi32, #tpu.memory_space<vmem>>) target_semaphore(%run_scoped3A : memref<!tpu.dma_semaphore, #tpu.memory_space<semaphore_mem>>)
      %dma_wait3A_220 = tpu.memref_slice %arg3[%mul3A_98] : memref<323584xi32, #tpu.memory_space<hbm>> -> memref<128xi32, #tpu.memory_space<hbm>>
      %dma_wait3A_221 = tpu.memref_slice %arg3[%mul3A_98] : memref<323584xi32, #tpu.memory_space<hbm>> -> memref<128xi32, #tpu.memory_space<hbm>>
      tpu.wait_dma2 semaphore(%run_scoped3A : memref<!tpu.dma_semaphore, #tpu.memory_space<semaphore_mem>>) src(%dma_wait3A_221 : memref<128xi32, #tpu.memory_space<hbm>>) dst(%arg6 : memref<128xi32, #tpu.memory_space<vmem>>)
      tpu.yield
    }) : () -> ()
    %add3A_99 = arith.constant 128 : i32
    %add3A_100 = arith.addi %mul3A_98, %add3A_99 : i32
    "tpu.region"() ({
      %run_scoped3A = tpu.sem_alloc : memref<!tpu.dma_semaphore, #tpu.memory_space<semaphore_mem>>
      %dma_start3A_218 = tpu.memref_slice %arg3[%add3A_100] : memref<323584xi32, #tpu.memory_space<hbm>> -> memref<128xi32, #tpu.memory_space<hbm>>
      %dma_start3A_219 = tpu.memref_slice %arg3[%add3A_100] : memref<323584xi32, #tpu.memory_space<hbm>> -> memref<128xi32, #tpu.memory_space<hbm>>
      tpu.enqueue_dma source(%dma_start3A_219 : memref<128xi32, #tpu.memory_space<hbm>>) target(%arg7 : memref<128xi32, #tpu.memory_space<vmem>>) target_semaphore(%run_scoped3A : memref<!tpu.dma_semaphore, #tpu.memory_space<semaphore_mem>>)
      %dma_wait3A_220 = tpu.memref_slice %arg3[%add3A_100] : memref<323584xi32, #tpu.memory_space<hbm>> -> memref<128xi32, #tpu.memory_space<hbm>>
      %dma_wait3A_221 = tpu.memref_slice %arg3[%add3A_100] : memref<323584xi32, #tpu.memory_space<hbm>> -> memref<128xi32, #tpu.memory_space<hbm>>
      tpu.wait_dma2 semaphore(%run_scoped3A : memref<!tpu.dma_semaphore, #tpu.memory_space<semaphore_mem>>) src(%dma_wait3A_221 : memref<128xi32, #tpu.memory_space<hbm>>) dst(%arg7 : memref<128xi32, #tpu.memory_space<vmem>>)
      tpu.yield
    }) : () -> ()
    "tpu.region"() ({
      %run_scoped3A = tpu.sem_alloc : memref<!tpu.dma_semaphore, #tpu.memory_space<semaphore_mem>>
      %dma_start3A_218 = tpu.memref_slice %arg4[%mul3A_98] : memref<323584xi32, #tpu.memory_space<hbm>> -> memref<128xi32, #tpu.memory_space<hbm>>
      %dma_start3A_219 = tpu.memref_slice %arg4[%mul3A_98] : memref<323584xi32, #tpu.memory_space<hbm>> -> memref<128xi32, #tpu.memory_space<hbm>>
      tpu.enqueue_dma source(%dma_start3A_219 : memref<128xi32, #tpu.memory_space<hbm>>) target(%arg9 : memref<128xi32, #tpu.memory_space<vmem>>) target_semaphore(%run_scoped3A : memref<!tpu.dma_semaphore, #tpu.memory_space<semaphore_mem>>)
      %dma_wait3A_220 = tpu.memref_slice %arg4[%mul3A_98] : memref<323584xi32, #tpu.memory_space<hbm>> -> memref<128xi32, #tpu.memory_space<hbm>>
      %dma_wait3A_221 = tpu.memref_slice %arg4[%mul3A_98] : memref<323584xi32, #tpu.memory_space<hbm>> -> memref<128xi32, #tpu.memory_space<hbm>>
      tpu.wait_dma2 semaphore(%run_scoped3A : memref<!tpu.dma_semaphore, #tpu.memory_space<semaphore_mem>>) src(%dma_wait3A_221 : memref<128xi32, #tpu.memory_space<hbm>>) dst(%arg9 : memref<128xi32, #tpu.memory_space<vmem>>)
      tpu.yield
    }) : () -> ()
    %add3A_101 = arith.constant 128 : i32
    %add3A_102 = arith.addi %mul3A_98, %add3A_101 : i32
    "tpu.region"() ({
      %run_scoped3A = tpu.sem_alloc : memref<!tpu.dma_semaphore, #tpu.memory_space<semaphore_mem>>
      %dma_start3A_218 = tpu.memref_slice %arg4[%add3A_102] : memref<323584xi32, #tpu.memory_space<hbm>> -> memref<128xi32, #tpu.memory_space<hbm>>
      %dma_start3A_219 = tpu.memref_slice %arg4[%add3A_102] : memref<323584xi32, #tpu.memory_space<hbm>> -> memref<128xi32, #tpu.memory_space<hbm>>
      tpu.enqueue_dma source(%dma_start3A_219 : memref<128xi32, #tpu.memory_space<hbm>>) target(%arg10 : memref<128xi32, #tpu.memory_space<vmem>>) target_semaphore(%run_scoped3A : memref<!tpu.dma_semaphore, #tpu.memory_space<semaphore_mem>>)
      %dma_wait3A_220 = tpu.memref_slice %arg4[%add3A_102] : memref<323584xi32, #tpu.memory_space<hbm>> -> memref<128xi32, #tpu.memory_space<hbm>>
      %dma_wait3A_221 = tpu.memref_slice %arg4[%add3A_102] : memref<323584xi32, #tpu.memory_space<hbm>> -> memref<128xi32, #tpu.memory_space<hbm>>
      tpu.wait_dma2 semaphore(%run_scoped3A : memref<!tpu.dma_semaphore, #tpu.memory_space<semaphore_mem>>) src(%dma_wait3A_221 : memref<128xi32, #tpu.memory_space<hbm>>) dst(%arg10 : memref<128xi32, #tpu.memory_space<vmem>>)
      tpu.yield
    }) : () -> ()
    %dma_start3A_103 = arith.constant 0 : i32
    %dma_start3A_104 = arith.constant 0 : i32
    %dma_start3A_105 = tpu.memref_slice %arg2[%dma_start3A_103, %dma_start3A_104] : memref<10000x128xf32, #tpu.memory_space<hbm>> -> memref<10000x128xf32, #tpu.memory_space<hbm>>
    tpu.enqueue_indirect_dma source(%dma_start3A_105 : memref<10000x128xf32, #tpu.memory_space<hbm>>) target(%arg12 : memref<128x128xf32, #tpu.memory_space<vmem>>) offsets(%arg6 : memref<128xi32, #tpu.memory_space<vmem>>) semaphore(%arg16 : memref<!tpu.dma_semaphore, #tpu.memory_space<semaphore_mem>>)
    %dma_start3A_106 = arith.constant 0 : i32
    %dma_start3A_107 = arith.constant 0 : i32
    %dma_start3A_108 = tpu.memref_slice %arg2[%dma_start3A_106, %dma_start3A_107] : memref<10000x128xf32, #tpu.memory_space<hbm>> -> memref<10000x128xf32, #tpu.memory_space<hbm>>
    tpu.enqueue_indirect_dma source(%dma_start3A_108 : memref<10000x128xf32, #tpu.memory_space<hbm>>) target(%arg13 : memref<128x128xf32, #tpu.memory_space<vmem>>) offsets(%arg7 : memref<128xi32, #tpu.memory_space<vmem>>) semaphore(%arg17 : memref<!tpu.dma_semaphore, #tpu.memory_space<semaphore_mem>>)
    %add3A_109 = arith.constant 256 : i32
    %add3A_110 = arith.addi %mul3A_98, %add3A_109 : i32
    %dma_start3A_111 = tpu.memref_slice %arg3[%add3A_110] : memref<323584xi32, #tpu.memory_space<hbm>> -> memref<128xi32, #tpu.memory_space<hbm>>
    %dma_start3A_112 = tpu.memref_slice %arg3[%add3A_110] : memref<323584xi32, #tpu.memory_space<hbm>> -> memref<128xi32, #tpu.memory_space<hbm>>
    tpu.enqueue_dma source(%dma_start3A_112 : memref<128xi32, #tpu.memory_space<hbm>>) target(%arg8 : memref<128xi32, #tpu.memory_space<vmem>>) target_semaphore(%arg24 : memref<!tpu.dma_semaphore, #tpu.memory_space<semaphore_mem>>)
    %add3A_113 = arith.constant 256 : i32
    %add3A_114 = arith.addi %mul3A_98, %add3A_113 : i32
    %dma_start3A_115 = tpu.memref_slice %arg4[%add3A_114] : memref<323584xi32, #tpu.memory_space<hbm>> -> memref<128xi32, #tpu.memory_space<hbm>>
    %dma_start3A_116 = tpu.memref_slice %arg4[%add3A_114] : memref<323584xi32, #tpu.memory_space<hbm>> -> memref<128xi32, #tpu.memory_space<hbm>>
    tpu.enqueue_dma source(%dma_start3A_116 : memref<128xi32, #tpu.memory_space<hbm>>) target(%arg11 : memref<128xi32, #tpu.memory_space<vmem>>) target_semaphore(%arg27 : memref<!tpu.dma_semaphore, #tpu.memory_space<semaphore_mem>>)
    %dma_wait3A_117 = arith.constant 0 : i32
    %dma_wait3A_118 = arith.constant 0 : i32
    %dma_wait3A_119 = tpu.memref_slice %arg2[%dma_wait3A_117, %dma_wait3A_118] : memref<10000x128xf32, #tpu.memory_space<hbm>> -> memref<128x128xf32, #tpu.memory_space<hbm>>
    %dma_wait3A_120 = arith.constant 0 : i32
    %dma_wait3A_121 = arith.constant 0 : i32
    %dma_wait3A_122 = tpu.memref_slice %arg2[%dma_wait3A_120, %dma_wait3A_121] : memref<10000x128xf32, #tpu.memory_space<hbm>> -> memref<128x128xf32, #tpu.memory_space<hbm>>
    tpu.wait_dma2 semaphore(%arg16 : memref<!tpu.dma_semaphore, #tpu.memory_space<semaphore_mem>>) src(%dma_wait3A_122 : memref<128x128xf32, #tpu.memory_space<hbm>>) dst(%arg12 : memref<128x128xf32, #tpu.memory_space<vmem>>)
    %dma_start3A_123 = arith.constant 0 : i32
    %dma_start3A_124 = arith.constant 0 : i32
    %dma_start3A_125 = tpu.memref_slice %arg15[%dma_start3A_123, %dma_start3A_124] : memref<10112x128xf32, #tpu.memory_space<vmem_shared>> -> memref<10112x128xf32, #tpu.memory_space<vmem_shared>>
    tpu.enqueue_indirect_dma source(%arg12 : memref<128x128xf32, #tpu.memory_space<vmem>>) target(%dma_start3A_125 : memref<10112x128xf32, #tpu.memory_space<vmem_shared>>) offsets(%arg9 : memref<128xi32, #tpu.memory_space<vmem>>) semaphore(%arg19 : memref<!tpu.dma_semaphore, #tpu.memory_space<semaphore_mem>>) {add = true}
    %dma_wait3A_126 = arith.constant 0 : i32
    %dma_wait3A_127 = arith.constant 0 : i32
    %dma_wait3A_128 = tpu.memref_slice %arg2[%dma_wait3A_126, %dma_wait3A_127] : memref<10000x128xf32, #tpu.memory_space<hbm>> -> memref<128x128xf32, #tpu.memory_space<hbm>>
    %dma_wait3A_129 = arith.constant 0 : i32
    %dma_wait3A_130 = arith.constant 0 : i32
    %dma_wait3A_131 = tpu.memref_slice %arg2[%dma_wait3A_129, %dma_wait3A_130] : memref<10000x128xf32, #tpu.memory_space<hbm>> -> memref<128x128xf32, #tpu.memory_space<hbm>>
    tpu.wait_dma2 semaphore(%arg17 : memref<!tpu.dma_semaphore, #tpu.memory_space<semaphore_mem>>) src(%dma_wait3A_131 : memref<128x128xf32, #tpu.memory_space<hbm>>) dst(%arg13 : memref<128x128xf32, #tpu.memory_space<vmem>>)
    %dma_start3A_132 = arith.constant 0 : i32
    %dma_start3A_133 = arith.constant 0 : i32
    %dma_start3A_134 = tpu.memref_slice %arg15[%dma_start3A_132, %dma_start3A_133] : memref<10112x128xf32, #tpu.memory_space<vmem_shared>> -> memref<10112x128xf32, #tpu.memory_space<vmem_shared>>
    tpu.enqueue_indirect_dma source(%arg13 : memref<128x128xf32, #tpu.memory_space<vmem>>) target(%dma_start3A_134 : memref<10112x128xf32, #tpu.memory_space<vmem_shared>>) offsets(%arg10 : memref<128xi32, #tpu.memory_space<vmem>>) semaphore(%arg20 : memref<!tpu.dma_semaphore, #tpu.memory_space<semaphore_mem>>) {add = true}
    %dma_wait3A_135 = arith.constant 0 : i32
    %dma_wait3A_136 = tpu.memref_slice %arg3[%dma_wait3A_135] : memref<323584xi32, #tpu.memory_space<hbm>> -> memref<128xi32, #tpu.memory_space<hbm>>
    %dma_wait3A_137 = arith.constant 0 : i32
    %dma_wait3A_138 = tpu.memref_slice %arg3[%dma_wait3A_137] : memref<323584xi32, #tpu.memory_space<hbm>> -> memref<128xi32, #tpu.memory_space<hbm>>
    tpu.wait_dma2 semaphore(%arg24 : memref<!tpu.dma_semaphore, #tpu.memory_space<semaphore_mem>>) src(%dma_wait3A_138 : memref<128xi32, #tpu.memory_space<hbm>>) dst(%arg8 : memref<128xi32, #tpu.memory_space<vmem>>)
    %dma_start3A_139 = arith.constant 0 : i32
    %dma_start3A_140 = arith.constant 0 : i32
    %dma_start3A_141 = tpu.memref_slice %arg2[%dma_start3A_139, %dma_start3A_140] : memref<10000x128xf32, #tpu.memory_space<hbm>> -> memref<10000x128xf32, #tpu.memory_space<hbm>>
    tpu.enqueue_indirect_dma source(%dma_start3A_141 : memref<10000x128xf32, #tpu.memory_space<hbm>>) target(%arg14 : memref<128x128xf32, #tpu.memory_space<vmem>>) offsets(%arg8 : memref<128xi32, #tpu.memory_space<vmem>>) semaphore(%arg18 : memref<!tpu.dma_semaphore, #tpu.memory_space<semaphore_mem>>)
    %add3A_142 = arith.constant 384 : i32
    %add3A_143 = arith.addi %mul3A_98, %add3A_142 : i32
    %dma_start3A_144 = tpu.memref_slice %arg3[%add3A_143] : memref<323584xi32, #tpu.memory_space<hbm>> -> memref<128xi32, #tpu.memory_space<hbm>>
    %dma_start3A_145 = tpu.memref_slice %arg3[%add3A_143] : memref<323584xi32, #tpu.memory_space<hbm>> -> memref<128xi32, #tpu.memory_space<hbm>>
    tpu.enqueue_dma source(%dma_start3A_145 : memref<128xi32, #tpu.memory_space<hbm>>) target(%arg6 : memref<128xi32, #tpu.memory_space<vmem>>) target_semaphore(%arg22 : memref<!tpu.dma_semaphore, #tpu.memory_space<semaphore_mem>>)
    %scan3A_146 = arith.constant 0 : i32
    %scan3A_147 = arith.constant 0 : i32
    %scan3A_148 = arith.constant 25 : i32
    %scan3A_149 = arith.addi %scan3A_147, %scan3A_148 : i32
    %scan3A_150 = arith.constant 1 : i32
    scf.for %scan3A_218 = %scan3A_147 to %scan3A_149 step %scan3A_150  : i32 {
      %mul3A_219 = arith.constant 3 : i32
      %mul3A_220 = arith.muli %scan3A_218, %mul3A_219 : i32
      %add3A_221 = arith.constant 2 : i32
      %add3A_222 = arith.addi %add3A_221, %mul3A_220 : i32
      %add3A_223 = arith.constant 0 : i32
      %add3A_224 = arith.addi %add3A_222, %add3A_223 : i32
      %dma_wait3A_225 = arith.constant 0 : i32
      %dma_wait3A_226 = arith.constant 0 : i32
      %dma_wait3A_227 = tpu.memref_slice %arg2[%dma_wait3A_225, %dma_wait3A_226] : memref<10000x128xf32, #tpu.memory_space<hbm>> -> memref<128x128xf32, #tpu.memory_space<hbm>>
      %dma_wait3A_228 = arith.constant 0 : i32
      %dma_wait3A_229 = arith.constant 0 : i32
      %dma_wait3A_230 = tpu.memref_slice %arg2[%dma_wait3A_228, %dma_wait3A_229] : memref<10000x128xf32, #tpu.memory_space<hbm>> -> memref<128x128xf32, #tpu.memory_space<hbm>>
      tpu.wait_dma2 semaphore(%arg18 : memref<!tpu.dma_semaphore, #tpu.memory_space<semaphore_mem>>) src(%dma_wait3A_230 : memref<128x128xf32, #tpu.memory_space<hbm>>) dst(%arg14 : memref<128x128xf32, #tpu.memory_space<vmem>>)
      %dma_wait3A_231 = arith.constant 0 : i32
      %dma_wait3A_232 = tpu.memref_slice %arg4[%dma_wait3A_231] : memref<323584xi32, #tpu.memory_space<hbm>> -> memref<128xi32, #tpu.memory_space<hbm>>
      %dma_wait3A_233 = arith.constant 0 : i32
      %dma_wait3A_234 = tpu.memref_slice %arg4[%dma_wait3A_233] : memref<323584xi32, #tpu.memory_space<hbm>> -> memref<128xi32, #tpu.memory_space<hbm>>
      tpu.wait_dma2 semaphore(%arg27 : memref<!tpu.dma_semaphore, #tpu.memory_space<semaphore_mem>>) src(%dma_wait3A_234 : memref<128xi32, #tpu.memory_space<hbm>>) dst(%arg11 : memref<128xi32, #tpu.memory_space<vmem>>)
      %dma_start3A_235 = arith.constant 0 : i32
      %dma_start3A_236 = arith.constant 0 : i32
      %dma_start3A_237 = tpu.memref_slice %arg15[%dma_start3A_235, %dma_start3A_236] : memref<10112x128xf32, #tpu.memory_space<vmem_shared>> -> memref<10112x128xf32, #tpu.memory_space<vmem_shared>>
      tpu.enqueue_indirect_dma source(%arg14 : memref<128x128xf32, #tpu.memory_space<vmem>>) target(%dma_start3A_237 : memref<10112x128xf32, #tpu.memory_space<vmem_shared>>) offsets(%arg11 : memref<128xi32, #tpu.memory_space<vmem>>) semaphore(%arg21 : memref<!tpu.dma_semaphore, #tpu.memory_space<semaphore_mem>>) {add = true}
      %dma_wait3A_238 = arith.constant 0 : i32
      %dma_wait3A_239 = arith.constant 0 : i32
      %dma_wait3A_240 = tpu.memref_slice %arg2[%dma_wait3A_238, %dma_wait3A_239] : memref<10000x128xf32, #tpu.memory_space<hbm>> -> memref<128x128xf32, #tpu.memory_space<hbm>>
      %dma_wait3A_241 = arith.constant 0 : i32
      %dma_wait3A_242 = arith.constant 0 : i32
      %dma_wait3A_243 = tpu.memref_slice %arg2[%dma_wait3A_241, %dma_wait3A_242] : memref<10000x128xf32, #tpu.memory_space<hbm>> -> memref<128x128xf32, #tpu.memory_space<hbm>>
      tpu.wait_dma2 semaphore(%arg19 : memref<!tpu.dma_semaphore, #tpu.memory_space<semaphore_mem>>) src(%dma_wait3A_243 : memref<128x128xf32, #tpu.memory_space<hbm>>) dst(%arg12 : memref<128x128xf32, #tpu.memory_space<vmem>>)
      %add3A_244 = arith.constant 1 : i32
      %add3A_245 = arith.addi %add3A_224, %add3A_244 : i32
      %mul3A_246 = arith.constant 128 : i32
      %mul3A_247 = arith.muli %add3A_245, %mul3A_246 : i32
      %add3A_248 = arith.addi %mul3A_98, %mul3A_247 : i32
      %dma_start3A_249 = tpu.memref_slice %arg4[%add3A_248] : memref<323584xi32, #tpu.memory_space<hbm>> -> memref<128xi32, #tpu.memory_space<hbm>>
      %dma_start3A_250 = tpu.memref_slice %arg4[%add3A_248] : memref<323584xi32, #tpu.memory_space<hbm>> -> memref<128xi32, #tpu.memory_space<hbm>>
      tpu.enqueue_dma source(%dma_start3A_250 : memref<128xi32, #tpu.memory_space<hbm>>) target(%arg9 : memref<128xi32, #tpu.memory_space<vmem>>) target_semaphore(%arg25 : memref<!tpu.dma_semaphore, #tpu.memory_space<semaphore_mem>>)
      %dma_wait3A_251 = arith.constant 0 : i32
      %dma_wait3A_252 = tpu.memref_slice %arg3[%dma_wait3A_251] : memref<323584xi32, #tpu.memory_space<hbm>> -> memref<128xi32, #tpu.memory_space<hbm>>
      %dma_wait3A_253 = arith.constant 0 : i32
      %dma_wait3A_254 = tpu.memref_slice %arg3[%dma_wait3A_253] : memref<323584xi32, #tpu.memory_space<hbm>> -> memref<128xi32, #tpu.memory_space<hbm>>
      tpu.wait_dma2 semaphore(%arg22 : memref<!tpu.dma_semaphore, #tpu.memory_space<semaphore_mem>>) src(%dma_wait3A_254 : memref<128xi32, #tpu.memory_space<hbm>>) dst(%arg6 : memref<128xi32, #tpu.memory_space<vmem>>)
      %add3A_255 = arith.constant 1 : i32
      %add3A_256 = arith.addi %add3A_224, %add3A_255 : i32
      %dma_start3A_257 = arith.constant 0 : i32
      %dma_start3A_258 = arith.constant 0 : i32
      %dma_start3A_259 = tpu.memref_slice %arg2[%dma_start3A_257, %dma_start3A_258] : memref<10000x128xf32, #tpu.memory_space<hbm>> -> memref<10000x128xf32, #tpu.memory_space<hbm>>
      tpu.enqueue_indirect_dma source(%dma_start3A_259 : memref<10000x128xf32, #tpu.memory_space<hbm>>) target(%arg12 : memref<128x128xf32, #tpu.memory_space<vmem>>) offsets(%arg6 : memref<128xi32, #tpu.memory_space<vmem>>) semaphore(%arg16 : memref<!tpu.dma_semaphore, #tpu.memory_space<semaphore_mem>>)
      %add3A_260 = arith.constant 2 : i32
      %add3A_261 = arith.addi %add3A_224, %add3A_260 : i32
      %mul3A_262 = arith.constant 128 : i32
      %mul3A_263 = arith.muli %add3A_261, %mul3A_262 : i32
      %add3A_264 = arith.addi %mul3A_98, %mul3A_263 : i32
      %dma_start3A_265 = tpu.memref_slice %arg3[%add3A_264] : memref<323584xi32, #tpu.memory_space<hbm>> -> memref<128xi32, #tpu.memory_space<hbm>>
      %dma_start3A_266 = tpu.memref_slice %arg3[%add3A_264] : memref<323584xi32, #tpu.memory_space<hbm>> -> memref<128xi32, #tpu.memory_space<hbm>>
      tpu.enqueue_dma source(%dma_start3A_266 : memref<128xi32, #tpu.memory_space<hbm>>) target(%arg7 : memref<128xi32, #tpu.memory_space<vmem>>) target_semaphore(%arg23 : memref<!tpu.dma_semaphore, #tpu.memory_space<semaphore_mem>>)
      %mul3A_267 = arith.constant 3 : i32
      %mul3A_268 = arith.muli %scan3A_218, %mul3A_267 : i32
      %add3A_269 = arith.constant 2 : i32
      %add3A_270 = arith.addi %add3A_269, %mul3A_268 : i32
      %add3A_271 = arith.constant 1 : i32
      %add3A_272 = arith.addi %add3A_270, %add3A_271 : i32
      %dma_wait3A_273 = arith.constant 0 : i32
      %dma_wait3A_274 = arith.constant 0 : i32
      %dma_wait3A_275 = tpu.memref_slice %arg2[%dma_wait3A_273, %dma_wait3A_274] : memref<10000x128xf32, #tpu.memory_space<hbm>> -> memref<128x128xf32, #tpu.memory_space<hbm>>
      %dma_wait3A_276 = arith.constant 0 : i32
      %dma_wait3A_277 = arith.constant 0 : i32
      %dma_wait3A_278 = tpu.memref_slice %arg2[%dma_wait3A_276, %dma_wait3A_277] : memref<10000x128xf32, #tpu.memory_space<hbm>> -> memref<128x128xf32, #tpu.memory_space<hbm>>
      tpu.wait_dma2 semaphore(%arg16 : memref<!tpu.dma_semaphore, #tpu.memory_space<semaphore_mem>>) src(%dma_wait3A_278 : memref<128x128xf32, #tpu.memory_space<hbm>>) dst(%arg12 : memref<128x128xf32, #tpu.memory_space<vmem>>)
      %dma_wait3A_279 = arith.constant 0 : i32
      %dma_wait3A_280 = tpu.memref_slice %arg4[%dma_wait3A_279] : memref<323584xi32, #tpu.memory_space<hbm>> -> memref<128xi32, #tpu.memory_space<hbm>>
      %dma_wait3A_281 = arith.constant 0 : i32
      %dma_wait3A_282 = tpu.memref_slice %arg4[%dma_wait3A_281] : memref<323584xi32, #tpu.memory_space<hbm>> -> memref<128xi32, #tpu.memory_space<hbm>>
      tpu.wait_dma2 semaphore(%arg25 : memref<!tpu.dma_semaphore, #tpu.memory_space<semaphore_mem>>) src(%dma_wait3A_282 : memref<128xi32, #tpu.memory_space<hbm>>) dst(%arg9 : memref<128xi32, #tpu.memory_space<vmem>>)
      %dma_start3A_283 = arith.constant 0 : i32
      %dma_start3A_284 = arith.constant 0 : i32
      %dma_start3A_285 = tpu.memref_slice %arg15[%dma_start3A_283, %dma_start3A_284] : memref<10112x128xf32, #tpu.memory_space<vmem_shared>> -> memref<10112x128xf32, #tpu.memory_space<vmem_shared>>
      tpu.enqueue_indirect_dma source(%arg12 : memref<128x128xf32, #tpu.memory_space<vmem>>) target(%dma_start3A_285 : memref<10112x128xf32, #tpu.memory_space<vmem_shared>>) offsets(%arg9 : memref<128xi32, #tpu.memory_space<vmem>>) semaphore(%arg19 : memref<!tpu.dma_semaphore, #tpu.memory_space<semaphore_mem>>) {add = true}
      %dma_wait3A_286 = arith.constant 0 : i32
      %dma_wait3A_287 = arith.constant 0 : i32
      %dma_wait3A_288 = tpu.memref_slice %arg2[%dma_wait3A_286, %dma_wait3A_287] : memref<10000x128xf32, #tpu.memory_space<hbm>> -> memref<128x128xf32, #tpu.memory_space<hbm>>
      %dma_wait3A_289 = arith.constant 0 : i32
      %dma_wait3A_290 = arith.constant 0 : i32
      %dma_wait3A_291 = tpu.memref_slice %arg2[%dma_wait3A_289, %dma_wait3A_290] : memref<10000x128xf32, #tpu.memory_space<hbm>> -> memref<128x128xf32, #tpu.memory_space<hbm>>
      tpu.wait_dma2 semaphore(%arg20 : memref<!tpu.dma_semaphore, #tpu.memory_space<semaphore_mem>>) src(%dma_wait3A_291 : memref<128x128xf32, #tpu.memory_space<hbm>>) dst(%arg13 : memref<128x128xf32, #tpu.memory_space<vmem>>)
      %add3A_292 = arith.constant 1 : i32
      %add3A_293 = arith.addi %add3A_272, %add3A_292 : i32
      %mul3A_294 = arith.constant 128 : i32
      %mul3A_295 = arith.muli %add3A_293, %mul3A_294 : i32
      %add3A_296 = arith.addi %mul3A_98, %mul3A_295 : i32
      %dma_start3A_297 = tpu.memref_slice %arg4[%add3A_296] : memref<323584xi32, #tpu.memory_space<hbm>> -> memref<128xi32, #tpu.memory_space<hbm>>
      %dma_start3A_298 = tpu.memref_slice %arg4[%add3A_296] : memref<323584xi32, #tpu.memory_space<hbm>> -> memref<128xi32, #tpu.memory_space<hbm>>
      tpu.enqueue_dma source(%dma_start3A_298 : memref<128xi32, #tpu.memory_space<hbm>>) target(%arg10 : memref<128xi32, #tpu.memory_space<vmem>>) target_semaphore(%arg26 : memref<!tpu.dma_semaphore, #tpu.memory_space<semaphore_mem>>)
      %dma_wait3A_299 = arith.constant 0 : i32
      %dma_wait3A_300 = tpu.memref_slice %arg3[%dma_wait3A_299] : memref<323584xi32, #tpu.memory_space<hbm>> -> memref<128xi32, #tpu.memory_space<hbm>>
      %dma_wait3A_301 = arith.constant 0 : i32
      %dma_wait3A_302 = tpu.memref_slice %arg3[%dma_wait3A_301] : memref<323584xi32, #tpu.memory_space<hbm>> -> memref<128xi32, #tpu.memory_space<hbm>>
      tpu.wait_dma2 semaphore(%arg23 : memref<!tpu.dma_semaphore, #tpu.memory_space<semaphore_mem>>) src(%dma_wait3A_302 : memref<128xi32, #tpu.memory_space<hbm>>) dst(%arg7 : memref<128xi32, #tpu.memory_space<vmem>>)
      %add3A_303 = arith.constant 1 : i32
      %add3A_304 = arith.addi %add3A_272, %add3A_303 : i32
      %dma_start3A_305 = arith.constant 0 : i32
      %dma_start3A_306 = arith.constant 0 : i32
      %dma_start3A_307 = tpu.memref_slice %arg2[%dma_start3A_305, %dma_start3A_306] : memref<10000x128xf32, #tpu.memory_space<hbm>> -> memref<10000x128xf32, #tpu.memory_space<hbm>>
      tpu.enqueue_indirect_dma source(%dma_start3A_307 : memref<10000x128xf32, #tpu.memory_space<hbm>>) target(%arg13 : memref<128x128xf32, #tpu.memory_space<vmem>>) offsets(%arg7 : memref<128xi32, #tpu.memory_space<vmem>>) semaphore(%arg17 : memref<!tpu.dma_semaphore, #tpu.memory_space<semaphore_mem>>)
      %add3A_308 = arith.constant 2 : i32
      %add3A_309 = arith.addi %add3A_272, %add3A_308 : i32
      %mul3A_310 = arith.constant 128 : i32
      %mul3A_311 = arith.muli %add3A_309, %mul3A_310 : i32
      %add3A_312 = arith.addi %mul3A_98, %mul3A_311 : i32
      %dma_start3A_313 = tpu.memref_slice %arg3[%add3A_312] : memref<323584xi32, #tpu.memory_space<hbm>> -> memref<128xi32, #tpu.memory_space<hbm>>
      %dma_start3A_314 = tpu.memref_slice %arg3[%add3A_312] : memref<323584xi32, #tpu.memory_space<hbm>> -> memref<128xi32, #tpu.memory_space<hbm>>
      tpu.enqueue_dma source(%dma_start3A_314 : memref<128xi32, #tpu.memory_space<hbm>>) target(%arg8 : memref<128xi32, #tpu.memory_space<vmem>>) target_semaphore(%arg24 : memref<!tpu.dma_semaphore, #tpu.memory_space<semaphore_mem>>)
      %mul3A_315 = arith.constant 3 : i32
      %mul3A_316 = arith.muli %scan3A_218, %mul3A_315 : i32
      %add3A_317 = arith.constant 2 : i32
      %add3A_318 = arith.addi %add3A_317, %mul3A_316 : i32
      %add3A_319 = arith.constant 2 : i32
      %add3A_320 = arith.addi %add3A_318, %add3A_319 : i32
      %dma_wait3A_321 = arith.constant 0 : i32
      %dma_wait3A_322 = arith.constant 0 : i32
      %dma_wait3A_323 = tpu.memref_slice %arg2[%dma_wait3A_321, %dma_wait3A_322] : memref<10000x128xf32, #tpu.memory_space<hbm>> -> memref<128x128xf32, #tpu.memory_space<hbm>>
      %dma_wait3A_324 = arith.constant 0 : i32
      %dma_wait3A_325 = arith.constant 0 : i32
      %dma_wait3A_326 = tpu.memref_slice %arg2[%dma_wait3A_324, %dma_wait3A_325] : memref<10000x128xf32, #tpu.memory_space<hbm>> -> memref<128x128xf32, #tpu.memory_space<hbm>>
      tpu.wait_dma2 semaphore(%arg17 : memref<!tpu.dma_semaphore, #tpu.memory_space<semaphore_mem>>) src(%dma_wait3A_326 : memref<128x128xf32, #tpu.memory_space<hbm>>) dst(%arg13 : memref<128x128xf32, #tpu.memory_space<vmem>>)
      %dma_wait3A_327 = arith.constant 0 : i32
      %dma_wait3A_328 = tpu.memref_slice %arg4[%dma_wait3A_327] : memref<323584xi32, #tpu.memory_space<hbm>> -> memref<128xi32, #tpu.memory_space<hbm>>
      %dma_wait3A_329 = arith.constant 0 : i32
      %dma_wait3A_330 = tpu.memref_slice %arg4[%dma_wait3A_329] : memref<323584xi32, #tpu.memory_space<hbm>> -> memref<128xi32, #tpu.memory_space<hbm>>
      tpu.wait_dma2 semaphore(%arg26 : memref<!tpu.dma_semaphore, #tpu.memory_space<semaphore_mem>>) src(%dma_wait3A_330 : memref<128xi32, #tpu.memory_space<hbm>>) dst(%arg10 : memref<128xi32, #tpu.memory_space<vmem>>)
      %dma_start3A_331 = arith.constant 0 : i32
      %dma_start3A_332 = arith.constant 0 : i32
      %dma_start3A_333 = tpu.memref_slice %arg15[%dma_start3A_331, %dma_start3A_332] : memref<10112x128xf32, #tpu.memory_space<vmem_shared>> -> memref<10112x128xf32, #tpu.memory_space<vmem_shared>>
      tpu.enqueue_indirect_dma source(%arg13 : memref<128x128xf32, #tpu.memory_space<vmem>>) target(%dma_start3A_333 : memref<10112x128xf32, #tpu.memory_space<vmem_shared>>) offsets(%arg10 : memref<128xi32, #tpu.memory_space<vmem>>) semaphore(%arg20 : memref<!tpu.dma_semaphore, #tpu.memory_space<semaphore_mem>>) {add = true}
      %dma_wait3A_334 = arith.constant 0 : i32
      %dma_wait3A_335 = arith.constant 0 : i32
      %dma_wait3A_336 = tpu.memref_slice %arg2[%dma_wait3A_334, %dma_wait3A_335] : memref<10000x128xf32, #tpu.memory_space<hbm>> -> memref<128x128xf32, #tpu.memory_space<hbm>>
      %dma_wait3A_337 = arith.constant 0 : i32
      %dma_wait3A_338 = arith.constant 0 : i32
      %dma_wait3A_339 = tpu.memref_slice %arg2[%dma_wait3A_337, %dma_wait3A_338] : memref<10000x128xf32, #tpu.memory_space<hbm>> -> memref<128x128xf32, #tpu.memory_space<hbm>>
      tpu.wait_dma2 semaphore(%arg21 : memref<!tpu.dma_semaphore, #tpu.memory_space<semaphore_mem>>) src(%dma_wait3A_339 : memref<128x128xf32, #tpu.memory_space<hbm>>) dst(%arg14 : memref<128x128xf32, #tpu.memory_space<vmem>>)
      %add3A_340 = arith.constant 1 : i32
      %add3A_341 = arith.addi %add3A_320, %add3A_340 : i32
      %mul3A_342 = arith.constant 128 : i32
      %mul3A_343 = arith.muli %add3A_341, %mul3A_342 : i32
      %add3A_344 = arith.addi %mul3A_98, %mul3A_343 : i32
      %dma_start3A_345 = tpu.memref_slice %arg4[%add3A_344] : memref<323584xi32, #tpu.memory_space<hbm>> -> memref<128xi32, #tpu.memory_space<hbm>>
      %dma_start3A_346 = tpu.memref_slice %arg4[%add3A_344] : memref<323584xi32, #tpu.memory_space<hbm>> -> memref<128xi32, #tpu.memory_space<hbm>>
      tpu.enqueue_dma source(%dma_start3A_346 : memref<128xi32, #tpu.memory_space<hbm>>) target(%arg11 : memref<128xi32, #tpu.memory_space<vmem>>) target_semaphore(%arg27 : memref<!tpu.dma_semaphore, #tpu.memory_space<semaphore_mem>>)
      %dma_wait3A_347 = arith.constant 0 : i32
      %dma_wait3A_348 = tpu.memref_slice %arg3[%dma_wait3A_347] : memref<323584xi32, #tpu.memory_space<hbm>> -> memref<128xi32, #tpu.memory_space<hbm>>
      %dma_wait3A_349 = arith.constant 0 : i32
      %dma_wait3A_350 = tpu.memref_slice %arg3[%dma_wait3A_349] : memref<323584xi32, #tpu.memory_space<hbm>> -> memref<128xi32, #tpu.memory_space<hbm>>
      tpu.wait_dma2 semaphore(%arg24 : memref<!tpu.dma_semaphore, #tpu.memory_space<semaphore_mem>>) src(%dma_wait3A_350 : memref<128xi32, #tpu.memory_space<hbm>>) dst(%arg8 : memref<128xi32, #tpu.memory_space<vmem>>)
      %add3A_351 = arith.constant 1 : i32
      %add3A_352 = arith.addi %add3A_320, %add3A_351 : i32
      %dma_start3A_353 = arith.constant 0 : i32
      %dma_start3A_354 = arith.constant 0 : i32
      %dma_start3A_355 = tpu.memref_slice %arg2[%dma_start3A_353, %dma_start3A_354] : memref<10000x128xf32, #tpu.memory_space<hbm>> -> memref<10000x128xf32, #tpu.memory_space<hbm>>
      tpu.enqueue_indirect_dma source(%dma_start3A_355 : memref<10000x128xf32, #tpu.memory_space<hbm>>) target(%arg14 : memref<128x128xf32, #tpu.memory_space<vmem>>) offsets(%arg8 : memref<128xi32, #tpu.memory_space<vmem>>) semaphore(%arg18 : memref<!tpu.dma_semaphore, #tpu.memory_space<semaphore_mem>>)
      %add3A_356 = arith.constant 2 : i32
      %add3A_357 = arith.addi %add3A_320, %add3A_356 : i32
      %mul3A_358 = arith.constant 128 : i32
      %mul3A_359 = arith.muli %add3A_357, %mul3A_358 : i32
      %add3A_360 = arith.addi %mul3A_98, %mul3A_359 : i32
      %dma_start3A_361 = tpu.memref_slice %arg3[%add3A_360] : memref<323584xi32, #tpu.memory_space<hbm>> -> memref<128xi32, #tpu.memory_space<hbm>>
      %dma_start3A_362 = tpu.memref_slice %arg3[%add3A_360] : memref<323584xi32, #tpu.memory_space<hbm>> -> memref<128xi32, #tpu.memory_space<hbm>>
      tpu.enqueue_dma source(%dma_start3A_362 : memref<128xi32, #tpu.memory_space<hbm>>) target(%arg6 : memref<128xi32, #tpu.memory_space<vmem>>) target_semaphore(%arg22 : memref<!tpu.dma_semaphore, #tpu.memory_space<semaphore_mem>>)
    }
    %scan3A_151 = arith.constant 25 : i32
    %dma_wait3A_152 = arith.constant 0 : i32
    %dma_wait3A_153 = arith.constant 0 : i32
    %dma_wait3A_154 = tpu.memref_slice %arg2[%dma_wait3A_152, %dma_wait3A_153] : memref<10000x128xf32, #tpu.memory_space<hbm>> -> memref<128x128xf32, #tpu.memory_space<hbm>>
    %dma_wait3A_155 = arith.constant 0 : i32
    %dma_wait3A_156 = arith.constant 0 : i32
    %dma_wait3A_157 = tpu.memref_slice %arg2[%dma_wait3A_155, %dma_wait3A_156] : memref<10000x128xf32, #tpu.memory_space<hbm>> -> memref<128x128xf32, #tpu.memory_space<hbm>>
    tpu.wait_dma2 semaphore(%arg18 : memref<!tpu.dma_semaphore, #tpu.memory_space<semaphore_mem>>) src(%dma_wait3A_157 : memref<128x128xf32, #tpu.memory_space<hbm>>) dst(%arg14 : memref<128x128xf32, #tpu.memory_space<vmem>>)
    %dma_wait3A_158 = arith.constant 0 : i32
    %dma_wait3A_159 = tpu.memref_slice %arg4[%dma_wait3A_158] : memref<323584xi32, #tpu.memory_space<hbm>> -> memref<128xi32, #tpu.memory_space<hbm>>
    %dma_wait3A_160 = arith.constant 0 : i32
    %dma_wait3A_161 = tpu.memref_slice %arg4[%dma_wait3A_160] : memref<323584xi32, #tpu.memory_space<hbm>> -> memref<128xi32, #tpu.memory_space<hbm>>
    tpu.wait_dma2 semaphore(%arg27 : memref<!tpu.dma_semaphore, #tpu.memory_space<semaphore_mem>>) src(%dma_wait3A_161 : memref<128xi32, #tpu.memory_space<hbm>>) dst(%arg11 : memref<128xi32, #tpu.memory_space<vmem>>)
    %dma_start3A_162 = arith.constant 0 : i32
    %dma_start3A_163 = arith.constant 0 : i32
    %dma_start3A_164 = tpu.memref_slice %arg15[%dma_start3A_162, %dma_start3A_163] : memref<10112x128xf32, #tpu.memory_space<vmem_shared>> -> memref<10112x128xf32, #tpu.memory_space<vmem_shared>>
    tpu.enqueue_indirect_dma source(%arg14 : memref<128x128xf32, #tpu.memory_space<vmem>>) target(%dma_start3A_164 : memref<10112x128xf32, #tpu.memory_space<vmem_shared>>) offsets(%arg11 : memref<128xi32, #tpu.memory_space<vmem>>) semaphore(%arg21 : memref<!tpu.dma_semaphore, #tpu.memory_space<semaphore_mem>>) {add = true}
    %dma_wait3A_165 = arith.constant 0 : i32
    %dma_wait3A_166 = arith.constant 0 : i32
    %dma_wait3A_167 = tpu.memref_slice %arg2[%dma_wait3A_165, %dma_wait3A_166] : memref<10000x128xf32, #tpu.memory_space<hbm>> -> memref<128x128xf32, #tpu.memory_space<hbm>>
    %dma_wait3A_168 = arith.constant 0 : i32
    %dma_wait3A_169 = arith.constant 0 : i32
    %dma_wait3A_170 = tpu.memref_slice %arg2[%dma_wait3A_168, %dma_wait3A_169] : memref<10000x128xf32, #tpu.memory_space<hbm>> -> memref<128x128xf32, #tpu.memory_space<hbm>>
    tpu.wait_dma2 semaphore(%arg19 : memref<!tpu.dma_semaphore, #tpu.memory_space<semaphore_mem>>) src(%dma_wait3A_170 : memref<128x128xf32, #tpu.memory_space<hbm>>) dst(%arg12 : memref<128x128xf32, #tpu.memory_space<vmem>>)
    %add3A_171 = arith.constant 9984 : i32
    %add3A_172 = arith.addi %mul3A_98, %add3A_171 : i32
    %dma_start3A_173 = tpu.memref_slice %arg4[%add3A_172] : memref<323584xi32, #tpu.memory_space<hbm>> -> memref<128xi32, #tpu.memory_space<hbm>>
    %dma_start3A_174 = tpu.memref_slice %arg4[%add3A_172] : memref<323584xi32, #tpu.memory_space<hbm>> -> memref<128xi32, #tpu.memory_space<hbm>>
    tpu.enqueue_dma source(%dma_start3A_174 : memref<128xi32, #tpu.memory_space<hbm>>) target(%arg9 : memref<128xi32, #tpu.memory_space<vmem>>) target_semaphore(%arg25 : memref<!tpu.dma_semaphore, #tpu.memory_space<semaphore_mem>>)
    %dma_wait3A_175 = arith.constant 0 : i32
    %dma_wait3A_176 = tpu.memref_slice %arg3[%dma_wait3A_175] : memref<323584xi32, #tpu.memory_space<hbm>> -> memref<128xi32, #tpu.memory_space<hbm>>
    %dma_wait3A_177 = arith.constant 0 : i32
    %dma_wait3A_178 = tpu.memref_slice %arg3[%dma_wait3A_177] : memref<323584xi32, #tpu.memory_space<hbm>> -> memref<128xi32, #tpu.memory_space<hbm>>
    tpu.wait_dma2 semaphore(%arg22 : memref<!tpu.dma_semaphore, #tpu.memory_space<semaphore_mem>>) src(%dma_wait3A_178 : memref<128xi32, #tpu.memory_space<hbm>>) dst(%arg6 : memref<128xi32, #tpu.memory_space<vmem>>)
    %dma_start3A_179 = arith.constant 0 : i32
    %dma_start3A_180 = arith.constant 0 : i32
    %dma_start3A_181 = tpu.memref_slice %arg2[%dma_start3A_179, %dma_start3A_180] : memref<10000x128xf32, #tpu.memory_space<hbm>> -> memref<10000x128xf32, #tpu.memory_space<hbm>>
    tpu.enqueue_indirect_dma source(%dma_start3A_181 : memref<10000x128xf32, #tpu.memory_space<hbm>>) target(%arg12 : memref<128x128xf32, #tpu.memory_space<vmem>>) offsets(%arg6 : memref<128xi32, #tpu.memory_space<vmem>>) semaphore(%arg16 : memref<!tpu.dma_semaphore, #tpu.memory_space<semaphore_mem>>)
    %dma_wait3A_182 = arith.constant 0 : i32
    %dma_wait3A_183 = arith.constant 0 : i32
    %dma_wait3A_184 = tpu.memref_slice %arg2[%dma_wait3A_182, %dma_wait3A_183] : memref<10000x128xf32, #tpu.memory_space<hbm>> -> memref<128x128xf32, #tpu.memory_space<hbm>>
    %dma_wait3A_185 = arith.constant 0 : i32
    %dma_wait3A_186 = arith.constant 0 : i32
    %dma_wait3A_187 = tpu.memref_slice %arg2[%dma_wait3A_185, %dma_wait3A_186] : memref<10000x128xf32, #tpu.memory_space<hbm>> -> memref<128x128xf32, #tpu.memory_space<hbm>>
    tpu.wait_dma2 semaphore(%arg16 : memref<!tpu.dma_semaphore, #tpu.memory_space<semaphore_mem>>) src(%dma_wait3A_187 : memref<128x128xf32, #tpu.memory_space<hbm>>) dst(%arg12 : memref<128x128xf32, #tpu.memory_space<vmem>>)
    %dma_wait3A_188 = arith.constant 0 : i32
    %dma_wait3A_189 = tpu.memref_slice %arg4[%dma_wait3A_188] : memref<323584xi32, #tpu.memory_space<hbm>> -> memref<128xi32, #tpu.memory_space<hbm>>
    %dma_wait3A_190 = arith.constant 0 : i32
    %dma_wait3A_191 = tpu.memref_slice %arg4[%dma_wait3A_190] : memref<323584xi32, #tpu.memory_space<hbm>> -> memref<128xi32, #tpu.memory_space<hbm>>
    tpu.wait_dma2 semaphore(%arg25 : memref<!tpu.dma_semaphore, #tpu.memory_space<semaphore_mem>>) src(%dma_wait3A_191 : memref<128xi32, #tpu.memory_space<hbm>>) dst(%arg9 : memref<128xi32, #tpu.memory_space<vmem>>)
    %dma_start3A_192 = arith.constant 0 : i32
    %dma_start3A_193 = arith.constant 0 : i32
    %dma_start3A_194 = tpu.memref_slice %arg15[%dma_start3A_192, %dma_start3A_193] : memref<10112x128xf32, #tpu.memory_space<vmem_shared>> -> memref<10112x128xf32, #tpu.memory_space<vmem_shared>>
    tpu.enqueue_indirect_dma source(%arg12 : memref<128x128xf32, #tpu.memory_space<vmem>>) target(%dma_start3A_194 : memref<10112x128xf32, #tpu.memory_space<vmem_shared>>) offsets(%arg9 : memref<128xi32, #tpu.memory_space<vmem>>) semaphore(%arg19 : memref<!tpu.dma_semaphore, #tpu.memory_space<semaphore_mem>>) {add = true}
    %dma_wait3A_195 = arith.constant 0 : i32
    %dma_wait3A_196 = arith.constant 0 : i32
    %dma_wait3A_197 = tpu.memref_slice %arg2[%dma_wait3A_195, %dma_wait3A_196] : memref<10000x128xf32, #tpu.memory_space<hbm>> -> memref<128x128xf32, #tpu.memory_space<hbm>>
    %dma_wait3A_198 = arith.constant 0 : i32
    %dma_wait3A_199 = arith.constant 0 : i32
    %dma_wait3A_200 = tpu.memref_slice %arg2[%dma_wait3A_198, %dma_wait3A_199] : memref<10000x128xf32, #tpu.memory_space<hbm>> -> memref<128x128xf32, #tpu.memory_space<hbm>>
    tpu.wait_dma2 semaphore(%arg20 : memref<!tpu.dma_semaphore, #tpu.memory_space<semaphore_mem>>) src(%dma_wait3A_200 : memref<128x128xf32, #tpu.memory_space<hbm>>) dst(%arg13 : memref<128x128xf32, #tpu.memory_space<vmem>>)
    %dma_wait3A_201 = arith.constant 0 : i32
    %dma_wait3A_202 = arith.constant 0 : i32
    %dma_wait3A_203 = tpu.memref_slice %arg2[%dma_wait3A_201, %dma_wait3A_202] : memref<10000x128xf32, #tpu.memory_space<hbm>> -> memref<128x128xf32, #tpu.memory_space<hbm>>
    %dma_wait3A_204 = arith.constant 0 : i32
    %dma_wait3A_205 = arith.constant 0 : i32
    %dma_wait3A_206 = tpu.memref_slice %arg2[%dma_wait3A_204, %dma_wait3A_205] : memref<10000x128xf32, #tpu.memory_space<hbm>> -> memref<128x128xf32, #tpu.memory_space<hbm>>
    tpu.wait_dma2 semaphore(%arg21 : memref<!tpu.dma_semaphore, #tpu.memory_space<semaphore_mem>>) src(%dma_wait3A_206 : memref<128x128xf32, #tpu.memory_space<hbm>>) dst(%arg14 : memref<128x128xf32, #tpu.memory_space<vmem>>)
    %dma_wait3A_207 = arith.constant 0 : i32
    %dma_wait3A_208 = arith.constant 0 : i32
    %dma_wait3A_209 = tpu.memref_slice %arg2[%dma_wait3A_207, %dma_wait3A_208] : memref<10000x128xf32, #tpu.memory_space<hbm>> -> memref<128x128xf32, #tpu.memory_space<hbm>>
    %dma_wait3A_210 = arith.constant 0 : i32
    %dma_wait3A_211 = arith.constant 0 : i32
    %dma_wait3A_212 = tpu.memref_slice %arg2[%dma_wait3A_210, %dma_wait3A_211] : memref<10000x128xf32, #tpu.memory_space<hbm>> -> memref<128x128xf32, #tpu.memory_space<hbm>>
    tpu.wait_dma2 semaphore(%arg19 : memref<!tpu.dma_semaphore, #tpu.memory_space<semaphore_mem>>) src(%dma_wait3A_212 : memref<128x128xf32, #tpu.memory_space<hbm>>) dst(%arg12 : memref<128x128xf32, #tpu.memory_space<vmem>>)
    %barrier3A_213 = arith.constant 0 : index
    tpu.barrier barrier_id(%barrier3A_213)
    %mul3A_214 = arith.constant 632 : i32
    %mul3A_215 = arith.muli %arg1, %mul3A_214 : i32
    %mul3A_216 = arith.constant 632 : i32
    %mul3A_217 = arith.muli %arg1, %mul3A_216 : i32
    "tpu.region"() ({
      %run_scoped3A = tpu.sem_alloc : memref<!tpu.dma_semaphore, #tpu.memory_space<semaphore_mem>>
      %dma_start3A_218 = arith.constant 0 : i32
      %dma_start3A_219 = tpu.memref_slice %arg5[%arg0, %mul3A_217, %dma_start3A_218] : memref<2x10112x128xf32, #tpu.memory_space<hbm>> -> memref<1x632x128xf32, #tpu.memory_space<hbm>>
      %dma_start3A_220 = tpu.memref_squeeze %dma_start3A_219 : memref<1x632x128xf32, #tpu.memory_space<hbm>> -> memref<632x128xf32, #tpu.memory_space<hbm>>
      %dma_start3A_221 = arith.constant 0 : i32
      %dma_start3A_222 = tpu.memref_slice %arg15[%mul3A_215, %dma_start3A_221] : memref<10112x128xf32, #tpu.memory_space<vmem_shared>> -> memref<632x128xf32, #tpu.memory_space<vmem_shared>>
      tpu.enqueue_dma source(%dma_start3A_222 : memref<632x128xf32, #tpu.memory_space<vmem_shared>>) target(%dma_start3A_220 : memref<632x128xf32, #tpu.memory_space<hbm>>) target_semaphore(%run_scoped3A : memref<!tpu.dma_semaphore, #tpu.memory_space<semaphore_mem>>)
      %dma_wait3A_223 = arith.constant 0 : i32
      %dma_wait3A_224 = tpu.memref_slice %arg5[%arg0, %mul3A_217, %dma_wait3A_223] : memref<2x10112x128xf32, #tpu.memory_space<hbm>> -> memref<1x632x128xf32, #tpu.memory_space<hbm>>
      %dma_wait3A_225 = tpu.memref_squeeze %dma_wait3A_224 : memref<1x632x128xf32, #tpu.memory_space<hbm>> -> memref<632x128xf32, #tpu.memory_space<hbm>>
      %dma_wait3A_226 = arith.constant 0 : i32
      %dma_wait3A_227 = tpu.memref_slice %arg15[%mul3A_215, %dma_wait3A_226] : memref<10112x128xf32, #tpu.memory_space<vmem_shared>> -> memref<632x128xf32, #tpu.memory_space<vmem_shared>>
      tpu.wait_dma2 semaphore(%run_scoped3A : memref<!tpu.dma_semaphore, #tpu.memory_space<semaphore_mem>>) src(%dma_wait3A_227 : memref<632x128xf32, #tpu.memory_space<vmem_shared>>) dst(%dma_wait3A_225 : memref<632x128xf32, #tpu.memory_space<hbm>>)
      tpu.yield
    }) : () -> ()
    return
  }
}

#map = affine_map<(d0, d1) -> (0, 0)>
#map1 = affine_map<(d0, d1) -> (0)>
#map2 = affine_map<(d0, d1) -> (0, 0, 0)>
module attributes {stable_mosaic.version = 14 : i64} {
  func.func @_agg_body(%arg0: i32, %arg1: i32, %arg2: memref<10000x128xf32, #tpu.memory_space<hbm>>, %arg3: memref<323584xi32, #tpu.memory_space<hbm>>, %arg4: memref<323584xi32, #tpu.memory_space<hbm>>, %arg5: memref<2x10112x128xf32, #tpu.memory_space<hbm>>, %arg6: memref<128xi32, #tpu.memory_space<vmem>>, %arg7: memref<128xi32, #tpu.memory_space<vmem>>, %arg8: memref<128xi32, #tpu.memory_space<vmem>>, %arg9: memref<128xi32, #tpu.memory_space<vmem>>, %arg10: memref<128xi32, #tpu.memory_space<vmem>>, %arg11: memref<128xi32, #tpu.memory_space<vmem>>, %arg12: memref<128x128xf32, #tpu.memory_space<vmem>>, %arg13: memref<128x128xf32, #tpu.memory_space<vmem>>, %arg14: memref<128x128xf32, #tpu.memory_space<vmem>>, %arg15: memref<10112x128xf32, #tpu.memory_space<vmem_shared>>, %arg16: memref<!tpu.dma_semaphore, #tpu.memory_space<semaphore_mem>>, %arg17: memref<!tpu.dma_semaphore, #tpu.memory_space<semaphore_mem>>, %arg18: memref<!tpu.dma_semaphore, #tpu.memory_space<semaphore_mem>>, %arg19: memref<!tpu.dma_semaphore, #tpu.memory_space<semaphore_mem>>, %arg20: memref<!tpu.dma_semaphore, #tpu.memory_space<semaphore_mem>>, %arg21: memref<!tpu.dma_semaphore, #tpu.memory_space<semaphore_mem>>, %arg22: memref<!tpu.dma_semaphore, #tpu.memory_space<semaphore_mem>>, %arg23: memref<!tpu.dma_semaphore, #tpu.memory_space<semaphore_mem>>, %arg24: memref<!tpu.dma_semaphore, #tpu.memory_space<semaphore_mem>>, %arg25: memref<!tpu.dma_semaphore, #tpu.memory_space<semaphore_mem>>, %arg26: memref<!tpu.dma_semaphore, #tpu.memory_space<semaphore_mem>>, %arg27: memref<!tpu.dma_semaphore, #tpu.memory_space<semaphore_mem>>) attributes {dimension_semantics = [#tpu.dimension_semantics<core_parallel>, #tpu.dimension_semantics<subcore_parallel>], iteration_bounds = array<i64: 2, 16>, scalar_prefetch = 0 : i64, scratch_operands = 22 : i64, tpu.core_type = #tpu.core_type<sc_vector_subcore>, window_params = [{transform_indices = #map}, {transform_indices = #map1}, {transform_indices = #map1}, {transform_indices = #map2}]} {
    %mul3A = arith.constant 16 : i32
    %mul3A_0 = arith.muli %arg0, %mul3A : i32
    %add3A = arith.addi %mul3A_0, %arg1 : i32
    %broadcast_in_dim3A = arith.constant 0.000000e+00 : f32
    %broadcast_in_dim3A_1 = vector.broadcast %broadcast_in_dim3A : f32 to vector<16xf32>
    %scan3A = arith.constant 0 : i32
    %scan3A_2 = arith.constant 0 : i32
    %scan3A_3 = arith.constant 128 : i32
    %scan3A_4 = arith.addi %scan3A_2, %scan3A_3 : i32
    %scan3A_5 = arith.constant 1 : i32
    scf.for %scan3A_218 = %scan3A_2 to %scan3A_4 step %scan3A_5  : i32 {
      %swap3A = arith.index_cast %scan3A_218 : i32 to index
      %swap3A_219 = arith.constant 0 : index
      %swap3A_220 = tpu.vector_load %arg12[%swap3A, %swap3A_219] {strides = array<i32>} : memref<128x128xf32, #tpu.memory_space<vmem>>, vector<1x16xf32>,
      %swap3A_221 = vector.shape_cast %swap3A_220 : vector<1x16xf32> to vector<16xf32>
      %swap3A_222 = vector.shape_cast %broadcast_in_dim3A_1 : vector<16xf32> to vector<1x16xf32>
      tpu.vector_store %arg12[%swap3A, %swap3A_219], %swap3A_222 {strides = array<i32>} : memref<128x128xf32, #tpu.memory_space<vmem>>, vector<1x16xf32>,
      %swap3A_223 = arith.index_cast %scan3A_218 : i32 to index
      %swap3A_224 = arith.constant 16 : index
      %swap3A_225 = tpu.vector_load %arg12[%swap3A_223, %swap3A_224] {strides = array<i32>} : memref<128x128xf32, #tpu.memory_space<vmem>>, vector<1x16xf32>,
      %swap3A_226 = vector.shape_cast %swap3A_225 : vector<1x16xf32> to vector<16xf32>
      %swap3A_227 = vector.shape_cast %broadcast_in_dim3A_1 : vector<16xf32> to vector<1x16xf32>
      tpu.vector_store %arg12[%swap3A_223, %swap3A_224], %swap3A_227 {strides = array<i32>} : memref<128x128xf32, #tpu.memory_space<vmem>>, vector<1x16xf32>,
      %swap3A_228 = arith.index_cast %scan3A_218 : i32 to index
      %swap3A_229 = arith.constant 32 : index
      %swap3A_230 = tpu.vector_load %arg12[%swap3A_228, %swap3A_229] {strides = array<i32>} : memref<128x128xf32, #tpu.memory_space<vmem>>, vector<1x16xf32>,
      %swap3A_231 = vector.shape_cast %swap3A_230 : vector<1x16xf32> to vector<16xf32>
      %swap3A_232 = vector.shape_cast %broadcast_in_dim3A_1 : vector<16xf32> to vector<1x16xf32>
      tpu.vector_store %arg12[%swap3A_228, %swap3A_229], %swap3A_232 {strides = array<i32>} : memref<128x128xf32, #tpu.memory_space<vmem>>, vector<1x16xf32>,
      %swap3A_233 = arith.index_cast %scan3A_218 : i32 to index
      %swap3A_234 = arith.constant 48 : index
      %swap3A_235 = tpu.vector_load %arg12[%swap3A_233, %swap3A_234] {strides = array<i32>} : memref<128x128xf32, #tpu.memory_space<vmem>>, vector<1x16xf32>,
      %swap3A_236 = vector.shape_cast %swap3A_235 : vector<1x16xf32> to vector<16xf32>
      %swap3A_237 = vector.shape_cast %broadcast_in_dim3A_1 : vector<16xf32> to vector<1x16xf32>
      tpu.vector_store %arg12[%swap3A_233, %swap3A_234], %swap3A_237 {strides = array<i32>} : memref<128x128xf32, #tpu.memory_space<vmem>>, vector<1x16xf32>,
      %swap3A_238 = arith.index_cast %scan3A_218 : i32 to index
      %swap3A_239 = arith.constant 64 : index
      %swap3A_240 = tpu.vector_load %arg12[%swap3A_238, %swap3A_239] {strides = array<i32>} : memref<128x128xf32, #tpu.memory_space<vmem>>, vector<1x16xf32>,
      %swap3A_241 = vector.shape_cast %swap3A_240 : vector<1x16xf32> to vector<16xf32>
      %swap3A_242 = vector.shape_cast %broadcast_in_dim3A_1 : vector<16xf32> to vector<1x16xf32>
      tpu.vector_store %arg12[%swap3A_238, %swap3A_239], %swap3A_242 {strides = array<i32>} : memref<128x128xf32, #tpu.memory_space<vmem>>, vector<1x16xf32>,
      %swap3A_243 = arith.index_cast %scan3A_218 : i32 to index
      %swap3A_244 = arith.constant 80 : index
      %swap3A_245 = tpu.vector_load %arg12[%swap3A_243, %swap3A_244] {strides = array<i32>} : memref<128x128xf32, #tpu.memory_space<vmem>>, vector<1x16xf32>,
      %swap3A_246 = vector.shape_cast %swap3A_245 : vector<1x16xf32> to vector<16xf32>
      %swap3A_247 = vector.shape_cast %broadcast_in_dim3A_1 : vector<16xf32> to vector<1x16xf32>
      tpu.vector_store %arg12[%swap3A_243, %swap3A_244], %swap3A_247 {strides = array<i32>} : memref<128x128xf32, #tpu.memory_space<vmem>>, vector<1x16xf32>,
      %swap3A_248 = arith.index_cast %scan3A_218 : i32 to index
      %swap3A_249 = arith.constant 96 : index
      %swap3A_250 = tpu.vector_load %arg12[%swap3A_248, %swap3A_249] {strides = array<i32>} : memref<128x128xf32, #tpu.memory_space<vmem>>, vector<1x16xf32>,
      %swap3A_251 = vector.shape_cast %swap3A_250 : vector<1x16xf32> to vector<16xf32>
      %swap3A_252 = vector.shape_cast %broadcast_in_dim3A_1 : vector<16xf32> to vector<1x16xf32>
      tpu.vector_store %arg12[%swap3A_248, %swap3A_249], %swap3A_252 {strides = array<i32>} : memref<128x128xf32, #tpu.memory_space<vmem>>, vector<1x16xf32>,
      %swap3A_253 = arith.index_cast %scan3A_218 : i32 to index
      %swap3A_254 = arith.constant 112 : index
      %swap3A_255 = tpu.vector_load %arg12[%swap3A_253, %swap3A_254] {strides = array<i32>} : memref<128x128xf32, #tpu.memory_space<vmem>>, vector<1x16xf32>,
      %swap3A_256 = vector.shape_cast %swap3A_255 : vector<1x16xf32> to vector<16xf32>
      %swap3A_257 = vector.shape_cast %broadcast_in_dim3A_1 : vector<16xf32> to vector<1x16xf32>
      tpu.vector_store %arg12[%swap3A_253, %swap3A_254], %swap3A_257 {strides = array<i32>} : memref<128x128xf32, #tpu.memory_space<vmem>>, vector<1x16xf32>,
    }
    %scan3A_6 = arith.constant 128 : i32
    %mul3A_7 = arith.constant 632 : i32
    %mul3A_8 = arith.muli %arg1, %mul3A_7 : i32
    %add3A_9 = arith.constant 0 : i32
    %add3A_10 = arith.addi %mul3A_8, %add3A_9 : i32
    %dma_start3A = arith.constant 0 : i32
    %dma_start3A_11 = tpu.memref_slice %arg15[%add3A_10, %dma_start3A] : memref<10112x128xf32, #tpu.memory_space<vmem_shared>> -> memref<128x128xf32, #tpu.memory_space<vmem_shared>>
    %dma_start3A_12 = arith.constant 0 : i32
    %dma_start3A_13 = tpu.memref_slice %arg15[%add3A_10, %dma_start3A_12] : memref<10112x128xf32, #tpu.memory_space<vmem_shared>> -> memref<128x128xf32, #tpu.memory_space<vmem_shared>>
    tpu.enqueue_dma source(%arg12 : memref<128x128xf32, #tpu.memory_space<vmem>>) target(%dma_start3A_13 : memref<128x128xf32, #tpu.memory_space<vmem_shared>>) target_semaphore(%arg19 : memref<!tpu.dma_semaphore, #tpu.memory_space<semaphore_mem>>)
    %mul3A_14 = arith.constant 632 : i32
    %mul3A_15 = arith.muli %arg1, %mul3A_14 : i32
    %add3A_16 = arith.constant 128 : i32
    %add3A_17 = arith.addi %mul3A_15, %add3A_16 : i32
    %dma_start3A_18 = arith.constant 0 : i32
    %dma_start3A_19 = tpu.memref_slice %arg15[%add3A_17, %dma_start3A_18] : memref<10112x128xf32, #tpu.memory_space<vmem_shared>> -> memref<128x128xf32, #tpu.memory_space<vmem_shared>>
    %dma_start3A_20 = arith.constant 0 : i32
    %dma_start3A_21 = tpu.memref_slice %arg15[%add3A_17, %dma_start3A_20] : memref<10112x128xf32, #tpu.memory_space<vmem_shared>> -> memref<128x128xf32, #tpu.memory_space<vmem_shared>>
    tpu.enqueue_dma source(%arg12 : memref<128x128xf32, #tpu.memory_space<vmem>>) target(%dma_start3A_21 : memref<128x128xf32, #tpu.memory_space<vmem_shared>>) target_semaphore(%arg19 : memref<!tpu.dma_semaphore, #tpu.memory_space<semaphore_mem>>)
    %mul3A_22 = arith.constant 632 : i32
    %mul3A_23 = arith.muli %arg1, %mul3A_22 : i32
    %add3A_24 = arith.constant 256 : i32
    %add3A_25 = arith.addi %mul3A_23, %add3A_24 : i32
    %dma_start3A_26 = arith.constant 0 : i32
    %dma_start3A_27 = tpu.memref_slice %arg15[%add3A_25, %dma_start3A_26] : memref<10112x128xf32, #tpu.memory_space<vmem_shared>> -> memref<128x128xf32, #tpu.memory_space<vmem_shared>>
    %dma_start3A_28 = arith.constant 0 : i32
    %dma_start3A_29 = tpu.memref_slice %arg15[%add3A_25, %dma_start3A_28] : memref<10112x128xf32, #tpu.memory_space<vmem_shared>> -> memref<128x128xf32, #tpu.memory_space<vmem_shared>>
    tpu.enqueue_dma source(%arg12 : memref<128x128xf32, #tpu.memory_space<vmem>>) target(%dma_start3A_29 : memref<128x128xf32, #tpu.memory_space<vmem_shared>>) target_semaphore(%arg19 : memref<!tpu.dma_semaphore, #tpu.memory_space<semaphore_mem>>)
    %mul3A_30 = arith.constant 632 : i32
    %mul3A_31 = arith.muli %arg1, %mul3A_30 : i32
    %add3A_32 = arith.constant 384 : i32
    %add3A_33 = arith.addi %mul3A_31, %add3A_32 : i32
    %dma_start3A_34 = arith.constant 0 : i32
    %dma_start3A_35 = tpu.memref_slice %arg15[%add3A_33, %dma_start3A_34] : memref<10112x128xf32, #tpu.memory_space<vmem_shared>> -> memref<128x128xf32, #tpu.memory_space<vmem_shared>>
    %dma_start3A_36 = arith.constant 0 : i32
    %dma_start3A_37 = tpu.memref_slice %arg15[%add3A_33, %dma_start3A_36] : memref<10112x128xf32, #tpu.memory_space<vmem_shared>> -> memref<128x128xf32, #tpu.memory_space<vmem_shared>>
    tpu.enqueue_dma source(%arg12 : memref<128x128xf32, #tpu.memory_space<vmem>>) target(%dma_start3A_37 : memref<128x128xf32, #tpu.memory_space<vmem_shared>>) target_semaphore(%arg19 : memref<!tpu.dma_semaphore, #tpu.memory_space<semaphore_mem>>)
    %mul3A_38 = arith.constant 632 : i32
    %mul3A_39 = arith.muli %arg1, %mul3A_38 : i32
    %add3A_40 = arith.constant 512 : i32
    %add3A_41 = arith.addi %mul3A_39, %add3A_40 : i32
    %dma_start3A_42 = arith.constant 0 : i32
    %dma_start3A_43 = arith.constant 0 : i32
    %dma_start3A_44 = tpu.memref_slice %arg12[%dma_start3A_42, %dma_start3A_43] : memref<128x128xf32, #tpu.memory_space<vmem>> -> memref<120x128xf32, #tpu.memory_space<vmem>>
    %dma_start3A_45 = arith.constant 0 : i32
    %dma_start3A_46 = tpu.memref_slice %arg15[%add3A_41, %dma_start3A_45] : memref<10112x128xf32, #tpu.memory_space<vmem_shared>> -> memref<120x128xf32, #tpu.memory_space<vmem_shared>>
    %dma_start3A_47 = arith.constant 0 : i32
    %dma_start3A_48 = tpu.memref_slice %arg15[%add3A_41, %dma_start3A_47] : memref<10112x128xf32, #tpu.memory_space<vmem_shared>> -> memref<120x128xf32, #tpu.memory_space<vmem_shared>>
    %dma_start3A_49 = arith.constant 0 : i32
    %dma_start3A_50 = arith.constant 0 : i32
    %dma_start3A_51 = tpu.memref_slice %arg12[%dma_start3A_49, %dma_start3A_50] : memref<128x128xf32, #tpu.memory_space<vmem>> -> memref<120x128xf32, #tpu.memory_space<vmem>>
    tpu.enqueue_dma source(%dma_start3A_51 : memref<120x128xf32, #tpu.memory_space<vmem>>) target(%dma_start3A_48 : memref<120x128xf32, #tpu.memory_space<vmem_shared>>) target_semaphore(%arg20 : memref<!tpu.dma_semaphore, #tpu.memory_space<semaphore_mem>>)
    %mul3A_52 = arith.constant 632 : i32
    %mul3A_53 = arith.muli %arg1, %mul3A_52 : i32
    %add3A_54 = arith.constant 0 : i32
    %add3A_55 = arith.addi %mul3A_53, %add3A_54 : i32
    %dma_wait3A = arith.constant 0 : i32
    %dma_wait3A_56 = tpu.memref_slice %arg15[%add3A_55, %dma_wait3A] : memref<10112x128xf32, #tpu.memory_space<vmem_shared>> -> memref<128x128xf32, #tpu.memory_space<vmem_shared>>
    %dma_wait3A_57 = arith.constant 0 : i32
    %dma_wait3A_58 = tpu.memref_slice %arg15[%add3A_55, %dma_wait3A_57] : memref<10112x128xf32, #tpu.memory_space<vmem_shared>> -> memref<128x128xf32, #tpu.memory_space<vmem_shared>>
    tpu.wait_dma2 semaphore(%arg19 : memref<!tpu.dma_semaphore, #tpu.memory_space<semaphore_mem>>) src(%arg12 : memref<128x128xf32, #tpu.memory_space<vmem>>) dst(%dma_wait3A_58 : memref<128x128xf32, #tpu.memory_space<vmem_shared>>)
    %mul3A_59 = arith.constant 632 : i32
    %mul3A_60 = arith.muli %arg1, %mul3A_59 : i32
    %add3A_61 = arith.constant 128 : i32
    %add3A_62 = arith.addi %mul3A_60, %add3A_61 : i32
    %dma_wait3A_63 = arith.constant 0 : i32
    %dma_wait3A_64 = tpu.memref_slice %arg15[%add3A_62, %dma_wait3A_63] : memref<10112x128xf32, #tpu.memory_space<vmem_shared>> -> memref<128x128xf32, #tpu.memory_space<vmem_shared>>
    %dma_wait3A_65 = arith.constant 0 : i32
    %dma_wait3A_66 = tpu.memref_slice %arg15[%add3A_62, %dma_wait3A_65] : memref<10112x128xf32, #tpu.memory_space<vmem_shared>> -> memref<128x128xf32, #tpu.memory_space<vmem_shared>>
    tpu.wait_dma2 semaphore(%arg19 : memref<!tpu.dma_semaphore, #tpu.memory_space<semaphore_mem>>) src(%arg12 : memref<128x128xf32, #tpu.memory_space<vmem>>) dst(%dma_wait3A_66 : memref<128x128xf32, #tpu.memory_space<vmem_shared>>)
    %mul3A_67 = arith.constant 632 : i32
    %mul3A_68 = arith.muli %arg1, %mul3A_67 : i32
    %add3A_69 = arith.constant 256 : i32
    %add3A_70 = arith.addi %mul3A_68, %add3A_69 : i32
    %dma_wait3A_71 = arith.constant 0 : i32
    %dma_wait3A_72 = tpu.memref_slice %arg15[%add3A_70, %dma_wait3A_71] : memref<10112x128xf32, #tpu.memory_space<vmem_shared>> -> memref<128x128xf32, #tpu.memory_space<vmem_shared>>
    %dma_wait3A_73 = arith.constant 0 : i32
    %dma_wait3A_74 = tpu.memref_slice %arg15[%add3A_70, %dma_wait3A_73] : memref<10112x128xf32, #tpu.memory_space<vmem_shared>> -> memref<128x128xf32, #tpu.memory_space<vmem_shared>>
    tpu.wait_dma2 semaphore(%arg19 : memref<!tpu.dma_semaphore, #tpu.memory_space<semaphore_mem>>) src(%arg12 : memref<128x128xf32, #tpu.memory_space<vmem>>) dst(%dma_wait3A_74 : memref<128x128xf32, #tpu.memory_space<vmem_shared>>)
    %mul3A_75 = arith.constant 632 : i32
    %mul3A_76 = arith.muli %arg1, %mul3A_75 : i32
    %add3A_77 = arith.constant 384 : i32
    %add3A_78 = arith.addi %mul3A_76, %add3A_77 : i32
    %dma_wait3A_79 = arith.constant 0 : i32
    %dma_wait3A_80 = tpu.memref_slice %arg15[%add3A_78, %dma_wait3A_79] : memref<10112x128xf32, #tpu.memory_space<vmem_shared>> -> memref<128x128xf32, #tpu.memory_space<vmem_shared>>
    %dma_wait3A_81 = arith.constant 0 : i32
    %dma_wait3A_82 = tpu.memref_slice %arg15[%add3A_78, %dma_wait3A_81] : memref<10112x128xf32, #tpu.memory_space<vmem_shared>> -> memref<128x128xf32, #tpu.memory_space<vmem_shared>>
    tpu.wait_dma2 semaphore(%arg19 : memref<!tpu.dma_semaphore, #tpu.memory_space<semaphore_mem>>) src(%arg12 : memref<128x128xf32, #tpu.memory_space<vmem>>) dst(%dma_wait3A_82 : memref<128x128xf32, #tpu.memory_space<vmem_shared>>)
    %mul3A_83 = arith.constant 632 : i32
    %mul3A_84 = arith.muli %arg1, %mul3A_83 : i32
    %add3A_85 = arith.constant 512 : i32
    %add3A_86 = arith.addi %mul3A_84, %add3A_85 : i32
    %dma_wait3A_87 = arith.constant 0 : i32
    %dma_wait3A_88 = arith.constant 0 : i32
    %dma_wait3A_89 = tpu.memref_slice %arg12[%dma_wait3A_87, %dma_wait3A_88] : memref<128x128xf32, #tpu.memory_space<vmem>> -> memref<120x128xf32, #tpu.memory_space<vmem>>
    %dma_wait3A_90 = arith.constant 0 : i32
    %dma_wait3A_91 = tpu.memref_slice %arg15[%add3A_86, %dma_wait3A_90] : memref<10112x128xf32, #tpu.memory_space<vmem_shared>> -> memref<120x128xf32, #tpu.memory_space<vmem_shared>>
    %dma_wait3A_92 = arith.constant 0 : i32
    %dma_wait3A_93 = tpu.memref_slice %arg15[%add3A_86, %dma_wait3A_92] : memref<10112x128xf32, #tpu.memory_space<vmem_shared>> -> memref<120x128xf32, #tpu.memory_space<vmem_shared>>
    %dma_wait3A_94 = arith.constant 0 : i32
    %dma_wait3A_95 = arith.constant 0 : i32
    %dma_wait3A_96 = tpu.memref_slice %arg12[%dma_wait3A_94, %dma_wait3A_95] : memref<128x128xf32, #tpu.memory_space<vmem>> -> memref<120x128xf32, #tpu.memory_space<vmem>>
    tpu.wait_dma2 semaphore(%arg20 : memref<!tpu.dma_semaphore, #tpu.memory_space<semaphore_mem>>) src(%dma_wait3A_96 : memref<120x128xf32, #tpu.memory_space<vmem>>) dst(%dma_wait3A_93 : memref<120x128xf32, #tpu.memory_space<vmem_shared>>)
    %barrier3A = arith.constant 0 : index
    tpu.barrier barrier_id(%barrier3A)
    %mul3A_97 = arith.constant 10112 : i32
    %mul3A_98 = arith.muli %add3A, %mul3A_97 : i32
    "tpu.region"() ({
      %run_scoped3A = tpu.sem_alloc : memref<!tpu.dma_semaphore, #tpu.memory_space<semaphore_mem>>
      %dma_start3A_218 = tpu.memref_slice %arg3[%mul3A_98] : memref<323584xi32, #tpu.memory_space<hbm>> -> memref<128xi32, #tpu.memory_space<hbm>>
      %dma_start3A_219 = tpu.memref_slice %arg3[%mul3A_98] : memref<323584xi32, #tpu.memory_space<hbm>> -> memref<128xi32, #tpu.memory_space<hbm>>
      tpu.enqueue_dma source(%dma_start3A_219 : memref<128xi32, #tpu.memory_space<hbm>>) target(%arg6 : memref<128xi32, #tpu.memory_space<vmem>>) target_semaphore(%run_scoped3A : memref<!tpu.dma_semaphore, #tpu.memory_space<semaphore_mem>>)
      %dma_wait3A_220 = tpu.memref_slice %arg3[%mul3A_98] : memref<323584xi32, #tpu.memory_space<hbm>> -> memref<128xi32, #tpu.memory_space<hbm>>
      %dma_wait3A_221 = tpu.memref_slice %arg3[%mul3A_98] : memref<323584xi32, #tpu.memory_space<hbm>> -> memref<128xi32, #tpu.memory_space<hbm>>
      tpu.wait_dma2 semaphore(%run_scoped3A : memref<!tpu.dma_semaphore, #tpu.memory_space<semaphore_mem>>) src(%dma_wait3A_221 : memref<128xi32, #tpu.memory_space<hbm>>) dst(%arg6 : memref<128xi32, #tpu.memory_space<vmem>>)
      tpu.yield
    }) : () -> ()
    %add3A_99 = arith.constant 128 : i32
    %add3A_100 = arith.addi %mul3A_98, %add3A_99 : i32
    "tpu.region"() ({
      %run_scoped3A = tpu.sem_alloc : memref<!tpu.dma_semaphore, #tpu.memory_space<semaphore_mem>>
      %dma_start3A_218 = tpu.memref_slice %arg3[%add3A_100] : memref<323584xi32, #tpu.memory_space<hbm>> -> memref<128xi32, #tpu.memory_space<hbm>>
      %dma_start3A_219 = tpu.memref_slice %arg3[%add3A_100] : memref<323584xi32, #tpu.memory_space<hbm>> -> memref<128xi32, #tpu.memory_space<hbm>>
      tpu.enqueue_dma source(%dma_start3A_219 : memref<128xi32, #tpu.memory_space<hbm>>) target(%arg7 : memref<128xi32, #tpu.memory_space<vmem>>) target_semaphore(%run_scoped3A : memref<!tpu.dma_semaphore, #tpu.memory_space<semaphore_mem>>)
      %dma_wait3A_220 = tpu.memref_slice %arg3[%add3A_100] : memref<323584xi32, #tpu.memory_space<hbm>> -> memref<128xi32, #tpu.memory_space<hbm>>
      %dma_wait3A_221 = tpu.memref_slice %arg3[%add3A_100] : memref<323584xi32, #tpu.memory_space<hbm>> -> memref<128xi32, #tpu.memory_space<hbm>>
      tpu.wait_dma2 semaphore(%run_scoped3A : memref<!tpu.dma_semaphore, #tpu.memory_space<semaphore_mem>>) src(%dma_wait3A_221 : memref<128xi32, #tpu.memory_space<hbm>>) dst(%arg7 : memref<128xi32, #tpu.memory_space<vmem>>)
      tpu.yield
    }) : () -> ()
    "tpu.region"() ({
      %run_scoped3A = tpu.sem_alloc : memref<!tpu.dma_semaphore, #tpu.memory_space<semaphore_mem>>
      %dma_start3A_218 = tpu.memref_slice %arg4[%mul3A_98] : memref<323584xi32, #tpu.memory_space<hbm>> -> memref<128xi32, #tpu.memory_space<hbm>>
      %dma_start3A_219 = tpu.memref_slice %arg4[%mul3A_98] : memref<323584xi32, #tpu.memory_space<hbm>> -> memref<128xi32, #tpu.memory_space<hbm>>
      tpu.enqueue_dma source(%dma_start3A_219 : memref<128xi32, #tpu.memory_space<hbm>>) target(%arg9 : memref<128xi32, #tpu.memory_space<vmem>>) target_semaphore(%run_scoped3A : memref<!tpu.dma_semaphore, #tpu.memory_space<semaphore_mem>>)
      %dma_wait3A_220 = tpu.memref_slice %arg4[%mul3A_98] : memref<323584xi32, #tpu.memory_space<hbm>> -> memref<128xi32, #tpu.memory_space<hbm>>
      %dma_wait3A_221 = tpu.memref_slice %arg4[%mul3A_98] : memref<323584xi32, #tpu.memory_space<hbm>> -> memref<128xi32, #tpu.memory_space<hbm>>
      tpu.wait_dma2 semaphore(%run_scoped3A : memref<!tpu.dma_semaphore, #tpu.memory_space<semaphore_mem>>) src(%dma_wait3A_221 : memref<128xi32, #tpu.memory_space<hbm>>) dst(%arg9 : memref<128xi32, #tpu.memory_space<vmem>>)
      tpu.yield
    }) : () -> ()
    %add3A_101 = arith.constant 128 : i32
    %add3A_102 = arith.addi %mul3A_98, %add3A_101 : i32
    "tpu.region"() ({
      %run_scoped3A = tpu.sem_alloc : memref<!tpu.dma_semaphore, #tpu.memory_space<semaphore_mem>>
      %dma_start3A_218 = tpu.memref_slice %arg4[%add3A_102] : memref<323584xi32, #tpu.memory_space<hbm>> -> memref<128xi32, #tpu.memory_space<hbm>>
      %dma_start3A_219 = tpu.memref_slice %arg4[%add3A_102] : memref<323584xi32, #tpu.memory_space<hbm>> -> memref<128xi32, #tpu.memory_space<hbm>>
      tpu.enqueue_dma source(%dma_start3A_219 : memref<128xi32, #tpu.memory_space<hbm>>) target(%arg10 : memref<128xi32, #tpu.memory_space<vmem>>) target_semaphore(%run_scoped3A : memref<!tpu.dma_semaphore, #tpu.memory_space<semaphore_mem>>)
      %dma_wait3A_220 = tpu.memref_slice %arg4[%add3A_102] : memref<323584xi32, #tpu.memory_space<hbm>> -> memref<128xi32, #tpu.memory_space<hbm>>
      %dma_wait3A_221 = tpu.memref_slice %arg4[%add3A_102] : memref<323584xi32, #tpu.memory_space<hbm>> -> memref<128xi32, #tpu.memory_space<hbm>>
      tpu.wait_dma2 semaphore(%run_scoped3A : memref<!tpu.dma_semaphore, #tpu.memory_space<semaphore_mem>>) src(%dma_wait3A_221 : memref<128xi32, #tpu.memory_space<hbm>>) dst(%arg10 : memref<128xi32, #tpu.memory_space<vmem>>)
      tpu.yield
    }) : () -> ()
    %dma_start3A_103 = arith.constant 0 : i32
    %dma_start3A_104 = arith.constant 0 : i32
    %dma_start3A_105 = tpu.memref_slice %arg2[%dma_start3A_103, %dma_start3A_104] : memref<10000x128xf32, #tpu.memory_space<hbm>> -> memref<10000x128xf32, #tpu.memory_space<hbm>>
    tpu.enqueue_indirect_dma source(%dma_start3A_105 : memref<10000x128xf32, #tpu.memory_space<hbm>>) target(%arg12 : memref<128x128xf32, #tpu.memory_space<vmem>>) offsets(%arg6 : memref<128xi32, #tpu.memory_space<vmem>>) semaphore(%arg16 : memref<!tpu.dma_semaphore, #tpu.memory_space<semaphore_mem>>)
    %dma_start3A_106 = arith.constant 0 : i32
    %dma_start3A_107 = arith.constant 0 : i32
    %dma_start3A_108 = tpu.memref_slice %arg2[%dma_start3A_106, %dma_start3A_107] : memref<10000x128xf32, #tpu.memory_space<hbm>> -> memref<10000x128xf32, #tpu.memory_space<hbm>>
    tpu.enqueue_indirect_dma source(%dma_start3A_108 : memref<10000x128xf32, #tpu.memory_space<hbm>>) target(%arg13 : memref<128x128xf32, #tpu.memory_space<vmem>>) offsets(%arg7 : memref<128xi32, #tpu.memory_space<vmem>>) semaphore(%arg17 : memref<!tpu.dma_semaphore, #tpu.memory_space<semaphore_mem>>)
    %add3A_109 = arith.constant 256 : i32
    %add3A_110 = arith.addi %mul3A_98, %add3A_109 : i32
    %dma_start3A_111 = tpu.memref_slice %arg3[%add3A_110] : memref<323584xi32, #tpu.memory_space<hbm>> -> memref<128xi32, #tpu.memory_space<hbm>>
    %dma_start3A_112 = tpu.memref_slice %arg3[%add3A_110] : memref<323584xi32, #tpu.memory_space<hbm>> -> memref<128xi32, #tpu.memory_space<hbm>>
    tpu.enqueue_dma source(%dma_start3A_112 : memref<128xi32, #tpu.memory_space<hbm>>) target(%arg8 : memref<128xi32, #tpu.memory_space<vmem>>) target_semaphore(%arg24 : memref<!tpu.dma_semaphore, #tpu.memory_space<semaphore_mem>>)
    %add3A_113 = arith.constant 256 : i32
    %add3A_114 = arith.addi %mul3A_98, %add3A_113 : i32
    %dma_start3A_115 = tpu.memref_slice %arg4[%add3A_114] : memref<323584xi32, #tpu.memory_space<hbm>> -> memref<128xi32, #tpu.memory_space<hbm>>
    %dma_start3A_116 = tpu.memref_slice %arg4[%add3A_114] : memref<323584xi32, #tpu.memory_space<hbm>> -> memref<128xi32, #tpu.memory_space<hbm>>
    tpu.enqueue_dma source(%dma_start3A_116 : memref<128xi32, #tpu.memory_space<hbm>>) target(%arg11 : memref<128xi32, #tpu.memory_space<vmem>>) target_semaphore(%arg27 : memref<!tpu.dma_semaphore, #tpu.memory_space<semaphore_mem>>)
    %dma_wait3A_117 = arith.constant 0 : i32
    %dma_wait3A_118 = arith.constant 0 : i32
    %dma_wait3A_119 = tpu.memref_slice %arg2[%dma_wait3A_117, %dma_wait3A_118] : memref<10000x128xf32, #tpu.memory_space<hbm>> -> memref<128x128xf32, #tpu.memory_space<hbm>>
    %dma_wait3A_120 = arith.constant 0 : i32
    %dma_wait3A_121 = arith.constant 0 : i32
    %dma_wait3A_122 = tpu.memref_slice %arg2[%dma_wait3A_120, %dma_wait3A_121] : memref<10000x128xf32, #tpu.memory_space<hbm>> -> memref<128x128xf32, #tpu.memory_space<hbm>>
    tpu.wait_dma2 semaphore(%arg16 : memref<!tpu.dma_semaphore, #tpu.memory_space<semaphore_mem>>) src(%dma_wait3A_122 : memref<128x128xf32, #tpu.memory_space<hbm>>) dst(%arg12 : memref<128x128xf32, #tpu.memory_space<vmem>>)
    %dma_start3A_123 = arith.constant 0 : i32
    %dma_start3A_124 = arith.constant 0 : i32
    %dma_start3A_125 = tpu.memref_slice %arg15[%dma_start3A_123, %dma_start3A_124] : memref<10112x128xf32, #tpu.memory_space<vmem_shared>> -> memref<10112x128xf32, #tpu.memory_space<vmem_shared>>
    tpu.enqueue_indirect_dma source(%arg12 : memref<128x128xf32, #tpu.memory_space<vmem>>) target(%dma_start3A_125 : memref<10112x128xf32, #tpu.memory_space<vmem_shared>>) offsets(%arg9 : memref<128xi32, #tpu.memory_space<vmem>>) semaphore(%arg19 : memref<!tpu.dma_semaphore, #tpu.memory_space<semaphore_mem>>) {add = true}
    %dma_wait3A_126 = arith.constant 0 : i32
    %dma_wait3A_127 = arith.constant 0 : i32
    %dma_wait3A_128 = tpu.memref_slice %arg2[%dma_wait3A_126, %dma_wait3A_127] : memref<10000x128xf32, #tpu.memory_space<hbm>> -> memref<128x128xf32, #tpu.memory_space<hbm>>
    %dma_wait3A_129 = arith.constant 0 : i32
    %dma_wait3A_130 = arith.constant 0 : i32
    %dma_wait3A_131 = tpu.memref_slice %arg2[%dma_wait3A_129, %dma_wait3A_130] : memref<10000x128xf32, #tpu.memory_space<hbm>> -> memref<128x128xf32, #tpu.memory_space<hbm>>
    tpu.wait_dma2 semaphore(%arg17 : memref<!tpu.dma_semaphore, #tpu.memory_space<semaphore_mem>>) src(%dma_wait3A_131 : memref<128x128xf32, #tpu.memory_space<hbm>>) dst(%arg13 : memref<128x128xf32, #tpu.memory_space<vmem>>)
    %dma_start3A_132 = arith.constant 0 : i32
    %dma_start3A_133 = arith.constant 0 : i32
    %dma_start3A_134 = tpu.memref_slice %arg15[%dma_start3A_132, %dma_start3A_133] : memref<10112x128xf32, #tpu.memory_space<vmem_shared>> -> memref<10112x128xf32, #tpu.memory_space<vmem_shared>>
    tpu.enqueue_indirect_dma source(%arg13 : memref<128x128xf32, #tpu.memory_space<vmem>>) target(%dma_start3A_134 : memref<10112x128xf32, #tpu.memory_space<vmem_shared>>) offsets(%arg10 : memref<128xi32, #tpu.memory_space<vmem>>) semaphore(%arg20 : memref<!tpu.dma_semaphore, #tpu.memory_space<semaphore_mem>>) {add = true}
    %dma_wait3A_135 = arith.constant 0 : i32
    %dma_wait3A_136 = tpu.memref_slice %arg3[%dma_wait3A_135] : memref<323584xi32, #tpu.memory_space<hbm>> -> memref<128xi32, #tpu.memory_space<hbm>>
    %dma_wait3A_137 = arith.constant 0 : i32
    %dma_wait3A_138 = tpu.memref_slice %arg3[%dma_wait3A_137] : memref<323584xi32, #tpu.memory_space<hbm>> -> memref<128xi32, #tpu.memory_space<hbm>>
    tpu.wait_dma2 semaphore(%arg24 : memref<!tpu.dma_semaphore, #tpu.memory_space<semaphore_mem>>) src(%dma_wait3A_138 : memref<128xi32, #tpu.memory_space<hbm>>) dst(%arg8 : memref<128xi32, #tpu.memory_space<vmem>>)
    %dma_start3A_139 = arith.constant 0 : i32
    %dma_start3A_140 = arith.constant 0 : i32
    %dma_start3A_141 = tpu.memref_slice %arg2[%dma_start3A_139, %dma_start3A_140] : memref<10000x128xf32, #tpu.memory_space<hbm>> -> memref<10000x128xf32, #tpu.memory_space<hbm>>
    tpu.enqueue_indirect_dma source(%dma_start3A_141 : memref<10000x128xf32, #tpu.memory_space<hbm>>) target(%arg14 : memref<128x128xf32, #tpu.memory_space<vmem>>) offsets(%arg8 : memref<128xi32, #tpu.memory_space<vmem>>) semaphore(%arg18 : memref<!tpu.dma_semaphore, #tpu.memory_space<semaphore_mem>>)
    %add3A_142 = arith.constant 384 : i32
    %add3A_143 = arith.addi %mul3A_98, %add3A_142 : i32
    %dma_start3A_144 = tpu.memref_slice %arg3[%add3A_143] : memref<323584xi32, #tpu.memory_space<hbm>> -> memref<128xi32, #tpu.memory_space<hbm>>
    %dma_start3A_145 = tpu.memref_slice %arg3[%add3A_143] : memref<323584xi32, #tpu.memory_space<hbm>> -> memref<128xi32, #tpu.memory_space<hbm>>
    tpu.enqueue_dma source(%dma_start3A_145 : memref<128xi32, #tpu.memory_space<hbm>>) target(%arg6 : memref<128xi32, #tpu.memory_space<vmem>>) target_semaphore(%arg22 : memref<!tpu.dma_semaphore, #tpu.memory_space<semaphore_mem>>)
    %scan3A_146 = arith.constant 0 : i32
    %scan3A_147 = arith.constant 0 : i32
    %scan3A_148 = arith.constant 25 : i32
    %scan3A_149 = arith.addi %scan3A_147, %scan3A_148 : i32
    %scan3A_150 = arith.constant 1 : i32
    scf.for %scan3A_218 = %scan3A_147 to %scan3A_149 step %scan3A_150  : i32 {
      %mul3A_219 = arith.constant 3 : i32
      %mul3A_220 = arith.muli %scan3A_218, %mul3A_219 : i32
      %add3A_221 = arith.constant 2 : i32
      %add3A_222 = arith.addi %add3A_221, %mul3A_220 : i32
      %add3A_223 = arith.constant 0 : i32
      %add3A_224 = arith.addi %add3A_222, %add3A_223 : i32
      %dma_wait3A_225 = arith.constant 0 : i32
      %dma_wait3A_226 = arith.constant 0 : i32
      %dma_wait3A_227 = tpu.memref_slice %arg2[%dma_wait3A_225, %dma_wait3A_226] : memref<10000x128xf32, #tpu.memory_space<hbm>> -> memref<128x128xf32, #tpu.memory_space<hbm>>
      %dma_wait3A_228 = arith.constant 0 : i32
      %dma_wait3A_229 = arith.constant 0 : i32
      %dma_wait3A_230 = tpu.memref_slice %arg2[%dma_wait3A_228, %dma_wait3A_229] : memref<10000x128xf32, #tpu.memory_space<hbm>> -> memref<128x128xf32, #tpu.memory_space<hbm>>
      tpu.wait_dma2 semaphore(%arg18 : memref<!tpu.dma_semaphore, #tpu.memory_space<semaphore_mem>>) src(%dma_wait3A_230 : memref<128x128xf32, #tpu.memory_space<hbm>>) dst(%arg14 : memref<128x128xf32, #tpu.memory_space<vmem>>)
      %dma_wait3A_231 = arith.constant 0 : i32
      %dma_wait3A_232 = tpu.memref_slice %arg4[%dma_wait3A_231] : memref<323584xi32, #tpu.memory_space<hbm>> -> memref<128xi32, #tpu.memory_space<hbm>>
      %dma_wait3A_233 = arith.constant 0 : i32
      %dma_wait3A_234 = tpu.memref_slice %arg4[%dma_wait3A_233] : memref<323584xi32, #tpu.memory_space<hbm>> -> memref<128xi32, #tpu.memory_space<hbm>>
      tpu.wait_dma2 semaphore(%arg27 : memref<!tpu.dma_semaphore, #tpu.memory_space<semaphore_mem>>) src(%dma_wait3A_234 : memref<128xi32, #tpu.memory_space<hbm>>) dst(%arg11 : memref<128xi32, #tpu.memory_space<vmem>>)
      %dma_start3A_235 = arith.constant 0 : i32
      %dma_start3A_236 = arith.constant 0 : i32
      %dma_start3A_237 = tpu.memref_slice %arg15[%dma_start3A_235, %dma_start3A_236] : memref<10112x128xf32, #tpu.memory_space<vmem_shared>> -> memref<10112x128xf32, #tpu.memory_space<vmem_shared>>
      tpu.enqueue_indirect_dma source(%arg14 : memref<128x128xf32, #tpu.memory_space<vmem>>) target(%dma_start3A_237 : memref<10112x128xf32, #tpu.memory_space<vmem_shared>>) offsets(%arg11 : memref<128xi32, #tpu.memory_space<vmem>>) semaphore(%arg21 : memref<!tpu.dma_semaphore, #tpu.memory_space<semaphore_mem>>) {add = true}
      %dma_wait3A_238 = arith.constant 0 : i32
      %dma_wait3A_239 = arith.constant 0 : i32
      %dma_wait3A_240 = tpu.memref_slice %arg2[%dma_wait3A_238, %dma_wait3A_239] : memref<10000x128xf32, #tpu.memory_space<hbm>> -> memref<128x128xf32, #tpu.memory_space<hbm>>
      %dma_wait3A_241 = arith.constant 0 : i32
      %dma_wait3A_242 = arith.constant 0 : i32
      %dma_wait3A_243 = tpu.memref_slice %arg2[%dma_wait3A_241, %dma_wait3A_242] : memref<10000x128xf32, #tpu.memory_space<hbm>> -> memref<128x128xf32, #tpu.memory_space<hbm>>
      tpu.wait_dma2 semaphore(%arg19 : memref<!tpu.dma_semaphore, #tpu.memory_space<semaphore_mem>>) src(%dma_wait3A_243 : memref<128x128xf32, #tpu.memory_space<hbm>>) dst(%arg12 : memref<128x128xf32, #tpu.memory_space<vmem>>)
      %add3A_244 = arith.constant 1 : i32
      %add3A_245 = arith.addi %add3A_224, %add3A_244 : i32
      %mul3A_246 = arith.constant 128 : i32
      %mul3A_247 = arith.muli %add3A_245, %mul3A_246 : i32
      %add3A_248 = arith.addi %mul3A_98, %mul3A_247 : i32
      %dma_start3A_249 = tpu.memref_slice %arg4[%add3A_248] : memref<323584xi32, #tpu.memory_space<hbm>> -> memref<128xi32, #tpu.memory_space<hbm>>
      %dma_start3A_250 = tpu.memref_slice %arg4[%add3A_248] : memref<323584xi32, #tpu.memory_space<hbm>> -> memref<128xi32, #tpu.memory_space<hbm>>
      tpu.enqueue_dma source(%dma_start3A_250 : memref<128xi32, #tpu.memory_space<hbm>>) target(%arg9 : memref<128xi32, #tpu.memory_space<vmem>>) target_semaphore(%arg25 : memref<!tpu.dma_semaphore, #tpu.memory_space<semaphore_mem>>)
      %dma_wait3A_251 = arith.constant 0 : i32
      %dma_wait3A_252 = tpu.memref_slice %arg3[%dma_wait3A_251] : memref<323584xi32, #tpu.memory_space<hbm>> -> memref<128xi32, #tpu.memory_space<hbm>>
      %dma_wait3A_253 = arith.constant 0 : i32
      %dma_wait3A_254 = tpu.memref_slice %arg3[%dma_wait3A_253] : memref<323584xi32, #tpu.memory_space<hbm>> -> memref<128xi32, #tpu.memory_space<hbm>>
      tpu.wait_dma2 semaphore(%arg22 : memref<!tpu.dma_semaphore, #tpu.memory_space<semaphore_mem>>) src(%dma_wait3A_254 : memref<128xi32, #tpu.memory_space<hbm>>) dst(%arg6 : memref<128xi32, #tpu.memory_space<vmem>>)
      %add3A_255 = arith.constant 1 : i32
      %add3A_256 = arith.addi %add3A_224, %add3A_255 : i32
      %dma_start3A_257 = arith.constant 0 : i32
      %dma_start3A_258 = arith.constant 0 : i32
      %dma_start3A_259 = tpu.memref_slice %arg2[%dma_start3A_257, %dma_start3A_258] : memref<10000x128xf32, #tpu.memory_space<hbm>> -> memref<10000x128xf32, #tpu.memory_space<hbm>>
      tpu.enqueue_indirect_dma source(%dma_start3A_259 : memref<10000x128xf32, #tpu.memory_space<hbm>>) target(%arg12 : memref<128x128xf32, #tpu.memory_space<vmem>>) offsets(%arg6 : memref<128xi32, #tpu.memory_space<vmem>>) semaphore(%arg16 : memref<!tpu.dma_semaphore, #tpu.memory_space<semaphore_mem>>)
      %add3A_260 = arith.constant 2 : i32
      %add3A_261 = arith.addi %add3A_224, %add3A_260 : i32
      %mul3A_262 = arith.constant 128 : i32
      %mul3A_263 = arith.muli %add3A_261, %mul3A_262 : i32
      %add3A_264 = arith.addi %mul3A_98, %mul3A_263 : i32
      %dma_start3A_265 = tpu.memref_slice %arg3[%add3A_264] : memref<323584xi32, #tpu.memory_space<hbm>> -> memref<128xi32, #tpu.memory_space<hbm>>
      %dma_start3A_266 = tpu.memref_slice %arg3[%add3A_264] : memref<323584xi32, #tpu.memory_space<hbm>> -> memref<128xi32, #tpu.memory_space<hbm>>
      tpu.enqueue_dma source(%dma_start3A_266 : memref<128xi32, #tpu.memory_space<hbm>>) target(%arg7 : memref<128xi32, #tpu.memory_space<vmem>>) target_semaphore(%arg23 : memref<!tpu.dma_semaphore, #tpu.memory_space<semaphore_mem>>)
      %mul3A_267 = arith.constant 3 : i32
      %mul3A_268 = arith.muli %scan3A_218, %mul3A_267 : i32
      %add3A_269 = arith.constant 2 : i32
      %add3A_270 = arith.addi %add3A_269, %mul3A_268 : i32
      %add3A_271 = arith.constant 1 : i32
      %add3A_272 = arith.addi %add3A_270, %add3A_271 : i32
      %dma_wait3A_273 = arith.constant 0 : i32
      %dma_wait3A_274 = arith.constant 0 : i32
      %dma_wait3A_275 = tpu.memref_slice %arg2[%dma_wait3A_273, %dma_wait3A_274] : memref<10000x128xf32, #tpu.memory_space<hbm>> -> memref<128x128xf32, #tpu.memory_space<hbm>>
      %dma_wait3A_276 = arith.constant 0 : i32
      %dma_wait3A_277 = arith.constant 0 : i32
      %dma_wait3A_278 = tpu.memref_slice %arg2[%dma_wait3A_276, %dma_wait3A_277] : memref<10000x128xf32, #tpu.memory_space<hbm>> -> memref<128x128xf32, #tpu.memory_space<hbm>>
      tpu.wait_dma2 semaphore(%arg16 : memref<!tpu.dma_semaphore, #tpu.memory_space<semaphore_mem>>) src(%dma_wait3A_278 : memref<128x128xf32, #tpu.memory_space<hbm>>) dst(%arg12 : memref<128x128xf32, #tpu.memory_space<vmem>>)
      %dma_wait3A_279 = arith.constant 0 : i32
      %dma_wait3A_280 = tpu.memref_slice %arg4[%dma_wait3A_279] : memref<323584xi32, #tpu.memory_space<hbm>> -> memref<128xi32, #tpu.memory_space<hbm>>
      %dma_wait3A_281 = arith.constant 0 : i32
      %dma_wait3A_282 = tpu.memref_slice %arg4[%dma_wait3A_281] : memref<323584xi32, #tpu.memory_space<hbm>> -> memref<128xi32, #tpu.memory_space<hbm>>
      tpu.wait_dma2 semaphore(%arg25 : memref<!tpu.dma_semaphore, #tpu.memory_space<semaphore_mem>>) src(%dma_wait3A_282 : memref<128xi32, #tpu.memory_space<hbm>>) dst(%arg9 : memref<128xi32, #tpu.memory_space<vmem>>)
      %dma_start3A_283 = arith.constant 0 : i32
      %dma_start3A_284 = arith.constant 0 : i32
      %dma_start3A_285 = tpu.memref_slice %arg15[%dma_start3A_283, %dma_start3A_284] : memref<10112x128xf32, #tpu.memory_space<vmem_shared>> -> memref<10112x128xf32, #tpu.memory_space<vmem_shared>>
      tpu.enqueue_indirect_dma source(%arg12 : memref<128x128xf32, #tpu.memory_space<vmem>>) target(%dma_start3A_285 : memref<10112x128xf32, #tpu.memory_space<vmem_shared>>) offsets(%arg9 : memref<128xi32, #tpu.memory_space<vmem>>) semaphore(%arg19 : memref<!tpu.dma_semaphore, #tpu.memory_space<semaphore_mem>>) {add = true}
      %dma_wait3A_286 = arith.constant 0 : i32
      %dma_wait3A_287 = arith.constant 0 : i32
      %dma_wait3A_288 = tpu.memref_slice %arg2[%dma_wait3A_286, %dma_wait3A_287] : memref<10000x128xf32, #tpu.memory_space<hbm>> -> memref<128x128xf32, #tpu.memory_space<hbm>>
      %dma_wait3A_289 = arith.constant 0 : i32
      %dma_wait3A_290 = arith.constant 0 : i32
      %dma_wait3A_291 = tpu.memref_slice %arg2[%dma_wait3A_289, %dma_wait3A_290] : memref<10000x128xf32, #tpu.memory_space<hbm>> -> memref<128x128xf32, #tpu.memory_space<hbm>>
      tpu.wait_dma2 semaphore(%arg20 : memref<!tpu.dma_semaphore, #tpu.memory_space<semaphore_mem>>) src(%dma_wait3A_291 : memref<128x128xf32, #tpu.memory_space<hbm>>) dst(%arg13 : memref<128x128xf32, #tpu.memory_space<vmem>>)
      %add3A_292 = arith.constant 1 : i32
      %add3A_293 = arith.addi %add3A_272, %add3A_292 : i32
      %mul3A_294 = arith.constant 128 : i32
      %mul3A_295 = arith.muli %add3A_293, %mul3A_294 : i32
      %add3A_296 = arith.addi %mul3A_98, %mul3A_295 : i32
      %dma_start3A_297 = tpu.memref_slice %arg4[%add3A_296] : memref<323584xi32, #tpu.memory_space<hbm>> -> memref<128xi32, #tpu.memory_space<hbm>>
      %dma_start3A_298 = tpu.memref_slice %arg4[%add3A_296] : memref<323584xi32, #tpu.memory_space<hbm>> -> memref<128xi32, #tpu.memory_space<hbm>>
      tpu.enqueue_dma source(%dma_start3A_298 : memref<128xi32, #tpu.memory_space<hbm>>) target(%arg10 : memref<128xi32, #tpu.memory_space<vmem>>) target_semaphore(%arg26 : memref<!tpu.dma_semaphore, #tpu.memory_space<semaphore_mem>>)
      %dma_wait3A_299 = arith.constant 0 : i32
      %dma_wait3A_300 = tpu.memref_slice %arg3[%dma_wait3A_299] : memref<323584xi32, #tpu.memory_space<hbm>> -> memref<128xi32, #tpu.memory_space<hbm>>
      %dma_wait3A_301 = arith.constant 0 : i32
      %dma_wait3A_302 = tpu.memref_slice %arg3[%dma_wait3A_301] : memref<323584xi32, #tpu.memory_space<hbm>> -> memref<128xi32, #tpu.memory_space<hbm>>
      tpu.wait_dma2 semaphore(%arg23 : memref<!tpu.dma_semaphore, #tpu.memory_space<semaphore_mem>>) src(%dma_wait3A_302 : memref<128xi32, #tpu.memory_space<hbm>>) dst(%arg7 : memref<128xi32, #tpu.memory_space<vmem>>)
      %add3A_303 = arith.constant 1 : i32
      %add3A_304 = arith.addi %add3A_272, %add3A_303 : i32
      %dma_start3A_305 = arith.constant 0 : i32
      %dma_start3A_306 = arith.constant 0 : i32
      %dma_start3A_307 = tpu.memref_slice %arg2[%dma_start3A_305, %dma_start3A_306] : memref<10000x128xf32, #tpu.memory_space<hbm>> -> memref<10000x128xf32, #tpu.memory_space<hbm>>
      tpu.enqueue_indirect_dma source(%dma_start3A_307 : memref<10000x128xf32, #tpu.memory_space<hbm>>) target(%arg13 : memref<128x128xf32, #tpu.memory_space<vmem>>) offsets(%arg7 : memref<128xi32, #tpu.memory_space<vmem>>) semaphore(%arg17 : memref<!tpu.dma_semaphore, #tpu.memory_space<semaphore_mem>>)
      %add3A_308 = arith.constant 2 : i32
      %add3A_309 = arith.addi %add3A_272, %add3A_308 : i32
      %mul3A_310 = arith.constant 128 : i32
      %mul3A_311 = arith.muli %add3A_309, %mul3A_310 : i32
      %add3A_312 = arith.addi %mul3A_98, %mul3A_311 : i32
      %dma_start3A_313 = tpu.memref_slice %arg3[%add3A_312] : memref<323584xi32, #tpu.memory_space<hbm>> -> memref<128xi32, #tpu.memory_space<hbm>>
      %dma_start3A_314 = tpu.memref_slice %arg3[%add3A_312] : memref<323584xi32, #tpu.memory_space<hbm>> -> memref<128xi32, #tpu.memory_space<hbm>>
      tpu.enqueue_dma source(%dma_start3A_314 : memref<128xi32, #tpu.memory_space<hbm>>) target(%arg8 : memref<128xi32, #tpu.memory_space<vmem>>) target_semaphore(%arg24 : memref<!tpu.dma_semaphore, #tpu.memory_space<semaphore_mem>>)
      %mul3A_315 = arith.constant 3 : i32
      %mul3A_316 = arith.muli %scan3A_218, %mul3A_315 : i32
      %add3A_317 = arith.constant 2 : i32
      %add3A_318 = arith.addi %add3A_317, %mul3A_316 : i32
      %add3A_319 = arith.constant 2 : i32
      %add3A_320 = arith.addi %add3A_318, %add3A_319 : i32
      %dma_wait3A_321 = arith.constant 0 : i32
      %dma_wait3A_322 = arith.constant 0 : i32
      %dma_wait3A_323 = tpu.memref_slice %arg2[%dma_wait3A_321, %dma_wait3A_322] : memref<10000x128xf32, #tpu.memory_space<hbm>> -> memref<128x128xf32, #tpu.memory_space<hbm>>
      %dma_wait3A_324 = arith.constant 0 : i32
      %dma_wait3A_325 = arith.constant 0 : i32
      %dma_wait3A_326 = tpu.memref_slice %arg2[%dma_wait3A_324, %dma_wait3A_325] : memref<10000x128xf32, #tpu.memory_space<hbm>> -> memref<128x128xf32, #tpu.memory_space<hbm>>
      tpu.wait_dma2 semaphore(%arg17 : memref<!tpu.dma_semaphore, #tpu.memory_space<semaphore_mem>>) src(%dma_wait3A_326 : memref<128x128xf32, #tpu.memory_space<hbm>>) dst(%arg13 : memref<128x128xf32, #tpu.memory_space<vmem>>)
      %dma_wait3A_327 = arith.constant 0 : i32
      %dma_wait3A_328 = tpu.memref_slice %arg4[%dma_wait3A_327] : memref<323584xi32, #tpu.memory_space<hbm>> -> memref<128xi32, #tpu.memory_space<hbm>>
      %dma_wait3A_329 = arith.constant 0 : i32
      %dma_wait3A_330 = tpu.memref_slice %arg4[%dma_wait3A_329] : memref<323584xi32, #tpu.memory_space<hbm>> -> memref<128xi32, #tpu.memory_space<hbm>>
      tpu.wait_dma2 semaphore(%arg26 : memref<!tpu.dma_semaphore, #tpu.memory_space<semaphore_mem>>) src(%dma_wait3A_330 : memref<128xi32, #tpu.memory_space<hbm>>) dst(%arg10 : memref<128xi32, #tpu.memory_space<vmem>>)
      %dma_start3A_331 = arith.constant 0 : i32
      %dma_start3A_332 = arith.constant 0 : i32
      %dma_start3A_333 = tpu.memref_slice %arg15[%dma_start3A_331, %dma_start3A_332] : memref<10112x128xf32, #tpu.memory_space<vmem_shared>> -> memref<10112x128xf32, #tpu.memory_space<vmem_shared>>
      tpu.enqueue_indirect_dma source(%arg13 : memref<128x128xf32, #tpu.memory_space<vmem>>) target(%dma_start3A_333 : memref<10112x128xf32, #tpu.memory_space<vmem_shared>>) offsets(%arg10 : memref<128xi32, #tpu.memory_space<vmem>>) semaphore(%arg20 : memref<!tpu.dma_semaphore, #tpu.memory_space<semaphore_mem>>) {add = true}
      %dma_wait3A_334 = arith.constant 0 : i32
      %dma_wait3A_335 = arith.constant 0 : i32
      %dma_wait3A_336 = tpu.memref_slice %arg2[%dma_wait3A_334, %dma_wait3A_335] : memref<10000x128xf32, #tpu.memory_space<hbm>> -> memref<128x128xf32, #tpu.memory_space<hbm>>
      %dma_wait3A_337 = arith.constant 0 : i32
      %dma_wait3A_338 = arith.constant 0 : i32
      %dma_wait3A_339 = tpu.memref_slice %arg2[%dma_wait3A_337, %dma_wait3A_338] : memref<10000x128xf32, #tpu.memory_space<hbm>> -> memref<128x128xf32, #tpu.memory_space<hbm>>
      tpu.wait_dma2 semaphore(%arg21 : memref<!tpu.dma_semaphore, #tpu.memory_space<semaphore_mem>>) src(%dma_wait3A_339 : memref<128x128xf32, #tpu.memory_space<hbm>>) dst(%arg14 : memref<128x128xf32, #tpu.memory_space<vmem>>)
      %add3A_340 = arith.constant 1 : i32
      %add3A_341 = arith.addi %add3A_320, %add3A_340 : i32
      %mul3A_342 = arith.constant 128 : i32
      %mul3A_343 = arith.muli %add3A_341, %mul3A_342 : i32
      %add3A_344 = arith.addi %mul3A_98, %mul3A_343 : i32
      %dma_start3A_345 = tpu.memref_slice %arg4[%add3A_344] : memref<323584xi32, #tpu.memory_space<hbm>> -> memref<128xi32, #tpu.memory_space<hbm>>
      %dma_start3A_346 = tpu.memref_slice %arg4[%add3A_344] : memref<323584xi32, #tpu.memory_space<hbm>> -> memref<128xi32, #tpu.memory_space<hbm>>
      tpu.enqueue_dma source(%dma_start3A_346 : memref<128xi32, #tpu.memory_space<hbm>>) target(%arg11 : memref<128xi32, #tpu.memory_space<vmem>>) target_semaphore(%arg27 : memref<!tpu.dma_semaphore, #tpu.memory_space<semaphore_mem>>)
      %dma_wait3A_347 = arith.constant 0 : i32
      %dma_wait3A_348 = tpu.memref_slice %arg3[%dma_wait3A_347] : memref<323584xi32, #tpu.memory_space<hbm>> -> memref<128xi32, #tpu.memory_space<hbm>>
      %dma_wait3A_349 = arith.constant 0 : i32
      %dma_wait3A_350 = tpu.memref_slice %arg3[%dma_wait3A_349] : memref<323584xi32, #tpu.memory_space<hbm>> -> memref<128xi32, #tpu.memory_space<hbm>>
      tpu.wait_dma2 semaphore(%arg24 : memref<!tpu.dma_semaphore, #tpu.memory_space<semaphore_mem>>) src(%dma_wait3A_350 : memref<128xi32, #tpu.memory_space<hbm>>) dst(%arg8 : memref<128xi32, #tpu.memory_space<vmem>>)
      %add3A_351 = arith.constant 1 : i32
      %add3A_352 = arith.addi %add3A_320, %add3A_351 : i32
      %dma_start3A_353 = arith.constant 0 : i32
      %dma_start3A_354 = arith.constant 0 : i32
      %dma_start3A_355 = tpu.memref_slice %arg2[%dma_start3A_353, %dma_start3A_354] : memref<10000x128xf32, #tpu.memory_space<hbm>> -> memref<10000x128xf32, #tpu.memory_space<hbm>>
      tpu.enqueue_indirect_dma source(%dma_start3A_355 : memref<10000x128xf32, #tpu.memory_space<hbm>>) target(%arg14 : memref<128x128xf32, #tpu.memory_space<vmem>>) offsets(%arg8 : memref<128xi32, #tpu.memory_space<vmem>>) semaphore(%arg18 : memref<!tpu.dma_semaphore, #tpu.memory_space<semaphore_mem>>)
      %add3A_356 = arith.constant 2 : i32
      %add3A_357 = arith.addi %add3A_320, %add3A_356 : i32
      %mul3A_358 = arith.constant 128 : i32
      %mul3A_359 = arith.muli %add3A_357, %mul3A_358 : i32
      %add3A_360 = arith.addi %mul3A_98, %mul3A_359 : i32
      %dma_start3A_361 = tpu.memref_slice %arg3[%add3A_360] : memref<323584xi32, #tpu.memory_space<hbm>> -> memref<128xi32, #tpu.memory_space<hbm>>
      %dma_start3A_362 = tpu.memref_slice %arg3[%add3A_360] : memref<323584xi32, #tpu.memory_space<hbm>> -> memref<128xi32, #tpu.memory_space<hbm>>
      tpu.enqueue_dma source(%dma_start3A_362 : memref<128xi32, #tpu.memory_space<hbm>>) target(%arg6 : memref<128xi32, #tpu.memory_space<vmem>>) target_semaphore(%arg22 : memref<!tpu.dma_semaphore, #tpu.memory_space<semaphore_mem>>)
    }
    %scan3A_151 = arith.constant 25 : i32
    %dma_wait3A_152 = arith.constant 0 : i32
    %dma_wait3A_153 = arith.constant 0 : i32
    %dma_wait3A_154 = tpu.memref_slice %arg2[%dma_wait3A_152, %dma_wait3A_153] : memref<10000x128xf32, #tpu.memory_space<hbm>> -> memref<128x128xf32, #tpu.memory_space<hbm>>
    %dma_wait3A_155 = arith.constant 0 : i32
    %dma_wait3A_156 = arith.constant 0 : i32
    %dma_wait3A_157 = tpu.memref_slice %arg2[%dma_wait3A_155, %dma_wait3A_156] : memref<10000x128xf32, #tpu.memory_space<hbm>> -> memref<128x128xf32, #tpu.memory_space<hbm>>
    tpu.wait_dma2 semaphore(%arg18 : memref<!tpu.dma_semaphore, #tpu.memory_space<semaphore_mem>>) src(%dma_wait3A_157 : memref<128x128xf32, #tpu.memory_space<hbm>>) dst(%arg14 : memref<128x128xf32, #tpu.memory_space<vmem>>)
    %dma_wait3A_158 = arith.constant 0 : i32
    %dma_wait3A_159 = tpu.memref_slice %arg4[%dma_wait3A_158] : memref<323584xi32, #tpu.memory_space<hbm>> -> memref<128xi32, #tpu.memory_space<hbm>>
    %dma_wait3A_160 = arith.constant 0 : i32
    %dma_wait3A_161 = tpu.memref_slice %arg4[%dma_wait3A_160] : memref<323584xi32, #tpu.memory_space<hbm>> -> memref<128xi32, #tpu.memory_space<hbm>>
    tpu.wait_dma2 semaphore(%arg27 : memref<!tpu.dma_semaphore, #tpu.memory_space<semaphore_mem>>) src(%dma_wait3A_161 : memref<128xi32, #tpu.memory_space<hbm>>) dst(%arg11 : memref<128xi32, #tpu.memory_space<vmem>>)
    %dma_start3A_162 = arith.constant 0 : i32
    %dma_start3A_163 = arith.constant 0 : i32
    %dma_start3A_164 = tpu.memref_slice %arg15[%dma_start3A_162, %dma_start3A_163] : memref<10112x128xf32, #tpu.memory_space<vmem_shared>> -> memref<10112x128xf32, #tpu.memory_space<vmem_shared>>
    tpu.enqueue_indirect_dma source(%arg14 : memref<128x128xf32, #tpu.memory_space<vmem>>) target(%dma_start3A_164 : memref<10112x128xf32, #tpu.memory_space<vmem_shared>>) offsets(%arg11 : memref<128xi32, #tpu.memory_space<vmem>>) semaphore(%arg21 : memref<!tpu.dma_semaphore, #tpu.memory_space<semaphore_mem>>) {add = true}
    %dma_wait3A_165 = arith.constant 0 : i32
    %dma_wait3A_166 = arith.constant 0 : i32
    %dma_wait3A_167 = tpu.memref_slice %arg2[%dma_wait3A_165, %dma_wait3A_166] : memref<10000x128xf32, #tpu.memory_space<hbm>> -> memref<128x128xf32, #tpu.memory_space<hbm>>
    %dma_wait3A_168 = arith.constant 0 : i32
    %dma_wait3A_169 = arith.constant 0 : i32
    %dma_wait3A_170 = tpu.memref_slice %arg2[%dma_wait3A_168, %dma_wait3A_169] : memref<10000x128xf32, #tpu.memory_space<hbm>> -> memref<128x128xf32, #tpu.memory_space<hbm>>
    tpu.wait_dma2 semaphore(%arg19 : memref<!tpu.dma_semaphore, #tpu.memory_space<semaphore_mem>>) src(%dma_wait3A_170 : memref<128x128xf32, #tpu.memory_space<hbm>>) dst(%arg12 : memref<128x128xf32, #tpu.memory_space<vmem>>)
    %add3A_171 = arith.constant 9984 : i32
    %add3A_172 = arith.addi %mul3A_98, %add3A_171 : i32
    %dma_start3A_173 = tpu.memref_slice %arg4[%add3A_172] : memref<323584xi32, #tpu.memory_space<hbm>> -> memref<128xi32, #tpu.memory_space<hbm>>
    %dma_start3A_174 = tpu.memref_slice %arg4[%add3A_172] : memref<323584xi32, #tpu.memory_space<hbm>> -> memref<128xi32, #tpu.memory_space<hbm>>
    tpu.enqueue_dma source(%dma_start3A_174 : memref<128xi32, #tpu.memory_space<hbm>>) target(%arg9 : memref<128xi32, #tpu.memory_space<vmem>>) target_semaphore(%arg25 : memref<!tpu.dma_semaphore, #tpu.memory_space<semaphore_mem>>)
    %dma_wait3A_175 = arith.constant 0 : i32
    %dma_wait3A_176 = tpu.memref_slice %arg3[%dma_wait3A_175] : memref<323584xi32, #tpu.memory_space<hbm>> -> memref<128xi32, #tpu.memory_space<hbm>>
    %dma_wait3A_177 = arith.constant 0 : i32
    %dma_wait3A_178 = tpu.memref_slice %arg3[%dma_wait3A_177] : memref<323584xi32, #tpu.memory_space<hbm>> -> memref<128xi32, #tpu.memory_space<hbm>>
    tpu.wait_dma2 semaphore(%arg22 : memref<!tpu.dma_semaphore, #tpu.memory_space<semaphore_mem>>) src(%dma_wait3A_178 : memref<128xi32, #tpu.memory_space<hbm>>) dst(%arg6 : memref<128xi32, #tpu.memory_space<vmem>>)
    %dma_start3A_179 = arith.constant 0 : i32
    %dma_start3A_180 = arith.constant 0 : i32
    %dma_start3A_181 = tpu.memref_slice %arg2[%dma_start3A_179, %dma_start3A_180] : memref<10000x128xf32, #tpu.memory_space<hbm>> -> memref<10000x128xf32, #tpu.memory_space<hbm>>
    tpu.enqueue_indirect_dma source(%dma_start3A_181 : memref<10000x128xf32, #tpu.memory_space<hbm>>) target(%arg12 : memref<128x128xf32, #tpu.memory_space<vmem>>) offsets(%arg6 : memref<128xi32, #tpu.memory_space<vmem>>) semaphore(%arg16 : memref<!tpu.dma_semaphore, #tpu.memory_space<semaphore_mem>>)
    %dma_wait3A_182 = arith.constant 0 : i32
    %dma_wait3A_183 = arith.constant 0 : i32
    %dma_wait3A_184 = tpu.memref_slice %arg2[%dma_wait3A_182, %dma_wait3A_183] : memref<10000x128xf32, #tpu.memory_space<hbm>> -> memref<128x128xf32, #tpu.memory_space<hbm>>
    %dma_wait3A_185 = arith.constant 0 : i32
    %dma_wait3A_186 = arith.constant 0 : i32
    %dma_wait3A_187 = tpu.memref_slice %arg2[%dma_wait3A_185, %dma_wait3A_186] : memref<10000x128xf32, #tpu.memory_space<hbm>> -> memref<128x128xf32, #tpu.memory_space<hbm>>
    tpu.wait_dma2 semaphore(%arg16 : memref<!tpu.dma_semaphore, #tpu.memory_space<semaphore_mem>>) src(%dma_wait3A_187 : memref<128x128xf32, #tpu.memory_space<hbm>>) dst(%arg12 : memref<128x128xf32, #tpu.memory_space<vmem>>)
    %dma_wait3A_188 = arith.constant 0 : i32
    %dma_wait3A_189 = tpu.memref_slice %arg4[%dma_wait3A_188] : memref<323584xi32, #tpu.memory_space<hbm>> -> memref<128xi32, #tpu.memory_space<hbm>>
    %dma_wait3A_190 = arith.constant 0 : i32
    %dma_wait3A_191 = tpu.memref_slice %arg4[%dma_wait3A_190] : memref<323584xi32, #tpu.memory_space<hbm>> -> memref<128xi32, #tpu.memory_space<hbm>>
    tpu.wait_dma2 semaphore(%arg25 : memref<!tpu.dma_semaphore, #tpu.memory_space<semaphore_mem>>) src(%dma_wait3A_191 : memref<128xi32, #tpu.memory_space<hbm>>) dst(%arg9 : memref<128xi32, #tpu.memory_space<vmem>>)
    %dma_start3A_192 = arith.constant 0 : i32
    %dma_start3A_193 = arith.constant 0 : i32
    %dma_start3A_194 = tpu.memref_slice %arg15[%dma_start3A_192, %dma_start3A_193] : memref<10112x128xf32, #tpu.memory_space<vmem_shared>> -> memref<10112x128xf32, #tpu.memory_space<vmem_shared>>
    tpu.enqueue_indirect_dma source(%arg12 : memref<128x128xf32, #tpu.memory_space<vmem>>) target(%dma_start3A_194 : memref<10112x128xf32, #tpu.memory_space<vmem_shared>>) offsets(%arg9 : memref<128xi32, #tpu.memory_space<vmem>>) semaphore(%arg19 : memref<!tpu.dma_semaphore, #tpu.memory_space<semaphore_mem>>) {add = true}
    %dma_wait3A_195 = arith.constant 0 : i32
    %dma_wait3A_196 = arith.constant 0 : i32
    %dma_wait3A_197 = tpu.memref_slice %arg2[%dma_wait3A_195, %dma_wait3A_196] : memref<10000x128xf32, #tpu.memory_space<hbm>> -> memref<128x128xf32, #tpu.memory_space<hbm>>
    %dma_wait3A_198 = arith.constant 0 : i32
    %dma_wait3A_199 = arith.constant 0 : i32
    %dma_wait3A_200 = tpu.memref_slice %arg2[%dma_wait3A_198, %dma_wait3A_199] : memref<10000x128xf32, #tpu.memory_space<hbm>> -> memref<128x128xf32, #tpu.memory_space<hbm>>
    tpu.wait_dma2 semaphore(%arg20 : memref<!tpu.dma_semaphore, #tpu.memory_space<semaphore_mem>>) src(%dma_wait3A_200 : memref<128x128xf32, #tpu.memory_space<hbm>>) dst(%arg13 : memref<128x128xf32, #tpu.memory_space<vmem>>)
    %dma_wait3A_201 = arith.constant 0 : i32
    %dma_wait3A_202 = arith.constant 0 : i32
    %dma_wait3A_203 = tpu.memref_slice %arg2[%dma_wait3A_201, %dma_wait3A_202] : memref<10000x128xf32, #tpu.memory_space<hbm>> -> memref<128x128xf32, #tpu.memory_space<hbm>>
    %dma_wait3A_204 = arith.constant 0 : i32
    %dma_wait3A_205 = arith.constant 0 : i32
    %dma_wait3A_206 = tpu.memref_slice %arg2[%dma_wait3A_204, %dma_wait3A_205] : memref<10000x128xf32, #tpu.memory_space<hbm>> -> memref<128x128xf32, #tpu.memory_space<hbm>>
    tpu.wait_dma2 semaphore(%arg21 : memref<!tpu.dma_semaphore, #tpu.memory_space<semaphore_mem>>) src(%dma_wait3A_206 : memref<128x128xf32, #tpu.memory_space<hbm>>) dst(%arg14 : memref<128x128xf32, #tpu.memory_space<vmem>>)
    %dma_wait3A_207 = arith.constant 0 : i32
    %dma_wait3A_208 = arith.constant 0 : i32
    %dma_wait3A_209 = tpu.memref_slice %arg2[%dma_wait3A_207, %dma_wait3A_208] : memref<10000x128xf32, #tpu.memory_space<hbm>> -> memref<128x128xf32, #tpu.memory_space<hbm>>
    %dma_wait3A_210 = arith.constant 0 : i32
    %dma_wait3A_211 = arith.constant 0 : i32
    %dma_wait3A_212 = tpu.memref_slice %arg2[%dma_wait3A_210, %dma_wait3A_211] : memref<10000x128xf32, #tpu.memory_space<hbm>> -> memref<128x128xf32, #tpu.memory_space<hbm>>
    tpu.wait_dma2 semaphore(%arg19 : memref<!tpu.dma_semaphore, #tpu.memory_space<semaphore_mem>>) src(%dma_wait3A_212 : memref<128x128xf32, #tpu.memory_space<hbm>>) dst(%arg12 : memref<128x128xf32, #tpu.memory_space<vmem>>)
    %barrier3A_213 = arith.constant 0 : index
    tpu.barrier barrier_id(%barrier3A_213)
    %mul3A_214 = arith.constant 632 : i32
    %mul3A_215 = arith.muli %arg1, %mul3A_214 : i32
    %mul3A_216 = arith.constant 632 : i32
    %mul3A_217 = arith.muli %arg1, %mul3A_216 : i32
    "tpu.region"() ({
      %run_scoped3A = tpu.sem_alloc : memref<!tpu.dma_semaphore, #tpu.memory_space<semaphore_mem>>
      %dma_start3A_218 = arith.constant 0 : i32
      %dma_start3A_219 = tpu.memref_slice %arg5[%arg0, %mul3A_217, %dma_start3A_218] : memref<2x10112x128xf32, #tpu.memory_space<hbm>> -> memref<1x632x128xf32, #tpu.memory_space<hbm>>
      %dma_start3A_220 = tpu.memref_squeeze %dma_start3A_219 : memref<1x632x128xf32, #tpu.memory_space<hbm>> -> memref<632x128xf32, #tpu.memory_space<hbm>>
      %dma_start3A_221 = arith.constant 0 : i32
      %dma_start3A_222 = tpu.memref_slice %arg15[%mul3A_215, %dma_start3A_221] : memref<10112x128xf32, #tpu.memory_space<vmem_shared>> -> memref<632x128xf32, #tpu.memory_space<vmem_shared>>
      tpu.enqueue_dma source(%dma_start3A_222 : memref<632x128xf32, #tpu.memory_space<vmem_shared>>) target(%dma_start3A_220 : memref<632x128xf32, #tpu.memory_space<hbm>>) target_semaphore(%run_scoped3A : memref<!tpu.dma_semaphore, #tpu.memory_space<semaphore_mem>>)
      %dma_wait3A_223 = arith.constant 0 : i32
      %dma_wait3A_224 = tpu.memref_slice %arg5[%arg0, %mul3A_217, %dma_wait3A_223] : memref<2x10112x128xf32, #tpu.memory_space<hbm>> -> memref<1x632x128xf32, #tpu.memory_space<hbm>>
      %dma_wait3A_225 = tpu.memref_squeeze %dma_wait3A_224 : memref<1x632x128xf32, #tpu.memory_space<hbm>> -> memref<632x128xf32, #tpu.memory_space<hbm>>
      %dma_wait3A_226 = arith.constant 0 : i32
      %dma_wait3A_227 = tpu.memref_slice %arg15[%mul3A_215, %dma_wait3A_226] : memref<10112x128xf32, #tpu.memory_space<vmem_shared>> -> memref<632x128xf32, #tpu.memory_space<vmem_shared>>
      tpu.wait_dma2 semaphore(%run_scoped3A : memref<!tpu.dma_semaphore, #tpu.memory_space<semaphore_mem>>) src(%dma_wait3A_227 : memref<632x128xf32, #tpu.memory_space<vmem_shared>>) dst(%dma_wait3A_225 : memref<632x128xf32, #tpu.memory_space<hbm>>)
      tpu.yield
    }) : () -> ()
    return
  }
}

module attributes {stable_mosaic.version = 14 : i64} {
  func.func @_tcbn_body(%arg0: memref<10000x128xf32, #tpu.memory_space<vmem>>, %arg1: memref<1x128xf32, #tpu.memory_space<vmem>>, %arg2: memref<1x128xf32, #tpu.memory_space<vmem>>, %arg3: memref<10000x128xf32, #tpu.memory_space<vmem>>) attributes {dimension_semantics = [], scalar_prefetch = 0 : i64, scratch_operands = 0 : i64, tpu.core_type = #tpu.core_type<tc>} {
    %get3A = arith.constant 0 : index
    %get3A_0 = arith.constant 0 : index
    %get3A_1 = vector.load %arg0[%get3A, %get3A_0] : memref<10000x128xf32, #tpu.memory_space<vmem>>, vector<10000x128xf32>
    %get3A_2 = arith.constant 0 : index
    %get3A_3 = arith.constant 0 : index
    %get3A_4 = vector.load %arg1[%get3A_2, %get3A_3] : memref<1x128xf32, #tpu.memory_space<vmem>>, vector<1x128xf32>
    %get3A_5 = arith.constant 0 : index
    %get3A_6 = arith.constant 0 : index
    %get3A_7 = vector.load %arg2[%get3A_5, %get3A_6] : memref<1x128xf32, #tpu.memory_space<vmem>>, vector<1x128xf32>
    %reduce_sum3A = arith.constant dense<0.000000e+00> : vector<128xf32>
    %reduce_sum3A_8 = vector.multi_reduction <add>, %get3A_1, %reduce_sum3A [0] : vector<10000x128xf32> to vector<128xf32>
    %broadcast_in_dim3A = vector.shape_cast %reduce_sum3A_8 : vector<128xf32> to vector<1x128xf32>
    %div3A = arith.constant 1.000000e+04 : f32
    %div3A_9 = vector.broadcast %div3A : f32 to vector<1x128xf32>
    %div3A_10 = arith.divf %broadcast_in_dim3A, %div3A_9 : vector<1x128xf32>
    %sub3A = vector.broadcast %div3A_10 : vector<1x128xf32> to vector<10000x128xf32>
    %sub3A_11 = arith.subf %get3A_1, %sub3A : vector<10000x128xf32>
    %integer_pow3A = arith.mulf %sub3A_11, %sub3A_11 : vector<10000x128xf32>
    %reduce_sum3A_12 = arith.constant dense<0.000000e+00> : vector<128xf32>
    %reduce_sum3A_13 = vector.multi_reduction <add>, %integer_pow3A, %reduce_sum3A_12 [0] : vector<10000x128xf32> to vector<128xf32>
    %broadcast_in_dim3A_14 = vector.shape_cast %reduce_sum3A_13 : vector<128xf32> to vector<1x128xf32>
    %div3A_15 = arith.constant 1.000000e+04 : f32
    %div3A_16 = vector.broadcast %div3A_15 : f32 to vector<1x128xf32>
    %div3A_17 = arith.divf %broadcast_in_dim3A_14, %div3A_16 : vector<1x128xf32>
    %sub3A_18 = vector.broadcast %div3A_10 : vector<1x128xf32> to vector<10000x128xf32>
    %sub3A_19 = arith.subf %get3A_1, %sub3A_18 : vector<10000x128xf32>
    %add3A = arith.constant 9.99999974E-6 : f32
    %add3A_20 = vector.broadcast %add3A : f32 to vector<1x128xf32>
    %add3A_21 = arith.addf %div3A_17, %add3A_20 : vector<1x128xf32>
    %rsqrt3A = math.rsqrt %add3A_21 : vector<1x128xf32>
    %mul3A = vector.broadcast %rsqrt3A : vector<1x128xf32> to vector<10000x128xf32>
    %mul3A_22 = arith.mulf %sub3A_19, %mul3A : vector<10000x128xf32>
    %mul3A_23 = vector.broadcast %get3A_4 : vector<1x128xf32> to vector<10000x128xf32>
    %mul3A_24 = arith.mulf %mul3A_22, %mul3A_23 : vector<10000x128xf32>
    %add3A_25 = vector.broadcast %get3A_7 : vector<1x128xf32> to vector<10000x128xf32>
    %add3A_26 = arith.addf %mul3A_24, %add3A_25 : vector<10000x128xf32>
    %swap3A = arith.constant 0 : index
    %swap3A_27 = arith.constant 0 : index
    %swap3A_28 = vector.load %arg3[%swap3A, %swap3A_27] : memref<10000x128xf32, #tpu.memory_space<vmem>>, vector<10000x128xf32>
    tpu.vector_store %arg3[%swap3A, %swap3A_27], %add3A_26 {strides = array<i32>} : memref<10000x128xf32, #tpu.memory_space<vmem>>, vector<10000x128xf32>,
    return
  }
}

module attributes {stable_mosaic.version = 14 : i64} {
  func.func @_tcz_body(%arg0: i32, %arg1: memref<1000x1xf32, #tpu.memory_space<vmem>>, %arg2: memref<1000x1xf32, #tpu.memory_space<vmem>>, %arg3: memref<1000x128xf32, #tpu.memory_space<vmem>>, %arg4: memref<1000x128xf32, #tpu.memory_space<vmem>>, %arg5: memref<1000x1xf32, #tpu.memory_space<vmem>>) attributes {dimension_semantics = [#tpu.dimension_semantics<arbitrary>], iteration_bounds = array<i64: 10>, scalar_prefetch = 0 : i64, scratch_operands = 0 : i64, tpu.core_type = #tpu.core_type<tc>, window_params = [{transform_indices = @transform_0, window_bounds = array<i64: 1000, 1>}, {transform_indices = @transform_1, window_bounds = array<i64: 1000, 1>}, {transform_indices = @transform_2, window_bounds = array<i64: 1000, 128>}, {transform_indices = @transform_3, window_bounds = array<i64: 1000, 128>}, {transform_indices = @transform_4, window_bounds = array<i64: 1000, 1>}]} {
    %get3A = arith.constant 0 : index
    %get3A_0 = arith.constant 0 : index
    %get3A_1 = vector.load %arg1[%get3A, %get3A_0] : memref<1000x1xf32, #tpu.memory_space<vmem>>, vector<1000x1xf32>
    %get3A_2 = arith.constant 0 : index
    %get3A_3 = arith.constant 0 : index
    %get3A_4 = vector.load %arg2[%get3A_2, %get3A_3] : memref<1000x1xf32, #tpu.memory_space<vmem>>, vector<1000x1xf32>
    %add3A = arith.addf %get3A_1, %get3A_4 : vector<1000x1xf32>
    %gt3A = arith.constant 0.000000e+00 : f32
    %gt3A_5 = vector.broadcast %gt3A : f32 to vector<1000x1xf32>
    %gt3A_6 = arith.cmpf ogt, %add3A, %gt3A_5 : vector<1000x1xf32>
    %max3A = arith.constant 1.000000e+00 : f32
    %max3A_7 = vector.broadcast %max3A : f32 to vector<1000x1xf32>
    %max3A_8 = arith.maximumf %add3A, %max3A_7 : vector<1000x1xf32>
    %rsqrt3A = math.rsqrt %max3A_8 : vector<1000x1xf32>
    %jit3A = arith.constant 0.000000e+00 : f32
    %broadcast_in_dim3A = vector.broadcast %jit3A : f32 to vector<1000x1xf32>
    %select_n3A = arith.select %gt3A_6, %rsqrt3A, %broadcast_in_dim3A : vector<1000x1xi1>, vector<1000x1xf32>
    %get3A_9 = arith.constant 0 : index
    %get3A_10 = arith.constant 0 : index
    %get3A_11 = vector.load %arg3[%get3A_9, %get3A_10] : memref<1000x128xf32, #tpu.memory_space<vmem>>, vector<1000x128xf32>
    %mul3A = vector.broadcast %select_n3A : vector<1000x1xf32> to vector<1000x128xf32>
    %mul3A_12 = arith.mulf %get3A_11, %mul3A : vector<1000x128xf32>
    %swap3A = arith.constant 0 : index
    %swap3A_13 = arith.constant 0 : index
    %swap3A_14 = vector.load %arg4[%swap3A, %swap3A_13] : memref<1000x128xf32, #tpu.memory_space<vmem>>, vector<1000x128xf32>
    tpu.vector_store %arg4[%swap3A, %swap3A_13], %mul3A_12 {strides = array<i32>} : memref<1000x128xf32, #tpu.memory_space<vmem>>, vector<1000x128xf32>,
    %swap3A_15 = arith.constant 0 : index
    %swap3A_16 = arith.constant 0 : index
    %swap3A_17 = vector.load %arg5[%swap3A_15, %swap3A_16] : memref<1000x1xf32, #tpu.memory_space<vmem>>, vector<1000x1xf32>
    tpu.vector_store %arg5[%swap3A_15, %swap3A_16], %select_n3A {strides = array<i32>} : memref<1000x1xf32, #tpu.memory_space<vmem>>, vector<1000x1xf32>,
    return
  }
  func.func @transform_0(%arg0: i32) -> (i32, i32) {
    %c0_i32 = arith.constant 0 : i32
    %c0_i32_0 = arith.constant 0 : i32
    return %arg0, %c0_i32 : i32, i32
  }
  func.func @transform_1(%arg0: i32) -> (i32, i32) {
    %c0_i32 = arith.constant 0 : i32
    %c0_i32_0 = arith.constant 0 : i32
    return %arg0, %c0_i32 : i32, i32
  }
  func.func @transform_2(%arg0: i32) -> (i32, i32) {
    %c0_i32 = arith.constant 0 : i32
    %c0_i32_0 = arith.constant 0 : i32
    return %arg0, %c0_i32 : i32, i32
  }
  func.func @transform_3(%arg0: i32) -> (i32, i32) {
    %c0_i32 = arith.constant 0 : i32
    %c0_i32_0 = arith.constant 0 : i32
    return %arg0, %c0_i32 : i32, i32
  }
  func.func @transform_4(%arg0: i32) -> (i32, i32) {
    %c0_i32 = arith.constant 0 : i32
    %c0_i32_0 = arith.constant 0 : i32
    return %arg0, %c0_i32 : i32, i32
  }
}

module attributes {stable_mosaic.version = 14 : i64} {
  func.func @_tca_body(%arg0: i32, %arg1: memref<2x1000x128xf32, #tpu.memory_space<vmem>>, %arg2: memref<1000x1xf32, #tpu.memory_space<vmem>>, %arg3: memref<1000x128xf32, #tpu.memory_space<vmem>>, %arg4: memref<1000x128xf32, #tpu.memory_space<vmem>>) attributes {dimension_semantics = [#tpu.dimension_semantics<arbitrary>], iteration_bounds = array<i64: 10>, scalar_prefetch = 0 : i64, scratch_operands = 0 : i64, tpu.core_type = #tpu.core_type<tc>, window_params = [{transform_indices = @transform_0, window_bounds = array<i64: 2, 1000, 128>}, {transform_indices = @transform_1, window_bounds = array<i64: 1000, 1>}, {transform_indices = @transform_2, window_bounds = array<i64: 1000, 128>}, {transform_indices = @transform_3, window_bounds = array<i64: 1000, 128>}]} {
    %get3A = arith.constant 0 : index
    %get3A_0 = arith.constant 0 : index
    %get3A_1 = vector.load %arg2[%get3A, %get3A_0] : memref<1000x1xf32, #tpu.memory_space<vmem>>, vector<1000x1xf32>
    %get3A_2 = arith.constant 0 : index
    %get3A_3 = arith.constant 0 : index
    %get3A_4 = arith.constant 0 : index
    %get3A_5 = vector.load %arg1[%get3A_2, %get3A_3, %get3A_4] : memref<2x1000x128xf32, #tpu.memory_space<vmem>>, vector<1x1000x128xf32>
    %get3A_6 = vector.shape_cast %get3A_5 : vector<1x1000x128xf32> to vector<1000x128xf32>
    %get3A_7 = arith.constant 1 : index
    %get3A_8 = arith.constant 0 : index
    %get3A_9 = arith.constant 0 : index
    %get3A_10 = vector.load %arg1[%get3A_7, %get3A_8, %get3A_9] : memref<2x1000x128xf32, #tpu.memory_space<vmem>>, vector<1x1000x128xf32>
    %get3A_11 = vector.shape_cast %get3A_10 : vector<1x1000x128xf32> to vector<1000x128xf32>
    %add3A = arith.addf %get3A_6, %get3A_11 : vector<1000x128xf32>
    %mul3A = vector.broadcast %get3A_1 : vector<1000x1xf32> to vector<1000x128xf32>
    %mul3A_12 = arith.mulf %mul3A, %add3A : vector<1000x128xf32>
    %swap3A = arith.constant 0 : index
    %swap3A_13 = arith.constant 0 : index
    %swap3A_14 = vector.load %arg3[%swap3A, %swap3A_13] : memref<1000x128xf32, #tpu.memory_space<vmem>>, vector<1000x128xf32>
    tpu.vector_store %arg3[%swap3A, %swap3A_13], %mul3A_12 {strides = array<i32>} : memref<1000x128xf32, #tpu.memory_space<vmem>>, vector<1000x128xf32>,
    %neg3A = arith.constant 0.000000e+00 : f32
    %neg3A_15 = vector.broadcast %neg3A : f32 to vector<1000x1xf32>
    %neg3A_16 = arith.subf %neg3A_15, %get3A_1 : vector<1000x1xf32>
    %mul3A_17 = vector.broadcast %neg3A_16 : vector<1000x1xf32> to vector<1000x128xf32>
    %mul3A_18 = arith.mulf %mul3A_17, %mul3A_12 : vector<1000x128xf32>
    %swap3A_19 = arith.constant 0 : index
    %swap3A_20 = arith.constant 0 : index
    %swap3A_21 = vector.load %arg4[%swap3A_19, %swap3A_20] : memref<1000x128xf32, #tpu.memory_space<vmem>>, vector<1000x128xf32>
    tpu.vector_store %arg4[%swap3A_19, %swap3A_20], %mul3A_18 {strides = array<i32>} : memref<1000x128xf32, #tpu.memory_space<vmem>>, vector<1000x128xf32>,
    return
  }
  func.func @transform_0(%arg0: i32) -> (i32, i32, i32) {
    %c0_i32 = arith.constant 0 : i32
    %c0_i32_0 = arith.constant 0 : i32
    %c0_i32_1 = arith.constant 0 : i32
    return %c0_i32, %arg0, %c0_i32_0 : i32, i32, i32
  }
  func.func @transform_1(%arg0: i32) -> (i32, i32) {
    %c0_i32 = arith.constant 0 : i32
    %c0_i32_0 = arith.constant 0 : i32
    return %arg0, %c0_i32 : i32, i32
  }
  func.func @transform_2(%arg0: i32) -> (i32, i32) {
    %c0_i32 = arith.constant 0 : i32
    %c0_i32_0 = arith.constant 0 : i32
    return %arg0, %c0_i32 : i32, i32
  }
  func.func @transform_3(%arg0: i32) -> (i32, i32) {
    %c0_i32 = arith.constant 0 : i32
    %c0_i32_0 = arith.constant 0 : i32
    return %arg0, %c0_i32 : i32, i32
  }
}

module attributes {stable_mosaic.version = 14 : i64} {
  func.func @_tcb_body(%arg0: i32, %arg1: memref<1000x128xf32, #tpu.memory_space<vmem>>, %arg2: memref<1000x128xf32, #tpu.memory_space<vmem>>, %arg3: memref<128x128xf32, #tpu.memory_space<vmem>>, %arg4: memref<128x128xf32, #tpu.memory_space<vmem>>, %arg5: memref<128x128xf32, #tpu.memory_space<vmem>>, %arg6: memref<1000x128xf32, #tpu.memory_space<vmem>>) attributes {dimension_semantics = [#tpu.dimension_semantics<arbitrary>], iteration_bounds = array<i64: 10>, scalar_prefetch = 0 : i64, scratch_operands = 0 : i64, tpu.core_type = #tpu.core_type<tc>, window_params = [{transform_indices = @transform_0, window_bounds = array<i64: 1000, 128>}, {transform_indices = @transform_1, window_bounds = array<i64: 1000, 128>}, {pipeline_mode = #tpu.pipeline_mode<synchronous>, transform_indices = @transform_2, window_bounds = array<i64: 128, 128>}, {pipeline_mode = #tpu.pipeline_mode<synchronous>, transform_indices = @transform_3, window_bounds = array<i64: 128, 128>}, {pipeline_mode = #tpu.pipeline_mode<synchronous>, transform_indices = @transform_4, window_bounds = array<i64: 128, 128>}, {transform_indices = @transform_5, window_bounds = array<i64: 1000, 128>}]} {
    %get3A = arith.constant 0 : index
    %get3A_0 = arith.constant 0 : index
    %get3A_1 = vector.load %arg1[%get3A, %get3A_0] : memref<1000x128xf32, #tpu.memory_space<vmem>>, vector<1000x128xf32>
    %get3A_2 = arith.constant 0 : index
    %get3A_3 = arith.constant 0 : index
    %get3A_4 = vector.load %arg3[%get3A_2, %get3A_3] : memref<128x128xf32, #tpu.memory_space<vmem>>, vector<128x128xf32>
    %get3A_5 = arith.constant 0 : index
    %get3A_6 = arith.constant 0 : index
    %get3A_7 = vector.load %arg5[%get3A_5, %get3A_6] : memref<128x128xf32, #tpu.memory_space<vmem>>, vector<128x128xf32>
    %sub3A = arith.subf %get3A_4, %get3A_7 : vector<128x128xf32>
    %dot_general3A = arith.constant dense<0.000000e+00> : vector<1000x128xf32>
    %dot_general3A_8 = tpu.matmul %get3A_1, %sub3A, %dot_general3A {dimension_numbers = #tpu.dot_dimension_numbers<[1], [0], [0], [1], [0, 0, 1, 1], [], []>, transpose_lhs_hint = false} : vector<1000x128xf32>, vector<128x128xf32>, vector<1000x128xf32> -> vector<1000x128xf32>
    %get3A_9 = arith.constant 0 : index
    %get3A_10 = arith.constant 0 : index
    %get3A_11 = vector.load %arg2[%get3A_9, %get3A_10] : memref<1000x128xf32, #tpu.memory_space<vmem>>, vector<1000x128xf32>
    %get3A_12 = arith.constant 0 : index
    %get3A_13 = arith.constant 0 : index
    %get3A_14 = vector.load %arg4[%get3A_12, %get3A_13] : memref<128x128xf32, #tpu.memory_space<vmem>>, vector<128x128xf32>
    %dot_general3A_15 = arith.constant dense<0.000000e+00> : vector<1000x128xf32>
    %dot_general3A_16 = tpu.matmul %get3A_11, %get3A_14, %dot_general3A_15 {dimension_numbers = #tpu.dot_dimension_numbers<[1], [0], [0], [1], [0, 0, 1, 1], [], []>, transpose_lhs_hint = false} : vector<1000x128xf32>, vector<128x128xf32>, vector<1000x128xf32> -> vector<1000x128xf32>
    %sub3A_17 = arith.subf %dot_general3A_8, %dot_general3A_16 : vector<1000x128xf32>
    %swap3A = arith.constant 0 : index
    %swap3A_18 = arith.constant 0 : index
    %swap3A_19 = vector.load %arg6[%swap3A, %swap3A_18] : memref<1000x128xf32, #tpu.memory_space<vmem>>, vector<1000x128xf32>
    tpu.vector_store %arg6[%swap3A, %swap3A_18], %sub3A_17 {strides = array<i32>} : memref<1000x128xf32, #tpu.memory_space<vmem>>, vector<1000x128xf32>,
    return
  }
  func.func @transform_0(%arg0: i32) -> (i32, i32) {
    %c0_i32 = arith.constant 0 : i32
    %c0_i32_0 = arith.constant 0 : i32
    return %arg0, %c0_i32 : i32, i32
  }
  func.func @transform_1(%arg0: i32) -> (i32, i32) {
    %c0_i32 = arith.constant 0 : i32
    %c0_i32_0 = arith.constant 0 : i32
    return %arg0, %c0_i32 : i32, i32
  }
  func.func @transform_2(%arg0: i32) -> (i32, i32) {
    %c0_i32 = arith.constant 0 : i32
    %c0_i32_0 = arith.constant 0 : i32
    %c0_i32_1 = arith.constant 0 : i32
    return %c0_i32, %c0_i32_0 : i32, i32
  }
  func.func @transform_3(%arg0: i32) -> (i32, i32) {
    %c0_i32 = arith.constant 0 : i32
    %c0_i32_0 = arith.constant 0 : i32
    %c0_i32_1 = arith.constant 0 : i32
    return %c0_i32, %c0_i32_0 : i32, i32
  }
  func.func @transform_4(%arg0: i32) -> (i32, i32) {
    %c0_i32 = arith.constant 0 : i32
    %c0_i32_0 = arith.constant 0 : i32
    %c0_i32_1 = arith.constant 0 : i32
    return %c0_i32, %c0_i32_0 : i32, i32
  }
  func.func @transform_5(%arg0: i32) -> (i32, i32) {
    %c0_i32 = arith.constant 0 : i32
    %c0_i32_0 = arith.constant 0 : i32
    return %arg0, %c0_i32 : i32, i32
  }
}

module attributes {stable_mosaic.version = 14 : i64} {
  func.func @_tcc_body(%arg0: memref<2x10112x128xf32, #tpu.memory_space<vmem>>, %arg1: memref<10000x1xf32, #tpu.memory_space<vmem>>, %arg2: memref<10000x128xf32, #tpu.memory_space<vmem>>, %arg3: memref<128x128xf32, #tpu.memory_space<vmem>>, %arg4: memref<1x128xf32, #tpu.memory_space<vmem>>, %arg5: memref<1x128xf32, #tpu.memory_space<vmem>>, %arg6: memref<1x128xf32, #tpu.memory_space<vmem>>, %arg7: memref<10000x128xf32, #tpu.memory_space<vmem>>, %arg8: memref<10000x128xf32, #tpu.memory_space<vmem>>) attributes {dimension_semantics = [], scalar_prefetch = 0 : i64, scratch_operands = 0 : i64, tpu.core_type = #tpu.core_type<tc>} {
    %get3A = arith.constant 0 : index
    %get3A_0 = arith.constant 0 : index
    %get3A_1 = vector.load %arg1[%get3A, %get3A_0] : memref<10000x1xf32, #tpu.memory_space<vmem>>, vector<10000x1xf32>
    %mul3A = arith.constant -2.000000e+00 : f32
    %mul3A_2 = vector.broadcast %mul3A : f32 to vector<10000x1xf32>
    %mul3A_3 = arith.mulf %mul3A_2, %get3A_1 : vector<10000x1xf32>
    %get3A_4 = arith.constant 0 : index
    %get3A_5 = arith.constant 0 : index
    %get3A_6 = arith.constant 0 : index
    %get3A_7 = vector.load %arg0[%get3A_4, %get3A_5, %get3A_6] : memref<2x10112x128xf32, #tpu.memory_space<vmem>>, vector<1x10000x128xf32>
    %get3A_8 = vector.shape_cast %get3A_7 : vector<1x10000x128xf32> to vector<10000x128xf32>
    %get3A_9 = arith.constant 1 : index
    %get3A_10 = arith.constant 0 : index
    %get3A_11 = arith.constant 0 : index
    %get3A_12 = vector.load %arg0[%get3A_9, %get3A_10, %get3A_11] : memref<2x10112x128xf32, #tpu.memory_space<vmem>>, vector<1x10000x128xf32>
    %get3A_13 = vector.shape_cast %get3A_12 : vector<1x10000x128xf32> to vector<10000x128xf32>
    %add3A = arith.addf %get3A_8, %get3A_13 : vector<10000x128xf32>
    %mul3A_14 = vector.broadcast %mul3A_3 : vector<10000x1xf32> to vector<10000x128xf32>
    %mul3A_15 = arith.mulf %mul3A_14, %add3A : vector<10000x128xf32>
    %get3A_16 = arith.constant 0 : index
    %get3A_17 = arith.constant 0 : index
    %get3A_18 = vector.load %arg2[%get3A_16, %get3A_17] : memref<10000x128xf32, #tpu.memory_space<vmem>>, vector<10000x128xf32>
    %get3A_19 = arith.constant 0 : index
    %get3A_20 = arith.constant 0 : index
    %get3A_21 = vector.load %arg3[%get3A_19, %get3A_20] : memref<128x128xf32, #tpu.memory_space<vmem>>, vector<128x128xf32>
    %dot_general3A = arith.constant dense<0.000000e+00> : vector<10000x128xf32>
    %dot_general3A_22 = tpu.matmul %mul3A_15, %get3A_21, %dot_general3A {dimension_numbers = #tpu.dot_dimension_numbers<[1], [0], [0], [1], [0, 0, 1, 1], [], []>, transpose_lhs_hint = false} : vector<10000x128xf32>, vector<128x128xf32>, vector<10000x128xf32> -> vector<10000x128xf32>
    %add3A_23 = arith.addf %get3A_18, %dot_general3A_22 : vector<10000x128xf32>
    %get3A_24 = arith.constant 0 : index
    %get3A_25 = arith.constant 0 : index
    %get3A_26 = vector.load %arg4[%get3A_24, %get3A_25] : memref<1x128xf32, #tpu.memory_space<vmem>>, vector<1x128xf32>
    %add3A_27 = vector.broadcast %get3A_26 : vector<1x128xf32> to vector<10000x128xf32>
    %add3A_28 = arith.addf %add3A_23, %add3A_27 : vector<10000x128xf32>
    %max3A = arith.constant 0.000000e+00 : f32
    %max3A_29 = vector.broadcast %max3A : f32 to vector<10000x128xf32>
    %max3A_30 = arith.maximumf %add3A_28, %max3A_29 : vector<10000x128xf32>
    %get3A_31 = arith.constant 0 : index
    %get3A_32 = arith.constant 0 : index
    %get3A_33 = vector.load %arg5[%get3A_31, %get3A_32] : memref<1x128xf32, #tpu.memory_space<vmem>>, vector<1x128xf32>
    %get3A_34 = arith.constant 0 : index
    %get3A_35 = arith.constant 0 : index
    %get3A_36 = vector.load %arg6[%get3A_34, %get3A_35] : memref<1x128xf32, #tpu.memory_space<vmem>>, vector<1x128xf32>
    %reduce_sum3A = arith.constant dense<0.000000e+00> : vector<128xf32>
    %reduce_sum3A_37 = vector.multi_reduction <add>, %max3A_30, %reduce_sum3A [0] : vector<10000x128xf32> to vector<128xf32>
    %broadcast_in_dim3A = vector.shape_cast %reduce_sum3A_37 : vector<128xf32> to vector<1x128xf32>
    %div3A = arith.constant 1.000000e+04 : f32
    %div3A_38 = vector.broadcast %div3A : f32 to vector<1x128xf32>
    %div3A_39 = arith.divf %broadcast_in_dim3A, %div3A_38 : vector<1x128xf32>
    %sub3A = vector.broadcast %div3A_39 : vector<1x128xf32> to vector<10000x128xf32>
    %sub3A_40 = arith.subf %max3A_30, %sub3A : vector<10000x128xf32>
    %integer_pow3A = arith.mulf %sub3A_40, %sub3A_40 : vector<10000x128xf32>
    %reduce_sum3A_41 = arith.constant dense<0.000000e+00> : vector<128xf32>
    %reduce_sum3A_42 = vector.multi_reduction <add>, %integer_pow3A, %reduce_sum3A_41 [0] : vector<10000x128xf32> to vector<128xf32>
    %broadcast_in_dim3A_43 = vector.shape_cast %reduce_sum3A_42 : vector<128xf32> to vector<1x128xf32>
    %div3A_44 = arith.constant 1.000000e+04 : f32
    %div3A_45 = vector.broadcast %div3A_44 : f32 to vector<1x128xf32>
    %div3A_46 = arith.divf %broadcast_in_dim3A_43, %div3A_45 : vector<1x128xf32>
    %sub3A_47 = vector.broadcast %div3A_39 : vector<1x128xf32> to vector<10000x128xf32>
    %sub3A_48 = arith.subf %max3A_30, %sub3A_47 : vector<10000x128xf32>
    %add3A_49 = arith.constant 9.99999974E-6 : f32
    %add3A_50 = vector.broadcast %add3A_49 : f32 to vector<1x128xf32>
    %add3A_51 = arith.addf %div3A_46, %add3A_50 : vector<1x128xf32>
    %rsqrt3A = math.rsqrt %add3A_51 : vector<1x128xf32>
    %mul3A_52 = vector.broadcast %rsqrt3A : vector<1x128xf32> to vector<10000x128xf32>
    %mul3A_53 = arith.mulf %sub3A_48, %mul3A_52 : vector<10000x128xf32>
    %mul3A_54 = vector.broadcast %get3A_33 : vector<1x128xf32> to vector<10000x128xf32>
    %mul3A_55 = arith.mulf %mul3A_53, %mul3A_54 : vector<10000x128xf32>
    %add3A_56 = vector.broadcast %get3A_36 : vector<1x128xf32> to vector<10000x128xf32>
    %add3A_57 = arith.addf %mul3A_55, %add3A_56 : vector<10000x128xf32>
    %swap3A = arith.constant 0 : index
    %swap3A_58 = arith.constant 0 : index
    %swap3A_59 = vector.load %arg7[%swap3A, %swap3A_58] : memref<10000x128xf32, #tpu.memory_space<vmem>>, vector<10000x128xf32>
    tpu.vector_store %arg7[%swap3A, %swap3A_58], %add3A_57 {strides = array<i32>} : memref<10000x128xf32, #tpu.memory_space<vmem>>, vector<10000x128xf32>,
    %mul3A_60 = vector.broadcast %get3A_1 : vector<10000x1xf32> to vector<10000x128xf32>
    %mul3A_61 = arith.mulf %mul3A_60, %add3A_57 : vector<10000x128xf32>
    %swap3A_62 = arith.constant 0 : index
    %swap3A_63 = arith.constant 0 : index
    %swap3A_64 = vector.load %arg8[%swap3A_62, %swap3A_63] : memref<10000x128xf32, #tpu.memory_space<vmem>>, vector<10000x128xf32>
    tpu.vector_store %arg8[%swap3A_62, %swap3A_63], %mul3A_61 {strides = array<i32>} : memref<10000x128xf32, #tpu.memory_space<vmem>>, vector<10000x128xf32>,
    return
  }
}

module attributes {stable_mosaic.version = 14 : i64} {
  func.func @_tcf_body(%arg0: i32, %arg1: memref<2x1000x128xf32, #tpu.memory_space<vmem>>, %arg2: memref<1000x1xf32, #tpu.memory_space<vmem>>, %arg3: memref<1000x128xf32, #tpu.memory_space<vmem>>, %arg4: memref<1000x128xf32, #tpu.memory_space<vmem>>, %arg5: memref<128x128xf32, #tpu.memory_space<vmem>>, %arg6: memref<1x128xf32, #tpu.memory_space<vmem>>, %arg7: memref<1000x128xf32, #tpu.memory_space<vmem>>) attributes {dimension_semantics = [#tpu.dimension_semantics<arbitrary>], iteration_bounds = array<i64: 10>, scalar_prefetch = 0 : i64, scratch_operands = 0 : i64, tpu.core_type = #tpu.core_type<tc>, window_params = [{transform_indices = @transform_0, window_bounds = array<i64: 2, 1000, 128>}, {transform_indices = @transform_1, window_bounds = array<i64: 1000, 1>}, {transform_indices = @transform_2, window_bounds = array<i64: 1000, 128>}, {transform_indices = @transform_3, window_bounds = array<i64: 1000, 128>}, {pipeline_mode = #tpu.pipeline_mode<synchronous>, transform_indices = @transform_4, window_bounds = array<i64: 128, 128>}, {pipeline_mode = #tpu.pipeline_mode<synchronous>, transform_indices = @transform_5, window_bounds = array<i64: 1, 128>}, {transform_indices = @transform_6, window_bounds = array<i64: 1000, 128>}]} {
    %get3A = arith.constant 0 : index
    %get3A_0 = arith.constant 0 : index
    %get3A_1 = vector.load %arg2[%get3A, %get3A_0] : memref<1000x1xf32, #tpu.memory_space<vmem>>, vector<1000x1xf32>
    %mul3A = arith.constant -2.000000e+00 : f32
    %mul3A_2 = vector.broadcast %mul3A : f32 to vector<1000x1xf32>
    %mul3A_3 = arith.mulf %mul3A_2, %get3A_1 : vector<1000x1xf32>
    %get3A_4 = arith.constant 0 : index
    %get3A_5 = arith.constant 0 : index
    %get3A_6 = arith.constant 0 : index
    %get3A_7 = vector.load %arg1[%get3A_4, %get3A_5, %get3A_6] : memref<2x1000x128xf32, #tpu.memory_space<vmem>>, vector<1x1000x128xf32>
    %get3A_8 = vector.shape_cast %get3A_7 : vector<1x1000x128xf32> to vector<1000x128xf32>
    %get3A_9 = arith.constant 1 : index
    %get3A_10 = arith.constant 0 : index
    %get3A_11 = arith.constant 0 : index
    %get3A_12 = vector.load %arg1[%get3A_9, %get3A_10, %get3A_11] : memref<2x1000x128xf32, #tpu.memory_space<vmem>>, vector<1x1000x128xf32>
    %get3A_13 = vector.shape_cast %get3A_12 : vector<1x1000x128xf32> to vector<1000x128xf32>
    %add3A = arith.addf %get3A_8, %get3A_13 : vector<1000x128xf32>
    %mul3A_14 = vector.broadcast %mul3A_3 : vector<1000x1xf32> to vector<1000x128xf32>
    %mul3A_15 = arith.mulf %mul3A_14, %add3A : vector<1000x128xf32>
    %get3A_16 = arith.constant 0 : index
    %get3A_17 = arith.constant 0 : index
    %get3A_18 = vector.load %arg3[%get3A_16, %get3A_17] : memref<1000x128xf32, #tpu.memory_space<vmem>>, vector<1000x128xf32>
    %get3A_19 = arith.constant 0 : index
    %get3A_20 = arith.constant 0 : index
    %get3A_21 = vector.load %arg4[%get3A_19, %get3A_20] : memref<1000x128xf32, #tpu.memory_space<vmem>>, vector<1000x128xf32>
    %add3A_22 = arith.addf %get3A_18, %get3A_21 : vector<1000x128xf32>
    %get3A_23 = arith.constant 0 : index
    %get3A_24 = arith.constant 0 : index
    %get3A_25 = vector.load %arg5[%get3A_23, %get3A_24] : memref<128x128xf32, #tpu.memory_space<vmem>>, vector<128x128xf32>
    %dot_general3A = arith.constant dense<0.000000e+00> : vector<1000x128xf32>
    %dot_general3A_26 = tpu.matmul %mul3A_15, %get3A_25, %dot_general3A {dimension_numbers = #tpu.dot_dimension_numbers<[1], [0], [0], [1], [0, 0, 1, 1], [], []>, transpose_lhs_hint = false} : vector<1000x128xf32>, vector<128x128xf32>, vector<1000x128xf32> -> vector<1000x128xf32>
    %add3A_27 = arith.addf %add3A_22, %dot_general3A_26 : vector<1000x128xf32>
    %get3A_28 = arith.constant 0 : index
    %get3A_29 = arith.constant 0 : index
    %get3A_30 = vector.load %arg6[%get3A_28, %get3A_29] : memref<1x128xf32, #tpu.memory_space<vmem>>, vector<1x128xf32>
    %add3A_31 = vector.broadcast %get3A_30 : vector<1x128xf32> to vector<1000x128xf32>
    %add3A_32 = arith.addf %add3A_27, %add3A_31 : vector<1000x128xf32>
    %max3A = arith.constant 0.000000e+00 : f32
    %max3A_33 = vector.broadcast %max3A : f32 to vector<1000x128xf32>
    %max3A_34 = arith.maximumf %add3A_32, %max3A_33 : vector<1000x128xf32>
    %swap3A = arith.constant 0 : index
    %swap3A_35 = arith.constant 0 : index
    %swap3A_36 = vector.load %arg7[%swap3A, %swap3A_35] : memref<1000x128xf32, #tpu.memory_space<vmem>>, vector<1000x128xf32>
    tpu.vector_store %arg7[%swap3A, %swap3A_35], %max3A_34 {strides = array<i32>} : memref<1000x128xf32, #tpu.memory_space<vmem>>, vector<1000x128xf32>,
    return
  }
  func.func @transform_0(%arg0: i32) -> (i32, i32, i32) {
    %c0_i32 = arith.constant 0 : i32
    %c0_i32_0 = arith.constant 0 : i32
    %c0_i32_1 = arith.constant 0 : i32
    return %c0_i32, %arg0, %c0_i32_0 : i32, i32, i32
  }
  func.func @transform_1(%arg0: i32) -> (i32, i32) {
    %c0_i32 = arith.constant 0 : i32
    %c0_i32_0 = arith.constant 0 : i32
    return %arg0, %c0_i32 : i32, i32
  }
  func.func @transform_2(%arg0: i32) -> (i32, i32) {
    %c0_i32 = arith.constant 0 : i32
    %c0_i32_0 = arith.constant 0 : i32
    return %arg0, %c0_i32 : i32, i32
  }
  func.func @transform_3(%arg0: i32) -> (i32, i32) {
    %c0_i32 = arith.constant 0 : i32
    %c0_i32_0 = arith.constant 0 : i32
    return %arg0, %c0_i32 : i32, i32
  }
  func.func @transform_4(%arg0: i32) -> (i32, i32) {
    %c0_i32 = arith.constant 0 : i32
    %c0_i32_0 = arith.constant 0 : i32
    %c0_i32_1 = arith.constant 0 : i32
    return %c0_i32, %c0_i32_0 : i32, i32
  }
  func.func @transform_5(%arg0: i32) -> (i32, i32) {
    %c0_i32 = arith.constant 0 : i32
    %c0_i32_0 = arith.constant 0 : i32
    %c0_i32_1 = arith.constant 0 : i32
    return %c0_i32, %c0_i32_0 : i32, i32
  }
  func.func @transform_6(%arg0: i32) -> (i32, i32) {
    %c0_i32 = arith.constant 0 : i32
    %c0_i32_0 = arith.constant 0 : i32
    return %arg0, %c0_i32 : i32, i32
  }
}

</mosaic_0001>

<sc_bundles>
// kernel: kernel.15.cloned.1.call-start
scs
__scs_entry_jumppad:
0x0: {  	(pc) =	sbr.rel $0x88, $3  }
0x1: {  	(tag) =	ssettag $0x0;
	lr =	simm.s32 $0x1  }
0x2: {  	[smem:$0x3F97] =	sst lr;
	_ =	strace $0xD0000000  }
0x3: {  	_ = 	snop  }
0x4: {  	_ = 	snop  }
0x5: {  	_ = 	snop  }
0x6: {  	_ = 	snop  }
0x7: {  	_ = 	snop  }
__scs_overlays_trampoline_lowered:
0x8: {  	[smem:$0x3FA6] =	sst s0  }
0x9: {  	[smem:$0x3FA7] =	sst s1  }
0xa: {  	[smem:$0x3FA8] =	sst s2  }
0xb: {  	[smem:$0x3FA9] =	sst s3  }
0xc: {  	[smem:$0x3FAA] =	sst s4  }
0xd: {  	[smem:$0x3FAB] =	sst s5  }
0xe: {  	[smem:$0x3FAC] =	sst s6  }
0xf: {  	[smem:$0x3FAD] =	sst s7  }
0x10: {  	[smem:$0x3FAE] =	sst s8  }
0x11: {  	[smem:$0x3FAF] =	sst s9;
	s0 =	simm.s32 @!p0 $0x0  }
0x12: {  	s1 =	sld [smem:$0x3F95];
	s0 =	simm.s32 @p0 $0x1  }
0x13: {  	[smem:$0x3FB0] =	sst s0;
	s0 =	simm.s32 @!p1 $0x0  }
0x14: {  	s2 =	sld [smem:$0x3F94];
	s0 =	simm.s32 @p1 $0x1  }
0x15: {  	[smem:$0x3FB1] =	sst s0;
	s0 =	simm.s32 @!p2 $0x0  }
0x16: {  	s3 =	sld [smem:$0x3FDB];
	s0 =	simm.s32 @p2 $0x1  }
0x17: {  	s4 =	simm.s32 $0x1BF5;
	[smem:$0x3FB3] =	sst s0  }
0x18: {  	s0 =	sld [smem:$0x3F96];
	_ =	swait.ge [sflag:s4], $0x0  }
0x19: {  	s7 =	sld [smem:$0x3F97]  }
0x1a: {  	s8 =	sadd.s32 $0xFFFFE003, lr  }
0x1b: {  	s9 =	sadd.s32 $0xFFFFFEF7, lr;
	s5 =	simm.s32 $0xFFFFFFFF;
	p2 =	slt.u32 s8, $0xFFFFF086  }
0x1c: {  	p1 =	slt.u32 s9, $0xF7A;
	s5 =	simm.s32 @!p2 $0x0  }
0x1d: {  	s5 =	simm.s32 @p1 $0x1;
	p0 =	seq.s32 s7, s2  }
0x1e: {  	s7 =	smul.u32 @!p0 $0xF7A, s2;
	p2 =	seq.s32 @!p0 s5, $0x0  }
0x1f: {  	s9 =	smul.u32 $0xF7A, s1;
	s8 =	simm.s32 @!p0 $0x1BF5;
	p2 =	por !p2, p0  }
0x20: {  	[sflag:s8] =	ssyncset.s32 @!p0 $0xFFFFF086;
	s6 =	sadd.s32 @!p0 s3, s7;
	s7 =	simm.s32 @!p0 $0x108  }
0x21: {  	s3 =	sadd.s32 s3, s9;
	s6 =	sadd.s32 @!p0 $0x88, s6;
	s7 =	simm.s32 @p2 $0x1082  }
0x22: {  	[simem:s7], [sflag:s8] =	dma.local @!p0 [hbm:s6], $0xF7A  }
0x23: {  	s9 =	sor.u32 $0xD0000000, s2;
	s6 =	simm.s32 $0x108;
	_ =	swait.ge @!p0 [sflag:s8], $0x0  }
0x24: {  	s3 =	sadd.s32 $0x88, s3;
	s6 =	simm.s32 @!p1 $0x1082;
	[sflag:s4] =	ssyncset.s32 $0xFFFFF086  }
0x25: {  	[simem:s6], [sflag:s4] =	dma.local [hbm:s3], $0xF7A  }
0x26: {  	[smem:$0x3F97] =	sst s1;
	(tag) =	ssettag s2;
	_ =	strace s9  }
0x27: {  	s1 =	sld [smem:$0x3FA7]  }
0x28: {  	s2 =	sld [smem:$0x3FA8]  }
0x29: {  	s4 =	sld [smem:$0x3FAA]  }
0x2a: {  	p0 =	seq.s32 s5, $0x0;
	s5 =	sld [smem:$0x3FAB]  }
0x2b: {  	s6 =	sld [smem:$0x3FAC]  }
0x2c: {  	s7 =	sld [smem:$0x3FAD]  }
0x2d: {  	s3 =	simm.s32 $0x108;
	s8 =	sld [smem:$0x3FAE]  }
0x2e: {  	s3 =	simm.s32 @!p0 $0x1082;
	s9 =	sld [smem:$0x3FAF]  }
0x2f: {  	lr =	sadd.s32 s0, s3;
	s0 =	sld [smem:$0x3FA6]  }
0x30: {  	s3 =	sld [smem:$0x3FA9]  }
0x31: {  	[smem:$0x3FB2] =	sst s10  }
0x32: {  	s10 =	sld [smem:$0x3FB0];
	_ =	sdelay $0x3  }
0x33: {  	p0 =	seq.s32 s10, $0x1;
	s10 =	sld [smem:$0x3FB2];
	_ =	sdelay $0x3  }
0x34: {  	[smem:$0x3FB2] =	sst s10  }
0x35: {  	s10 =	sld [smem:$0x3FB1];
	_ =	sdelay $0x3  }
0x36: {  	p1 =	seq.s32 s10, $0x1;
	s10 =	sld [smem:$0x3FB2];
	_ =	sdelay $0x3  }
0x37: {  	[smem:$0x3FB2] =	sst s10  }
0x38: {  	s10 =	sld [smem:$0x3FB3]  }
0x39: {  	_ = 	snop;
	(pc) =	sbr.ind lr, $3  }
0x3a: {  	_ = 	snop  }
0x3b: {  	_ = 	snop  }
0x3c: {  	p2 =	seq.s32 s10, $0x1;
	s10 =	sld [smem:$0x3FB2]  }
0x3d: {  	_ =	shalt  }
0x3e: {  	_ =	shalt  }
0x3f: {  	_ =	shalt  }
0x40: {  	_ =	shalt  }
0x41: {  	_ =	shalt  }
0x42: {  	_ =	shalt  }
0x43: {  	_ =	shalt  }
0x44: {  	_ =	shalt  }
0x45: {  	_ =	shalt  }
0x46: {  	_ =	shalt  }
0x47: {  	_ =	shalt  }
0x48: {  	_ =	shalt  }
0x49: {  	_ =	shalt  }
0x4a: {  	_ =	shalt  }
0x4b: {  	_ =	shalt  }
0x4c: {  	_ =	shalt  }
0x4d: {  	_ =	shalt  }
0x4e: {  	_ =	shalt  }
0x4f: {  	_ =	shalt  }
0x50: {  	_ =	shalt  }
0x51: {  	_ =	shalt  }
0x52: {  	_ =	shalt  }
0x53: {  	_ =	shalt  }
0x54: {  	_ =	shalt  }
0x55: {  	_ =	shalt  }
0x56: {  	_ =	shalt  }
0x57: {  	_ =	shalt  }
0x58: {  	_ =	shalt  }
0x59: {  	_ =	shalt  }
0x5a: {  	_ =	shalt  }
0x5b: {  	_ =	shalt  }
0x5c: {  	_ =	shalt  }
0x5d: {  	_ =	shalt  }
0x5e: {  	_ =	shalt  }
0x5f: {  	_ =	shalt  }
0x60: {  	_ =	shalt  }
0x61: {  	_ =	shalt  }
0x62: {  	_ =	shalt  }
0x63: {  	_ =	shalt  }
0x64: {  	_ =	shalt  }
0x65: {  	_ =	shalt  }
0x66: {  	_ =	shalt  }
0x67: {  	_ =	shalt  }
0x68: {  	_ =	shalt  }
0x69: {  	_ =	shalt  }
0x6a: {  	_ =	shalt  }
0x6b: {  	_ =	shalt  }
0x6c: {  	_ =	shalt  }
0x6d: {  	_ =	shalt  }
0x6e: {  	_ =	shalt  }
0x6f: {  	_ =	shalt  }
0x70: {  	_ =	shalt  }
0x71: {  	_ =	shalt  }
0x72: {  	_ =	shalt  }
0x73: {  	_ =	shalt  }
0x74: {  	_ =	shalt  }
0x75: {  	_ =	shalt  }
0x76: {  	_ =	shalt  }
0x77: {  	_ =	shalt  }
0x78: {  	_ =	shalt  }
0x79: {  	_ =	shalt  }
0x7a: {  	_ =	shalt  }
0x7b: {  	_ =	shalt  }
0x7c: {  	_ =	shalt  }
0x7d: {  	_ =	shalt  }
0x7e: {  	_ =	shalt  }
0x7f: {  	_ =	shalt  }
0x80: {  	_ =	shalt  }
0x81: {  	_ =	shalt  }
0x82: {  	_ =	shalt  }
0x83: {  	_ =	shalt  }
0x84: {  	_ =	shalt  }
0x85: {  	_ =	shalt  }
0x86: {  	_ =	shalt  }
0x87: {  	_ =	shalt  }
.Lfunc_end0:
.L_simem_size_0:
called_computation_lowered:
.L_overlay_start_0:
0x88: {  	s2 =	sld [smem:$0x3FD9]  }
0x89: {  	s3 =	sld [smem:$0x3FFE];
	_ =	sdelay $0x1  }
0x8a: {  	s1 =	srdreg.scid  }
0x8b: {  	s0 =	sand.u32 $0x1, s1  }
0x8c: {  	s16 =	sshll.u32 s0, $0xA;
	s2 =	sadd.s32 s3, s2  }
0x8d: {  	s2 =	sadd.s32 s2, s16  }
0x8e: {  	[smem:$0x3FBE] =	sst s2  }
0x8f: {  	_ = 	snop  }
0x90: {  	(tm) =	ssettm $0x1  }
0x91: {  	s17 =	sld [smem:$0x3FFB];
	_ =	sdelay $0x3  }
0x92: {  	_ =	strace s17  }
0x93: {  	s2 =	sld [smem:$0x3FFC];
	_ =	sdelay $0x3  }
0x94: {  	_ =	strace s2  }
0x95: {  	s2 =	sld [smem:$0x3FFD];
	_ =	sdelay $0x3  }
0x96: {  	_ =	strace s2  }
0x97: {  	_ =	strace $0x8FFFFFFF  }
0x98: {  	s18 =	sld [smem:$0x3FDB];
	_ =	sdelay $0x1  }
0x99: {  	s19 =	simm.s32 $_scs_section_size  }
0x9a: {  	s4 =	simm.s32 $_size__tile_overlayer_lowered;
	s5 =	simm.s32 $_tile_overlayer_lowered  }
0x9b: {  	s22 =	simm.s32 $0x1BFF;
	s21 =	sshll.u32 s5, $0x1;
	s2 =	sadd.s32 s19, s18  }
0x9c: {  	s6 =	simm.s32 $0x0;
	s20 =	sshll.u32 s4, $0x1;
	s4 =	sadd.s32 s21, s2  }
0x9d: {  	[timem:s6], [sflag:s22] =	dma.local [hbm:s4], s20  }
0x9e: {  	_ =	swait.ge [sflag:s22], s20  }
0x9f: {  	s3 =	ssub.s32 $0x0, s20;
	[sflag:s22] =	ssyncset.done $0x0  }
0xa0: {  	[sflag:s22] =	ssyncadd.s32 s3;
	_ =	sdelay $0x1  }
0xa1: {  	s23 =	simm.s32 $0x1B8B  }
0xa2: {  	_ =	swait.ge [sflag:s23], $0x1  }
0xa3: {  	[sflag:s23] =	ssyncset.done $0x0  }
0xa4: {  	s25 =	simm.s32 $0x1B8E;
	s24 =	sld [smem:$0x3FFE];
	[sflag:s23] =	ssyncadd.s32 $0xFFFFFFFF  }
0xa5: {  	s26 =	simm.s32 $execute0_lowered;
	[smem:$0x3FD2] =	sst s25  }
0xa6: {  	s4 =	sshll.u32 s26, $0x1;
	_ =	strace $0x80000046;
	[dreg:$0x1] =	wrdreg $0xFFFFFFFF  }
0xa7: {  	s28 =	simm.s32 $_size_execute0_lowered;
	s2 =	sadd.s32 s2, s4;
	[dreg:$0x0] =	wrdreg $0x0  }
0xa8: {  	s4 =	sshll.u32 s28, $0x1;
	[dreg:$0x2] =	wrdreg s2  }
0xa9: {  	[dreg:$0x3] =	wrdreg s4  }
0xaa: {  	[dreg:$0x4] =	wrdreg $0xC0  }
0xab: {  	_ =	task [dreg:s6], $0x5FFFF  }
0xac: {  	[dreg:$0x1] =	wrdreg $0xFFFFFFFF  }
0xad: {  	[dreg:$0x0] =	wrdreg $0x60  }
0xae: {  	[dreg:$0x2] =	wrdreg s24  }
0xaf: {  	[dreg:$0x3] =	wrdreg $0x2B000  }
0xb0: {  	[dreg:$0x4] =	wrdreg $0x9  }
0xb1: {  	_ =	task.clear_ibuf [dreg:s6], $0x5FFFF;
	_ =	strace $0x90000046  }
0xb2: {  	s29 =	simm.s32 $0x9;
	_ =	strace $0x80000048  }
0xb3: {  	_ =	swait.ge [sflag:s29], $0x1  }
0xb4: {  	[sflag:s29] =	ssyncadd.s32 $0xFFFFFFFF  }
0xb5: {  	_ =	strace $0x90000048  }
0xb6: {  	_ =	sfence  }
0xb7: {  	s30 =	sld [smem:$0x0];
	_ =	sdelay $0x2  }
0xb8: {  	s31 =	sshll.u32 s1, $0xD;
	s1 =	sshrl.u32 s1, $0x2  }
0xb9: {  	s3 =	sand.u32 $0x4000, s31;
	s1 =	sadd.s32 s1, s30  }
0xba: {  	s0 =	sor.u32 s3, s0;
	s1 =	sshll.u32 s1, $0x11  }
0xbb: {  	s0 =	sor.u32 s1, s0  }
0xbc: {  	s0 =	sadd.s32 $0x8F2B, s0  }
0xbd: {  	[sflag:s0] =	ssyncadd.remote.s32 $0x1  }
0xbe: {  	_ =	sfence.sel $0xFFFF  }
0xbf: {  	[dreg:$0x0] =	wrdreg $0xFFFFFFFF;
	(pc) =	sbr.abs _section_cstart, $3  }
0xc0: {  	[dreg:$0x1] =	wrdreg $0xFFFFFFFF  }
0xc1: {  	_ =	task.clear_ibuf [dreg:s6], $0x2FFFF;
	_ =	strace $0x9FFFFFFF  }
0xc2: {  	(tm) =	ssettm $0x7FFFFFFF  }
0xc3: {  	_ =	shalt  }
tec
execute0_lowered:
.L_overlay_start_1:
0x0: {  	(tag) =	ssettag $0x1  }
0x1: {  	s4 =	rddreg [dreg:$0x0];
	s0 =	srdreg.scid  }
0x2: {  	s2 =	rddreg [dreg:$0x1];
	s1 =	stileid.u32  }
0x3: {  	s3 =	simm.s32 $0x0;
	s10 =	simm.s32 $0x80;
	s11 =	simm.s32 $0x2800  }
0x4: {  	s14 =	simm.s32 $0x20;
	s15 =	simm.s32 $0x10;
	s16 =	simm.s32 $0x0  }
0x5: {  	s5 =	sand.u32 $0x1, s0;
	s0 =	rddreg [dreg:$0x2];
	s7 =	smul.u32 $0x500, s1  }
0x6: {  	[smem:$0x7FF] =	sst s3;
	s30 =	smul.u32 $0xA00, s1;
	s12 =	sshll.u32 s1, $0x6  }
0x7: {  	s6 =	sshll.u32 s5, $0x4;
	s8 =	sshll.u32 s5, $0x7;
	_ =	strace $0x80000047  }
0x8: {  	s5 =	ssub.s32 $0x2, s5;
	s12 =	sor.u32 $0x1C01, s12;
	s6 =	sor.u32 s1, s6  }
0x9: {  	s7 =	sor.u32 s8, s7;
	s31 =	sshrl.u32 s5, $0x1;
	s6 =	smul.u32 $0x500, s6  }
0xa: {  	s8 =	sshrl.u32 s30, $0x2;
	s7 =	sshrl.u32 s7, $0x3;
	s9 =	ssub.s32 s5, s31  }
0xb: {  	s7 =	sadd.s32 s7, s4;
	s6 =	sadd.s32 s6, s4;
	s4 =	sadd.s32 s8, s2  }
0xc: {  	s8 =	simm.s32 $0x2880;
	s5 =	sadd.s32 $0x4E00, s6;
	s6 =	sadd.s32 $0xEE00, s7  }
0xd: {  	v0 =	vimm.f32 $0.0e+00;
	v1 =	vimm.f32 $1.000000000e+00;
	s7 =	smax.u32 s9, $0x1;
	s9 =	simm.s32 $0x1;
	s13 =	sshrl.u32 s4, $0x3  }
.LBB2_1:
0xe: {  	[tilespmem:$0x2880] =	vst v0  }
0xf: {  	[tilespmem:$0x2890] =	vst v0  }
0x10: {  	[tilespmem:$0x28A0] =	vst v0  }
0x11: {  	[tilespmem:$0x28B0] =	vst v0  }
0x12: {  	[tilespmem:$0x28C0] =	vst v0  }
0x13: {  	[tilespmem:$0x28D0] =	vst v0  }
0x14: {  	[tilespmem:$0x28E0] =	vst v0  }
0x15: {  	[tilespmem:$0x28F0] =	vst v0  }
0x16: {  	[tilespmem:$0x2900] =	vst v0  }
0x17: {  	[tilespmem:$0x2910] =	vst v0  }
0x18: {  	[tilespmem:$0x2920] =	vst v0  }
0x19: {  	[tilespmem:$0x2930] =	vst v0  }
0x1a: {  	[tilespmem:$0x2940] =	vst v0  }
0x1b: {  	[tilespmem:$0x2950] =	vst v0  }
0x1c: {  	[tilespmem:$0x2960] =	vst v0  }
0x1d: {  	[tilespmem:$0x2970] =	vst v0  }
0x1e: {  	[tilespmem:$0x2980] =	vst v0  }
0x1f: {  	[tilespmem:$0x2990] =	vst v0  }
0x20: {  	[tilespmem:$0x29A0] =	vst v0  }
0x21: {  	[tilespmem:$0x29B0] =	vst v0  }
0x22: {  	[tilespmem:$0x29C0] =	vst v0  }
0x23: {  	[tilespmem:$0x29D0] =	vst v0  }
0x24: {  	[tilespmem:$0x29E0] =	vst v0  }
0x25: {  	[tilespmem:$0x29F0] =	vst v0  }
0x26: {  	[tilespmem:$0x2A00] =	vst v0  }
0x27: {  	[tilespmem:$0x2A10] =	vst v0  }
0x28: {  	[tilespmem:$0x2A20] =	vst v0  }
0x29: {  	[tilespmem:$0x2A30] =	vst v0  }
0x2a: {  	[tilespmem:$0x2A40] =	vst v0  }
0x2b: {  	[tilespmem:$0x2A50] =	vst v0  }
0x2c: {  	[tilespmem:$0x2A60] =	vst v0  }
0x2d: {  	[tilespmem:$0x2A70] =	vst v0  }
0x2e: {  	[tilespmem:$0x2A80] =	vst v0  }
0x2f: {  	[tilespmem:$0x2A90] =	vst v0  }
0x30: {  	[tilespmem:$0x2AA0] =	vst v0  }
0x31: {  	[tilespmem:$0x2AB0] =	vst v0  }
0x32: {  	[tilespmem:$0x2AC0] =	vst v0  }
0x33: {  	[tilespmem:$0x2AD0] =	vst v0  }
0x34: {  	[tilespmem:$0x2AE0] =	vst v0  }
0x35: {  	[tilespmem:$0x2AF0] =	vst v0  }
0x36: {  	[tilespmem:$0x2800] =	vst v1  }
0x37: {  	[tilespmem:$0x2810] =	vst v1  }
0x38: {  	[tilespmem:$0x2820] =	vst v1  }
0x39: {  	[tilespmem:$0x2830] =	vst v1  }
0x3a: {  	[tilespmem:$0x2840] =	vst v1  }
0x3b: {  	[tilespmem:$0x2850] =	vst v1  }
0x3c: {  	[tilespmem:$0x2860] =	vst v1  }
0x3d: {  	[tilespmem:$0x2870] =	vst v1  }
0x3e: {  	[spmem:s4] =	stream.linear.scatter [tilespmem:s8], [sflag:$0x1], $0x280, $0x38;
	[tilespmem:$0x2D80] =	vst v63  }
0x3f: {  	_ =	swait.ge [sflag:s9], $0x280  }
0x40: {  	[sflag:s9] =	ssyncset.done $0x0  }
0x41: {  	[sflag:s9] =	ssyncadd.s32 $0xFFFFFD80  }
0x42: {  	[bflag:$0x0] =	sbarrier.arrive $0xFFFF  }
0x43: {  	[tilespmem:s3], [sflag:$0x1] =	stream.linear.gather [hbm4b:s5+s3], $0x2800, $0x38;
	[tilespmem:$0x2D80] =	vst v63  }
0x44: {  	_ =	swait.ge [sflag:s9], $0x2800  }
0x45: {  	[sflag:s9] =	ssyncset.done $0x0  }
0x46: {  	s17 =	simm.s32 $0x0;
	[sflag:s9] =	ssyncadd.s32 $0xFFFFD800  }
0x47: {  	[spmem:s2] =	stream.indirect.scatter.add.f32 [tilespmem:s11], [sflag:$0x1], $0x1, s17, s10, $0xb8;
	[tilespmem:$0x2D80] =	vst v63  }
0x48: {  	_ =	swait.ge [sflag:s9], $0x80  }
0x49: {  	s17 =	simm.s32 $0x200;
	[sflag:s9] =	ssyncset.done $0x0  }
.LBB2_2:
0x4a: {  	s18 =	sshra.s32 s17, $0x2;
	[sflag:s9] =	ssyncadd.s32 $0xFFFFFF80;
	p0 =	sne.s32 s17, $0x9E00  }
0x4b: {  	[spmem:s2] =	stream.indirect.scatter.add.f32 [tilespmem:s11], [sflag:$0x1], $0x1, s18, s10, $0xb8;
	[tilespmem:$0x2D80] =	vst v63  }
.Ltmp0:
0x4c: {  	_ = 	snop;
	(pc) =	sbr.rel @p0 .LBB2_2-.Ltmp0, $4  }
0x4d: {  	_ = 	snop  }
0x4e: {  	s17 =	sadd.s32 $0x200, s17  }
0x4f: {  	_ =	swait.ge [sflag:s9], $0x80  }
0x50: {  	[sflag:s9] =	ssyncset.done $0x0  }
0x51: {  	s16 =	sadd.s32 $0x1, s16  }
0x52: {  	[sflag:s9] =	ssyncadd.s32 $0xFFFFFF80;
	p0 =	sne.s32 s16, s7  }
.Ltmp1:
0x53: {  	[bflag:$0x0] =	sbarrier.arrive $0xFFFF;
	(pc) =	sbr.rel @p0 .LBB2_1-.Ltmp1, $4  }
0x54: {  	[hbm:s6@s14], [sflag:s12] =	dma.strided [spmem:s13@s15], $0x50, s9, $0x10   }
0x55: {  	_ =	swait.ge [sflag:s9], $0x50  }
0x56: {  	[sflag:s9] =	ssyncset.done $0x0  }
0x57: {  	[sflag:s9] =	ssyncadd.s32 $0xFFFFFFB0  }
0x58: {  	_ =	sfence.sel $0x180000  }
0x59: {  	[bflag:$0x0] =	sbarrier.arrive $0xFFFF  }
0x5a: {  	p0 =	sne.s32 s1, $0x0;
	_ =	strace $0x90000047  }
0x5b: {  	s0 =	sadd.s32 @!p0 $0x100000, s0;
	[bflag:$0x2] =	sbarrier.arrive $0xFFFF  }
0x5c: {  	[sflag:s0] =	ssyncadd.tile.s32 @!p0 $0x1;
	_ =	shalt  }
.Lfunc_end2:
_tile_overlayer_lowered:
.L_overlay_start_2:
0x5d: {  	(tag) =	ssettag $0x2  }
0x5e: {  	s0 =	rddreg [dreg:$0x0];
	s2 =	stileid.u32  }
0x5f: {  	s1 =	rddreg [dreg:$0x1];
	p0 =	sne.s32 s2, $0x0  }
0x60: {  	s3 =	rddreg [dreg:$0x2];
	[bflag:$0x3] =	sbarrier.arrive $0xFFFF;
	s2 =	simm.s32 @!p0 $0x1C01  }
0x61: {  	[timem:s3], [sflag:s2] =	dma.local @!p0 [hbm:s0], s1  }
0x62: {  	s0 =	simm.s32 @!p0 $0x1  }
0x63: {  	_ =	swait.ge @!p0 [sflag:s0], s1  }
0x64: {  	s1 =	ssub.s32 @!p0 $0x0, s1;
	[sflag:s0] =	ssyncset.done @!p0 $0x0  }
0x65: {  	[sflag:s0] =	ssyncadd.s32 @!p0 s1  }
0x66: {  	[bflag:$0x3] =	sbarrier.arrive $0xFFFF  }
0x67: {  	_ =	shalt  }

// kernel: kernel.18.cloned.1.call-start
scs
__scs_entry_jumppad:
0x0: {  	(pc) =	sbr.rel $0x88, $3  }
0x1: {  	(tag) =	ssettag $0x0;
	lr =	simm.s32 $0x1  }
0x2: {  	[smem:$0x3F97] =	sst lr;
	_ =	strace $0xD0000000  }
0x3: {  	_ = 	snop  }
0x4: {  	_ = 	snop  }
0x5: {  	_ = 	snop  }
0x6: {  	_ = 	snop  }
0x7: {  	_ = 	snop  }
__scs_overlays_trampoline_lowered:
0x8: {  	[smem:$0x3FA6] =	sst s0  }
0x9: {  	[smem:$0x3FA7] =	sst s1  }
0xa: {  	[smem:$0x3FA8] =	sst s2  }
0xb: {  	[smem:$0x3FA9] =	sst s3  }
0xc: {  	[smem:$0x3FAA] =	sst s4  }
0xd: {  	[smem:$0x3FAB] =	sst s5  }
0xe: {  	[smem:$0x3FAC] =	sst s6  }
0xf: {  	[smem:$0x3FAD] =	sst s7  }
0x10: {  	[smem:$0x3FAE] =	sst s8  }
0x11: {  	[smem:$0x3FAF] =	sst s9;
	s0 =	simm.s32 @!p0 $0x0  }
0x12: {  	s1 =	sld [smem:$0x3F95];
	s0 =	simm.s32 @p0 $0x1  }
0x13: {  	[smem:$0x3FB0] =	sst s0;
	s0 =	simm.s32 @!p1 $0x0  }
0x14: {  	s2 =	sld [smem:$0x3F94];
	s0 =	simm.s32 @p1 $0x1  }
0x15: {  	[smem:$0x3FB1] =	sst s0;
	s0 =	simm.s32 @!p2 $0x0  }
0x16: {  	s3 =	sld [smem:$0x3FDB];
	s0 =	simm.s32 @p2 $0x1  }
0x17: {  	s4 =	simm.s32 $0x1BF5;
	[smem:$0x3FB3] =	sst s0  }
0x18: {  	s0 =	sld [smem:$0x3F96];
	_ =	swait.ge [sflag:s4], $0x0  }
0x19: {  	s7 =	sld [smem:$0x3F97]  }
0x1a: {  	s8 =	sadd.s32 $0xFFFFE003, lr  }
0x1b: {  	s9 =	sadd.s32 $0xFFFFFEF7, lr;
	s5 =	simm.s32 $0xFFFFFFFF;
	p2 =	slt.u32 s8, $0xFFFFF086  }
0x1c: {  	p1 =	slt.u32 s9, $0xF7A;
	s5 =	simm.s32 @!p2 $0x0  }
0x1d: {  	s5 =	simm.s32 @p1 $0x1;
	p0 =	seq.s32 s7, s2  }
0x1e: {  	s7 =	smul.u32 @!p0 $0xF7A, s2;
	p2 =	seq.s32 @!p0 s5, $0x0  }
0x1f: {  	s9 =	smul.u32 $0xF7A, s1;
	s8 =	simm.s32 @!p0 $0x1BF5;
	p2 =	por !p2, p0  }
0x20: {  	[sflag:s8] =	ssyncset.s32 @!p0 $0xFFFFF086;
	s6 =	sadd.s32 @!p0 s3, s7;
	s7 =	simm.s32 @!p0 $0x108  }
0x21: {  	s3 =	sadd.s32 s3, s9;
	s6 =	sadd.s32 @!p0 $0x88, s6;
	s7 =	simm.s32 @p2 $0x1082  }
0x22: {  	[simem:s7], [sflag:s8] =	dma.local @!p0 [hbm:s6], $0xF7A  }
0x23: {  	s9 =	sor.u32 $0xD0000000, s2;
	s6 =	simm.s32 $0x108;
	_ =	swait.ge @!p0 [sflag:s8], $0x0  }
0x24: {  	s3 =	sadd.s32 $0x88, s3;
	s6 =	simm.s32 @!p1 $0x1082;
	[sflag:s4] =	ssyncset.s32 $0xFFFFF086  }
0x25: {  	[simem:s6], [sflag:s4] =	dma.local [hbm:s3], $0xF7A  }
0x26: {  	[smem:$0x3F97] =	sst s1;
	(tag) =	ssettag s2;
	_ =	strace s9  }
0x27: {  	s1 =	sld [smem:$0x3FA7]  }
0x28: {  	s2 =	sld [smem:$0x3FA8]  }
0x29: {  	s4 =	sld [smem:$0x3FAA]  }
0x2a: {  	p0 =	seq.s32 s5, $0x0;
	s5 =	sld [smem:$0x3FAB]  }
0x2b: {  	s6 =	sld [smem:$0x3FAC]  }
0x2c: {  	s7 =	sld [smem:$0x3FAD]  }
0x2d: {  	s3 =	simm.s32 $0x108;
	s8 =	sld [smem:$0x3FAE]  }
0x2e: {  	s3 =	simm.s32 @!p0 $0x1082;
	s9 =	sld [smem:$0x3FAF]  }
0x2f: {  	lr =	sadd.s32 s0, s3;
	s0 =	sld [smem:$0x3FA6]  }
0x30: {  	s3 =	sld [smem:$0x3FA9]  }
0x31: {  	[smem:$0x3FB2] =	sst s10  }
0x32: {  	s10 =	sld [smem:$0x3FB0];
	_ =	sdelay $0x3  }
0x33: {  	p0 =	seq.s32 s10, $0x1;
	s10 =	sld [smem:$0x3FB2];
	_ =	sdelay $0x3  }
0x34: {  	[smem:$0x3FB2] =	sst s10  }
0x35: {  	s10 =	sld [smem:$0x3FB1];
	_ =	sdelay $0x3  }
0x36: {  	p1 =	seq.s32 s10, $0x1;
	s10 =	sld [smem:$0x3FB2];
	_ =	sdelay $0x3  }
0x37: {  	[smem:$0x3FB2] =	sst s10  }
0x38: {  	s10 =	sld [smem:$0x3FB3]  }
0x39: {  	_ = 	snop;
	(pc) =	sbr.ind lr, $3  }
0x3a: {  	_ = 	snop  }
0x3b: {  	_ = 	snop  }
0x3c: {  	p2 =	seq.s32 s10, $0x1;
	s10 =	sld [smem:$0x3FB2]  }
0x3d: {  	_ =	shalt  }
0x3e: {  	_ =	shalt  }
0x3f: {  	_ =	shalt  }
0x40: {  	_ =	shalt  }
0x41: {  	_ =	shalt  }
0x42: {  	_ =	shalt  }
0x43: {  	_ =	shalt  }
0x44: {  	_ =	shalt  }
0x45: {  	_ =	shalt  }
0x46: {  	_ =	shalt  }
0x47: {  	_ =	shalt  }
0x48: {  	_ =	shalt  }
0x49: {  	_ =	shalt  }
0x4a: {  	_ =	shalt  }
0x4b: {  	_ =	shalt  }
0x4c: {  	_ =	shalt  }
0x4d: {  	_ =	shalt  }
0x4e: {  	_ =	shalt  }
0x4f: {  	_ =	shalt  }
0x50: {  	_ =	shalt  }
0x51: {  	_ =	shalt  }
0x52: {  	_ =	shalt  }
0x53: {  	_ =	shalt  }
0x54: {  	_ =	shalt  }
0x55: {  	_ =	shalt  }
0x56: {  	_ =	shalt  }
0x57: {  	_ =	shalt  }
0x58: {  	_ =	shalt  }
0x59: {  	_ =	shalt  }
0x5a: {  	_ =	shalt  }
0x5b: {  	_ =	shalt  }
0x5c: {  	_ =	shalt  }
0x5d: {  	_ =	shalt  }
0x5e: {  	_ =	shalt  }
0x5f: {  	_ =	shalt  }
0x60: {  	_ =	shalt  }
0x61: {  	_ =	shalt  }
0x62: {  	_ =	shalt  }
0x63: {  	_ =	shalt  }
0x64: {  	_ =	shalt  }
0x65: {  	_ =	shalt  }
0x66: {  	_ =	shalt  }
0x67: {  	_ =	shalt  }
0x68: {  	_ =	shalt  }
0x69: {  	_ =	shalt  }
0x6a: {  	_ =	shalt  }
0x6b: {  	_ =	shalt  }
0x6c: {  	_ =	shalt  }
0x6d: {  	_ =	shalt  }
0x6e: {  	_ =	shalt  }
0x6f: {  	_ =	shalt  }
0x70: {  	_ =	shalt  }
0x71: {  	_ =	shalt  }
0x72: {  	_ =	shalt  }
0x73: {  	_ =	shalt  }
0x74: {  	_ =	shalt  }
0x75: {  	_ =	shalt  }
0x76: {  	_ =	shalt  }
0x77: {  	_ =	shalt  }
0x78: {  	_ =	shalt  }
0x79: {  	_ =	shalt  }
0x7a: {  	_ =	shalt  }
0x7b: {  	_ =	shalt  }
0x7c: {  	_ =	shalt  }
0x7d: {  	_ =	shalt  }
0x7e: {  	_ =	shalt  }
0x7f: {  	_ =	shalt  }
0x80: {  	_ =	shalt  }
0x81: {  	_ =	shalt  }
0x82: {  	_ =	shalt  }
0x83: {  	_ =	shalt  }
0x84: {  	_ =	shalt  }
0x85: {  	_ =	shalt  }
0x86: {  	_ =	shalt  }
0x87: {  	_ =	shalt  }
.Lfunc_end0:
.L_simem_size_0:
called_computation.1_lowered:
.L_overlay_start_0:
0x88: {  	s2 =	sld [smem:$0x3FD9]  }
0x89: {  	s3 =	sld [smem:$0x3FFE];
	_ =	sdelay $0x1  }
0x8a: {  	s1 =	srdreg.scid  }
0x8b: {  	s0 =	sand.u32 $0x1, s1  }
0x8c: {  	s16 =	sshll.u32 s0, $0xA;
	s2 =	sadd.s32 s3, s2  }
0x8d: {  	s2 =	sadd.s32 s2, s16  }
0x8e: {  	[smem:$0x3FBE] =	sst s2  }
0x8f: {  	_ = 	snop  }
0x90: {  	(tm) =	ssettm $0x1  }
0x91: {  	s17 =	sld [smem:$0x3FFB];
	_ =	sdelay $0x3  }
0x92: {  	_ =	strace s17  }
0x93: {  	s2 =	sld [smem:$0x3FFC];
	_ =	sdelay $0x3  }
0x94: {  	_ =	strace s2  }
0x95: {  	s2 =	sld [smem:$0x3FFD];
	_ =	sdelay $0x3  }
0x96: {  	_ =	strace s2  }
0x97: {  	_ =	strace $0x8FFFFFFF  }
0x98: {  	s18 =	sld [smem:$0x3FDB];
	_ =	sdelay $0x1  }
0x99: {  	s19 =	simm.s32 $_scs_section_size  }
0x9a: {  	s4 =	simm.s32 $_size__tile_overlayer_lowered;
	s5 =	simm.s32 $_tile_overlayer_lowered  }
0x9b: {  	s22 =	simm.s32 $0x1BFF;
	s21 =	sshll.u32 s5, $0x1;
	s2 =	sadd.s32 s19, s18  }
0x9c: {  	s6 =	simm.s32 $0x0;
	s20 =	sshll.u32 s4, $0x1;
	s4 =	sadd.s32 s21, s2  }
0x9d: {  	[timem:s6], [sflag:s22] =	dma.local [hbm:s4], s20  }
0x9e: {  	_ =	swait.ge [sflag:s22], s20  }
0x9f: {  	s3 =	ssub.s32 $0x0, s20;
	[sflag:s22] =	ssyncset.done $0x0  }
0xa0: {  	[sflag:s22] =	ssyncadd.s32 s3;
	_ =	sdelay $0x1  }
0xa1: {  	s23 =	simm.s32 $0x1B8B  }
0xa2: {  	_ =	swait.ge [sflag:s23], $0x1  }
0xa3: {  	[sflag:s23] =	ssyncset.done $0x0  }
0xa4: {  	s25 =	simm.s32 $0x1B8E;
	s24 =	sld [smem:$0x3FFE];
	[sflag:s23] =	ssyncadd.s32 $0xFFFFFFFF  }
0xa5: {  	s26 =	simm.s32 $execute0_lowered;
	[smem:$0x3FD2] =	sst s25  }
0xa6: {  	s4 =	sshll.u32 s26, $0x1;
	_ =	strace $0x80000049;
	[dreg:$0x1] =	wrdreg $0xFFFFFFFF  }
0xa7: {  	s28 =	simm.s32 $_size_execute0_lowered;
	s2 =	sadd.s32 s2, s4;
	[dreg:$0x0] =	wrdreg $0x0  }
0xa8: {  	s4 =	sshll.u32 s28, $0x1;
	[dreg:$0x2] =	wrdreg s2  }
0xa9: {  	[dreg:$0x3] =	wrdreg s4  }
0xaa: {  	[dreg:$0x4] =	wrdreg $0xC0  }
0xab: {  	_ =	task [dreg:s6], $0x5FFFF  }
0xac: {  	[dreg:$0x1] =	wrdreg $0xFFFFFFFF  }
0xad: {  	[dreg:$0x0] =	wrdreg $0x60  }
0xae: {  	[dreg:$0x2] =	wrdreg s24  }
0xaf: {  	[dreg:$0x3] =	wrdreg $0xC3000  }
0xb0: {  	[dreg:$0x4] =	wrdreg $0x9  }
0xb1: {  	_ =	task.clear_ibuf [dreg:s6], $0x5FFFF;
	_ =	strace $0x90000049  }
0xb2: {  	s29 =	simm.s32 $0x9;
	_ =	strace $0x8000004B  }
0xb3: {  	_ =	swait.ge [sflag:s29], $0x1  }
0xb4: {  	[sflag:s29] =	ssyncadd.s32 $0xFFFFFFFF  }
0xb5: {  	_ =	strace $0x9000004B  }
0xb6: {  	_ =	sfence  }
0xb7: {  	s30 =	sld [smem:$0x0];
	_ =	sdelay $0x2  }
0xb8: {  	s31 =	sshll.u32 s1, $0xD;
	s1 =	sshrl.u32 s1, $0x2  }
0xb9: {  	s3 =	sand.u32 $0x4000, s31;
	s1 =	sadd.s32 s1, s30  }
0xba: {  	s0 =	sor.u32 s3, s0;
	s1 =	sshll.u32 s1, $0x11  }
0xbb: {  	s0 =	sor.u32 s1, s0  }
0xbc: {  	s0 =	sadd.s32 $0x8F2B, s0  }
0xbd: {  	[sflag:s0] =	ssyncadd.remote.s32 $0x1  }
0xbe: {  	_ =	sfence.sel $0xFFFF  }
0xbf: {  	[dreg:$0x0] =	wrdreg $0xFFFFFFFF;
	(pc) =	sbr.abs _section_cstart, $3  }
0xc0: {  	[dreg:$0x1] =	wrdreg $0xFFFFFFFF  }
0xc1: {  	_ =	task.clear_ibuf [dreg:s6], $0x2FFFF;
	_ =	strace $0x9FFFFFFF  }
0xc2: {  	(tm) =	ssettm $0x7FFFFFFF  }
0xc3: {  	_ =	shalt  }
tec
execute0_lowered:
.L_overlay_start_1:
0x0: {  	(tag) =	ssettag $0x1  }
0x1: {  	s0 =	rddreg [dreg:$0x0]  }
0x2: {  	s1 =	srdreg.scid;
	s2 =	rddreg [dreg:$0x1]  }
0x3: {  	s11 =	stileid.u32;
	s3 =	simm.s32 $0x0;
	s28 =	simm.s32 $0x180  }
0x4: {  	s29 =	simm.s32 $0x200;
	s30 =	simm.s32 $0x4300;
	s31 =	simm.s32 $0x100  }
0x5: {  	s1 =	sand.u32 $0x1, s1;
	s6 =	smul.u32 $0x13C00, s11;
	[smem:$0x7FF] =	sst s3  }
0x6: {  	s4 =	sadd.s32 $0x23400, s0;
	s7 =	sadd.s32 $0xF800, s0;
	s8 =	smul.u32 $0x4F000, s11  }
0x7: {  	s5 =	smul.u32 $0x13C000, s1;
	_ =	strace $0x8000004A;
	s21 =	sshll.u32 s1, $0x4  }
0x8: {  	s9 =	ssub.s32 $0x2, s1;
	s1 =	smul.u32 $0x27800, s1;
	s10 =	sor.u32 s11, s21  }
0x9: {  	s22 =	sshrl.u32 s8, $0x2;
	s23 =	sshrl.u32 s9, $0x1;
	s11 =	smul.u32 $0x2780, s11  }
0xa: {  	s5 =	sadd.s32 s6, s5;
	s20 =	sadd.s32 s22, s2;
	s10 =	smul.u32 $0x2780, s10  }
0xb: {  	s8 =	ssub.s32 s9, s23;
	s6 =	sshrl.u32 s5, $0x3;
	s5 =	sadd.s32 $0x19600, s0  }
0xc: {  	s24 =	sadd.s32 $0x8000, s20;
	s25 =	sadd.s32 $0xC000, s20;
	s12 =	sadd.s32 $0x10000, s20  }
0xd: {  	s1 =	sadd.s32 s11, s1;
	s0 =	sadd.s32 s6, s0;
	[dreg:$0x9] =	wrdreg s24  }
0xe: {  	s6 =	sadd.s32 $0x4000, s20;
	[dreg:$0xa] =	wrdreg s25;
	s26 =	sshrl.u32 s10, $0x3  }
0xf: {  	[dreg:$0xb] =	wrdreg s12;
	s16 =	sadd.s32 $0x300, s1;
	s17 =	sadd.s32 $0x280, s1  }
0x10: {  	s11 =	sadd.s32 $0x200, s1;
	s24 =	smax.u32 s8, $0x1;
	[dreg:$0x8] =	wrdreg s6  }
0x11: {  	s8 =	simm.s32 $0x9;
	s13 =	sadd.s32 s7, s26;
	[dreg:$0x15] =	wrdreg s24  }
0x12: {  	s10 =	sadd.s32 $0x10, s26;
	s14 =	sadd.s32 s5, s26;
	[dreg:$0xc] =	wrdreg s13  }
0x13: {  	s9 =	sadd.s32 $0x20, s26;
	s0 =	sadd.s32 $0x4A600, s0;
	[dreg:$0xe] =	wrdreg s14  }
0x14: {  	s22 =	sshrl.u32 s11, $0x3;
	s26 =	sadd.s32 $0x180, s1;
	[dreg:$0x14] =	wrdreg s0  }
0x15: {  	s24 =	simm.s32 $0x5;
	s12 =	sadd.s32 s7, s10;
	[dreg:$0x16] =	wrdreg s26  }
0x16: {  	s1 =	simm.s32 $0x1;
	s10 =	sadd.s32 s5, s10;
	[dreg:$0xd] =	wrdreg s12  }
0x17: {  	s11 =	simm.s32 $0x6;
	s15 =	sadd.s32 s7, s9;
	[dreg:$0xf] =	wrdreg s10  }
0x18: {  	s9 =	sadd.s32 s5, s9;
	s6 =	sadd.s32 $0x30, s13;
	[dreg:$0x10] =	wrdreg s15  }
0x19: {  	s18 =	sadd.s32 $0x4E0, s14;
	s23 =	sadd.s32 s22, s5;
	[dreg:$0x11] =	wrdreg s9  }
0x1a: {  	s25 =	sadd.s32 s22, s7;
	s22 =	simm.s32 $0x300;
	[dreg:$0x12] =	wrdreg s6  }
0x1b: {  	s26 =	simm.s32 $0x80;
	s0 =	simm.s32 $0x280;
	[dreg:$0x13] =	wrdreg s18  }
0x1c: {  	s14 =	simm.s32 $0x7;
	s9 =	sshrl.u32 s16, $0x3;
	[dreg:$0x6] =	wrdreg s23  }
0x1d: {  	s10 =	sshrl.u32 s17, $0x3;
	[dreg:$0x7] =	wrdreg s25;
	s23 =	simm.s32 $0x4  }
0x1e: {  	s25 =	simm.s32 $0xD;
	s12 =	simm.s32 $0xC;
	s15 =	simm.s32 $0xA  }
0x1f: {  	s16 =	simm.s32 $0x8;
	s17 =	simm.s32 $0xB;
	s9 =	sadd.s32 s9, s7  }
0x20: {  	s18 =	simm.s32 $0x0;
	s19 =	sadd.s32 s10, s5;
	[dreg:$0x3] =	wrdreg s9  }
0x21: {  	s21 =	sadd.s32 s10, s7;
	s7 =	simm.s32 $0x2;
	[dreg:$0x4] =	wrdreg s19  }
0x22: {  	v0 =	vimm.f32 $0.0e+00;
	s10 =	simm.s32 $0x3;
	[dreg:$0x5] =	wrdreg s21;
	s9 =	simm.s32 $0x8300  }
.LBB2_1:
0x23: {  	s13 =	simm.s32 $0x0;
	s19 =	simm.s32 $0x200  }
.LBB2_2:
0x24: {  	p0 =	sne.s32 s19, $0xFE00;
	[tilespmem:s13+$0x370] =	vst v0  }
0x25: {  	[tilespmem:s13+$0x300] =	vst v0  }
0x26: {  	[tilespmem:s13+$0x310] =	vst v0  }
.Ltmp0:
0x27: {  	[tilespmem:s13+$0x320] =	vst v0;
	(pc) =	sbr.rel @p0 .LBB2_2-.Ltmp0, $4  }
0x28: {  	[tilespmem:s13+$0x330] =	vst v0  }
0x29: {  	[tilespmem:s13+$0x340] =	vst v0  }
0x2a: {  	[tilespmem:s13+$0x350] =	vst v0  }
0x2b: {  	[tilespmem:s13+$0x360] =	vst v0;
	s13 =	sshra.s32 s19, $0x2;
	s19 =	sadd.s32 $0x200, s19  }
0x2c: {  	[tilespmem:s13+$0x370] =	vst v0  }
0x2d: {  	[tilespmem:s13+$0x300] =	vst v0  }
0x2e: {  	[tilespmem:s13+$0x310] =	vst v0  }
0x2f: {  	[tilespmem:s13+$0x320] =	vst v0  }
0x30: {  	[tilespmem:s13+$0x330] =	vst v0  }
0x31: {  	[tilespmem:s13+$0x340] =	vst v0  }
0x32: {  	[tilespmem:s13+$0x350] =	vst v0  }
0x33: {  	[tilespmem:s13+$0x360] =	vst v0  }
0x34: {  	[spmem:s20] =	stream.linear.scatter [tilespmem:s22], [sflag:$0x4], $0x4000, $0x38;
	[tilespmem:$0x1FF00] =	vst v63  }
0x35: {  	s6 =	rddreg [dreg:$0x8]  }
0x36: {  	[spmem:s6] =	stream.linear.scatter [tilespmem:s22], [sflag:$0x4], $0x4000, $0x38;
	[tilespmem:$0x1FF00] =	vst v63  }
0x37: {  	s19 =	rddreg [dreg:$0x9]  }
0x38: {  	[spmem:s19] =	stream.linear.scatter [tilespmem:s22], [sflag:$0x4], $0x4000, $0x38;
	[tilespmem:$0x1FF00] =	vst v63  }
0x39: {  	s21 =	smov.u32 s20;
	s20 =	rddreg [dreg:$0xa]  }
0x3a: {  	[spmem:s20] =	stream.linear.scatter [tilespmem:s22], [sflag:$0x4], $0x4000, $0x38;
	[tilespmem:$0x1FF00] =	vst v63  }
0x3b: {  	s13 =	rddreg [dreg:$0xb]  }
0x3c: {  	[spmem:s13] =	stream.linear.scatter [tilespmem:s22], [sflag:$0x5], $0x3C00, $0x38;
	[tilespmem:$0x1FF00] =	vst v63  }
0x3d: {  	_ =	swait.ge [sflag:s23], $0x4000  }
0x3e: {  	[sflag:s23] =	ssyncset.done $0x0  }
0x3f: {  	[sflag:s23] =	ssyncadd.s32 $0xFFFFC000  }
0x40: {  	_ =	swait.ge [sflag:s23], $0x4000  }
0x41: {  	[sflag:s23] =	ssyncset.done $0x0  }
0x42: {  	[sflag:s23] =	ssyncadd.s32 $0xFFFFC000  }
0x43: {  	_ =	swait.ge [sflag:s23], $0x4000  }
0x44: {  	[sflag:s23] =	ssyncset.done $0x0  }
0x45: {  	[sflag:s23] =	ssyncadd.s32 $0xFFFFC000  }
0x46: {  	_ =	swait.ge [sflag:s23], $0x4000  }
0x47: {  	[sflag:s23] =	ssyncset.done $0x0  }
0x48: {  	[sflag:s23] =	ssyncadd.s32 $0xFFFFC000  }
0x49: {  	_ =	swait.ge [sflag:s24], $0x3C00  }
0x4a: {  	[sflag:s24] =	ssyncset.done $0x0  }
0x4b: {  	[sflag:s24] =	ssyncadd.s32 $0xFFFFC400  }
0x4c: {  	[bflag:$0x0] =	sbarrier.arrive $0xFFFF  }
0x4d: {  	s13 =	simm.s32 $0x0;
	s19 =	rddreg [dreg:$0xc]  }
0x4e: {  	[tilespmem:s13], [sflag:$0xD] =	stream.linear.gather [hbm4b:s19+s13], $0x80, $0x38;
	[tilespmem:$0x1FF00] =	vst v63  }
0x4f: {  	_ =	swait.ge [sflag:s25], $0x80  }
0x50: {  	[sflag:s25] =	ssyncset.done $0x0  }
0x51: {  	s20 =	rddreg [dreg:$0xd];
	[sflag:s25] =	ssyncadd.s32 $0xFFFFFF80  }
0x52: {  	[tilespmem:s26], [sflag:$0xD] =	stream.linear.gather [hbm4b:s20+s13], $0x80, $0x38;
	[tilespmem:$0x1FF00] =	vst v63  }
0x53: {  	_ =	swait.ge [sflag:s25], $0x80  }
0x54: {  	[sflag:s25] =	ssyncset.done $0x0  }
0x55: {  	s19 =	rddreg [dreg:$0xe];
	[sflag:s25] =	ssyncadd.s32 $0xFFFFFF80  }
0x56: {  	[tilespmem:s28], [sflag:$0xD] =	stream.linear.gather [hbm4b:s19+s13], $0x80, $0x38;
	[tilespmem:$0x1FF00] =	vst v63  }
0x57: {  	_ =	swait.ge [sflag:s25], $0x80  }
0x58: {  	[sflag:s25] =	ssyncset.done $0x0  }
0x59: {  	s20 =	rddreg [dreg:$0xf];
	[sflag:s25] =	ssyncadd.s32 $0xFFFFFF80  }
0x5a: {  	[tilespmem:s29], [sflag:$0xD] =	stream.linear.gather [hbm4b:s20+s13], $0x80, $0x38;
	[tilespmem:$0x1FF00] =	vst v63  }
0x5b: {  	_ =	swait.ge [sflag:s25], $0x80  }
0x5c: {  	[sflag:s25] =	ssyncset.done $0x0  }
0x5d: {  	[sflag:s25] =	ssyncadd.s32 $0xFFFFFF80  }
0x5e: {  	[tilespmem:s22], [sflag:$0x1] =	stream.indirect.gather [hbm4b:s4+s26], $0x80, s13, s26, $0xb8;
	[tilespmem:$0x1FF00] =	vst v63  }
0x5f: {  	_ = 	snop  }
0x60: {  	[tilespmem:s30], [sflag:$0x2] =	stream.indirect.gather [hbm4b:s4+s26], $0x80, s26, s26, $0xb8;
	[tilespmem:$0x1FF00] =	vst v63  }
0x61: {  	s19 =	rddreg [dreg:$0x10]  }
0x62: {  	[tilespmem:s31], [sflag:$0x9] =	stream.linear.gather [hbm4b:s19+s13], $0x80, $0x38;
	[tilespmem:$0x1FF00] =	vst v63  }
0x63: {  	s20 =	rddreg [dreg:$0x11]  }
0x64: {  	[tilespmem:s0], [sflag:$0xC] =	stream.linear.gather [hbm4b:s20+s13], $0x80, $0x38;
	[tilespmem:$0x1FF00] =	vst v63  }
0x65: {  	_ =	swait.ge [sflag:s1], $0x4000  }
0x66: {  	[sflag:s1] =	ssyncset.done $0x0  }
0x67: {  	[sflag:s1] =	ssyncadd.s32 $0xFFFFC000  }
0x68: {  	[spmem:s2] =	stream.indirect.scatter.add.f32 [tilespmem:s22], [sflag:$0x4], $0x80, s28, s26, $0xb8;
	[tilespmem:$0x1FF00] =	vst v63  }
0x69: {  	_ =	swait.ge [sflag:s7], $0x4000  }
0x6a: {  	[sflag:s7] =	ssyncset.done $0x0  }
0x6b: {  	[sflag:s7] =	ssyncadd.s32 $0xFFFFC000  }
0x6c: {  	[spmem:s2] =	stream.indirect.scatter.add.f32 [tilespmem:s30], [sflag:$0x5], $0x80, s29, s26, $0xb8;
	[tilespmem:$0x1FF00] =	vst v63  }
0x6d: {  	_ =	swait.ge [sflag:s8], $0x80  }
0x6e: {  	[sflag:s8] =	ssyncset.done $0x0  }
0x6f: {  	[sflag:s8] =	ssyncadd.s32 $0xFFFFFF80  }
0x70: {  	[tilespmem:s9], [sflag:$0x3] =	stream.indirect.gather [hbm4b:s4+s26], $0x80, s31, s26, $0xb8;
	[tilespmem:$0x1FF00] =	vst v63  }
0x71: {  	s19 =	rddreg [dreg:$0x12]  }
0x72: {  	[tilespmem:s13], [sflag:$0x7] =	stream.linear.gather [hbm4b:s19+s13], $0x80, $0x38;
	[tilespmem:$0x1FF00] =	vst v63  }
0x73: {  	_ =	swait.ge [sflag:s10], $0x4000  }
0x74: {  	[sflag:s10] =	ssyncset.done $0x0  }
0x75: {  	[sflag:s10] =	ssyncadd.s32 $0xFFFFC000  }
0x76: {  	_ =	swait.ge [sflag:s12], $0x80  }
0x77: {  	[sflag:s12] =	ssyncset.done $0x0  }
0x78: {  	[sflag:s12] =	ssyncadd.s32 $0xFFFFFF80  }
0x79: {  	[spmem:s2] =	stream.indirect.scatter.add.f32 [tilespmem:s9], [sflag:$0x6], $0x80, s0, s26, $0xb8;
	[tilespmem:$0x1FF00] =	vst v63  }
0x7a: {  	_ =	swait.ge [sflag:s23], $0x4000  }
0x7b: {  	s6 =	rddreg [dreg:$0x16]  }
0x7c: {  	[sflag:s23] =	ssyncset.done $0x0;
	s20 =	sshrl.u32 s6, $0x3  }
0x7d: {  	[sflag:s23] =	ssyncadd.s32 $0xFFFFC000;
	s13 =	sadd.s32 s5, s20  }
0x7e: {  	[tilespmem:s28], [sflag:$0xA] =	stream.linear.gather [hbm4b:s13+s3], $0x80, $0x38;
	[tilespmem:$0x1FF00] =	vst v63  }
0x7f: {  	_ =	swait.ge [sflag:s14], $0x80  }
0x80: {  	[sflag:s14] =	ssyncset.done $0x0  }
0x81: {  	s19 =	rddreg [dreg:$0x7];
	[sflag:s14] =	ssyncadd.s32 $0xFFFFFF80  }
0x82: {  	[tilespmem:s22], [sflag:$0x1] =	stream.indirect.gather [hbm4b:s4+s26], $0x80, s3, s26, $0xb8;
	[tilespmem:$0x1FF00] =	vst v63  }
0x83: {  	s13 =	sadd.s32 $0x0, s19  }
0x84: {  	[tilespmem:s26], [sflag:$0x8] =	stream.linear.gather [hbm4b:s13+s3], $0x80, $0x38;
	[tilespmem:$0x1FF00] =	vst v63  }
0x85: {  	_ =	swait.ge [sflag:s1], $0x4000  }
0x86: {  	[sflag:s1] =	ssyncset.done $0x0  }
0x87: {  	[sflag:s1] =	ssyncadd.s32 $0xFFFFC000  }
0x88: {  	_ =	swait.ge [sflag:s15], $0x80  }
0x89: {  	[sflag:s15] =	ssyncset.done $0x0  }
0x8a: {  	[sflag:s15] =	ssyncadd.s32 $0xFFFFFF80  }
0x8b: {  	[spmem:s2] =	stream.indirect.scatter.add.f32 [tilespmem:s22], [sflag:$0x4], $0x80, s28, s26, $0xb8;
	[tilespmem:$0x1FF00] =	vst v63  }
0x8c: {  	_ =	swait.ge [sflag:s24], $0x4000  }
0x8d: {  	s20 =	rddreg [dreg:$0x6];
	[sflag:s24] =	ssyncset.done $0x0  }
0x8e: {  	[sflag:s24] =	ssyncadd.s32 $0xFFFFC000;
	s13 =	sadd.s32 $0x0, s20  }
0x8f: {  	[tilespmem:s29], [sflag:$0xB] =	stream.linear.gather [hbm4b:s13+s3], $0x80, $0x38;
	[tilespmem:$0x1FF00] =	vst v63  }
0x90: {  	_ =	swait.ge [sflag:s16], $0x80  }
0x91: {  	[sflag:s16] =	ssyncset.done $0x0  }
0x92: {  	s19 =	rddreg [dreg:$0x5];
	[sflag:s16] =	ssyncadd.s32 $0xFFFFFF80  }
0x93: {  	[tilespmem:s30], [sflag:$0x2] =	stream.indirect.gather [hbm4b:s4+s26], $0x80, s26, s26, $0xb8;
	[tilespmem:$0x1FF00] =	vst v63  }
0x94: {  	s13 =	sadd.s32 $0x0, s19  }
0x95: {  	[tilespmem:s31], [sflag:$0x9] =	stream.linear.gather [hbm4b:s13+s3], $0x80, $0x38;
	[tilespmem:$0x1FF00] =	vst v63  }
0x96: {  	_ =	swait.ge [sflag:s7], $0x4000  }
0x97: {  	[sflag:s7] =	ssyncset.done $0x0  }
0x98: {  	[sflag:s7] =	ssyncadd.s32 $0xFFFFC000  }
0x99: {  	_ =	swait.ge [sflag:s17], $0x80  }
0x9a: {  	[sflag:s17] =	ssyncset.done $0x0  }
0x9b: {  	[sflag:s17] =	ssyncadd.s32 $0xFFFFFF80  }
0x9c: {  	[spmem:s2] =	stream.indirect.scatter.add.f32 [tilespmem:s30], [sflag:$0x5], $0x80, s29, s26, $0xb8;
	[tilespmem:$0x1FF00] =	vst v63  }
0x9d: {  	_ =	swait.ge [sflag:s11], $0x4000  }
0x9e: {  	s20 =	rddreg [dreg:$0x4];
	[sflag:s11] =	ssyncset.done $0x0  }
0x9f: {  	[sflag:s11] =	ssyncadd.s32 $0xFFFFC000;
	s13 =	sadd.s32 $0x0, s20  }
0xa0: {  	[tilespmem:s0], [sflag:$0xC] =	stream.linear.gather [hbm4b:s13+s3], $0x80, $0x38;
	[tilespmem:$0x1FF00] =	vst v63  }
0xa1: {  	_ =	swait.ge [sflag:s8], $0x80  }
0xa2: {  	s13 =	simm.s32 $0x30;
	[sflag:s8] =	ssyncset.done $0x0;
	s19 =	rddreg [dreg:$0x3]  }
0xa3: {  	[sflag:s8] =	ssyncadd.s32 $0xFFFFFF80;
	s20 =	sadd.s32 $0x0, s19;
	s19 =	sadd.s32 $0x180, s6  }
0xa4: {  	[tilespmem:s9], [sflag:$0x3] =	stream.indirect.gather [hbm4b:s4+s26], $0x80, s31, s26, $0xb8;
	[tilespmem:$0x1FF00] =	vst v63  }
.LBB2_4:
0xa5: {  	[tilespmem:s3], [sflag:$0x7] =	stream.linear.gather [hbm4b:s20+s3], $0x80, $0x38;
	[tilespmem:$0x1FF00] =	vst v63  }
0xa6: {  	_ =	swait.ge [sflag:s10], $0x4000  }
0xa7: {  	[sflag:s10] =	ssyncset.done $0x0  }
0xa8: {  	[sflag:s10] =	ssyncadd.s32 $0xFFFFC000  }
0xa9: {  	_ =	swait.ge [sflag:s12], $0x80  }
0xaa: {  	[sflag:s12] =	ssyncset.done $0x0  }
0xab: {  	[sflag:s12] =	ssyncadd.s32 $0xFFFFFF80  }
0xac: {  	[spmem:s2] =	stream.indirect.scatter.add.f32 [tilespmem:s9], [sflag:$0x6], $0x80, s0, s26, $0xb8;
	[tilespmem:$0x1FF00] =	vst v63  }
0xad: {  	_ =	swait.ge [sflag:s23], $0x4000  }
0xae: {  	s6 =	sshrl.u32 s19, $0x3;
	[sflag:s23] =	ssyncset.done $0x0  }
0xaf: {  	s6 =	sadd.s32 s5, s6;
	[sflag:s23] =	ssyncadd.s32 $0xFFFFC000  }
0xb0: {  	[tilespmem:s28], [sflag:$0xA] =	stream.linear.gather [hbm4b:s6+s3], $0x80, $0x38;
	[tilespmem:$0x1FF00] =	vst v63  }
0xb1: {  	_ =	swait.ge [sflag:s14], $0x80  }
0xb2: {  	[sflag:s14] =	ssyncset.done $0x0  }
0xb3: {  	s20 =	smov.u32 s13;
	s6 =	rddreg [dreg:$0x7];
	[sflag:s14] =	ssyncadd.s32 $0xFFFFFF80  }
0xb4: {  	[tilespmem:s22], [sflag:$0x1] =	stream.indirect.gather [hbm4b:s4+s26], $0x80, s3, s26, $0xb8;
	[tilespmem:$0x1FF00] =	vst v63  }
0xb5: {  	s6 =	sadd.s32 s20, s6  }
0xb6: {  	[tilespmem:s26], [sflag:$0x8] =	stream.linear.gather [hbm4b:s6+s3], $0x80, $0x38;
	[tilespmem:$0x1FF00] =	vst v63  }
0xb7: {  	_ =	swait.ge [sflag:s1], $0x4000  }
0xb8: {  	[sflag:s1] =	ssyncset.done $0x0  }
0xb9: {  	[sflag:s1] =	ssyncadd.s32 $0xFFFFC000  }
0xba: {  	_ =	swait.ge [sflag:s15], $0x80  }
0xbb: {  	[sflag:s15] =	ssyncset.done $0x0  }
0xbc: {  	[sflag:s15] =	ssyncadd.s32 $0xFFFFFF80  }
0xbd: {  	[spmem:s2] =	stream.indirect.scatter.add.f32 [tilespmem:s22], [sflag:$0x4], $0x80, s28, s26, $0xb8;
	[tilespmem:$0x1FF00] =	vst v63  }
0xbe: {  	_ =	swait.ge [sflag:s24], $0x4000  }
0xbf: {  	s6 =	rddreg [dreg:$0x6];
	[sflag:s24] =	ssyncset.done $0x0  }
0xc0: {  	[sflag:s24] =	ssyncadd.s32 $0xFFFFC000;
	s6 =	sadd.s32 s20, s6  }
0xc1: {  	[tilespmem:s29], [sflag:$0xB] =	stream.linear.gather [hbm4b:s6+s3], $0x80, $0x38;
	[tilespmem:$0x1FF00] =	vst v63  }
0xc2: {  	_ =	swait.ge [sflag:s16], $0x80  }
0xc3: {  	[sflag:s16] =	ssyncset.done $0x0  }
0xc4: {  	s6 =	rddreg [dreg:$0x5];
	[sflag:s16] =	ssyncadd.s32 $0xFFFFFF80  }
0xc5: {  	[tilespmem:s30], [sflag:$0x2] =	stream.indirect.gather [hbm4b:s4+s26], $0x80, s26, s26, $0xb8;
	[tilespmem:$0x1FF00] =	vst v63  }
0xc6: {  	s6 =	sadd.s32 s20, s6  }
0xc7: {  	[tilespmem:s31], [sflag:$0x9] =	stream.linear.gather [hbm4b:s6+s3], $0x80, $0x38;
	[tilespmem:$0x1FF00] =	vst v63  }
0xc8: {  	_ =	swait.ge [sflag:s7], $0x4000  }
0xc9: {  	[sflag:s7] =	ssyncset.done $0x0  }
0xca: {  	[sflag:s7] =	ssyncadd.s32 $0xFFFFC000  }
0xcb: {  	_ =	swait.ge [sflag:s17], $0x80  }
0xcc: {  	[sflag:s17] =	ssyncset.done $0x0  }
0xcd: {  	[sflag:s17] =	ssyncadd.s32 $0xFFFFFF80  }
0xce: {  	[spmem:s2] =	stream.indirect.scatter.add.f32 [tilespmem:s30], [sflag:$0x5], $0x80, s29, s26, $0xb8;
	[tilespmem:$0x1FF00] =	vst v63  }
0xcf: {  	_ =	swait.ge [sflag:s11], $0x4000  }
0xd0: {  	s6 =	rddreg [dreg:$0x4];
	[sflag:s11] =	ssyncset.done $0x0  }
0xd1: {  	p0 =	sne.s32 s13, $0x480;
	[sflag:s11] =	ssyncadd.s32 $0xFFFFC000;
	s6 =	sadd.s32 s20, s6  }
0xd2: {  	[tilespmem:s0], [sflag:$0xC] =	stream.linear.gather [hbm4b:s6+s3], $0x80, $0x38;
	[tilespmem:$0x1FF00] =	vst v63  }
.Ltmp1:
0xd3: {  	_ = 	snop;
	(pc) =	sbr.rel @p0 .LBB2_4-.Ltmp1, $4  }
0xd4: {  	_ =	swait.ge [sflag:s8], $0x80  }
0xd5: {  	s13 =	sadd.s32 $0x30, s13;
	[sflag:s8] =	ssyncset.done $0x0;
	s6 =	rddreg [dreg:$0x3]  }
0xd6: {  	s19 =	sadd.s32 $0x180, s19;
	[sflag:s8] =	ssyncadd.s32 $0xFFFFFF80;
	s20 =	sadd.s32 s20, s6  }
0xd7: {  	[tilespmem:s9], [sflag:$0x3] =	stream.indirect.gather [hbm4b:s4+s26], $0x80, s31, s26, $0xb8;
	[tilespmem:$0x1FF00] =	vst v63  }
0xd8: {  	[tilespmem:s3], [sflag:$0x7] =	stream.linear.gather [hbm4b:s20+s3], $0x80, $0x38;
	[tilespmem:$0x1FF00] =	vst v63  }
0xd9: {  	_ =	swait.ge [sflag:s10], $0x4000  }
0xda: {  	[sflag:s10] =	ssyncset.done $0x0  }
0xdb: {  	[sflag:s10] =	ssyncadd.s32 $0xFFFFC000  }
0xdc: {  	_ =	swait.ge [sflag:s12], $0x80  }
0xdd: {  	[sflag:s12] =	ssyncset.done $0x0  }
0xde: {  	[sflag:s12] =	ssyncadd.s32 $0xFFFFFF80  }
0xdf: {  	[spmem:s2] =	stream.indirect.scatter.add.f32 [tilespmem:s9], [sflag:$0x6], $0x80, s0, s26, $0xb8;
	[tilespmem:$0x1FF00] =	vst v63  }
0xe0: {  	_ =	swait.ge [sflag:s23], $0x4000  }
0xe1: {  	[sflag:s23] =	ssyncset.done $0x0  }
0xe2: {  	s6 =	rddreg [dreg:$0x13];
	[sflag:s23] =	ssyncadd.s32 $0xFFFFC000  }
0xe3: {  	[tilespmem:s28], [sflag:$0xA] =	stream.linear.gather [hbm4b:s6+s3], $0x80, $0x38;
	[tilespmem:$0x1FF00] =	vst v63  }
0xe4: {  	_ =	swait.ge [sflag:s14], $0x80  }
0xe5: {  	[sflag:s14] =	ssyncset.done $0x0  }
0xe6: {  	[sflag:s14] =	ssyncadd.s32 $0xFFFFFF80  }
0xe7: {  	[tilespmem:s22], [sflag:$0x1] =	stream.indirect.gather [hbm4b:s4+s26], $0x80, s3, s26, $0xb8;
	[tilespmem:$0x1FF00] =	vst v63  }
0xe8: {  	_ =	swait.ge [sflag:s1], $0x4000  }
0xe9: {  	[sflag:s1] =	ssyncset.done $0x0  }
0xea: {  	[sflag:s1] =	ssyncadd.s32 $0xFFFFC000  }
0xeb: {  	_ =	swait.ge [sflag:s15], $0x80  }
0xec: {  	[sflag:s15] =	ssyncset.done $0x0  }
0xed: {  	[sflag:s15] =	ssyncadd.s32 $0xFFFFFF80  }
0xee: {  	[spmem:s2] =	stream.indirect.scatter.add.f32 [tilespmem:s22], [sflag:$0x4], $0x80, s28, s26, $0xb8;
	[tilespmem:$0x1FF00] =	vst v63  }
0xef: {  	_ =	swait.ge [sflag:s24], $0x4000  }
0xf0: {  	[sflag:s24] =	ssyncset.done $0x0  }
0xf1: {  	[sflag:s24] =	ssyncadd.s32 $0xFFFFC000  }
0xf2: {  	_ =	swait.ge [sflag:s11], $0x4000  }
0xf3: {  	[sflag:s11] =	ssyncset.done $0x0  }
0xf4: {  	[sflag:s11] =	ssyncadd.s32 $0xFFFFC000  }
0xf5: {  	_ =	swait.ge [sflag:s23], $0x4000  }
0xf6: {  	[sflag:s23] =	ssyncset.done $0x0  }
0xf7: {  	s20 =	stileid.u32;
	[sflag:s23] =	ssyncadd.s32 $0xFFFFC000  }
0xf8: {  	s6 =	sshll.u32 s20, $0x6;
	[bflag:$0x0] =	sbarrier.arrive $0xFFFF  }
0xf9: {  	s13 =	sshrl.u32 s21, $0x3;
	s6 =	sor.u32 $0x1C0D, s6;
	s19 =	rddreg [dreg:$0x14]  }
0xfa: {  	[hbm:s19], [sflag:s6] =	dma.local [spmem:s13], $0x2780  }
0xfb: {  	_ =	swait.ge [sflag:s25], $0x2780  }
0xfc: {  	s18 =	sadd.s32 $0x1, s18;
	s20 =	smov.u32 s21;
	s21 =	rddreg [dreg:$0x15]  }
0xfd: {  	p0 =	sne.s32 s18, s21  }
.Ltmp2:
0xfe: {  	_ = 	snop;
	(pc) =	sbr.rel @p0 .LBB2_1-.Ltmp2, $3  }
0xff: {  	_ =	sdelay $0x1  }
0x100: {  	[sflag:s25] =	ssyncset.done $0x0  }
0x101: {  	[sflag:s25] =	ssyncadd.s32 $0xFFFFD880  }
0x102: {  	_ =	sfence.sel $0x180000  }
0x103: {  	[bflag:$0x0] =	sbarrier.arrive $0xFFFF  }
0x104: {  	_ =	strace $0x9000004A  }
0x105: {  	s0 =	stileid.u32;
	[bflag:$0x2] =	sbarrier.arrive $0xFFFF  }
0x106: {  	p0 =	sne.s32 s0, $0x0;
	s0 =	rddreg [dreg:$0x2]  }
0x107: {  	s0 =	sadd.s32 @!p0 $0x100000, s0  }
0x108: {  	[sflag:s0] =	ssyncadd.tile.s32 @!p0 $0x1;
	_ =	shalt  }
.Lfunc_end2:
_tile_overlayer_lowered:
.L_overlay_start_2:
0x109: {  	(tag) =	ssettag $0x2  }
0x10a: {  	s0 =	rddreg [dreg:$0x0];
	s2 =	stileid.u32  }
0x10b: {  	s1 =	rddreg [dreg:$0x1];
	p0 =	sne.s32 s2, $0x0  }
0x10c: {  	s3 =	rddreg [dreg:$0x2];
	[bflag:$0x3] =	sbarrier.arrive $0xFFFF;
	s2 =	simm.s32 @!p0 $0x1C0D  }
0x10d: {  	[timem:s3], [sflag:s2] =	dma.local @!p0 [hbm:s0], s1  }
0x10e: {  	s0 =	simm.s32 @!p0 $0xD  }
0x10f: {  	_ =	swait.ge @!p0 [sflag:s0], s1  }
0x110: {  	s1 =	ssub.s32 @!p0 $0x0, s1;
	[sflag:s0] =	ssyncset.done @!p0 $0x0  }
0x111: {  	[sflag:s0] =	ssyncadd.s32 @!p0 s1  }
0x112: {  	[bflag:$0x3] =	sbarrier.arrive $0xFFFF  }
0x113: {  	_ =	shalt  }

// kernel: kernel.21.cloned.1.call-start
scs
__scs_entry_jumppad:
0x0: {  	(pc) =	sbr.rel $0x88, $3  }
0x1: {  	(tag) =	ssettag $0x0;
	lr =	simm.s32 $0x1  }
0x2: {  	[smem:$0x3F97] =	sst lr;
	_ =	strace $0xD0000000  }
0x3: {  	_ = 	snop  }
0x4: {  	_ = 	snop  }
0x5: {  	_ = 	snop  }
0x6: {  	_ = 	snop  }
0x7: {  	_ = 	snop  }
__scs_overlays_trampoline_lowered:
0x8: {  	[smem:$0x3FA6] =	sst s0  }
0x9: {  	[smem:$0x3FA7] =	sst s1  }
0xa: {  	[smem:$0x3FA8] =	sst s2  }
0xb: {  	[smem:$0x3FA9] =	sst s3  }
0xc: {  	[smem:$0x3FAA] =	sst s4  }
0xd: {  	[smem:$0x3FAB] =	sst s5  }
0xe: {  	[smem:$0x3FAC] =	sst s6  }
0xf: {  	[smem:$0x3FAD] =	sst s7  }
0x10: {  	[smem:$0x3FAE] =	sst s8  }
0x11: {  	[smem:$0x3FAF] =	sst s9;
	s0 =	simm.s32 @!p0 $0x0  }
0x12: {  	s1 =	sld [smem:$0x3F95];
	s0 =	simm.s32 @p0 $0x1  }
0x13: {  	[smem:$0x3FB0] =	sst s0;
	s0 =	simm.s32 @!p1 $0x0  }
0x14: {  	s2 =	sld [smem:$0x3F94];
	s0 =	simm.s32 @p1 $0x1  }
0x15: {  	[smem:$0x3FB1] =	sst s0;
	s0 =	simm.s32 @!p2 $0x0  }
0x16: {  	s3 =	sld [smem:$0x3FDB];
	s0 =	simm.s32 @p2 $0x1  }
0x17: {  	s4 =	simm.s32 $0x1BF5;
	[smem:$0x3FB3] =	sst s0  }
0x18: {  	s0 =	sld [smem:$0x3F96];
	_ =	swait.ge [sflag:s4], $0x0  }
0x19: {  	s7 =	sld [smem:$0x3F97]  }
0x1a: {  	s8 =	sadd.s32 $0xFFFFE003, lr  }
0x1b: {  	s9 =	sadd.s32 $0xFFFFFEF7, lr;
	s5 =	simm.s32 $0xFFFFFFFF;
	p2 =	slt.u32 s8, $0xFFFFF086  }
0x1c: {  	p1 =	slt.u32 s9, $0xF7A;
	s5 =	simm.s32 @!p2 $0x0  }
0x1d: {  	s5 =	simm.s32 @p1 $0x1;
	p0 =	seq.s32 s7, s2  }
0x1e: {  	s7 =	smul.u32 @!p0 $0xF7A, s2;
	p2 =	seq.s32 @!p0 s5, $0x0  }
0x1f: {  	s9 =	smul.u32 $0xF7A, s1;
	s8 =	simm.s32 @!p0 $0x1BF5;
	p2 =	por !p2, p0  }
0x20: {  	[sflag:s8] =	ssyncset.s32 @!p0 $0xFFFFF086;
	s6 =	sadd.s32 @!p0 s3, s7;
	s7 =	simm.s32 @!p0 $0x108  }
0x21: {  	s3 =	sadd.s32 s3, s9;
	s6 =	sadd.s32 @!p0 $0x88, s6;
	s7 =	simm.s32 @p2 $0x1082  }
0x22: {  	[simem:s7], [sflag:s8] =	dma.local @!p0 [hbm:s6], $0xF7A  }
0x23: {  	s9 =	sor.u32 $0xD0000000, s2;
	s6 =	simm.s32 $0x108;
	_ =	swait.ge @!p0 [sflag:s8], $0x0  }
0x24: {  	s3 =	sadd.s32 $0x88, s3;
	s6 =	simm.s32 @!p1 $0x1082;
	[sflag:s4] =	ssyncset.s32 $0xFFFFF086  }
0x25: {  	[simem:s6], [sflag:s4] =	dma.local [hbm:s3], $0xF7A  }
0x26: {  	[smem:$0x3F97] =	sst s1;
	(tag) =	ssettag s2;
	_ =	strace s9  }
0x27: {  	s1 =	sld [smem:$0x3FA7]  }
0x28: {  	s2 =	sld [smem:$0x3FA8]  }
0x29: {  	s4 =	sld [smem:$0x3FAA]  }
0x2a: {  	p0 =	seq.s32 s5, $0x0;
	s5 =	sld [smem:$0x3FAB]  }
0x2b: {  	s6 =	sld [smem:$0x3FAC]  }
0x2c: {  	s7 =	sld [smem:$0x3FAD]  }
0x2d: {  	s3 =	simm.s32 $0x108;
	s8 =	sld [smem:$0x3FAE]  }
0x2e: {  	s3 =	simm.s32 @!p0 $0x1082;
	s9 =	sld [smem:$0x3FAF]  }
0x2f: {  	lr =	sadd.s32 s0, s3;
	s0 =	sld [smem:$0x3FA6]  }
0x30: {  	s3 =	sld [smem:$0x3FA9]  }
0x31: {  	[smem:$0x3FB2] =	sst s10  }
0x32: {  	s10 =	sld [smem:$0x3FB0];
	_ =	sdelay $0x3  }
0x33: {  	p0 =	seq.s32 s10, $0x1;
	s10 =	sld [smem:$0x3FB2];
	_ =	sdelay $0x3  }
0x34: {  	[smem:$0x3FB2] =	sst s10  }
0x35: {  	s10 =	sld [smem:$0x3FB1];
	_ =	sdelay $0x3  }
0x36: {  	p1 =	seq.s32 s10, $0x1;
	s10 =	sld [smem:$0x3FB2];
	_ =	sdelay $0x3  }
0x37: {  	[smem:$0x3FB2] =	sst s10  }
0x38: {  	s10 =	sld [smem:$0x3FB3]  }
0x39: {  	_ = 	snop;
	(pc) =	sbr.ind lr, $3  }
0x3a: {  	_ = 	snop  }
0x3b: {  	_ = 	snop  }
0x3c: {  	p2 =	seq.s32 s10, $0x1;
	s10 =	sld [smem:$0x3FB2]  }
0x3d: {  	_ =	shalt  }
0x3e: {  	_ =	shalt  }
0x3f: {  	_ =	shalt  }
0x40: {  	_ =	shalt  }
0x41: {  	_ =	shalt  }
0x42: {  	_ =	shalt  }
0x43: {  	_ =	shalt  }
0x44: {  	_ =	shalt  }
0x45: {  	_ =	shalt  }
0x46: {  	_ =	shalt  }
0x47: {  	_ =	shalt  }
0x48: {  	_ =	shalt  }
0x49: {  	_ =	shalt  }
0x4a: {  	_ =	shalt  }
0x4b: {  	_ =	shalt  }
0x4c: {  	_ =	shalt  }
0x4d: {  	_ =	shalt  }
0x4e: {  	_ =	shalt  }
0x4f: {  	_ =	shalt  }
0x50: {  	_ =	shalt  }
0x51: {  	_ =	shalt  }
0x52: {  	_ =	shalt  }
0x53: {  	_ =	shalt  }
0x54: {  	_ =	shalt  }
0x55: {  	_ =	shalt  }
0x56: {  	_ =	shalt  }
0x57: {  	_ =	shalt  }
0x58: {  	_ =	shalt  }
0x59: {  	_ =	shalt  }
0x5a: {  	_ =	shalt  }
0x5b: {  	_ =	shalt  }
0x5c: {  	_ =	shalt  }
0x5d: {  	_ =	shalt  }
0x5e: {  	_ =	shalt  }
0x5f: {  	_ =	shalt  }
0x60: {  	_ =	shalt  }
0x61: {  	_ =	shalt  }
0x62: {  	_ =	shalt  }
0x63: {  	_ =	shalt  }
0x64: {  	_ =	shalt  }
0x65: {  	_ =	shalt  }
0x66: {  	_ =	shalt  }
0x67: {  	_ =	shalt  }
0x68: {  	_ =	shalt  }
0x69: {  	_ =	shalt  }
0x6a: {  	_ =	shalt  }
0x6b: {  	_ =	shalt  }
0x6c: {  	_ =	shalt  }
0x6d: {  	_ =	shalt  }
0x6e: {  	_ =	shalt  }
0x6f: {  	_ =	shalt  }
0x70: {  	_ =	shalt  }
0x71: {  	_ =	shalt  }
0x72: {  	_ =	shalt  }
0x73: {  	_ =	shalt  }
0x74: {  	_ =	shalt  }
0x75: {  	_ =	shalt  }
0x76: {  	_ =	shalt  }
0x77: {  	_ =	shalt  }
0x78: {  	_ =	shalt  }
0x79: {  	_ =	shalt  }
0x7a: {  	_ =	shalt  }
0x7b: {  	_ =	shalt  }
0x7c: {  	_ =	shalt  }
0x7d: {  	_ =	shalt  }
0x7e: {  	_ =	shalt  }
0x7f: {  	_ =	shalt  }
0x80: {  	_ =	shalt  }
0x81: {  	_ =	shalt  }
0x82: {  	_ =	shalt  }
0x83: {  	_ =	shalt  }
0x84: {  	_ =	shalt  }
0x85: {  	_ =	shalt  }
0x86: {  	_ =	shalt  }
0x87: {  	_ =	shalt  }
.Lfunc_end0:
.L_simem_size_0:
called_computation.2_lowered:
.L_overlay_start_0:
0x88: {  	s2 =	sld [smem:$0x3FD9]  }
0x89: {  	s3 =	sld [smem:$0x3FFE];
	_ =	sdelay $0x1  }
0x8a: {  	s1 =	srdreg.scid  }
0x8b: {  	s0 =	sand.u32 $0x1, s1  }
0x8c: {  	s16 =	sshll.u32 s0, $0xA;
	s2 =	sadd.s32 s3, s2  }
0x8d: {  	s2 =	sadd.s32 s2, s16  }
0x8e: {  	[smem:$0x3FBE] =	sst s2  }
0x8f: {  	_ = 	snop  }
0x90: {  	(tm) =	ssettm $0x1  }
0x91: {  	s17 =	sld [smem:$0x3FFB];
	_ =	sdelay $0x3  }
0x92: {  	_ =	strace s17  }
0x93: {  	s2 =	sld [smem:$0x3FFC];
	_ =	sdelay $0x3  }
0x94: {  	_ =	strace s2  }
0x95: {  	s2 =	sld [smem:$0x3FFD];
	_ =	sdelay $0x3  }
0x96: {  	_ =	strace s2  }
0x97: {  	_ =	strace $0x8FFFFFFF  }
0x98: {  	s18 =	sld [smem:$0x3FDB];
	_ =	sdelay $0x1  }
0x99: {  	s19 =	simm.s32 $_scs_section_size  }
0x9a: {  	s4 =	simm.s32 $_size__tile_overlayer_lowered;
	s5 =	simm.s32 $_tile_overlayer_lowered  }
0x9b: {  	s22 =	simm.s32 $0x1BFF;
	s21 =	sshll.u32 s5, $0x1;
	s2 =	sadd.s32 s19, s18  }
0x9c: {  	s6 =	simm.s32 $0x0;
	s20 =	sshll.u32 s4, $0x1;
	s4 =	sadd.s32 s21, s2  }
0x9d: {  	[timem:s6], [sflag:s22] =	dma.local [hbm:s4], s20  }
0x9e: {  	_ =	swait.ge [sflag:s22], s20  }
0x9f: {  	s3 =	ssub.s32 $0x0, s20;
	[sflag:s22] =	ssyncset.done $0x0  }
0xa0: {  	[sflag:s22] =	ssyncadd.s32 s3;
	_ =	sdelay $0x1  }
0xa1: {  	s23 =	simm.s32 $0x1B8B  }
0xa2: {  	_ =	swait.ge [sflag:s23], $0x1  }
0xa3: {  	[sflag:s23] =	ssyncset.done $0x0  }
0xa4: {  	s25 =	simm.s32 $0x1B8E;
	s24 =	sld [smem:$0x3FFE];
	[sflag:s23] =	ssyncadd.s32 $0xFFFFFFFF  }
0xa5: {  	s26 =	simm.s32 $execute0_lowered;
	[smem:$0x3FD2] =	sst s25  }
0xa6: {  	s4 =	sshll.u32 s26, $0x1;
	_ =	strace $0x8000004C;
	[dreg:$0x1] =	wrdreg $0xFFFFFFFF  }
0xa7: {  	s28 =	simm.s32 $_size_execute0_lowered;
	s2 =	sadd.s32 s2, s4;
	[dreg:$0x0] =	wrdreg $0x0  }
0xa8: {  	s4 =	sshll.u32 s28, $0x1;
	[dreg:$0x2] =	wrdreg s2  }
0xa9: {  	[dreg:$0x3] =	wrdreg s4  }
0xaa: {  	[dreg:$0x4] =	wrdreg $0xC0  }
0xab: {  	_ =	task [dreg:s6], $0x5FFFF  }
0xac: {  	[dreg:$0x1] =	wrdreg $0xFFFFFFFF  }
0xad: {  	[dreg:$0x0] =	wrdreg $0x60  }
0xae: {  	[dreg:$0x2] =	wrdreg s24  }
0xaf: {  	[dreg:$0x3] =	wrdreg $0xC3000  }
0xb0: {  	[dreg:$0x4] =	wrdreg $0x9  }
0xb1: {  	_ =	task.clear_ibuf [dreg:s6], $0x5FFFF;
	_ =	strace $0x9000004C  }
0xb2: {  	s29 =	simm.s32 $0x9;
	_ =	strace $0x8000004E  }
0xb3: {  	_ =	swait.ge [sflag:s29], $0x1  }
0xb4: {  	[sflag:s29] =	ssyncadd.s32 $0xFFFFFFFF  }
0xb5: {  	_ =	strace $0x9000004E  }
0xb6: {  	_ =	sfence  }
0xb7: {  	s30 =	sld [smem:$0x0];
	_ =	sdelay $0x2  }
0xb8: {  	s31 =	sshll.u32 s1, $0xD;
	s1 =	sshrl.u32 s1, $0x2  }
0xb9: {  	s3 =	sand.u32 $0x4000, s31;
	s1 =	sadd.s32 s1, s30  }
0xba: {  	s0 =	sor.u32 s3, s0;
	s1 =	sshll.u32 s1, $0x11  }
0xbb: {  	s0 =	sor.u32 s1, s0  }
0xbc: {  	s0 =	sadd.s32 $0x8F2B, s0  }
0xbd: {  	[sflag:s0] =	ssyncadd.remote.s32 $0x1  }
0xbe: {  	_ =	sfence.sel $0xFFFF  }
0xbf: {  	[dreg:$0x0] =	wrdreg $0xFFFFFFFF;
	(pc) =	sbr.abs _section_cstart, $3  }
0xc0: {  	[dreg:$0x1] =	wrdreg $0xFFFFFFFF  }
0xc1: {  	_ =	task.clear_ibuf [dreg:s6], $0x2FFFF;
	_ =	strace $0x9FFFFFFF  }
0xc2: {  	(tm) =	ssettm $0x7FFFFFFF  }
0xc3: {  	_ =	shalt  }
tec
execute0_lowered:
.L_overlay_start_1:
0x0: {  	(tag) =	ssettag $0x1  }
0x1: {  	s0 =	rddreg [dreg:$0x0]  }
0x2: {  	s1 =	srdreg.scid;
	s2 =	rddreg [dreg:$0x1]  }
0x3: {  	s11 =	stileid.u32;
	s3 =	simm.s32 $0x0;
	s28 =	simm.s32 $0x180  }
0x4: {  	s29 =	simm.s32 $0x200;
	s30 =	simm.s32 $0x4300;
	s31 =	simm.s32 $0x100  }
0x5: {  	s1 =	sand.u32 $0x1, s1;
	s6 =	smul.u32 $0x13C00, s11;
	[smem:$0x7FF] =	sst s3  }
0x6: {  	s4 =	sadd.s32 $0x23400, s0;
	s7 =	sadd.s32 $0xF800, s0;
	s8 =	smul.u32 $0x4F000, s11  }
0x7: {  	s5 =	smul.u32 $0x13C000, s1;
	_ =	strace $0x8000004D;
	s21 =	sshll.u32 s1, $0x4  }
0x8: {  	s9 =	ssub.s32 $0x2, s1;
	s1 =	smul.u32 $0x27800, s1;
	s10 =	sor.u32 s11, s21  }
0x9: {  	s22 =	sshrl.u32 s8, $0x2;
	s23 =	sshrl.u32 s9, $0x1;
	s11 =	smul.u32 $0x2780, s11  }
0xa: {  	s5 =	sadd.s32 s6, s5;
	s20 =	sadd.s32 s22, s2;
	s10 =	smul.u32 $0x2780, s10  }
0xb: {  	s8 =	ssub.s32 s9, s23;
	s6 =	sshrl.u32 s5, $0x3;
	s5 =	sadd.s32 $0x19600, s0  }
0xc: {  	s24 =	sadd.s32 $0x8000, s20;
	s25 =	sadd.s32 $0xC000, s20;
	s12 =	sadd.s32 $0x10000, s20  }
0xd: {  	s1 =	sadd.s32 s11, s1;
	s0 =	sadd.s32 s6, s0;
	[dreg:$0x9] =	wrdreg s24  }
0xe: {  	s6 =	sadd.s32 $0x4000, s20;
	[dreg:$0xa] =	wrdreg s25;
	s26 =	sshrl.u32 s10, $0x3  }
0xf: {  	[dreg:$0xb] =	wrdreg s12;
	s16 =	sadd.s32 $0x300, s1;
	s17 =	sadd.s32 $0x280, s1  }
0x10: {  	s11 =	sadd.s32 $0x200, s1;
	s24 =	smax.u32 s8, $0x1;
	[dreg:$0x8] =	wrdreg s6  }
0x11: {  	s8 =	simm.s32 $0x9;
	s13 =	sadd.s32 s7, s26;
	[dreg:$0x15] =	wrdreg s24  }
0x12: {  	s10 =	sadd.s32 $0x10, s26;
	s14 =	sadd.s32 s5, s26;
	[dreg:$0xc] =	wrdreg s13  }
0x13: {  	s9 =	sadd.s32 $0x20, s26;
	s0 =	sadd.s32 $0x4A600, s0;
	[dreg:$0xe] =	wrdreg s14  }
0x14: {  	s22 =	sshrl.u32 s11, $0x3;
	s26 =	sadd.s32 $0x180, s1;
	[dreg:$0x14] =	wrdreg s0  }
0x15: {  	s24 =	simm.s32 $0x5;
	s12 =	sadd.s32 s7, s10;
	[dreg:$0x16] =	wrdreg s26  }
0x16: {  	s1 =	simm.s32 $0x1;
	s10 =	sadd.s32 s5, s10;
	[dreg:$0xd] =	wrdreg s12  }
0x17: {  	s11 =	simm.s32 $0x6;
	s15 =	sadd.s32 s7, s9;
	[dreg:$0xf] =	wrdreg s10  }
0x18: {  	s9 =	sadd.s32 s5, s9;
	s6 =	sadd.s32 $0x30, s13;
	[dreg:$0x10] =	wrdreg s15  }
0x19: {  	s18 =	sadd.s32 $0x4E0, s14;
	s23 =	sadd.s32 s22, s5;
	[dreg:$0x11] =	wrdreg s9  }
0x1a: {  	s25 =	sadd.s32 s22, s7;
	s22 =	simm.s32 $0x300;
	[dreg:$0x12] =	wrdreg s6  }
0x1b: {  	s26 =	simm.s32 $0x80;
	s0 =	simm.s32 $0x280;
	[dreg:$0x13] =	wrdreg s18  }
0x1c: {  	s14 =	simm.s32 $0x7;
	s9 =	sshrl.u32 s16, $0x3;
	[dreg:$0x6] =	wrdreg s23  }
0x1d: {  	s10 =	sshrl.u32 s17, $0x3;
	[dreg:$0x7] =	wrdreg s25;
	s23 =	simm.s32 $0x4  }
0x1e: {  	s25 =	simm.s32 $0xD;
	s12 =	simm.s32 $0xC;
	s15 =	simm.s32 $0xA  }
0x1f: {  	s16 =	simm.s32 $0x8;
	s17 =	simm.s32 $0xB;
	s9 =	sadd.s32 s9, s7  }
0x20: {  	s18 =	simm.s32 $0x0;
	s19 =	sadd.s32 s10, s5;
	[dreg:$0x3] =	wrdreg s9  }
0x21: {  	s21 =	sadd.s32 s10, s7;
	s7 =	simm.s32 $0x2;
	[dreg:$0x4] =	wrdreg s19  }
0x22: {  	v0 =	vimm.f32 $0.0e+00;
	s10 =	simm.s32 $0x3;
	[dreg:$0x5] =	wrdreg s21;
	s9 =	simm.s32 $0x8300  }
.LBB2_1:
0x23: {  	s13 =	simm.s32 $0x0;
	s19 =	simm.s32 $0x200  }
.LBB2_2:
0x24: {  	p0 =	sne.s32 s19, $0xFE00;
	[tilespmem:s13+$0x370] =	vst v0  }
0x25: {  	[tilespmem:s13+$0x300] =	vst v0  }
0x26: {  	[tilespmem:s13+$0x310] =	vst v0  }
.Ltmp0:
0x27: {  	[tilespmem:s13+$0x320] =	vst v0;
	(pc) =	sbr.rel @p0 .LBB2_2-.Ltmp0, $4  }
0x28: {  	[tilespmem:s13+$0x330] =	vst v0  }
0x29: {  	[tilespmem:s13+$0x340] =	vst v0  }
0x2a: {  	[tilespmem:s13+$0x350] =	vst v0  }
0x2b: {  	[tilespmem:s13+$0x360] =	vst v0;
	s13 =	sshra.s32 s19, $0x2;
	s19 =	sadd.s32 $0x200, s19  }
0x2c: {  	[tilespmem:s13+$0x370] =	vst v0  }
0x2d: {  	[tilespmem:s13+$0x300] =	vst v0  }
0x2e: {  	[tilespmem:s13+$0x310] =	vst v0  }
0x2f: {  	[tilespmem:s13+$0x320] =	vst v0  }
0x30: {  	[tilespmem:s13+$0x330] =	vst v0  }
0x31: {  	[tilespmem:s13+$0x340] =	vst v0  }
0x32: {  	[tilespmem:s13+$0x350] =	vst v0  }
0x33: {  	[tilespmem:s13+$0x360] =	vst v0  }
0x34: {  	[spmem:s20] =	stream.linear.scatter [tilespmem:s22], [sflag:$0x4], $0x4000, $0x38;
	[tilespmem:$0x1FF00] =	vst v63  }
0x35: {  	s6 =	rddreg [dreg:$0x8]  }
0x36: {  	[spmem:s6] =	stream.linear.scatter [tilespmem:s22], [sflag:$0x4], $0x4000, $0x38;
	[tilespmem:$0x1FF00] =	vst v63  }
0x37: {  	s19 =	rddreg [dreg:$0x9]  }
0x38: {  	[spmem:s19] =	stream.linear.scatter [tilespmem:s22], [sflag:$0x4], $0x4000, $0x38;
	[tilespmem:$0x1FF00] =	vst v63  }
0x39: {  	s21 =	smov.u32 s20;
	s20 =	rddreg [dreg:$0xa]  }
0x3a: {  	[spmem:s20] =	stream.linear.scatter [tilespmem:s22], [sflag:$0x4], $0x4000, $0x38;
	[tilespmem:$0x1FF00] =	vst v63  }
0x3b: {  	s13 =	rddreg [dreg:$0xb]  }
0x3c: {  	[spmem:s13] =	stream.linear.scatter [tilespmem:s22], [sflag:$0x5], $0x3C00, $0x38;
	[tilespmem:$0x1FF00] =	vst v63  }
0x3d: {  	_ =	swait.ge [sflag:s23], $0x4000  }
0x3e: {  	[sflag:s23] =	ssyncset.done $0x0  }
0x3f: {  	[sflag:s23] =	ssyncadd.s32 $0xFFFFC000  }
0x40: {  	_ =	swait.ge [sflag:s23], $0x4000  }
0x41: {  	[sflag:s23] =	ssyncset.done $0x0  }
0x42: {  	[sflag:s23] =	ssyncadd.s32 $0xFFFFC000  }
0x43: {  	_ =	swait.ge [sflag:s23], $0x4000  }
0x44: {  	[sflag:s23] =	ssyncset.done $0x0  }
0x45: {  	[sflag:s23] =	ssyncadd.s32 $0xFFFFC000  }
0x46: {  	_ =	swait.ge [sflag:s23], $0x4000  }
0x47: {  	[sflag:s23] =	ssyncset.done $0x0  }
0x48: {  	[sflag:s23] =	ssyncadd.s32 $0xFFFFC000  }
0x49: {  	_ =	swait.ge [sflag:s24], $0x3C00  }
0x4a: {  	[sflag:s24] =	ssyncset.done $0x0  }
0x4b: {  	[sflag:s24] =	ssyncadd.s32 $0xFFFFC400  }
0x4c: {  	[bflag:$0x0] =	sbarrier.arrive $0xFFFF  }
0x4d: {  	s13 =	simm.s32 $0x0;
	s19 =	rddreg [dreg:$0xc]  }
0x4e: {  	[tilespmem:s13], [sflag:$0xD] =	stream.linear.gather [hbm4b:s19+s13], $0x80, $0x38;
	[tilespmem:$0x1FF00] =	vst v63  }
0x4f: {  	_ =	swait.ge [sflag:s25], $0x80  }
0x50: {  	[sflag:s25] =	ssyncset.done $0x0  }
0x51: {  	s20 =	rddreg [dreg:$0xd];
	[sflag:s25] =	ssyncadd.s32 $0xFFFFFF80  }
0x52: {  	[tilespmem:s26], [sflag:$0xD] =	stream.linear.gather [hbm4b:s20+s13], $0x80, $0x38;
	[tilespmem:$0x1FF00] =	vst v63  }
0x53: {  	_ =	swait.ge [sflag:s25], $0x80  }
0x54: {  	[sflag:s25] =	ssyncset.done $0x0  }
0x55: {  	s19 =	rddreg [dreg:$0xe];
	[sflag:s25] =	ssyncadd.s32 $0xFFFFFF80  }
0x56: {  	[tilespmem:s28], [sflag:$0xD] =	stream.linear.gather [hbm4b:s19+s13], $0x80, $0x38;
	[tilespmem:$0x1FF00] =	vst v63  }
0x57: {  	_ =	swait.ge [sflag:s25], $0x80  }
0x58: {  	[sflag:s25] =	ssyncset.done $0x0  }
0x59: {  	s20 =	rddreg [dreg:$0xf];
	[sflag:s25] =	ssyncadd.s32 $0xFFFFFF80  }
0x5a: {  	[tilespmem:s29], [sflag:$0xD] =	stream.linear.gather [hbm4b:s20+s13], $0x80, $0x38;
	[tilespmem:$0x1FF00] =	vst v63  }
0x5b: {  	_ =	swait.ge [sflag:s25], $0x80  }
0x5c: {  	[sflag:s25] =	ssyncset.done $0x0  }
0x5d: {  	[sflag:s25] =	ssyncadd.s32 $0xFFFFFF80  }
0x5e: {  	[tilespmem:s22], [sflag:$0x1] =	stream.indirect.gather [hbm4b:s4+s26], $0x80, s13, s26, $0xb8;
	[tilespmem:$0x1FF00] =	vst v63  }
0x5f: {  	_ = 	snop  }
0x60: {  	[tilespmem:s30], [sflag:$0x2] =	stream.indirect.gather [hbm4b:s4+s26], $0x80, s26, s26, $0xb8;
	[tilespmem:$0x1FF00] =	vst v63  }
0x61: {  	s19 =	rddreg [dreg:$0x10]  }
0x62: {  	[tilespmem:s31], [sflag:$0x9] =	stream.linear.gather [hbm4b:s19+s13], $0x80, $0x38;
	[tilespmem:$0x1FF00] =	vst v63  }
0x63: {  	s20 =	rddreg [dreg:$0x11]  }
0x64: {  	[tilespmem:s0], [sflag:$0xC] =	stream.linear.gather [hbm4b:s20+s13], $0x80, $0x38;
	[tilespmem:$0x1FF00] =	vst v63  }
0x65: {  	_ =	swait.ge [sflag:s1], $0x4000  }
0x66: {  	[sflag:s1] =	ssyncset.done $0x0  }
0x67: {  	[sflag:s1] =	ssyncadd.s32 $0xFFFFC000  }
0x68: {  	[spmem:s2] =	stream.indirect.scatter.add.f32 [tilespmem:s22], [sflag:$0x4], $0x80, s28, s26, $0xb8;
	[tilespmem:$0x1FF00] =	vst v63  }
0x69: {  	_ =	swait.ge [sflag:s7], $0x4000  }
0x6a: {  	[sflag:s7] =	ssyncset.done $0x0  }
0x6b: {  	[sflag:s7] =	ssyncadd.s32 $0xFFFFC000  }
0x6c: {  	[spmem:s2] =	stream.indirect.scatter.add.f32 [tilespmem:s30], [sflag:$0x5], $0x80, s29, s26, $0xb8;
	[tilespmem:$0x1FF00] =	vst v63  }
0x6d: {  	_ =	swait.ge [sflag:s8], $0x80  }
0x6e: {  	[sflag:s8] =	ssyncset.done $0x0  }
0x6f: {  	[sflag:s8] =	ssyncadd.s32 $0xFFFFFF80  }
0x70: {  	[tilespmem:s9], [sflag:$0x3] =	stream.indirect.gather [hbm4b:s4+s26], $0x80, s31, s26, $0xb8;
	[tilespmem:$0x1FF00] =	vst v63  }
0x71: {  	s19 =	rddreg [dreg:$0x12]  }
0x72: {  	[tilespmem:s13], [sflag:$0x7] =	stream.linear.gather [hbm4b:s19+s13], $0x80, $0x38;
	[tilespmem:$0x1FF00] =	vst v63  }
0x73: {  	_ =	swait.ge [sflag:s10], $0x4000  }
0x74: {  	[sflag:s10] =	ssyncset.done $0x0  }
0x75: {  	[sflag:s10] =	ssyncadd.s32 $0xFFFFC000  }
0x76: {  	_ =	swait.ge [sflag:s12], $0x80  }
0x77: {  	[sflag:s12] =	ssyncset.done $0x0  }
0x78: {  	[sflag:s12] =	ssyncadd.s32 $0xFFFFFF80  }
0x79: {  	[spmem:s2] =	stream.indirect.scatter.add.f32 [tilespmem:s9], [sflag:$0x6], $0x80, s0, s26, $0xb8;
	[tilespmem:$0x1FF00] =	vst v63  }
0x7a: {  	_ =	swait.ge [sflag:s23], $0x4000  }
0x7b: {  	s6 =	rddreg [dreg:$0x16]  }
0x7c: {  	[sflag:s23] =	ssyncset.done $0x0;
	s20 =	sshrl.u32 s6, $0x3  }
0x7d: {  	[sflag:s23] =	ssyncadd.s32 $0xFFFFC000;
	s13 =	sadd.s32 s5, s20  }
0x7e: {  	[tilespmem:s28], [sflag:$0xA] =	stream.linear.gather [hbm4b:s13+s3], $0x80, $0x38;
	[tilespmem:$0x1FF00] =	vst v63  }
0x7f: {  	_ =	swait.ge [sflag:s14], $0x80  }
0x80: {  	[sflag:s14] =	ssyncset.done $0x0  }
0x81: {  	s19 =	rddreg [dreg:$0x7];
	[sflag:s14] =	ssyncadd.s32 $0xFFFFFF80  }
0x82: {  	[tilespmem:s22], [sflag:$0x1] =	stream.indirect.gather [hbm4b:s4+s26], $0x80, s3, s26, $0xb8;
	[tilespmem:$0x1FF00] =	vst v63  }
0x83: {  	s13 =	sadd.s32 $0x0, s19  }
0x84: {  	[tilespmem:s26], [sflag:$0x8] =	stream.linear.gather [hbm4b:s13+s3], $0x80, $0x38;
	[tilespmem:$0x1FF00] =	vst v63  }
0x85: {  	_ =	swait.ge [sflag:s1], $0x4000  }
0x86: {  	[sflag:s1] =	ssyncset.done $0x0  }
0x87: {  	[sflag:s1] =	ssyncadd.s32 $0xFFFFC000  }
0x88: {  	_ =	swait.ge [sflag:s15], $0x80  }
0x89: {  	[sflag:s15] =	ssyncset.done $0x0  }
0x8a: {  	[sflag:s15] =	ssyncadd.s32 $0xFFFFFF80  }
0x8b: {  	[spmem:s2] =	stream.indirect.scatter.add.f32 [tilespmem:s22], [sflag:$0x4], $0x80, s28, s26, $0xb8;
	[tilespmem:$0x1FF00] =	vst v63  }
0x8c: {  	_ =	swait.ge [sflag:s24], $0x4000  }
0x8d: {  	s20 =	rddreg [dreg:$0x6];
	[sflag:s24] =	ssyncset.done $0x0  }
0x8e: {  	[sflag:s24] =	ssyncadd.s32 $0xFFFFC000;
	s13 =	sadd.s32 $0x0, s20  }
0x8f: {  	[tilespmem:s29], [sflag:$0xB] =	stream.linear.gather [hbm4b:s13+s3], $0x80, $0x38;
	[tilespmem:$0x1FF00] =	vst v63  }
0x90: {  	_ =	swait.ge [sflag:s16], $0x80  }
0x91: {  	[sflag:s16] =	ssyncset.done $0x0  }
0x92: {  	s19 =	rddreg [dreg:$0x5];
	[sflag:s16] =	ssyncadd.s32 $0xFFFFFF80  }
0x93: {  	[tilespmem:s30], [sflag:$0x2] =	stream.indirect.gather [hbm4b:s4+s26], $0x80, s26, s26, $0xb8;
	[tilespmem:$0x1FF00] =	vst v63  }
0x94: {  	s13 =	sadd.s32 $0x0, s19  }
0x95: {  	[tilespmem:s31], [sflag:$0x9] =	stream.linear.gather [hbm4b:s13+s3], $0x80, $0x38;
	[tilespmem:$0x1FF00] =	vst v63  }
0x96: {  	_ =	swait.ge [sflag:s7], $0x4000  }
0x97: {  	[sflag:s7] =	ssyncset.done $0x0  }
0x98: {  	[sflag:s7] =	ssyncadd.s32 $0xFFFFC000  }
0x99: {  	_ =	swait.ge [sflag:s17], $0x80  }
0x9a: {  	[sflag:s17] =	ssyncset.done $0x0  }
0x9b: {  	[sflag:s17] =	ssyncadd.s32 $0xFFFFFF80  }
0x9c: {  	[spmem:s2] =	stream.indirect.scatter.add.f32 [tilespmem:s30], [sflag:$0x5], $0x80, s29, s26, $0xb8;
	[tilespmem:$0x1FF00] =	vst v63  }
0x9d: {  	_ =	swait.ge [sflag:s11], $0x4000  }
0x9e: {  	s20 =	rddreg [dreg:$0x4];
	[sflag:s11] =	ssyncset.done $0x0  }
0x9f: {  	[sflag:s11] =	ssyncadd.s32 $0xFFFFC000;
	s13 =	sadd.s32 $0x0, s20  }
0xa0: {  	[tilespmem:s0], [sflag:$0xC] =	stream.linear.gather [hbm4b:s13+s3], $0x80, $0x38;
	[tilespmem:$0x1FF00] =	vst v63  }
0xa1: {  	_ =	swait.ge [sflag:s8], $0x80  }
0xa2: {  	s13 =	simm.s32 $0x30;
	[sflag:s8] =	ssyncset.done $0x0;
	s19 =	rddreg [dreg:$0x3]  }
0xa3: {  	[sflag:s8] =	ssyncadd.s32 $0xFFFFFF80;
	s20 =	sadd.s32 $0x0, s19;
	s19 =	sadd.s32 $0x180, s6  }
0xa4: {  	[tilespmem:s9], [sflag:$0x3] =	stream.indirect.gather [hbm4b:s4+s26], $0x80, s31, s26, $0xb8;
	[tilespmem:$0x1FF00] =	vst v63  }
.LBB2_4:
0xa5: {  	[tilespmem:s3], [sflag:$0x7] =	stream.linear.gather [hbm4b:s20+s3], $0x80, $0x38;
	[tilespmem:$0x1FF00] =	vst v63  }
0xa6: {  	_ =	swait.ge [sflag:s10], $0x4000  }
0xa7: {  	[sflag:s10] =	ssyncset.done $0x0  }
0xa8: {  	[sflag:s10] =	ssyncadd.s32 $0xFFFFC000  }
0xa9: {  	_ =	swait.ge [sflag:s12], $0x80  }
0xaa: {  	[sflag:s12] =	ssyncset.done $0x0  }
0xab: {  	[sflag:s12] =	ssyncadd.s32 $0xFFFFFF80  }
0xac: {  	[spmem:s2] =	stream.indirect.scatter.add.f32 [tilespmem:s9], [sflag:$0x6], $0x80, s0, s26, $0xb8;
	[tilespmem:$0x1FF00] =	vst v63  }
0xad: {  	_ =	swait.ge [sflag:s23], $0x4000  }
0xae: {  	s6 =	sshrl.u32 s19, $0x3;
	[sflag:s23] =	ssyncset.done $0x0  }
0xaf: {  	s6 =	sadd.s32 s5, s6;
	[sflag:s23] =	ssyncadd.s32 $0xFFFFC000  }
0xb0: {  	[tilespmem:s28], [sflag:$0xA] =	stream.linear.gather [hbm4b:s6+s3], $0x80, $0x38;
	[tilespmem:$0x1FF00] =	vst v63  }
0xb1: {  	_ =	swait.ge [sflag:s14], $0x80  }
0xb2: {  	[sflag:s14] =	ssyncset.done $0x0  }
0xb3: {  	s20 =	smov.u32 s13;
	s6 =	rddreg [dreg:$0x7];
	[sflag:s14] =	ssyncadd.s32 $0xFFFFFF80  }
0xb4: {  	[tilespmem:s22], [sflag:$0x1] =	stream.indirect.gather [hbm4b:s4+s26], $0x80, s3, s26, $0xb8;
	[tilespmem:$0x1FF00] =	vst v63  }
0xb5: {  	s6 =	sadd.s32 s20, s6  }
0xb6: {  	[tilespmem:s26], [sflag:$0x8] =	stream.linear.gather [hbm4b:s6+s3], $0x80, $0x38;
	[tilespmem:$0x1FF00] =	vst v63  }
0xb7: {  	_ =	swait.ge [sflag:s1], $0x4000  }
0xb8: {  	[sflag:s1] =	ssyncset.done $0x0  }
0xb9: {  	[sflag:s1] =	ssyncadd.s32 $0xFFFFC000  }
0xba: {  	_ =	swait.ge [sflag:s15], $0x80  }
0xbb: {  	[sflag:s15] =	ssyncset.done $0x0  }
0xbc: {  	[sflag:s15] =	ssyncadd.s32 $0xFFFFFF80  }
0xbd: {  	[spmem:s2] =	stream.indirect.scatter.add.f32 [tilespmem:s22], [sflag:$0x4], $0x80, s28, s26, $0xb8;
	[tilespmem:$0x1FF00] =	vst v63  }
0xbe: {  	_ =	swait.ge [sflag:s24], $0x4000  }
0xbf: {  	s6 =	rddreg [dreg:$0x6];
	[sflag:s24] =	ssyncset.done $0x0  }
0xc0: {  	[sflag:s24] =	ssyncadd.s32 $0xFFFFC000;
	s6 =	sadd.s32 s20, s6  }
0xc1: {  	[tilespmem:s29], [sflag:$0xB] =	stream.linear.gather [hbm4b:s6+s3], $0x80, $0x38;
	[tilespmem:$0x1FF00] =	vst v63  }
0xc2: {  	_ =	swait.ge [sflag:s16], $0x80  }
0xc3: {  	[sflag:s16] =	ssyncset.done $0x0  }
0xc4: {  	s6 =	rddreg [dreg:$0x5];
	[sflag:s16] =	ssyncadd.s32 $0xFFFFFF80  }
0xc5: {  	[tilespmem:s30], [sflag:$0x2] =	stream.indirect.gather [hbm4b:s4+s26], $0x80, s26, s26, $0xb8;
	[tilespmem:$0x1FF00] =	vst v63  }
0xc6: {  	s6 =	sadd.s32 s20, s6  }
0xc7: {  	[tilespmem:s31], [sflag:$0x9] =	stream.linear.gather [hbm4b:s6+s3], $0x80, $0x38;
	[tilespmem:$0x1FF00] =	vst v63  }
0xc8: {  	_ =	swait.ge [sflag:s7], $0x4000  }
0xc9: {  	[sflag:s7] =	ssyncset.done $0x0  }
0xca: {  	[sflag:s7] =	ssyncadd.s32 $0xFFFFC000  }
0xcb: {  	_ =	swait.ge [sflag:s17], $0x80  }
0xcc: {  	[sflag:s17] =	ssyncset.done $0x0  }
0xcd: {  	[sflag:s17] =	ssyncadd.s32 $0xFFFFFF80  }
0xce: {  	[spmem:s2] =	stream.indirect.scatter.add.f32 [tilespmem:s30], [sflag:$0x5], $0x80, s29, s26, $0xb8;
	[tilespmem:$0x1FF00] =	vst v63  }
0xcf: {  	_ =	swait.ge [sflag:s11], $0x4000  }
0xd0: {  	s6 =	rddreg [dreg:$0x4];
	[sflag:s11] =	ssyncset.done $0x0  }
0xd1: {  	p0 =	sne.s32 s13, $0x480;
	[sflag:s11] =	ssyncadd.s32 $0xFFFFC000;
	s6 =	sadd.s32 s20, s6  }
0xd2: {  	[tilespmem:s0], [sflag:$0xC] =	stream.linear.gather [hbm4b:s6+s3], $0x80, $0x38;
	[tilespmem:$0x1FF00] =	vst v63  }
.Ltmp1:
0xd3: {  	_ = 	snop;
	(pc) =	sbr.rel @p0 .LBB2_4-.Ltmp1, $4  }
0xd4: {  	_ =	swait.ge [sflag:s8], $0x80  }
0xd5: {  	s13 =	sadd.s32 $0x30, s13;
	[sflag:s8] =	ssyncset.done $0x0;
	s6 =	rddreg [dreg:$0x3]  }
0xd6: {  	s19 =	sadd.s32 $0x180, s19;
	[sflag:s8] =	ssyncadd.s32 $0xFFFFFF80;
	s20 =	sadd.s32 s20, s6  }
0xd7: {  	[tilespmem:s9], [sflag:$0x3] =	stream.indirect.gather [hbm4b:s4+s26], $0x80, s31, s26, $0xb8;
	[tilespmem:$0x1FF00] =	vst v63  }
0xd8: {  	[tilespmem:s3], [sflag:$0x7] =	stream.linear.gather [hbm4b:s20+s3], $0x80, $0x38;
	[tilespmem:$0x1FF00] =	vst v63  }
0xd9: {  	_ =	swait.ge [sflag:s10], $0x4000  }
0xda: {  	[sflag:s10] =	ssyncset.done $0x0  }
0xdb: {  	[sflag:s10] =	ssyncadd.s32 $0xFFFFC000  }
0xdc: {  	_ =	swait.ge [sflag:s12], $0x80  }
0xdd: {  	[sflag:s12] =	ssyncset.done $0x0  }
0xde: {  	[sflag:s12] =	ssyncadd.s32 $0xFFFFFF80  }
0xdf: {  	[spmem:s2] =	stream.indirect.scatter.add.f32 [tilespmem:s9], [sflag:$0x6], $0x80, s0, s26, $0xb8;
	[tilespmem:$0x1FF00] =	vst v63  }
0xe0: {  	_ =	swait.ge [sflag:s23], $0x4000  }
0xe1: {  	[sflag:s23] =	ssyncset.done $0x0  }
0xe2: {  	s6 =	rddreg [dreg:$0x13];
	[sflag:s23] =	ssyncadd.s32 $0xFFFFC000  }
0xe3: {  	[tilespmem:s28], [sflag:$0xA] =	stream.linear.gather [hbm4b:s6+s3], $0x80, $0x38;
	[tilespmem:$0x1FF00] =	vst v63  }
0xe4: {  	_ =	swait.ge [sflag:s14], $0x80  }
0xe5: {  	[sflag:s14] =	ssyncset.done $0x0  }
0xe6: {  	[sflag:s14] =	ssyncadd.s32 $0xFFFFFF80  }
0xe7: {  	[tilespmem:s22], [sflag:$0x1] =	stream.indirect.gather [hbm4b:s4+s26], $0x80, s3, s26, $0xb8;
	[tilespmem:$0x1FF00] =	vst v63  }
0xe8: {  	_ =	swait.ge [sflag:s1], $0x4000  }
0xe9: {  	[sflag:s1] =	ssyncset.done $0x0  }
0xea: {  	[sflag:s1] =	ssyncadd.s32 $0xFFFFC000  }
0xeb: {  	_ =	swait.ge [sflag:s15], $0x80  }
0xec: {  	[sflag:s15] =	ssyncset.done $0x0  }
0xed: {  	[sflag:s15] =	ssyncadd.s32 $0xFFFFFF80  }
0xee: {  	[spmem:s2] =	stream.indirect.scatter.add.f32 [tilespmem:s22], [sflag:$0x4], $0x80, s28, s26, $0xb8;
	[tilespmem:$0x1FF00] =	vst v63  }
0xef: {  	_ =	swait.ge [sflag:s24], $0x4000  }
0xf0: {  	[sflag:s24] =	ssyncset.done $0x0  }
0xf1: {  	[sflag:s24] =	ssyncadd.s32 $0xFFFFC000  }
0xf2: {  	_ =	swait.ge [sflag:s11], $0x4000  }
0xf3: {  	[sflag:s11] =	ssyncset.done $0x0  }
0xf4: {  	[sflag:s11] =	ssyncadd.s32 $0xFFFFC000  }
0xf5: {  	_ =	swait.ge [sflag:s23], $0x4000  }
0xf6: {  	[sflag:s23] =	ssyncset.done $0x0  }
0xf7: {  	s20 =	stileid.u32;
	[sflag:s23] =	ssyncadd.s32 $0xFFFFC000  }
0xf8: {  	s6 =	sshll.u32 s20, $0x6;
	[bflag:$0x0] =	sbarrier.arrive $0xFFFF  }
0xf9: {  	s13 =	sshrl.u32 s21, $0x3;
	s6 =	sor.u32 $0x1C0D, s6;
	s19 =	rddreg [dreg:$0x14]  }
0xfa: {  	[hbm:s19], [sflag:s6] =	dma.local [spmem:s13], $0x2780  }
0xfb: {  	_ =	swait.ge [sflag:s25], $0x2780  }
0xfc: {  	s18 =	sadd.s32 $0x1, s18;
	s20 =	smov.u32 s21;
	s21 =	rddreg [dreg:$0x15]  }
0xfd: {  	p0 =	sne.s32 s18, s21  }
.Ltmp2:
0xfe: {  	_ = 	snop;
	(pc) =	sbr.rel @p0 .LBB2_1-.Ltmp2, $3  }
0xff: {  	_ =	sdelay $0x1  }
0x100: {  	[sflag:s25] =	ssyncset.done $0x0  }
0x101: {  	[sflag:s25] =	ssyncadd.s32 $0xFFFFD880  }
0x102: {  	_ =	sfence.sel $0x180000  }
0x103: {  	[bflag:$0x0] =	sbarrier.arrive $0xFFFF  }
0x104: {  	_ =	strace $0x9000004D  }
0x105: {  	s0 =	stileid.u32;
	[bflag:$0x2] =	sbarrier.arrive $0xFFFF  }
0x106: {  	p0 =	sne.s32 s0, $0x0;
	s0 =	rddreg [dreg:$0x2]  }
0x107: {  	s0 =	sadd.s32 @!p0 $0x100000, s0  }
0x108: {  	[sflag:s0] =	ssyncadd.tile.s32 @!p0 $0x1;
	_ =	shalt  }
.Lfunc_end2:
_tile_overlayer_lowered:
.L_overlay_start_2:
0x109: {  	(tag) =	ssettag $0x2  }
0x10a: {  	s0 =	rddreg [dreg:$0x0];
	s2 =	stileid.u32  }
0x10b: {  	s1 =	rddreg [dreg:$0x1];
	p0 =	sne.s32 s2, $0x0  }
0x10c: {  	s3 =	rddreg [dreg:$0x2];
	[bflag:$0x3] =	sbarrier.arrive $0xFFFF;
	s2 =	simm.s32 @!p0 $0x1C0D  }
0x10d: {  	[timem:s3], [sflag:s2] =	dma.local @!p0 [hbm:s0], s1  }
0x10e: {  	s0 =	simm.s32 @!p0 $0xD  }
0x10f: {  	_ =	swait.ge @!p0 [sflag:s0], s1  }
0x110: {  	s1 =	ssub.s32 @!p0 $0x0, s1;
	[sflag:s0] =	ssyncset.done @!p0 $0x0  }
0x111: {  	[sflag:s0] =	ssyncadd.s32 @!p0 s1  }
0x112: {  	[bflag:$0x3] =	sbarrier.arrive $0xFFFF  }
0x113: {  	_ =	shalt  }

// kernel: kernel.24.cloned.1.call-start
scs
__scs_entry_jumppad:
0x0: {  	(pc) =	sbr.rel $0x88, $3  }
0x1: {  	(tag) =	ssettag $0x0;
	lr =	simm.s32 $0x1  }
0x2: {  	[smem:$0x3F97] =	sst lr;
	_ =	strace $0xD0000000  }
0x3: {  	_ = 	snop  }
0x4: {  	_ = 	snop  }
0x5: {  	_ = 	snop  }
0x6: {  	_ = 	snop  }
0x7: {  	_ = 	snop  }
__scs_overlays_trampoline_lowered:
0x8: {  	[smem:$0x3FA6] =	sst s0  }
0x9: {  	[smem:$0x3FA7] =	sst s1  }
0xa: {  	[smem:$0x3FA8] =	sst s2  }
0xb: {  	[smem:$0x3FA9] =	sst s3  }
0xc: {  	[smem:$0x3FAA] =	sst s4  }
0xd: {  	[smem:$0x3FAB] =	sst s5  }
0xe: {  	[smem:$0x3FAC] =	sst s6  }
0xf: {  	[smem:$0x3FAD] =	sst s7  }
0x10: {  	[smem:$0x3FAE] =	sst s8  }
0x11: {  	[smem:$0x3FAF] =	sst s9;
	s0 =	simm.s32 @!p0 $0x0  }
0x12: {  	s1 =	sld [smem:$0x3F95];
	s0 =	simm.s32 @p0 $0x1  }
0x13: {  	[smem:$0x3FB0] =	sst s0;
	s0 =	simm.s32 @!p1 $0x0  }
0x14: {  	s2 =	sld [smem:$0x3F94];
	s0 =	simm.s32 @p1 $0x1  }
0x15: {  	[smem:$0x3FB1] =	sst s0;
	s0 =	simm.s32 @!p2 $0x0  }
0x16: {  	s3 =	sld [smem:$0x3FDB];
	s0 =	simm.s32 @p2 $0x1  }
0x17: {  	s4 =	simm.s32 $0x1BF5;
	[smem:$0x3FB3] =	sst s0  }
0x18: {  	s0 =	sld [smem:$0x3F96];
	_ =	swait.ge [sflag:s4], $0x0  }
0x19: {  	s7 =	sld [smem:$0x3F97]  }
0x1a: {  	s8 =	sadd.s32 $0xFFFFE003, lr  }
0x1b: {  	s9 =	sadd.s32 $0xFFFFFEF7, lr;
	s5 =	simm.s32 $0xFFFFFFFF;
	p2 =	slt.u32 s8, $0xFFFFF086  }
0x1c: {  	p1 =	slt.u32 s9, $0xF7A;
	s5 =	simm.s32 @!p2 $0x0  }
0x1d: {  	s5 =	simm.s32 @p1 $0x1;
	p0 =	seq.s32 s7, s2  }
0x1e: {  	s7 =	smul.u32 @!p0 $0xF7A, s2;
	p2 =	seq.s32 @!p0 s5, $0x0  }
0x1f: {  	s9 =	smul.u32 $0xF7A, s1;
	s8 =	simm.s32 @!p0 $0x1BF5;
	p2 =	por !p2, p0  }
0x20: {  	[sflag:s8] =	ssyncset.s32 @!p0 $0xFFFFF086;
	s6 =	sadd.s32 @!p0 s3, s7;
	s7 =	simm.s32 @!p0 $0x108  }
0x21: {  	s3 =	sadd.s32 s3, s9;
	s6 =	sadd.s32 @!p0 $0x88, s6;
	s7 =	simm.s32 @p2 $0x1082  }
0x22: {  	[simem:s7], [sflag:s8] =	dma.local @!p0 [hbm:s6], $0xF7A  }
0x23: {  	s9 =	sor.u32 $0xD0000000, s2;
	s6 =	simm.s32 $0x108;
	_ =	swait.ge @!p0 [sflag:s8], $0x0  }
0x24: {  	s3 =	sadd.s32 $0x88, s3;
	s6 =	simm.s32 @!p1 $0x1082;
	[sflag:s4] =	ssyncset.s32 $0xFFFFF086  }
0x25: {  	[simem:s6], [sflag:s4] =	dma.local [hbm:s3], $0xF7A  }
0x26: {  	[smem:$0x3F97] =	sst s1;
	(tag) =	ssettag s2;
	_ =	strace s9  }
0x27: {  	s1 =	sld [smem:$0x3FA7]  }
0x28: {  	s2 =	sld [smem:$0x3FA8]  }
0x29: {  	s4 =	sld [smem:$0x3FAA]  }
0x2a: {  	p0 =	seq.s32 s5, $0x0;
	s5 =	sld [smem:$0x3FAB]  }
0x2b: {  	s6 =	sld [smem:$0x3FAC]  }
0x2c: {  	s7 =	sld [smem:$0x3FAD]  }
0x2d: {  	s3 =	simm.s32 $0x108;
	s8 =	sld [smem:$0x3FAE]  }
0x2e: {  	s3 =	simm.s32 @!p0 $0x1082;
	s9 =	sld [smem:$0x3FAF]  }
0x2f: {  	lr =	sadd.s32 s0, s3;
	s0 =	sld [smem:$0x3FA6]  }
0x30: {  	s3 =	sld [smem:$0x3FA9]  }
0x31: {  	[smem:$0x3FB2] =	sst s10  }
0x32: {  	s10 =	sld [smem:$0x3FB0];
	_ =	sdelay $0x3  }
0x33: {  	p0 =	seq.s32 s10, $0x1;
	s10 =	sld [smem:$0x3FB2];
	_ =	sdelay $0x3  }
0x34: {  	[smem:$0x3FB2] =	sst s10  }
0x35: {  	s10 =	sld [smem:$0x3FB1];
	_ =	sdelay $0x3  }
0x36: {  	p1 =	seq.s32 s10, $0x1;
	s10 =	sld [smem:$0x3FB2];
	_ =	sdelay $0x3  }
0x37: {  	[smem:$0x3FB2] =	sst s10  }
0x38: {  	s10 =	sld [smem:$0x3FB3]  }
0x39: {  	_ = 	snop;
	(pc) =	sbr.ind lr, $3  }
0x3a: {  	_ = 	snop  }
0x3b: {  	_ = 	snop  }
0x3c: {  	p2 =	seq.s32 s10, $0x1;
	s10 =	sld [smem:$0x3FB2]  }
0x3d: {  	_ =	shalt  }
0x3e: {  	_ =	shalt  }
0x3f: {  	_ =	shalt  }
0x40: {  	_ =	shalt  }
0x41: {  	_ =	shalt  }
0x42: {  	_ =	shalt  }
0x43: {  	_ =	shalt  }
0x44: {  	_ =	shalt  }
0x45: {  	_ =	shalt  }
0x46: {  	_ =	shalt  }
0x47: {  	_ =	shalt  }
0x48: {  	_ =	shalt  }
0x49: {  	_ =	shalt  }
0x4a: {  	_ =	shalt  }
0x4b: {  	_ =	shalt  }
0x4c: {  	_ =	shalt  }
0x4d: {  	_ =	shalt  }
0x4e: {  	_ =	shalt  }
0x4f: {  	_ =	shalt  }
0x50: {  	_ =	shalt  }
0x51: {  	_ =	shalt  }
0x52: {  	_ =	shalt  }
0x53: {  	_ =	shalt  }
0x54: {  	_ =	shalt  }
0x55: {  	_ =	shalt  }
0x56: {  	_ =	shalt  }
0x57: {  	_ =	shalt  }
0x58: {  	_ =	shalt  }
0x59: {  	_ =	shalt  }
0x5a: {  	_ =	shalt  }
0x5b: {  	_ =	shalt  }
0x5c: {  	_ =	shalt  }
0x5d: {  	_ =	shalt  }
0x5e: {  	_ =	shalt  }
0x5f: {  	_ =	shalt  }
0x60: {  	_ =	shalt  }
0x61: {  	_ =	shalt  }
0x62: {  	_ =	shalt  }
0x63: {  	_ =	shalt  }
0x64: {  	_ =	shalt  }
0x65: {  	_ =	shalt  }
0x66: {  	_ =	shalt  }
0x67: {  	_ =	shalt  }
0x68: {  	_ =	shalt  }
0x69: {  	_ =	shalt  }
0x6a: {  	_ =	shalt  }
0x6b: {  	_ =	shalt  }
0x6c: {  	_ =	shalt  }
0x6d: {  	_ =	shalt  }
0x6e: {  	_ =	shalt  }
0x6f: {  	_ =	shalt  }
0x70: {  	_ =	shalt  }
0x71: {  	_ =	shalt  }
0x72: {  	_ =	shalt  }
0x73: {  	_ =	shalt  }
0x74: {  	_ =	shalt  }
0x75: {  	_ =	shalt  }
0x76: {  	_ =	shalt  }
0x77: {  	_ =	shalt  }
0x78: {  	_ =	shalt  }
0x79: {  	_ =	shalt  }
0x7a: {  	_ =	shalt  }
0x7b: {  	_ =	shalt  }
0x7c: {  	_ =	shalt  }
0x7d: {  	_ =	shalt  }
0x7e: {  	_ =	shalt  }
0x7f: {  	_ =	shalt  }
0x80: {  	_ =	shalt  }
0x81: {  	_ =	shalt  }
0x82: {  	_ =	shalt  }
0x83: {  	_ =	shalt  }
0x84: {  	_ =	shalt  }
0x85: {  	_ =	shalt  }
0x86: {  	_ =	shalt  }
0x87: {  	_ =	shalt  }
.Lfunc_end0:
.L_simem_size_0:
called_computation.3_lowered:
.L_overlay_start_0:
0x88: {  	s2 =	sld [smem:$0x3FD9]  }
0x89: {  	s3 =	sld [smem:$0x3FFE];
	_ =	sdelay $0x1  }
0x8a: {  	s1 =	srdreg.scid  }
0x8b: {  	s0 =	sand.u32 $0x1, s1  }
0x8c: {  	s17 =	sshll.u32 s0, $0xA;
	s2 =	sadd.s32 s3, s2  }
0x8d: {  	s2 =	sadd.s32 s2, s17  }
0x8e: {  	[smem:$0x3FBE] =	sst s2  }
0x8f: {  	_ = 	snop  }
0x90: {  	s2 =	sld [smem:$0x3FD0];
	(tm) =	ssettm $0x1  }
0x91: {  	s18 =	sld [smem:$0x3FFB];
	_ =	sdelay $0x3  }
0x92: {  	_ =	strace s18  }
0x93: {  	s3 =	sld [smem:$0x3FFC];
	_ =	sdelay $0x3  }
0x94: {  	_ =	strace s3  }
0x95: {  	s3 =	sld [smem:$0x3FFD];
	_ =	sdelay $0x3  }
0x96: {  	_ =	strace s3  }
0x97: {  	_ =	strace $0x8FFFFFFF  }
0x98: {  	s19 =	sld [smem:$0x3FDB];
	_ =	sdelay $0x1  }
0x99: {  	s4 =	simm.s32 $_scs_section_size  }
0x9a: {  	s5 =	simm.s32 $_size__tile_overlayer_lowered;
	s6 =	simm.s32 $_tile_overlayer_lowered  }
0x9b: {  	s22 =	simm.s32 $0x1BFF;
	s21 =	sshll.u32 s6, $0x1;
	s3 =	sadd.s32 s4, s19  }
0x9c: {  	s7 =	simm.s32 $0x0;
	s20 =	sshll.u32 s5, $0x1;
	s5 =	sadd.s32 s21, s3  }
0x9d: {  	[timem:s7], [sflag:s22] =	dma.local [hbm:s5], s20  }
0x9e: {  	_ =	swait.ge [sflag:s22], s20  }
0x9f: {  	s4 =	ssub.s32 $0x0, s20;
	[sflag:s22] =	ssyncset.done $0x0  }
0xa0: {  	[sflag:s22] =	ssyncadd.s32 s4;
	_ =	sdelay $0x1  }
0xa1: {  	s23 =	simm.s32 $0x1B8B  }
0xa2: {  	_ =	swait.ge [sflag:s23], $0x1  }
0xa3: {  	[sflag:s23] =	ssyncset.done $0x0  }
0xa4: {  	s25 =	simm.s32 $0x1B8E;
	s24 =	sld [smem:$0x3FFE];
	[sflag:s23] =	ssyncadd.s32 $0xFFFFFFFF  }
0xa5: {  	s26 =	simm.s32 $execute0_lowered;
	[smem:$0x3FD2] =	sst s25  }
0xa6: {  	s5 =	sshll.u32 s26, $0x1;
	_ =	strace $0x8000004F;
	[dreg:$0x1] =	wrdreg $0xFFFFFFFF  }
0xa7: {  	s28 =	simm.s32 $_size_execute0_lowered;
	s3 =	sadd.s32 s3, s5;
	[dreg:$0x0] =	wrdreg $0x0  }
0xa8: {  	s5 =	sshll.u32 s28, $0x1;
	[dreg:$0x2] =	wrdreg s3  }
0xa9: {  	[dreg:$0x3] =	wrdreg s5  }
0xaa: {  	[dreg:$0x4] =	wrdreg $0xC0  }
0xab: {  	_ =	task [dreg:s7], $0x5FFFF  }
0xac: {  	[dreg:$0x1] =	wrdreg $0xFFFFFFFF  }
0xad: {  	[dreg:$0x0] =	wrdreg $0x60  }
0xae: {  	[dreg:$0x2] =	wrdreg s2  }
0xaf: {  	[dreg:$0x3] =	wrdreg s24  }
0xb0: {  	[dreg:$0x4] =	wrdreg $0xC3000  }
0xb1: {  	[dreg:$0x5] =	wrdreg $0x9  }
0xb2: {  	_ =	task.clear_ibuf [dreg:s7], $0x6FFFF;
	_ =	strace $0x9000004F  }
0xb3: {  	s29 =	simm.s32 $0x9;
	_ =	strace $0x80000051  }
0xb4: {  	_ =	swait.ge [sflag:s29], $0x1  }
0xb5: {  	[sflag:s29] =	ssyncadd.s32 $0xFFFFFFFF  }
0xb6: {  	_ =	strace $0x90000051  }
0xb7: {  	_ =	sfence  }
0xb8: {  	s30 =	sld [smem:$0x0];
	_ =	sdelay $0x2  }
0xb9: {  	s31 =	sshll.u32 s1, $0xD;
	s1 =	sshrl.u32 s1, $0x2  }
0xba: {  	s3 =	sand.u32 $0x4000, s31;
	s1 =	sadd.s32 s1, s30  }
0xbb: {  	s0 =	sor.u32 s3, s0;
	s1 =	sshll.u32 s1, $0x11  }
0xbc: {  	s0 =	sor.u32 s1, s0  }
0xbd: {  	s0 =	sadd.s32 $0x8F2B, s0  }
0xbe: {  	[sflag:s0] =	ssyncadd.remote.s32 $0x1  }
0xbf: {  	_ =	sfence.sel $0xFFFF  }
0xc0: {  	[dreg:$0x0] =	wrdreg $0xFFFFFFFF;
	(pc) =	sbr.abs _section_cstart, $3  }
0xc1: {  	[dreg:$0x1] =	wrdreg $0xFFFFFFFF  }
0xc2: {  	_ =	task.clear_ibuf [dreg:s7], $0x2FFFF;
	_ =	strace $0x9FFFFFFF  }
0xc3: {  	(tm) =	ssettm $0x7FFFFFFF  }
tec
execute0_lowered:
.L_overlay_start_1:
0x0: {  	(tag) =	ssettag $0x1  }
0x1: {  	s0 =	rddreg [dreg:$0x0]  }
0x2: {  	s1 =	rddreg [dreg:$0x1];
	s2 =	srdreg.scid  }
0x3: {  	s3 =	rddreg [dreg:$0x2];
	s11 =	stileid.u32;
	s4 =	simm.s32 $0x0  }
0x4: {  	s28 =	simm.s32 $0x180;
	s29 =	simm.s32 $0x200;
	s30 =	simm.s32 $0x4300  }
0x5: {  	s31 =	simm.s32 $0x100;
	s2 =	sand.u32 $0x1, s2;
	s6 =	smul.u32 $0x13C00, s11  }
0x6: {  	[smem:$0x7FF] =	sst s4;
	s7 =	sadd.s32 $0xF800, s1;
	s8 =	smul.u32 $0x4F000, s11  }
0x7: {  	s5 =	smul.u32 $0x13C000, s2;
	_ =	strace $0x80000050;
	s21 =	sshll.u32 s2, $0x4  }
0x8: {  	s9 =	ssub.s32 $0x2, s2;
	s2 =	smul.u32 $0x27800, s2;
	s10 =	sor.u32 s11, s21  }
0x9: {  	s22 =	sshrl.u32 s8, $0x2;
	s23 =	sshrl.u32 s9, $0x1;
	s11 =	smul.u32 $0x2780, s11  }
0xa: {  	s5 =	sadd.s32 s6, s5;
	s20 =	sadd.s32 s22, s3;
	s10 =	smul.u32 $0x2780, s10  }
0xb: {  	s8 =	ssub.s32 s9, s23;
	s6 =	sshrl.u32 s5, $0x3;
	s5 =	sadd.s32 $0x19600, s1  }
0xc: {  	s24 =	sadd.s32 $0x8000, s20;
	s25 =	sadd.s32 $0xC000, s20;
	s12 =	sadd.s32 $0x10000, s20  }
0xd: {  	s2 =	sadd.s32 s11, s2;
	s1 =	sadd.s32 s6, s1;
	[dreg:$0xa] =	wrdreg s24  }
0xe: {  	s6 =	sadd.s32 $0x4000, s20;
	[dreg:$0xb] =	wrdreg s25;
	s26 =	sshrl.u32 s10, $0x3  }
0xf: {  	[dreg:$0xc] =	wrdreg s12;
	s16 =	sadd.s32 $0x300, s2;
	s17 =	sadd.s32 $0x280, s2  }
0x10: {  	s11 =	sadd.s32 $0x200, s2;
	s24 =	smax.u32 s8, $0x1;
	[dreg:$0x9] =	wrdreg s6  }
0x11: {  	s8 =	simm.s32 $0x9;
	s13 =	sadd.s32 s7, s26;
	[dreg:$0x16] =	wrdreg s24  }
0x12: {  	s10 =	sadd.s32 $0x10, s26;
	s14 =	sadd.s32 s5, s26;
	[dreg:$0xd] =	wrdreg s13  }
0x13: {  	s9 =	sadd.s32 $0x20, s26;
	s1 =	sadd.s32 $0x4A600, s1;
	[dreg:$0xf] =	wrdreg s14  }
0x14: {  	s22 =	sshrl.u32 s11, $0x3;
	s26 =	sadd.s32 $0x180, s2;
	[dreg:$0x15] =	wrdreg s1  }
0x15: {  	s24 =	simm.s32 $0x5;
	s12 =	sadd.s32 s7, s10;
	[dreg:$0x17] =	wrdreg s26  }
0x16: {  	s2 =	simm.s32 $0x1;
	s10 =	sadd.s32 s5, s10;
	[dreg:$0xe] =	wrdreg s12  }
0x17: {  	s11 =	simm.s32 $0x6;
	s15 =	sadd.s32 s7, s9;
	[dreg:$0x10] =	wrdreg s10  }
0x18: {  	s9 =	sadd.s32 s5, s9;
	s6 =	sadd.s32 $0x30, s13;
	[dreg:$0x11] =	wrdreg s15  }
0x19: {  	s18 =	sadd.s32 $0x4E0, s14;
	s23 =	sadd.s32 s22, s5;
	[dreg:$0x12] =	wrdreg s9  }
0x1a: {  	s25 =	sadd.s32 s22, s7;
	s22 =	simm.s32 $0x300;
	[dreg:$0x13] =	wrdreg s6  }
0x1b: {  	s26 =	simm.s32 $0x80;
	s1 =	simm.s32 $0x280;
	[dreg:$0x14] =	wrdreg s18  }
0x1c: {  	s14 =	simm.s32 $0x7;
	s9 =	sshrl.u32 s16, $0x3;
	[dreg:$0x7] =	wrdreg s23  }
0x1d: {  	s10 =	sshrl.u32 s17, $0x3;
	[dreg:$0x8] =	wrdreg s25;
	s23 =	simm.s32 $0x4  }
0x1e: {  	s25 =	simm.s32 $0xD;
	s12 =	simm.s32 $0xC;
	s15 =	simm.s32 $0xA  }
0x1f: {  	s16 =	simm.s32 $0x8;
	s17 =	simm.s32 $0xB;
	s9 =	sadd.s32 s9, s7  }
0x20: {  	s18 =	simm.s32 $0x0;
	s19 =	sadd.s32 s10, s5;
	[dreg:$0x4] =	wrdreg s9  }
0x21: {  	s21 =	sadd.s32 s10, s7;
	s7 =	simm.s32 $0x2;
	[dreg:$0x5] =	wrdreg s19  }
0x22: {  	v0 =	vimm.f32 $0.0e+00;
	s10 =	simm.s32 $0x3;
	[dreg:$0x6] =	wrdreg s21;
	s9 =	simm.s32 $0x8300  }
.LBB2_1:
0x23: {  	s13 =	simm.s32 $0x0;
	s19 =	simm.s32 $0x200  }
.LBB2_2:
0x24: {  	p0 =	sne.s32 s19, $0xFE00;
	[tilespmem:s13+$0x370] =	vst v0  }
0x25: {  	[tilespmem:s13+$0x300] =	vst v0  }
0x26: {  	[tilespmem:s13+$0x310] =	vst v0  }
.Ltmp0:
0x27: {  	[tilespmem:s13+$0x320] =	vst v0;
	(pc) =	sbr.rel @p0 .LBB2_2-.Ltmp0, $4  }
0x28: {  	[tilespmem:s13+$0x330] =	vst v0  }
0x29: {  	[tilespmem:s13+$0x340] =	vst v0  }
0x2a: {  	[tilespmem:s13+$0x350] =	vst v0  }
0x2b: {  	[tilespmem:s13+$0x360] =	vst v0;
	s13 =	sshra.s32 s19, $0x2;
	s19 =	sadd.s32 $0x200, s19  }
0x2c: {  	[tilespmem:s13+$0x370] =	vst v0  }
0x2d: {  	[tilespmem:s13+$0x300] =	vst v0  }
0x2e: {  	[tilespmem:s13+$0x310] =	vst v0  }
0x2f: {  	[tilespmem:s13+$0x320] =	vst v0  }
0x30: {  	[tilespmem:s13+$0x330] =	vst v0  }
0x31: {  	[tilespmem:s13+$0x340] =	vst v0  }
0x32: {  	[tilespmem:s13+$0x350] =	vst v0  }
0x33: {  	[tilespmem:s13+$0x360] =	vst v0  }
0x34: {  	[spmem:s20] =	stream.linear.scatter [tilespmem:s22], [sflag:$0x4], $0x4000, $0x38;
	[tilespmem:$0x1FF00] =	vst v63  }
0x35: {  	s6 =	rddreg [dreg:$0x9]  }
0x36: {  	[spmem:s6] =	stream.linear.scatter [tilespmem:s22], [sflag:$0x4], $0x4000, $0x38;
	[tilespmem:$0x1FF00] =	vst v63  }
0x37: {  	s19 =	rddreg [dreg:$0xa]  }
0x38: {  	[spmem:s19] =	stream.linear.scatter [tilespmem:s22], [sflag:$0x4], $0x4000, $0x38;
	[tilespmem:$0x1FF00] =	vst v63  }
0x39: {  	s21 =	smov.u32 s20;
	s20 =	rddreg [dreg:$0xb]  }
0x3a: {  	[spmem:s20] =	stream.linear.scatter [tilespmem:s22], [sflag:$0x4], $0x4000, $0x38;
	[tilespmem:$0x1FF00] =	vst v63  }
0x3b: {  	s13 =	rddreg [dreg:$0xc]  }
0x3c: {  	[spmem:s13] =	stream.linear.scatter [tilespmem:s22], [sflag:$0x5], $0x3C00, $0x38;
	[tilespmem:$0x1FF00] =	vst v63  }
0x3d: {  	_ =	swait.ge [sflag:s23], $0x4000  }
0x3e: {  	[sflag:s23] =	ssyncset.done $0x0  }
0x3f: {  	[sflag:s23] =	ssyncadd.s32 $0xFFFFC000  }
0x40: {  	_ =	swait.ge [sflag:s23], $0x4000  }
0x41: {  	[sflag:s23] =	ssyncset.done $0x0  }
0x42: {  	[sflag:s23] =	ssyncadd.s32 $0xFFFFC000  }
0x43: {  	_ =	swait.ge [sflag:s23], $0x4000  }
0x44: {  	[sflag:s23] =	ssyncset.done $0x0  }
0x45: {  	[sflag:s23] =	ssyncadd.s32 $0xFFFFC000  }
0x46: {  	_ =	swait.ge [sflag:s23], $0x4000  }
0x47: {  	[sflag:s23] =	ssyncset.done $0x0  }
0x48: {  	[sflag:s23] =	ssyncadd.s32 $0xFFFFC000  }
0x49: {  	_ =	swait.ge [sflag:s24], $0x3C00  }
0x4a: {  	[sflag:s24] =	ssyncset.done $0x0  }
0x4b: {  	[sflag:s24] =	ssyncadd.s32 $0xFFFFC400  }
0x4c: {  	[bflag:$0x0] =	sbarrier.arrive $0xFFFF  }
0x4d: {  	s13 =	simm.s32 $0x0;
	s19 =	rddreg [dreg:$0xd]  }
0x4e: {  	[tilespmem:s13], [sflag:$0xD] =	stream.linear.gather [hbm4b:s19+s13], $0x80, $0x38;
	[tilespmem:$0x1FF00] =	vst v63  }
0x4f: {  	_ =	swait.ge [sflag:s25], $0x80  }
0x50: {  	[sflag:s25] =	ssyncset.done $0x0  }
0x51: {  	s20 =	rddreg [dreg:$0xe];
	[sflag:s25] =	ssyncadd.s32 $0xFFFFFF80  }
0x52: {  	[tilespmem:s26], [sflag:$0xD] =	stream.linear.gather [hbm4b:s20+s13], $0x80, $0x38;
	[tilespmem:$0x1FF00] =	vst v63  }
0x53: {  	_ =	swait.ge [sflag:s25], $0x80  }
0x54: {  	[sflag:s25] =	ssyncset.done $0x0  }
0x55: {  	s19 =	rddreg [dreg:$0xf];
	[sflag:s25] =	ssyncadd.s32 $0xFFFFFF80  }
0x56: {  	[tilespmem:s28], [sflag:$0xD] =	stream.linear.gather [hbm4b:s19+s13], $0x80, $0x38;
	[tilespmem:$0x1FF00] =	vst v63  }
0x57: {  	_ =	swait.ge [sflag:s25], $0x80  }
0x58: {  	[sflag:s25] =	ssyncset.done $0x0  }
0x59: {  	s20 =	rddreg [dreg:$0x10];
	[sflag:s25] =	ssyncadd.s32 $0xFFFFFF80  }
0x5a: {  	[tilespmem:s29], [sflag:$0xD] =	stream.linear.gather [hbm4b:s20+s13], $0x80, $0x38;
	[tilespmem:$0x1FF00] =	vst v63  }
0x5b: {  	_ =	swait.ge [sflag:s25], $0x80  }
0x5c: {  	[sflag:s25] =	ssyncset.done $0x0  }
0x5d: {  	[sflag:s25] =	ssyncadd.s32 $0xFFFFFF80  }
0x5e: {  	[tilespmem:s22], [sflag:$0x1] =	stream.indirect.gather [hbm4b:s0+s26], $0x80, s13, s26, $0xb8;
	[tilespmem:$0x1FF00] =	vst v63  }
0x5f: {  	_ = 	snop  }
0x60: {  	[tilespmem:s30], [sflag:$0x2] =	stream.indirect.gather [hbm4b:s0+s26], $0x80, s26, s26, $0xb8;
	[tilespmem:$0x1FF00] =	vst v63  }
0x61: {  	s19 =	rddreg [dreg:$0x11]  }
0x62: {  	[tilespmem:s31], [sflag:$0x9] =	stream.linear.gather [hbm4b:s19+s13], $0x80, $0x38;
	[tilespmem:$0x1FF00] =	vst v63  }
0x63: {  	s20 =	rddreg [dreg:$0x12]  }
0x64: {  	[tilespmem:s1], [sflag:$0xC] =	stream.linear.gather [hbm4b:s20+s13], $0x80, $0x38;
	[tilespmem:$0x1FF00] =	vst v63  }
0x65: {  	_ =	swait.ge [sflag:s2], $0x4000  }
0x66: {  	[sflag:s2] =	ssyncset.done $0x0  }
0x67: {  	[sflag:s2] =	ssyncadd.s32 $0xFFFFC000  }
0x68: {  	[spmem:s3] =	stream.indirect.scatter.add.f32 [tilespmem:s22], [sflag:$0x4], $0x80, s28, s26, $0xb8;
	[tilespmem:$0x1FF00] =	vst v63  }
0x69: {  	_ =	swait.ge [sflag:s7], $0x4000  }
0x6a: {  	[sflag:s7] =	ssyncset.done $0x0  }
0x6b: {  	[sflag:s7] =	ssyncadd.s32 $0xFFFFC000  }
0x6c: {  	[spmem:s3] =	stream.indirect.scatter.add.f32 [tilespmem:s30], [sflag:$0x5], $0x80, s29, s26, $0xb8;
	[tilespmem:$0x1FF00] =	vst v63  }
0x6d: {  	_ =	swait.ge [sflag:s8], $0x80  }
0x6e: {  	[sflag:s8] =	ssyncset.done $0x0  }
0x6f: {  	[sflag:s8] =	ssyncadd.s32 $0xFFFFFF80  }
0x70: {  	[tilespmem:s9], [sflag:$0x3] =	stream.indirect.gather [hbm4b:s0+s26], $0x80, s31, s26, $0xb8;
	[tilespmem:$0x1FF00] =	vst v63  }
0x71: {  	s19 =	rddreg [dreg:$0x13]  }
0x72: {  	[tilespmem:s13], [sflag:$0x7] =	stream.linear.gather [hbm4b:s19+s13], $0x80, $0x38;
	[tilespmem:$0x1FF00] =	vst v63  }
0x73: {  	_ =	swait.ge [sflag:s10], $0x4000  }
0x74: {  	[sflag:s10] =	ssyncset.done $0x0  }
0x75: {  	[sflag:s10] =	ssyncadd.s32 $0xFFFFC000  }
0x76: {  	_ =	swait.ge [sflag:s12], $0x80  }
0x77: {  	[sflag:s12] =	ssyncset.done $0x0  }
0x78: {  	[sflag:s12] =	ssyncadd.s32 $0xFFFFFF80  }
0x79: {  	[spmem:s3] =	stream.indirect.scatter.add.f32 [tilespmem:s9], [sflag:$0x6], $0x80, s1, s26, $0xb8;
	[tilespmem:$0x1FF00] =	vst v63  }
0x7a: {  	_ =	swait.ge [sflag:s23], $0x4000  }
0x7b: {  	s6 =	rddreg [dreg:$0x17]  }
0x7c: {  	[sflag:s23] =	ssyncset.done $0x0;
	s20 =	sshrl.u32 s6, $0x3  }
0x7d: {  	[sflag:s23] =	ssyncadd.s32 $0xFFFFC000;
	s13 =	sadd.s32 s5, s20  }
0x7e: {  	[tilespmem:s28], [sflag:$0xA] =	stream.linear.gather [hbm4b:s13+s4], $0x80, $0x38;
	[tilespmem:$0x1FF00] =	vst v63  }
0x7f: {  	_ =	swait.ge [sflag:s14], $0x80  }
0x80: {  	[sflag:s14] =	ssyncset.done $0x0  }
0x81: {  	s19 =	rddreg [dreg:$0x8];
	[sflag:s14] =	ssyncadd.s32 $0xFFFFFF80  }
0x82: {  	[tilespmem:s22], [sflag:$0x1] =	stream.indirect.gather [hbm4b:s0+s26], $0x80, s4, s26, $0xb8;
	[tilespmem:$0x1FF00] =	vst v63  }
0x83: {  	s13 =	sadd.s32 $0x0, s19  }
0x84: {  	[tilespmem:s26], [sflag:$0x8] =	stream.linear.gather [hbm4b:s13+s4], $0x80, $0x38;
	[tilespmem:$0x1FF00] =	vst v63  }
0x85: {  	_ =	swait.ge [sflag:s2], $0x4000  }
0x86: {  	[sflag:s2] =	ssyncset.done $0x0  }
0x87: {  	[sflag:s2] =	ssyncadd.s32 $0xFFFFC000  }
0x88: {  	_ =	swait.ge [sflag:s15], $0x80  }
0x89: {  	[sflag:s15] =	ssyncset.done $0x0  }
0x8a: {  	[sflag:s15] =	ssyncadd.s32 $0xFFFFFF80  }
0x8b: {  	[spmem:s3] =	stream.indirect.scatter.add.f32 [tilespmem:s22], [sflag:$0x4], $0x80, s28, s26, $0xb8;
	[tilespmem:$0x1FF00] =	vst v63  }
0x8c: {  	_ =	swait.ge [sflag:s24], $0x4000  }
0x8d: {  	s20 =	rddreg [dreg:$0x7];
	[sflag:s24] =	ssyncset.done $0x0  }
0x8e: {  	[sflag:s24] =	ssyncadd.s32 $0xFFFFC000;
	s13 =	sadd.s32 $0x0, s20  }
0x8f: {  	[tilespmem:s29], [sflag:$0xB] =	stream.linear.gather [hbm4b:s13+s4], $0x80, $0x38;
	[tilespmem:$0x1FF00] =	vst v63  }
0x90: {  	_ =	swait.ge [sflag:s16], $0x80  }
0x91: {  	[sflag:s16] =	ssyncset.done $0x0  }
0x92: {  	s19 =	rddreg [dreg:$0x6];
	[sflag:s16] =	ssyncadd.s32 $0xFFFFFF80  }
0x93: {  	[tilespmem:s30], [sflag:$0x2] =	stream.indirect.gather [hbm4b:s0+s26], $0x80, s26, s26, $0xb8;
	[tilespmem:$0x1FF00] =	vst v63  }
0x94: {  	s13 =	sadd.s32 $0x0, s19  }
0x95: {  	[tilespmem:s31], [sflag:$0x9] =	stream.linear.gather [hbm4b:s13+s4], $0x80, $0x38;
	[tilespmem:$0x1FF00] =	vst v63  }
0x96: {  	_ =	swait.ge [sflag:s7], $0x4000  }
0x97: {  	[sflag:s7] =	ssyncset.done $0x0  }
0x98: {  	[sflag:s7] =	ssyncadd.s32 $0xFFFFC000  }
0x99: {  	_ =	swait.ge [sflag:s17], $0x80  }
0x9a: {  	[sflag:s17] =	ssyncset.done $0x0  }
0x9b: {  	[sflag:s17] =	ssyncadd.s32 $0xFFFFFF80  }
0x9c: {  	[spmem:s3] =	stream.indirect.scatter.add.f32 [tilespmem:s30], [sflag:$0x5], $0x80, s29, s26, $0xb8;
	[tilespmem:$0x1FF00] =	vst v63  }
0x9d: {  	_ =	swait.ge [sflag:s11], $0x4000  }
0x9e: {  	s20 =	rddreg [dreg:$0x5];
	[sflag:s11] =	ssyncset.done $0x0  }
0x9f: {  	[sflag:s11] =	ssyncadd.s32 $0xFFFFC000;
	s13 =	sadd.s32 $0x0, s20  }
0xa0: {  	[tilespmem:s1], [sflag:$0xC] =	stream.linear.gather [hbm4b:s13+s4], $0x80, $0x38;
	[tilespmem:$0x1FF00] =	vst v63  }
0xa1: {  	_ =	swait.ge [sflag:s8], $0x80  }
0xa2: {  	s13 =	simm.s32 $0x30;
	[sflag:s8] =	ssyncset.done $0x0;
	s19 =	rddreg [dreg:$0x4]  }
0xa3: {  	[sflag:s8] =	ssyncadd.s32 $0xFFFFFF80;
	s20 =	sadd.s32 $0x0, s19;
	s19 =	sadd.s32 $0x180, s6  }
0xa4: {  	[tilespmem:s9], [sflag:$0x3] =	stream.indirect.gather [hbm4b:s0+s26], $0x80, s31, s26, $0xb8;
	[tilespmem:$0x1FF00] =	vst v63  }
.LBB2_4:
0xa5: {  	[tilespmem:s4], [sflag:$0x7] =	stream.linear.gather [hbm4b:s20+s4], $0x80, $0x38;
	[tilespmem:$0x1FF00] =	vst v63  }
0xa6: {  	_ =	swait.ge [sflag:s10], $0x4000  }
0xa7: {  	[sflag:s10] =	ssyncset.done $0x0  }
0xa8: {  	[sflag:s10] =	ssyncadd.s32 $0xFFFFC000  }
0xa9: {  	_ =	swait.ge [sflag:s12], $0x80  }
0xaa: {  	[sflag:s12] =	ssyncset.done $0x0  }
0xab: {  	[sflag:s12] =	ssyncadd.s32 $0xFFFFFF80  }
0xac: {  	[spmem:s3] =	stream.indirect.scatter.add.f32 [tilespmem:s9], [sflag:$0x6], $0x80, s1, s26, $0xb8;
	[tilespmem:$0x1FF00] =	vst v63  }
0xad: {  	_ =	swait.ge [sflag:s23], $0x4000  }
0xae: {  	s6 =	sshrl.u32 s19, $0x3;
	[sflag:s23] =	ssyncset.done $0x0  }
0xaf: {  	s6 =	sadd.s32 s5, s6;
	[sflag:s23] =	ssyncadd.s32 $0xFFFFC000  }
0xb0: {  	[tilespmem:s28], [sflag:$0xA] =	stream.linear.gather [hbm4b:s6+s4], $0x80, $0x38;
	[tilespmem:$0x1FF00] =	vst v63  }
0xb1: {  	_ =	swait.ge [sflag:s14], $0x80  }
0xb2: {  	[sflag:s14] =	ssyncset.done $0x0  }
0xb3: {  	s20 =	smov.u32 s13;
	s6 =	rddreg [dreg:$0x8];
	[sflag:s14] =	ssyncadd.s32 $0xFFFFFF80  }
0xb4: {  	[tilespmem:s22], [sflag:$0x1] =	stream.indirect.gather [hbm4b:s0+s26], $0x80, s4, s26, $0xb8;
	[tilespmem:$0x1FF00] =	vst v63  }
0xb5: {  	s6 =	sadd.s32 s20, s6  }
0xb6: {  	[tilespmem:s26], [sflag:$0x8] =	stream.linear.gather [hbm4b:s6+s4], $0x80, $0x38;
	[tilespmem:$0x1FF00] =	vst v63  }
0xb7: {  	_ =	swait.ge [sflag:s2], $0x4000  }
0xb8: {  	[sflag:s2] =	ssyncset.done $0x0  }
0xb9: {  	[sflag:s2] =	ssyncadd.s32 $0xFFFFC000  }
0xba: {  	_ =	swait.ge [sflag:s15], $0x80  }
0xbb: {  	[sflag:s15] =	ssyncset.done $0x0  }
0xbc: {  	[sflag:s15] =	ssyncadd.s32 $0xFFFFFF80  }
0xbd: {  	[spmem:s3] =	stream.indirect.scatter.add.f32 [tilespmem:s22], [sflag:$0x4], $0x80, s28, s26, $0xb8;
	[tilespmem:$0x1FF00] =	vst v63  }
0xbe: {  	_ =	swait.ge [sflag:s24], $0x4000  }
0xbf: {  	s6 =	rddreg [dreg:$0x7];
	[sflag:s24] =	ssyncset.done $0x0  }
0xc0: {  	[sflag:s24] =	ssyncadd.s32 $0xFFFFC000;
	s6 =	sadd.s32 s20, s6  }
0xc1: {  	[tilespmem:s29], [sflag:$0xB] =	stream.linear.gather [hbm4b:s6+s4], $0x80, $0x38;
	[tilespmem:$0x1FF00] =	vst v63  }
0xc2: {  	_ =	swait.ge [sflag:s16], $0x80  }
0xc3: {  	[sflag:s16] =	ssyncset.done $0x0  }
0xc4: {  	s6 =	rddreg [dreg:$0x6];
	[sflag:s16] =	ssyncadd.s32 $0xFFFFFF80  }
0xc5: {  	[tilespmem:s30], [sflag:$0x2] =	stream.indirect.gather [hbm4b:s0+s26], $0x80, s26, s26, $0xb8;
	[tilespmem:$0x1FF00] =	vst v63  }
0xc6: {  	s6 =	sadd.s32 s20, s6  }
0xc7: {  	[tilespmem:s31], [sflag:$0x9] =	stream.linear.gather [hbm4b:s6+s4], $0x80, $0x38;
	[tilespmem:$0x1FF00] =	vst v63  }
0xc8: {  	_ =	swait.ge [sflag:s7], $0x4000  }
0xc9: {  	[sflag:s7] =	ssyncset.done $0x0  }
0xca: {  	[sflag:s7] =	ssyncadd.s32 $0xFFFFC000  }
0xcb: {  	_ =	swait.ge [sflag:s17], $0x80  }
0xcc: {  	[sflag:s17] =	ssyncset.done $0x0  }
0xcd: {  	[sflag:s17] =	ssyncadd.s32 $0xFFFFFF80  }
0xce: {  	[spmem:s3] =	stream.indirect.scatter.add.f32 [tilespmem:s30], [sflag:$0x5], $0x80, s29, s26, $0xb8;
	[tilespmem:$0x1FF00] =	vst v63  }
0xcf: {  	_ =	swait.ge [sflag:s11], $0x4000  }
0xd0: {  	s6 =	rddreg [dreg:$0x5];
	[sflag:s11] =	ssyncset.done $0x0  }
0xd1: {  	p0 =	sne.s32 s13, $0x480;
	[sflag:s11] =	ssyncadd.s32 $0xFFFFC000;
	s6 =	sadd.s32 s20, s6  }
0xd2: {  	[tilespmem:s1], [sflag:$0xC] =	stream.linear.gather [hbm4b:s6+s4], $0x80, $0x38;
	[tilespmem:$0x1FF00] =	vst v63  }
.Ltmp1:
0xd3: {  	_ = 	snop;
	(pc) =	sbr.rel @p0 .LBB2_4-.Ltmp1, $4  }
0xd4: {  	_ =	swait.ge [sflag:s8], $0x80  }
0xd5: {  	s13 =	sadd.s32 $0x30, s13;
	[sflag:s8] =	ssyncset.done $0x0;
	s6 =	rddreg [dreg:$0x4]  }
0xd6: {  	s19 =	sadd.s32 $0x180, s19;
	[sflag:s8] =	ssyncadd.s32 $0xFFFFFF80;
	s20 =	sadd.s32 s20, s6  }
0xd7: {  	[tilespmem:s9], [sflag:$0x3] =	stream.indirect.gather [hbm4b:s0+s26], $0x80, s31, s26, $0xb8;
	[tilespmem:$0x1FF00] =	vst v63  }
0xd8: {  	[tilespmem:s4], [sflag:$0x7] =	stream.linear.gather [hbm4b:s20+s4], $0x80, $0x38;
	[tilespmem:$0x1FF00] =	vst v63  }
0xd9: {  	_ =	swait.ge [sflag:s10], $0x4000  }
0xda: {  	[sflag:s10] =	ssyncset.done $0x0  }
0xdb: {  	[sflag:s10] =	ssyncadd.s32 $0xFFFFC000  }
0xdc: {  	_ =	swait.ge [sflag:s12], $0x80  }
0xdd: {  	[sflag:s12] =	ssyncset.done $0x0  }
0xde: {  	[sflag:s12] =	ssyncadd.s32 $0xFFFFFF80  }
0xdf: {  	[spmem:s3] =	stream.indirect.scatter.add.f32 [tilespmem:s9], [sflag:$0x6], $0x80, s1, s26, $0xb8;
	[tilespmem:$0x1FF00] =	vst v63  }
0xe0: {  	_ =	swait.ge [sflag:s23], $0x4000  }
0xe1: {  	[sflag:s23] =	ssyncset.done $0x0  }
0xe2: {  	s6 =	rddreg [dreg:$0x14];
	[sflag:s23] =	ssyncadd.s32 $0xFFFFC000  }
0xe3: {  	[tilespmem:s28], [sflag:$0xA] =	stream.linear.gather [hbm4b:s6+s4], $0x80, $0x38;
	[tilespmem:$0x1FF00] =	vst v63  }
0xe4: {  	_ =	swait.ge [sflag:s14], $0x80  }
0xe5: {  	[sflag:s14] =	ssyncset.done $0x0  }
0xe6: {  	[sflag:s14] =	ssyncadd.s32 $0xFFFFFF80  }
0xe7: {  	[tilespmem:s22], [sflag:$0x1] =	stream.indirect.gather [hbm4b:s0+s26], $0x80, s4, s26, $0xb8;
	[tilespmem:$0x1FF00] =	vst v63  }
0xe8: {  	_ =	swait.ge [sflag:s2], $0x4000  }
0xe9: {  	[sflag:s2] =	ssyncset.done $0x0  }
0xea: {  	[sflag:s2] =	ssyncadd.s32 $0xFFFFC000  }
0xeb: {  	_ =	swait.ge [sflag:s15], $0x80  }
0xec: {  	[sflag:s15] =	ssyncset.done $0x0  }
0xed: {  	[sflag:s15] =	ssyncadd.s32 $0xFFFFFF80  }
0xee: {  	[spmem:s3] =	stream.indirect.scatter.add.f32 [tilespmem:s22], [sflag:$0x4], $0x80, s28, s26, $0xb8;
	[tilespmem:$0x1FF00] =	vst v63  }
0xef: {  	_ =	swait.ge [sflag:s24], $0x4000  }
0xf0: {  	[sflag:s24] =	ssyncset.done $0x0  }
0xf1: {  	[sflag:s24] =	ssyncadd.s32 $0xFFFFC000  }
0xf2: {  	_ =	swait.ge [sflag:s11], $0x4000  }
0xf3: {  	[sflag:s11] =	ssyncset.done $0x0  }
0xf4: {  	[sflag:s11] =	ssyncadd.s32 $0xFFFFC000  }
0xf5: {  	_ =	swait.ge [sflag:s23], $0x4000  }
0xf6: {  	[sflag:s23] =	ssyncset.done $0x0  }
0xf7: {  	s20 =	stileid.u32;
	[sflag:s23] =	ssyncadd.s32 $0xFFFFC000  }
0xf8: {  	s6 =	sshll.u32 s20, $0x6;
	[bflag:$0x0] =	sbarrier.arrive $0xFFFF  }
0xf9: {  	s13 =	sshrl.u32 s21, $0x3;
	s6 =	sor.u32 $0x1C0D, s6;
	s19 =	rddreg [dreg:$0x15]  }
0xfa: {  	[hbm:s19], [sflag:s6] =	dma.local [spmem:s13], $0x2780  }
0xfb: {  	_ =	swait.ge [sflag:s25], $0x2780  }
0xfc: {  	s18 =	sadd.s32 $0x1, s18;
	s20 =	smov.u32 s21;
	s21 =	rddreg [dreg:$0x16]  }
0xfd: {  	p0 =	sne.s32 s18, s21  }
.Ltmp2:
0xfe: {  	_ = 	snop;
	(pc) =	sbr.rel @p0 .LBB2_1-.Ltmp2, $3  }
0xff: {  	_ =	sdelay $0x1  }
0x100: {  	[sflag:s25] =	ssyncset.done $0x0  }
0x101: {  	[sflag:s25] =	ssyncadd.s32 $0xFFFFD880  }
0x102: {  	_ =	sfence.sel $0x180000  }
0x103: {  	[bflag:$0x0] =	sbarrier.arrive $0xFFFF  }
0x104: {  	_ =	strace $0x90000050  }
0x105: {  	s0 =	stileid.u32;
	[bflag:$0x2] =	sbarrier.arrive $0xFFFF  }
0x106: {  	p0 =	sne.s32 s0, $0x0;
	s0 =	rddreg [dreg:$0x3]  }
0x107: {  	s0 =	sadd.s32 @!p0 $0x100000, s0  }
0x108: {  	[sflag:s0] =	ssyncadd.tile.s32 @!p0 $0x1;
	_ =	shalt  }
.Lfunc_end2:
_tile_overlayer_lowered:
.L_overlay_start_2:
0x109: {  	(tag) =	ssettag $0x2  }
0x10a: {  	s0 =	rddreg [dreg:$0x0];
	s2 =	stileid.u32  }
0x10b: {  	s1 =	rddreg [dreg:$0x1];
	p0 =	sne.s32 s2, $0x0  }
0x10c: {  	s3 =	rddreg [dreg:$0x2];
	[bflag:$0x3] =	sbarrier.arrive $0xFFFF;
	s2 =	simm.s32 @!p0 $0x1C0D  }
0x10d: {  	[timem:s3], [sflag:s2] =	dma.local @!p0 [hbm:s0], s1  }
0x10e: {  	s0 =	simm.s32 @!p0 $0xD  }
0x10f: {  	_ =	swait.ge @!p0 [sflag:s0], s1  }
0x110: {  	s1 =	ssub.s32 @!p0 $0x0, s1;
	[sflag:s0] =	ssyncset.done @!p0 $0x0  }
0x111: {  	[sflag:s0] =	ssyncadd.s32 @!p0 s1  }
0x112: {  	[bflag:$0x3] =	sbarrier.arrive $0xFFFF  }
0x113: {  	_ =	shalt  }

// kernel: kernel.27.cloned.1.call-start
scs
__scs_entry_jumppad:
0x0: {  	(pc) =	sbr.rel $0x88, $3  }
0x1: {  	(tag) =	ssettag $0x0;
	lr =	simm.s32 $0x1  }
0x2: {  	[smem:$0x3F97] =	sst lr;
	_ =	strace $0xD0000000  }
0x3: {  	_ = 	snop  }
0x4: {  	_ = 	snop  }
0x5: {  	_ = 	snop  }
0x6: {  	_ = 	snop  }
0x7: {  	_ = 	snop  }
__scs_overlays_trampoline_lowered:
0x8: {  	[smem:$0x3FA6] =	sst s0  }
0x9: {  	[smem:$0x3FA7] =	sst s1  }
0xa: {  	[smem:$0x3FA8] =	sst s2  }
0xb: {  	[smem:$0x3FA9] =	sst s3  }
0xc: {  	[smem:$0x3FAA] =	sst s4  }
0xd: {  	[smem:$0x3FAB] =	sst s5  }
0xe: {  	[smem:$0x3FAC] =	sst s6  }
0xf: {  	[smem:$0x3FAD] =	sst s7  }
0x10: {  	[smem:$0x3FAE] =	sst s8  }
0x11: {  	[smem:$0x3FAF] =	sst s9;
	s0 =	simm.s32 @!p0 $0x0  }
0x12: {  	s1 =	sld [smem:$0x3F95];
	s0 =	simm.s32 @p0 $0x1  }
0x13: {  	[smem:$0x3FB0] =	sst s0;
	s0 =	simm.s32 @!p1 $0x0  }
0x14: {  	s2 =	sld [smem:$0x3F94];
	s0 =	simm.s32 @p1 $0x1  }
0x15: {  	[smem:$0x3FB1] =	sst s0;
	s0 =	simm.s32 @!p2 $0x0  }
0x16: {  	s3 =	sld [smem:$0x3FDB];
	s0 =	simm.s32 @p2 $0x1  }
0x17: {  	s4 =	simm.s32 $0x1BF5;
	[smem:$0x3FB3] =	sst s0  }
0x18: {  	s0 =	sld [smem:$0x3F96];
	_ =	swait.ge [sflag:s4], $0x0  }
0x19: {  	s7 =	sld [smem:$0x3F97]  }
0x1a: {  	s8 =	sadd.s32 $0xFFFFE003, lr  }
0x1b: {  	s9 =	sadd.s32 $0xFFFFFEF7, lr;
	s5 =	simm.s32 $0xFFFFFFFF;
	p2 =	slt.u32 s8, $0xFFFFF086  }
0x1c: {  	p1 =	slt.u32 s9, $0xF7A;
	s5 =	simm.s32 @!p2 $0x0  }
0x1d: {  	s5 =	simm.s32 @p1 $0x1;
	p0 =	seq.s32 s7, s2  }
0x1e: {  	s7 =	smul.u32 @!p0 $0xF7A, s2;
	p2 =	seq.s32 @!p0 s5, $0x0  }
0x1f: {  	s9 =	smul.u32 $0xF7A, s1;
	s8 =	simm.s32 @!p0 $0x1BF5;
	p2 =	por !p2, p0  }
0x20: {  	[sflag:s8] =	ssyncset.s32 @!p0 $0xFFFFF086;
	s6 =	sadd.s32 @!p0 s3, s7;
	s7 =	simm.s32 @!p0 $0x108  }
0x21: {  	s3 =	sadd.s32 s3, s9;
	s6 =	sadd.s32 @!p0 $0x88, s6;
	s7 =	simm.s32 @p2 $0x1082  }
0x22: {  	[simem:s7], [sflag:s8] =	dma.local @!p0 [hbm:s6], $0xF7A  }
0x23: {  	s9 =	sor.u32 $0xD0000000, s2;
	s6 =	simm.s32 $0x108;
	_ =	swait.ge @!p0 [sflag:s8], $0x0  }
0x24: {  	s3 =	sadd.s32 $0x88, s3;
	s6 =	simm.s32 @!p1 $0x1082;
	[sflag:s4] =	ssyncset.s32 $0xFFFFF086  }
0x25: {  	[simem:s6], [sflag:s4] =	dma.local [hbm:s3], $0xF7A  }
0x26: {  	[smem:$0x3F97] =	sst s1;
	(tag) =	ssettag s2;
	_ =	strace s9  }
0x27: {  	s1 =	sld [smem:$0x3FA7]  }
0x28: {  	s2 =	sld [smem:$0x3FA8]  }
0x29: {  	s4 =	sld [smem:$0x3FAA]  }
0x2a: {  	p0 =	seq.s32 s5, $0x0;
	s5 =	sld [smem:$0x3FAB]  }
0x2b: {  	s6 =	sld [smem:$0x3FAC]  }
0x2c: {  	s7 =	sld [smem:$0x3FAD]  }
0x2d: {  	s3 =	simm.s32 $0x108;
	s8 =	sld [smem:$0x3FAE]  }
0x2e: {  	s3 =	simm.s32 @!p0 $0x1082;
	s9 =	sld [smem:$0x3FAF]  }
0x2f: {  	lr =	sadd.s32 s0, s3;
	s0 =	sld [smem:$0x3FA6]  }
0x30: {  	s3 =	sld [smem:$0x3FA9]  }
0x31: {  	[smem:$0x3FB2] =	sst s10  }
0x32: {  	s10 =	sld [smem:$0x3FB0];
	_ =	sdelay $0x3  }
0x33: {  	p0 =	seq.s32 s10, $0x1;
	s10 =	sld [smem:$0x3FB2];
	_ =	sdelay $0x3  }
0x34: {  	[smem:$0x3FB2] =	sst s10  }
0x35: {  	s10 =	sld [smem:$0x3FB1];
	_ =	sdelay $0x3  }
0x36: {  	p1 =	seq.s32 s10, $0x1;
	s10 =	sld [smem:$0x3FB2];
	_ =	sdelay $0x3  }
0x37: {  	[smem:$0x3FB2] =	sst s10  }
0x38: {  	s10 =	sld [smem:$0x3FB3]  }
0x39: {  	_ = 	snop;
	(pc) =	sbr.ind lr, $3  }
0x3a: {  	_ = 	snop  }
0x3b: {  	_ = 	snop  }
0x3c: {  	p2 =	seq.s32 s10, $0x1;
	s10 =	sld [smem:$0x3FB2]  }
0x3d: {  	_ =	shalt  }
0x3e: {  	_ =	shalt  }
0x3f: {  	_ =	shalt  }
0x40: {  	_ =	shalt  }
0x41: {  	_ =	shalt  }
0x42: {  	_ =	shalt  }
0x43: {  	_ =	shalt  }
0x44: {  	_ =	shalt  }
0x45: {  	_ =	shalt  }
0x46: {  	_ =	shalt  }
0x47: {  	_ =	shalt  }
0x48: {  	_ =	shalt  }
0x49: {  	_ =	shalt  }
0x4a: {  	_ =	shalt  }
0x4b: {  	_ =	shalt  }
0x4c: {  	_ =	shalt  }
0x4d: {  	_ =	shalt  }
0x4e: {  	_ =	shalt  }
0x4f: {  	_ =	shalt  }
0x50: {  	_ =	shalt  }
0x51: {  	_ =	shalt  }
0x52: {  	_ =	shalt  }
0x53: {  	_ =	shalt  }
0x54: {  	_ =	shalt  }
0x55: {  	_ =	shalt  }
0x56: {  	_ =	shalt  }
0x57: {  	_ =	shalt  }
0x58: {  	_ =	shalt  }
0x59: {  	_ =	shalt  }
0x5a: {  	_ =	shalt  }
0x5b: {  	_ =	shalt  }
0x5c: {  	_ =	shalt  }
0x5d: {  	_ =	shalt  }
0x5e: {  	_ =	shalt  }
0x5f: {  	_ =	shalt  }
0x60: {  	_ =	shalt  }
0x61: {  	_ =	shalt  }
0x62: {  	_ =	shalt  }
0x63: {  	_ =	shalt  }
0x64: {  	_ =	shalt  }
0x65: {  	_ =	shalt  }
0x66: {  	_ =	shalt  }
0x67: {  	_ =	shalt  }
0x68: {  	_ =	shalt  }
0x69: {  	_ =	shalt  }
0x6a: {  	_ =	shalt  }
0x6b: {  	_ =	shalt  }
0x6c: {  	_ =	shalt  }
0x6d: {  	_ =	shalt  }
0x6e: {  	_ =	shalt  }
0x6f: {  	_ =	shalt  }
0x70: {  	_ =	shalt  }
0x71: {  	_ =	shalt  }
0x72: {  	_ =	shalt  }
0x73: {  	_ =	shalt  }
0x74: {  	_ =	shalt  }
0x75: {  	_ =	shalt  }
0x76: {  	_ =	shalt  }
0x77: {  	_ =	shalt  }
0x78: {  	_ =	shalt  }
0x79: {  	_ =	shalt  }
0x7a: {  	_ =	shalt  }
0x7b: {  	_ =	shalt  }
0x7c: {  	_ =	shalt  }
0x7d: {  	_ =	shalt  }
0x7e: {  	_ =	shalt  }
0x7f: {  	_ =	shalt  }
0x80: {  	_ =	shalt  }
0x81: {  	_ =	shalt  }
0x82: {  	_ =	shalt  }
0x83: {  	_ =	shalt  }
0x84: {  	_ =	shalt  }
0x85: {  	_ =	shalt  }
0x86: {  	_ =	shalt  }
0x87: {  	_ =	shalt  }
.Lfunc_end0:
.L_simem_size_0:
called_computation.4_lowered:
.L_overlay_start_0:
0x88: {  	s2 =	sld [smem:$0x3FD9]  }
0x89: {  	s3 =	sld [smem:$0x3FFE];
	_ =	sdelay $0x1  }
0x8a: {  	s1 =	srdreg.scid  }
0x8b: {  	s0 =	sand.u32 $0x1, s1  }
0x8c: {  	s17 =	sshll.u32 s0, $0xA;
	s2 =	sadd.s32 s3, s2  }
0x8d: {  	s2 =	sadd.s32 s2, s17  }
0x8e: {  	[smem:$0x3FBE] =	sst s2  }
0x8f: {  	_ = 	snop  }
0x90: {  	s2 =	sld [smem:$0x3FD0];
	(tm) =	ssettm $0x1  }
0x91: {  	s18 =	sld [smem:$0x3FFB];
	_ =	sdelay $0x3  }
0x92: {  	_ =	strace s18  }
0x93: {  	s3 =	sld [smem:$0x3FFC];
	_ =	sdelay $0x3  }
0x94: {  	_ =	strace s3  }
0x95: {  	s3 =	sld [smem:$0x3FFD];
	_ =	sdelay $0x3  }
0x96: {  	_ =	strace s3  }
0x97: {  	_ =	strace $0x8FFFFFFF  }
0x98: {  	s19 =	sld [smem:$0x3FDB];
	_ =	sdelay $0x1  }
0x99: {  	s4 =	simm.s32 $_scs_section_size  }
0x9a: {  	s5 =	simm.s32 $_size__tile_overlayer_lowered;
	s6 =	simm.s32 $_tile_overlayer_lowered  }
0x9b: {  	s22 =	simm.s32 $0x1BFF;
	s21 =	sshll.u32 s6, $0x1;
	s3 =	sadd.s32 s4, s19  }
0x9c: {  	s7 =	simm.s32 $0x0;
	s20 =	sshll.u32 s5, $0x1;
	s5 =	sadd.s32 s21, s3  }
0x9d: {  	[timem:s7], [sflag:s22] =	dma.local [hbm:s5], s20  }
0x9e: {  	_ =	swait.ge [sflag:s22], s20  }
0x9f: {  	s4 =	ssub.s32 $0x0, s20;
	[sflag:s22] =	ssyncset.done $0x0  }
0xa0: {  	[sflag:s22] =	ssyncadd.s32 s4;
	_ =	sdelay $0x1  }
0xa1: {  	s23 =	simm.s32 $0x1B8B  }
0xa2: {  	_ =	swait.ge [sflag:s23], $0x1  }
0xa3: {  	[sflag:s23] =	ssyncset.done $0x0  }
0xa4: {  	s25 =	simm.s32 $0x1B8E;
	s24 =	sld [smem:$0x3FFE];
	[sflag:s23] =	ssyncadd.s32 $0xFFFFFFFF  }
0xa5: {  	s26 =	simm.s32 $execute0_lowered;
	[smem:$0x3FD2] =	sst s25  }
0xa6: {  	s5 =	sshll.u32 s26, $0x1;
	_ =	strace $0x80000052;
	[dreg:$0x1] =	wrdreg $0xFFFFFFFF  }
0xa7: {  	s28 =	simm.s32 $_size_execute0_lowered;
	s3 =	sadd.s32 s3, s5;
	[dreg:$0x0] =	wrdreg $0x0  }
0xa8: {  	s5 =	sshll.u32 s28, $0x1;
	[dreg:$0x2] =	wrdreg s3  }
0xa9: {  	[dreg:$0x3] =	wrdreg s5  }
0xaa: {  	[dreg:$0x4] =	wrdreg $0xC0  }
0xab: {  	_ =	task [dreg:s7], $0x5FFFF  }
0xac: {  	[dreg:$0x1] =	wrdreg $0xFFFFFFFF  }
0xad: {  	[dreg:$0x0] =	wrdreg $0x60  }
0xae: {  	[dreg:$0x2] =	wrdreg s2  }
0xaf: {  	[dreg:$0x3] =	wrdreg s24  }
0xb0: {  	[dreg:$0x4] =	wrdreg $0xC3000  }
0xb1: {  	[dreg:$0x5] =	wrdreg $0x9  }
0xb2: {  	_ =	task.clear_ibuf [dreg:s7], $0x6FFFF;
	_ =	strace $0x90000052  }
0xb3: {  	s29 =	simm.s32 $0x9;
	_ =	strace $0x80000054  }
0xb4: {  	_ =	swait.ge [sflag:s29], $0x1  }
0xb5: {  	[sflag:s29] =	ssyncadd.s32 $0xFFFFFFFF  }
0xb6: {  	_ =	strace $0x90000054  }
0xb7: {  	_ =	sfence  }
0xb8: {  	s30 =	sld [smem:$0x0];
	_ =	sdelay $0x2  }
0xb9: {  	s31 =	sshll.u32 s1, $0xD;
	s1 =	sshrl.u32 s1, $0x2  }
0xba: {  	s3 =	sand.u32 $0x4000, s31;
	s1 =	sadd.s32 s1, s30  }
0xbb: {  	s0 =	sor.u32 s3, s0;
	s1 =	sshll.u32 s1, $0x11  }
0xbc: {  	s0 =	sor.u32 s1, s0  }
0xbd: {  	s0 =	sadd.s32 $0x8F2B, s0  }
0xbe: {  	[sflag:s0] =	ssyncadd.remote.s32 $0x1  }
0xbf: {  	_ =	sfence.sel $0xFFFF  }
0xc0: {  	[dreg:$0x0] =	wrdreg $0xFFFFFFFF;
	(pc) =	sbr.abs _section_cstart, $3  }
0xc1: {  	[dreg:$0x1] =	wrdreg $0xFFFFFFFF  }
0xc2: {  	_ =	task.clear_ibuf [dreg:s7], $0x2FFFF;
	_ =	strace $0x9FFFFFFF  }
0xc3: {  	(tm) =	ssettm $0x7FFFFFFF  }
tec
execute0_lowered:
.L_overlay_start_1:
0x0: {  	(tag) =	ssettag $0x1  }
0x1: {  	s0 =	rddreg [dreg:$0x0]  }
0x2: {  	s1 =	rddreg [dreg:$0x1];
	s2 =	srdreg.scid  }
0x3: {  	s3 =	rddreg [dreg:$0x2];
	s11 =	stileid.u32;
	s4 =	simm.s32 $0x0  }
0x4: {  	s28 =	simm.s32 $0x180;
	s29 =	simm.s32 $0x200;
	s30 =	simm.s32 $0x4300  }
0x5: {  	s31 =	simm.s32 $0x100;
	s2 =	sand.u32 $0x1, s2;
	s6 =	smul.u32 $0x13C00, s11  }
0x6: {  	[smem:$0x7FF] =	sst s4;
	s7 =	sadd.s32 $0xF800, s1;
	s8 =	smul.u32 $0x4F000, s11  }
0x7: {  	s5 =	smul.u32 $0x13C000, s2;
	_ =	strace $0x80000053;
	s21 =	sshll.u32 s2, $0x4  }
0x8: {  	s9 =	ssub.s32 $0x2, s2;
	s2 =	smul.u32 $0x27800, s2;
	s10 =	sor.u32 s11, s21  }
0x9: {  	s22 =	sshrl.u32 s8, $0x2;
	s23 =	sshrl.u32 s9, $0x1;
	s11 =	smul.u32 $0x2780, s11  }
0xa: {  	s5 =	sadd.s32 s6, s5;
	s20 =	sadd.s32 s22, s3;
	s10 =	smul.u32 $0x2780, s10  }
0xb: {  	s8 =	ssub.s32 s9, s23;
	s6 =	sshrl.u32 s5, $0x3;
	s5 =	sadd.s32 $0x19600, s1  }
0xc: {  	s24 =	sadd.s32 $0x8000, s20;
	s25 =	sadd.s32 $0xC000, s20;
	s12 =	sadd.s32 $0x10000, s20  }
0xd: {  	s2 =	sadd.s32 s11, s2;
	s1 =	sadd.s32 s6, s1;
	[dreg:$0xa] =	wrdreg s24  }
0xe: {  	s6 =	sadd.s32 $0x4000, s20;
	[dreg:$0xb] =	wrdreg s25;
	s26 =	sshrl.u32 s10, $0x3  }
0xf: {  	[dreg:$0xc] =	wrdreg s12;
	s16 =	sadd.s32 $0x300, s2;
	s17 =	sadd.s32 $0x280, s2  }
0x10: {  	s11 =	sadd.s32 $0x200, s2;
	s24 =	smax.u32 s8, $0x1;
	[dreg:$0x9] =	wrdreg s6  }
0x11: {  	s8 =	simm.s32 $0x9;
	s13 =	sadd.s32 s7, s26;
	[dreg:$0x16] =	wrdreg s24  }
0x12: {  	s10 =	sadd.s32 $0x10, s26;
	s14 =	sadd.s32 s5, s26;
	[dreg:$0xd] =	wrdreg s13  }
0x13: {  	s9 =	sadd.s32 $0x20, s26;
	s1 =	sadd.s32 $0x4A600, s1;
	[dreg:$0xf] =	wrdreg s14  }
0x14: {  	s22 =	sshrl.u32 s11, $0x3;
	s26 =	sadd.s32 $0x180, s2;
	[dreg:$0x15] =	wrdreg s1  }
0x15: {  	s24 =	simm.s32 $0x5;
	s12 =	sadd.s32 s7, s10;
	[dreg:$0x17] =	wrdreg s26  }
0x16: {  	s2 =	simm.s32 $0x1;
	s10 =	sadd.s32 s5, s10;
	[dreg:$0xe] =	wrdreg s12  }
0x17: {  	s11 =	simm.s32 $0x6;
	s15 =	sadd.s32 s7, s9;
	[dreg:$0x10] =	wrdreg s10  }
0x18: {  	s9 =	sadd.s32 s5, s9;
	s6 =	sadd.s32 $0x30, s13;
	[dreg:$0x11] =	wrdreg s15  }
0x19: {  	s18 =	sadd.s32 $0x4E0, s14;
	s23 =	sadd.s32 s22, s5;
	[dreg:$0x12] =	wrdreg s9  }
0x1a: {  	s25 =	sadd.s32 s22, s7;
	s22 =	simm.s32 $0x300;
	[dreg:$0x13] =	wrdreg s6  }
0x1b: {  	s26 =	simm.s32 $0x80;
	s1 =	simm.s32 $0x280;
	[dreg:$0x14] =	wrdreg s18  }
0x1c: {  	s14 =	simm.s32 $0x7;
	s9 =	sshrl.u32 s16, $0x3;
	[dreg:$0x7] =	wrdreg s23  }
0x1d: {  	s10 =	sshrl.u32 s17, $0x3;
	[dreg:$0x8] =	wrdreg s25;
	s23 =	simm.s32 $0x4  }
0x1e: {  	s25 =	simm.s32 $0xD;
	s12 =	simm.s32 $0xC;
	s15 =	simm.s32 $0xA  }
0x1f: {  	s16 =	simm.s32 $0x8;
	s17 =	simm.s32 $0xB;
	s9 =	sadd.s32 s9, s7  }
0x20: {  	s18 =	simm.s32 $0x0;
	s19 =	sadd.s32 s10, s5;
	[dreg:$0x4] =	wrdreg s9  }
0x21: {  	s21 =	sadd.s32 s10, s7;
	s7 =	simm.s32 $0x2;
	[dreg:$0x5] =	wrdreg s19  }
0x22: {  	v0 =	vimm.f32 $0.0e+00;
	s10 =	simm.s32 $0x3;
	[dreg:$0x6] =	wrdreg s21;
	s9 =	simm.s32 $0x8300  }
.LBB2_1:
0x23: {  	s13 =	simm.s32 $0x0;
	s19 =	simm.s32 $0x200  }
.LBB2_2:
0x24: {  	p0 =	sne.s32 s19, $0xFE00;
	[tilespmem:s13+$0x370] =	vst v0  }
0x25: {  	[tilespmem:s13+$0x300] =	vst v0  }
0x26: {  	[tilespmem:s13+$0x310] =	vst v0  }
.Ltmp0:
0x27: {  	[tilespmem:s13+$0x320] =	vst v0;
	(pc) =	sbr.rel @p0 .LBB2_2-.Ltmp0, $4  }
0x28: {  	[tilespmem:s13+$0x330] =	vst v0  }
0x29: {  	[tilespmem:s13+$0x340] =	vst v0  }
0x2a: {  	[tilespmem:s13+$0x350] =	vst v0  }
0x2b: {  	[tilespmem:s13+$0x360] =	vst v0;
	s13 =	sshra.s32 s19, $0x2;
	s19 =	sadd.s32 $0x200, s19  }
0x2c: {  	[tilespmem:s13+$0x370] =	vst v0  }
0x2d: {  	[tilespmem:s13+$0x300] =	vst v0  }
0x2e: {  	[tilespmem:s13+$0x310] =	vst v0  }
0x2f: {  	[tilespmem:s13+$0x320] =	vst v0  }
0x30: {  	[tilespmem:s13+$0x330] =	vst v0  }
0x31: {  	[tilespmem:s13+$0x340] =	vst v0  }
0x32: {  	[tilespmem:s13+$0x350] =	vst v0  }
0x33: {  	[tilespmem:s13+$0x360] =	vst v0  }
0x34: {  	[spmem:s20] =	stream.linear.scatter [tilespmem:s22], [sflag:$0x4], $0x4000, $0x38;
	[tilespmem:$0x1FF00] =	vst v63  }
0x35: {  	s6 =	rddreg [dreg:$0x9]  }
0x36: {  	[spmem:s6] =	stream.linear.scatter [tilespmem:s22], [sflag:$0x4], $0x4000, $0x38;
	[tilespmem:$0x1FF00] =	vst v63  }
0x37: {  	s19 =	rddreg [dreg:$0xa]  }
0x38: {  	[spmem:s19] =	stream.linear.scatter [tilespmem:s22], [sflag:$0x4], $0x4000, $0x38;
	[tilespmem:$0x1FF00] =	vst v63  }
0x39: {  	s21 =	smov.u32 s20;
	s20 =	rddreg [dreg:$0xb]  }
0x3a: {  	[spmem:s20] =	stream.linear.scatter [tilespmem:s22], [sflag:$0x4], $0x4000, $0x38;
	[tilespmem:$0x1FF00] =	vst v63  }
0x3b: {  	s13 =	rddreg [dreg:$0xc]  }
0x3c: {  	[spmem:s13] =	stream.linear.scatter [tilespmem:s22], [sflag:$0x5], $0x3C00, $0x38;
	[tilespmem:$0x1FF00] =	vst v63  }
0x3d: {  	_ =	swait.ge [sflag:s23], $0x4000  }
0x3e: {  	[sflag:s23] =	ssyncset.done $0x0  }
0x3f: {  	[sflag:s23] =	ssyncadd.s32 $0xFFFFC000  }
0x40: {  	_ =	swait.ge [sflag:s23], $0x4000  }
0x41: {  	[sflag:s23] =	ssyncset.done $0x0  }
0x42: {  	[sflag:s23] =	ssyncadd.s32 $0xFFFFC000  }
0x43: {  	_ =	swait.ge [sflag:s23], $0x4000  }
0x44: {  	[sflag:s23] =	ssyncset.done $0x0  }
0x45: {  	[sflag:s23] =	ssyncadd.s32 $0xFFFFC000  }
0x46: {  	_ =	swait.ge [sflag:s23], $0x4000  }
0x47: {  	[sflag:s23] =	ssyncset.done $0x0  }
0x48: {  	[sflag:s23] =	ssyncadd.s32 $0xFFFFC000  }
0x49: {  	_ =	swait.ge [sflag:s24], $0x3C00  }
0x4a: {  	[sflag:s24] =	ssyncset.done $0x0  }
0x4b: {  	[sflag:s24] =	ssyncadd.s32 $0xFFFFC400  }
0x4c: {  	[bflag:$0x0] =	sbarrier.arrive $0xFFFF  }
0x4d: {  	s13 =	simm.s32 $0x0;
	s19 =	rddreg [dreg:$0xd]  }
0x4e: {  	[tilespmem:s13], [sflag:$0xD] =	stream.linear.gather [hbm4b:s19+s13], $0x80, $0x38;
	[tilespmem:$0x1FF00] =	vst v63  }
0x4f: {  	_ =	swait.ge [sflag:s25], $0x80  }
0x50: {  	[sflag:s25] =	ssyncset.done $0x0  }
0x51: {  	s20 =	rddreg [dreg:$0xe];
	[sflag:s25] =	ssyncadd.s32 $0xFFFFFF80  }
0x52: {  	[tilespmem:s26], [sflag:$0xD] =	stream.linear.gather [hbm4b:s20+s13], $0x80, $0x38;
	[tilespmem:$0x1FF00] =	vst v63  }
0x53: {  	_ =	swait.ge [sflag:s25], $0x80  }
0x54: {  	[sflag:s25] =	ssyncset.done $0x0  }
0x55: {  	s19 =	rddreg [dreg:$0xf];
	[sflag:s25] =	ssyncadd.s32 $0xFFFFFF80  }
0x56: {  	[tilespmem:s28], [sflag:$0xD] =	stream.linear.gather [hbm4b:s19+s13], $0x80, $0x38;
	[tilespmem:$0x1FF00] =	vst v63  }
0x57: {  	_ =	swait.ge [sflag:s25], $0x80  }
0x58: {  	[sflag:s25] =	ssyncset.done $0x0  }
0x59: {  	s20 =	rddreg [dreg:$0x10];
	[sflag:s25] =	ssyncadd.s32 $0xFFFFFF80  }
0x5a: {  	[tilespmem:s29], [sflag:$0xD] =	stream.linear.gather [hbm4b:s20+s13], $0x80, $0x38;
	[tilespmem:$0x1FF00] =	vst v63  }
0x5b: {  	_ =	swait.ge [sflag:s25], $0x80  }
0x5c: {  	[sflag:s25] =	ssyncset.done $0x0  }
0x5d: {  	[sflag:s25] =	ssyncadd.s32 $0xFFFFFF80  }
0x5e: {  	[tilespmem:s22], [sflag:$0x1] =	stream.indirect.gather [hbm4b:s0+s26], $0x80, s13, s26, $0xb8;
	[tilespmem:$0x1FF00] =	vst v63  }
0x5f: {  	_ = 	snop  }
0x60: {  	[tilespmem:s30], [sflag:$0x2] =	stream.indirect.gather [hbm4b:s0+s26], $0x80, s26, s26, $0xb8;
	[tilespmem:$0x1FF00] =	vst v63  }
0x61: {  	s19 =	rddreg [dreg:$0x11]  }
0x62: {  	[tilespmem:s31], [sflag:$0x9] =	stream.linear.gather [hbm4b:s19+s13], $0x80, $0x38;
	[tilespmem:$0x1FF00] =	vst v63  }
0x63: {  	s20 =	rddreg [dreg:$0x12]  }
0x64: {  	[tilespmem:s1], [sflag:$0xC] =	stream.linear.gather [hbm4b:s20+s13], $0x80, $0x38;
	[tilespmem:$0x1FF00] =	vst v63  }
0x65: {  	_ =	swait.ge [sflag:s2], $0x4000  }
0x66: {  	[sflag:s2] =	ssyncset.done $0x0  }
0x67: {  	[sflag:s2] =	ssyncadd.s32 $0xFFFFC000  }
0x68: {  	[spmem:s3] =	stream.indirect.scatter.add.f32 [tilespmem:s22], [sflag:$0x4], $0x80, s28, s26, $0xb8;
	[tilespmem:$0x1FF00] =	vst v63  }
0x69: {  	_ =	swait.ge [sflag:s7], $0x4000  }
0x6a: {  	[sflag:s7] =	ssyncset.done $0x0  }
0x6b: {  	[sflag:s7] =	ssyncadd.s32 $0xFFFFC000  }
0x6c: {  	[spmem:s3] =	stream.indirect.scatter.add.f32 [tilespmem:s30], [sflag:$0x5], $0x80, s29, s26, $0xb8;
	[tilespmem:$0x1FF00] =	vst v63  }
0x6d: {  	_ =	swait.ge [sflag:s8], $0x80  }
0x6e: {  	[sflag:s8] =	ssyncset.done $0x0  }
0x6f: {  	[sflag:s8] =	ssyncadd.s32 $0xFFFFFF80  }
0x70: {  	[tilespmem:s9], [sflag:$0x3] =	stream.indirect.gather [hbm4b:s0+s26], $0x80, s31, s26, $0xb8;
	[tilespmem:$0x1FF00] =	vst v63  }
0x71: {  	s19 =	rddreg [dreg:$0x13]  }
0x72: {  	[tilespmem:s13], [sflag:$0x7] =	stream.linear.gather [hbm4b:s19+s13], $0x80, $0x38;
	[tilespmem:$0x1FF00] =	vst v63  }
0x73: {  	_ =	swait.ge [sflag:s10], $0x4000  }
0x74: {  	[sflag:s10] =	ssyncset.done $0x0  }
0x75: {  	[sflag:s10] =	ssyncadd.s32 $0xFFFFC000  }
0x76: {  	_ =	swait.ge [sflag:s12], $0x80  }
0x77: {  	[sflag:s12] =	ssyncset.done $0x0  }
0x78: {  	[sflag:s12] =	ssyncadd.s32 $0xFFFFFF80  }
0x79: {  	[spmem:s3] =	stream.indirect.scatter.add.f32 [tilespmem:s9], [sflag:$0x6], $0x80, s1, s26, $0xb8;
	[tilespmem:$0x1FF00] =	vst v63  }
0x7a: {  	_ =	swait.ge [sflag:s23], $0x4000  }
0x7b: {  	s6 =	rddreg [dreg:$0x17]  }
0x7c: {  	[sflag:s23] =	ssyncset.done $0x0;
	s20 =	sshrl.u32 s6, $0x3  }
0x7d: {  	[sflag:s23] =	ssyncadd.s32 $0xFFFFC000;
	s13 =	sadd.s32 s5, s20  }
0x7e: {  	[tilespmem:s28], [sflag:$0xA] =	stream.linear.gather [hbm4b:s13+s4], $0x80, $0x38;
	[tilespmem:$0x1FF00] =	vst v63  }
0x7f: {  	_ =	swait.ge [sflag:s14], $0x80  }
0x80: {  	[sflag:s14] =	ssyncset.done $0x0  }
0x81: {  	s19 =	rddreg [dreg:$0x8];
	[sflag:s14] =	ssyncadd.s32 $0xFFFFFF80  }
0x82: {  	[tilespmem:s22], [sflag:$0x1] =	stream.indirect.gather [hbm4b:s0+s26], $0x80, s4, s26, $0xb8;
	[tilespmem:$0x1FF00] =	vst v63  }
0x83: {  	s13 =	sadd.s32 $0x0, s19  }
0x84: {  	[tilespmem:s26], [sflag:$0x8] =	stream.linear.gather [hbm4b:s13+s4], $0x80, $0x38;
	[tilespmem:$0x1FF00] =	vst v63  }
0x85: {  	_ =	swait.ge [sflag:s2], $0x4000  }
0x86: {  	[sflag:s2] =	ssyncset.done $0x0  }
0x87: {  	[sflag:s2] =	ssyncadd.s32 $0xFFFFC000  }
0x88: {  	_ =	swait.ge [sflag:s15], $0x80  }
0x89: {  	[sflag:s15] =	ssyncset.done $0x0  }
0x8a: {  	[sflag:s15] =	ssyncadd.s32 $0xFFFFFF80  }
0x8b: {  	[spmem:s3] =	stream.indirect.scatter.add.f32 [tilespmem:s22], [sflag:$0x4], $0x80, s28, s26, $0xb8;
	[tilespmem:$0x1FF00] =	vst v63  }
0x8c: {  	_ =	swait.ge [sflag:s24], $0x4000  }
0x8d: {  	s20 =	rddreg [dreg:$0x7];
	[sflag:s24] =	ssyncset.done $0x0  }
0x8e: {  	[sflag:s24] =	ssyncadd.s32 $0xFFFFC000;
	s13 =	sadd.s32 $0x0, s20  }
0x8f: {  	[tilespmem:s29], [sflag:$0xB] =	stream.linear.gather [hbm4b:s13+s4], $0x80, $0x38;
	[tilespmem:$0x1FF00] =	vst v63  }
0x90: {  	_ =	swait.ge [sflag:s16], $0x80  }
0x91: {  	[sflag:s16] =	ssyncset.done $0x0  }
0x92: {  	s19 =	rddreg [dreg:$0x6];
	[sflag:s16] =	ssyncadd.s32 $0xFFFFFF80  }
0x93: {  	[tilespmem:s30], [sflag:$0x2] =	stream.indirect.gather [hbm4b:s0+s26], $0x80, s26, s26, $0xb8;
	[tilespmem:$0x1FF00] =	vst v63  }
0x94: {  	s13 =	sadd.s32 $0x0, s19  }
0x95: {  	[tilespmem:s31], [sflag:$0x9] =	stream.linear.gather [hbm4b:s13+s4], $0x80, $0x38;
	[tilespmem:$0x1FF00] =	vst v63  }
0x96: {  	_ =	swait.ge [sflag:s7], $0x4000  }
0x97: {  	[sflag:s7] =	ssyncset.done $0x0  }
0x98: {  	[sflag:s7] =	ssyncadd.s32 $0xFFFFC000  }
0x99: {  	_ =	swait.ge [sflag:s17], $0x80  }
0x9a: {  	[sflag:s17] =	ssyncset.done $0x0  }
0x9b: {  	[sflag:s17] =	ssyncadd.s32 $0xFFFFFF80  }
0x9c: {  	[spmem:s3] =	stream.indirect.scatter.add.f32 [tilespmem:s30], [sflag:$0x5], $0x80, s29, s26, $0xb8;
	[tilespmem:$0x1FF00] =	vst v63  }
0x9d: {  	_ =	swait.ge [sflag:s11], $0x4000  }
0x9e: {  	s20 =	rddreg [dreg:$0x5];
	[sflag:s11] =	ssyncset.done $0x0  }
0x9f: {  	[sflag:s11] =	ssyncadd.s32 $0xFFFFC000;
	s13 =	sadd.s32 $0x0, s20  }
0xa0: {  	[tilespmem:s1], [sflag:$0xC] =	stream.linear.gather [hbm4b:s13+s4], $0x80, $0x38;
	[tilespmem:$0x1FF00] =	vst v63  }
0xa1: {  	_ =	swait.ge [sflag:s8], $0x80  }
0xa2: {  	s13 =	simm.s32 $0x30;
	[sflag:s8] =	ssyncset.done $0x0;
	s19 =	rddreg [dreg:$0x4]  }
0xa3: {  	[sflag:s8] =	ssyncadd.s32 $0xFFFFFF80;
	s20 =	sadd.s32 $0x0, s19;
	s19 =	sadd.s32 $0x180, s6  }
0xa4: {  	[tilespmem:s9], [sflag:$0x3] =	stream.indirect.gather [hbm4b:s0+s26], $0x80, s31, s26, $0xb8;
	[tilespmem:$0x1FF00] =	vst v63  }
.LBB2_4:
0xa5: {  	[tilespmem:s4], [sflag:$0x7] =	stream.linear.gather [hbm4b:s20+s4], $0x80, $0x38;
	[tilespmem:$0x1FF00] =	vst v63  }
0xa6: {  	_ =	swait.ge [sflag:s10], $0x4000  }
0xa7: {  	[sflag:s10] =	ssyncset.done $0x0  }
0xa8: {  	[sflag:s10] =	ssyncadd.s32 $0xFFFFC000  }
0xa9: {  	_ =	swait.ge [sflag:s12], $0x80  }
0xaa: {  	[sflag:s12] =	ssyncset.done $0x0  }
0xab: {  	[sflag:s12] =	ssyncadd.s32 $0xFFFFFF80  }
0xac: {  	[spmem:s3] =	stream.indirect.scatter.add.f32 [tilespmem:s9], [sflag:$0x6], $0x80, s1, s26, $0xb8;
	[tilespmem:$0x1FF00] =	vst v63  }
0xad: {  	_ =	swait.ge [sflag:s23], $0x4000  }
0xae: {  	s6 =	sshrl.u32 s19, $0x3;
	[sflag:s23] =	ssyncset.done $0x0  }
0xaf: {  	s6 =	sadd.s32 s5, s6;
	[sflag:s23] =	ssyncadd.s32 $0xFFFFC000  }
0xb0: {  	[tilespmem:s28], [sflag:$0xA] =	stream.linear.gather [hbm4b:s6+s4], $0x80, $0x38;
	[tilespmem:$0x1FF00] =	vst v63  }
0xb1: {  	_ =	swait.ge [sflag:s14], $0x80  }
0xb2: {  	[sflag:s14] =	ssyncset.done $0x0  }
0xb3: {  	s20 =	smov.u32 s13;
	s6 =	rddreg [dreg:$0x8];
	[sflag:s14] =	ssyncadd.s32 $0xFFFFFF80  }
0xb4: {  	[tilespmem:s22], [sflag:$0x1] =	stream.indirect.gather [hbm4b:s0+s26], $0x80, s4, s26, $0xb8;
	[tilespmem:$0x1FF00] =	vst v63  }
0xb5: {  	s6 =	sadd.s32 s20, s6  }
0xb6: {  	[tilespmem:s26], [sflag:$0x8] =	stream.linear.gather [hbm4b:s6+s4], $0x80, $0x38;
	[tilespmem:$0x1FF00] =	vst v63  }
0xb7: {  	_ =	swait.ge [sflag:s2], $0x4000  }
0xb8: {  	[sflag:s2] =	ssyncset.done $0x0  }
0xb9: {  	[sflag:s2] =	ssyncadd.s32 $0xFFFFC000  }
0xba: {  	_ =	swait.ge [sflag:s15], $0x80  }
0xbb: {  	[sflag:s15] =	ssyncset.done $0x0  }
0xbc: {  	[sflag:s15] =	ssyncadd.s32 $0xFFFFFF80  }
0xbd: {  	[spmem:s3] =	stream.indirect.scatter.add.f32 [tilespmem:s22], [sflag:$0x4], $0x80, s28, s26, $0xb8;
	[tilespmem:$0x1FF00] =	vst v63  }
0xbe: {  	_ =	swait.ge [sflag:s24], $0x4000  }
0xbf: {  	s6 =	rddreg [dreg:$0x7];
	[sflag:s24] =	ssyncset.done $0x0  }
0xc0: {  	[sflag:s24] =	ssyncadd.s32 $0xFFFFC000;
	s6 =	sadd.s32 s20, s6  }
0xc1: {  	[tilespmem:s29], [sflag:$0xB] =	stream.linear.gather [hbm4b:s6+s4], $0x80, $0x38;
	[tilespmem:$0x1FF00] =	vst v63  }
0xc2: {  	_ =	swait.ge [sflag:s16], $0x80  }
0xc3: {  	[sflag:s16] =	ssyncset.done $0x0  }
0xc4: {  	s6 =	rddreg [dreg:$0x6];
	[sflag:s16] =	ssyncadd.s32 $0xFFFFFF80  }
0xc5: {  	[tilespmem:s30], [sflag:$0x2] =	stream.indirect.gather [hbm4b:s0+s26], $0x80, s26, s26, $0xb8;
	[tilespmem:$0x1FF00] =	vst v63  }
0xc6: {  	s6 =	sadd.s32 s20, s6  }
0xc7: {  	[tilespmem:s31], [sflag:$0x9] =	stream.linear.gather [hbm4b:s6+s4], $0x80, $0x38;
	[tilespmem:$0x1FF00] =	vst v63  }
0xc8: {  	_ =	swait.ge [sflag:s7], $0x4000  }
0xc9: {  	[sflag:s7] =	ssyncset.done $0x0  }
0xca: {  	[sflag:s7] =	ssyncadd.s32 $0xFFFFC000  }
0xcb: {  	_ =	swait.ge [sflag:s17], $0x80  }
0xcc: {  	[sflag:s17] =	ssyncset.done $0x0  }
0xcd: {  	[sflag:s17] =	ssyncadd.s32 $0xFFFFFF80  }
0xce: {  	[spmem:s3] =	stream.indirect.scatter.add.f32 [tilespmem:s30], [sflag:$0x5], $0x80, s29, s26, $0xb8;
	[tilespmem:$0x1FF00] =	vst v63  }
0xcf: {  	_ =	swait.ge [sflag:s11], $0x4000  }
0xd0: {  	s6 =	rddreg [dreg:$0x5];
	[sflag:s11] =	ssyncset.done $0x0  }
0xd1: {  	p0 =	sne.s32 s13, $0x480;
	[sflag:s11] =	ssyncadd.s32 $0xFFFFC000;
	s6 =	sadd.s32 s20, s6  }
0xd2: {  	[tilespmem:s1], [sflag:$0xC] =	stream.linear.gather [hbm4b:s6+s4], $0x80, $0x38;
	[tilespmem:$0x1FF00] =	vst v63  }
.Ltmp1:
0xd3: {  	_ = 	snop;
	(pc) =	sbr.rel @p0 .LBB2_4-.Ltmp1, $4  }
0xd4: {  	_ =	swait.ge [sflag:s8], $0x80  }
0xd5: {  	s13 =	sadd.s32 $0x30, s13;
	[sflag:s8] =	ssyncset.done $0x0;
	s6 =	rddreg [dreg:$0x4]  }
0xd6: {  	s19 =	sadd.s32 $0x180, s19;
	[sflag:s8] =	ssyncadd.s32 $0xFFFFFF80;
	s20 =	sadd.s32 s20, s6  }
0xd7: {  	[tilespmem:s9], [sflag:$0x3] =	stream.indirect.gather [hbm4b:s0+s26], $0x80, s31, s26, $0xb8;
	[tilespmem:$0x1FF00] =	vst v63  }
0xd8: {  	[tilespmem:s4], [sflag:$0x7] =	stream.linear.gather [hbm4b:s20+s4], $0x80, $0x38;
	[tilespmem:$0x1FF00] =	vst v63  }
0xd9: {  	_ =	swait.ge [sflag:s10], $0x4000  }
0xda: {  	[sflag:s10] =	ssyncset.done $0x0  }
0xdb: {  	[sflag:s10] =	ssyncadd.s32 $0xFFFFC000  }
0xdc: {  	_ =	swait.ge [sflag:s12], $0x80  }
0xdd: {  	[sflag:s12] =	ssyncset.done $0x0  }
0xde: {  	[sflag:s12] =	ssyncadd.s32 $0xFFFFFF80  }
0xdf: {  	[spmem:s3] =	stream.indirect.scatter.add.f32 [tilespmem:s9], [sflag:$0x6], $0x80, s1, s26, $0xb8;
	[tilespmem:$0x1FF00] =	vst v63  }
0xe0: {  	_ =	swait.ge [sflag:s23], $0x4000  }
0xe1: {  	[sflag:s23] =	ssyncset.done $0x0  }
0xe2: {  	s6 =	rddreg [dreg:$0x14];
	[sflag:s23] =	ssyncadd.s32 $0xFFFFC000  }
0xe3: {  	[tilespmem:s28], [sflag:$0xA] =	stream.linear.gather [hbm4b:s6+s4], $0x80, $0x38;
	[tilespmem:$0x1FF00] =	vst v63  }
0xe4: {  	_ =	swait.ge [sflag:s14], $0x80  }
0xe5: {  	[sflag:s14] =	ssyncset.done $0x0  }
0xe6: {  	[sflag:s14] =	ssyncadd.s32 $0xFFFFFF80  }
0xe7: {  	[tilespmem:s22], [sflag:$0x1] =	stream.indirect.gather [hbm4b:s0+s26], $0x80, s4, s26, $0xb8;
	[tilespmem:$0x1FF00] =	vst v63  }
0xe8: {  	_ =	swait.ge [sflag:s2], $0x4000  }
0xe9: {  	[sflag:s2] =	ssyncset.done $0x0  }
0xea: {  	[sflag:s2] =	ssyncadd.s32 $0xFFFFC000  }
0xeb: {  	_ =	swait.ge [sflag:s15], $0x80  }
0xec: {  	[sflag:s15] =	ssyncset.done $0x0  }
0xed: {  	[sflag:s15] =	ssyncadd.s32 $0xFFFFFF80  }
0xee: {  	[spmem:s3] =	stream.indirect.scatter.add.f32 [tilespmem:s22], [sflag:$0x4], $0x80, s28, s26, $0xb8;
	[tilespmem:$0x1FF00] =	vst v63  }
0xef: {  	_ =	swait.ge [sflag:s24], $0x4000  }
0xf0: {  	[sflag:s24] =	ssyncset.done $0x0  }
0xf1: {  	[sflag:s24] =	ssyncadd.s32 $0xFFFFC000  }
0xf2: {  	_ =	swait.ge [sflag:s11], $0x4000  }
0xf3: {  	[sflag:s11] =	ssyncset.done $0x0  }
0xf4: {  	[sflag:s11] =	ssyncadd.s32 $0xFFFFC000  }
0xf5: {  	_ =	swait.ge [sflag:s23], $0x4000  }
0xf6: {  	[sflag:s23] =	ssyncset.done $0x0  }
0xf7: {  	s20 =	stileid.u32;
	[sflag:s23] =	ssyncadd.s32 $0xFFFFC000  }
0xf8: {  	s6 =	sshll.u32 s20, $0x6;
	[bflag:$0x0] =	sbarrier.arrive $0xFFFF  }
0xf9: {  	s13 =	sshrl.u32 s21, $0x3;
	s6 =	sor.u32 $0x1C0D, s6;
	s19 =	rddreg [dreg:$0x15]  }
0xfa: {  	[hbm:s19], [sflag:s6] =	dma.local [spmem:s13], $0x2780  }
0xfb: {  	_ =	swait.ge [sflag:s25], $0x2780  }
0xfc: {  	s18 =	sadd.s32 $0x1, s18;
	s20 =	smov.u32 s21;
	s21 =	rddreg [dreg:$0x16]  }
0xfd: {  	p0 =	sne.s32 s18, s21  }
.Ltmp2:
0xfe: {  	_ = 	snop;
	(pc) =	sbr.rel @p0 .LBB2_1-.Ltmp2, $3  }
0xff: {  	_ =	sdelay $0x1  }
0x100: {  	[sflag:s25] =	ssyncset.done $0x0  }
0x101: {  	[sflag:s25] =	ssyncadd.s32 $0xFFFFD880  }
0x102: {  	_ =	sfence.sel $0x180000  }
0x103: {  	[bflag:$0x0] =	sbarrier.arrive $0xFFFF  }
0x104: {  	_ =	strace $0x90000053  }
0x105: {  	s0 =	stileid.u32;
	[bflag:$0x2] =	sbarrier.arrive $0xFFFF  }
0x106: {  	p0 =	sne.s32 s0, $0x0;
	s0 =	rddreg [dreg:$0x3]  }
0x107: {  	s0 =	sadd.s32 @!p0 $0x100000, s0  }
0x108: {  	[sflag:s0] =	ssyncadd.tile.s32 @!p0 $0x1;
	_ =	shalt  }
.Lfunc_end2:
_tile_overlayer_lowered:
.L_overlay_start_2:
0x109: {  	(tag) =	ssettag $0x2  }
0x10a: {  	s0 =	rddreg [dreg:$0x0];
	s2 =	stileid.u32  }
0x10b: {  	s1 =	rddreg [dreg:$0x1];
	p0 =	sne.s32 s2, $0x0  }
0x10c: {  	s3 =	rddreg [dreg:$0x2];
	[bflag:$0x3] =	sbarrier.arrive $0xFFFF;
	s2 =	simm.s32 @!p0 $0x1C0D  }
0x10d: {  	[timem:s3], [sflag:s2] =	dma.local @!p0 [hbm:s0], s1  }
0x10e: {  	s0 =	simm.s32 @!p0 $0xD  }
0x10f: {  	_ =	swait.ge @!p0 [sflag:s0], s1  }
0x110: {  	s1 =	ssub.s32 @!p0 $0x0, s1;
	[sflag:s0] =	ssyncset.done @!p0 $0x0  }
0x111: {  	[sflag:s0] =	ssyncadd.s32 @!p0 s1  }
0x112: {  	[bflag:$0x3] =	sbarrier.arrive $0xFFFF  }
0x113: {  	_ =	shalt  }

</sc_bundles>
